<compile_context>
chip_gen: v7x
topology: tpu7x:2x2x1
jax: 0.10.2.dev20260603
libtpu: 0.0.44.dev20260713+nightly
codegen_flags: <defaults>
</compile_context>

<pallas_src>
import functools

import jax
import jax.numpy as jnp
from jax import lax
from jax.experimental import pallas as pl
from jax.experimental.pallas import tpu as pltpu
from jax.experimental.pallas import tpu_sc as plsc

_N = 100000
_E = 1600000
_B = 128
_NHID = 128
_NCLS = 2

_T = 2048
_G = 49
_N1 = _G * _T
_NW = 32
_EPW = 51200
_EPAD = _NW * _EPW
_ER = _EPAD // 128
_RPC = _N1 // 16
_RSTG = _RPC // 4
_CHUNK_ROWS = 10
_DCH = 16
_DNC = _EPW // (_DCH * 128)
_NCHUNK = _EPW // (_CHUNK_ROWS * 128)


def _sc_mesh():
    return plsc.VectorSubcoreMesh(
        core_axis_name="c", subcore_axis_name="s", num_cores=2, num_subcores=16
    )


def _sc_degree(dst2d):

    @functools.partial(
        pl.kernel,
        out_type=jax.ShapeDtypeStruct((2 * _N1,), jnp.float32),
        mesh=_sc_mesh(),
        scratch_types=[
            pltpu.VMEM((_DCH, 128), jnp.int32),
            pltpu.VMEM((_RPC,), jnp.float32),
            pltpu.VMEM((128,), jnp.float32),
            pltpu.VMEM_SHARED((_N1,), jnp.float32),
            pltpu.SemaphoreType.DMA,
        ],
    )
    def k(dst_hbm, deg_out, dst_buf, zeros_buf, ones_buf, deg_sh, sem):
        c = lax.axis_index("c")
        s = lax.axis_index("s")
        gw = c * 16 + s

        def fill_z(i, _):
            zeros_buf[pl.ds(i * 16, 16)] = jnp.zeros((16,), jnp.float32)
            return 0

        lax.fori_loop(0, _RPC // 16, fill_z, 0)
        for i in range(8):
            ones_buf[pl.ds(i * 16, 16)] = jnp.ones((16,), jnp.float32)
        pltpu.sync_copy(zeros_buf, deg_sh.at[pl.ds(s * _RPC, _RPC)])
        plsc.subcore_barrier()

        base = gw * (_DCH * _DNC)

        def chunk(j, _):
            pltpu.sync_copy(dst_hbm.at[pl.ds(base + j * _DCH, _DCH)],
                            dst_buf)
            for kk in range(_DCH):
                pltpu.async_copy(ones_buf, deg_sh.at[dst_buf.at[kk]], sem,
                                 add=True)
            pltpu.make_async_copy(zeros_buf.at[pl.ds(0, _DCH * 128)],
                                  deg_sh.at[pl.ds(0, _DCH * 128)], sem).wait()
            return 0

        lax.fori_loop(0, _DNC, chunk, 0)
        plsc.subcore_barrier()
        pltpu.sync_copy(deg_sh.at[pl.ds(s * _RPC, _RPC)], zeros_buf)
        pltpu.sync_copy(zeros_buf,
                        deg_out.at[pl.ds(c * _N1 + s * _RPC, _RPC)])

    return k(dst2d)


def _sc_scatter(src2d, dst2d, y8, zeros):
    ch_e = _CHUNK_ROWS * 128

    @functools.partial(
        pl.kernel,
        out_type=jax.ShapeDtypeStruct((2 * _N1, 8), jnp.float32),
        mesh=_sc_mesh(),
        scratch_types=[
            pltpu.VMEM((2, _CHUNK_ROWS, 128), jnp.int32),
            pltpu.VMEM((2, _CHUNK_ROWS, 128), jnp.int32),
            pltpu.VMEM((2, ch_e, 8), jnp.float32),
            pltpu.VMEM_SHARED((_N1, 8), jnp.float32),
            pltpu.VMEM_SHARED((_N1, 8), jnp.float32),
            pltpu.SemaphoreType.DMA,
            pltpu.SemaphoreType.DMA,
            pltpu.SemaphoreType.DMA,
            pltpu.SemaphoreType.DMA,
        ],
        compiler_params=pltpu.CompilerParams(use_tc_tiling_on_sc=False),
    )
    def k(src_hbm, dst_hbm, y8_hbm, zeros_hbm, zp_out,
          src_buf, dst_buf, rows_buf, z_sh, y8_sh,
          sem_g0, sem_g1, sem_s0, sem_s1):
        c = lax.axis_index("c")
        s = lax.axis_index("s")
        gw = c * 16 + s
        sem_g = (sem_g0, sem_g1)
        sem_s = (sem_s0, sem_s1)

        stage = rows_buf.at[0, pl.ds(0, _RSTG)]
        pltpu.sync_copy(zeros_hbm, stage)
        for t in range(4):
            pltpu.sync_copy(stage, z_sh.at[pl.ds(s * _RPC + t * _RSTG, _RSTG)])
        for t in range(4):
            sl = pl.ds(s * _RPC + t * _RSTG, _RSTG)
            pltpu.sync_copy(y8_hbm.at[sl], stage)
            pltpu.sync_copy(stage, y8_sh.at[sl])
        plsc.subcore_barrier()

        base = gw * (_CHUNK_ROWS * _NCHUNK)

        def stage_idx(j, b):
            r0 = base + j * _CHUNK_ROWS
            pltpu.sync_copy(src_hbm.at[pl.ds(r0, _CHUNK_ROWS)], src_buf.at[b])
            pltpu.sync_copy(dst_hbm.at[pl.ds(r0, _CHUNK_ROWS)], dst_buf.at[b])

        def fire_gathers(b):
            for kk in range(_CHUNK_ROWS):
                pltpu.async_copy(y8_sh.at[src_buf.at[b, kk]],
                                 rows_buf.at[b, pl.ds(kk * 128, 128)],
                                 sem_g[b])

        def fire_scatters(b):
            for kk in range(_CHUNK_ROWS):
                pltpu.async_copy(rows_buf.at[b, pl.ds(kk * 128, 128)],
                                 z_sh.at[dst_buf.at[b, kk]],
                                 sem_s[b], add=True)

        def drain_gathers(b):
            pltpu.make_async_copy(y8_sh.at[pl.ds(0, ch_e)],
                                  rows_buf.at[b], sem_g[b]).wait()

        def drain_scatters(b):
            pltpu.make_async_copy(rows_buf.at[b],
                                  z_sh.at[pl.ds(0, ch_e)], sem_s[b]).wait()

        stage_idx(0, 0)
        fire_gathers(0)

        def pair(jj, _):
            j0 = 2 * jj

            @pl.when(jj >= 1)
            def _():
                drain_scatters(1)
            stage_idx(j0 + 1, 1)
            fire_gathers(1)
            drain_gathers(0)
            fire_scatters(0)

            @pl.when(jj + 1 < _NCHUNK // 2)
            def _():
                drain_scatters(0)
                stage_idx(j0 + 2, 0)
                fire_gathers(0)
            drain_gathers(1)
            fire_scatters(1)
            return 0

        lax.fori_loop(0, _NCHUNK // 2, pair, 0)
        drain_scatters(0)
        drain_scatters(1)
        plsc.subcore_barrier()
        for t in range(4):
            pltpu.sync_copy(z_sh.at[pl.ds(s * _RPC + t * _RSTG, _RSTG)], stage)
            pltpu.sync_copy(
                stage, zp_out.at[pl.ds(c * _N1 + s * _RPC + t * _RSTG, _RSTG)])

    return k(src2d, dst2d, y8, zeros)


def _tc_prep(degp, x8):
    ra = 3136

    def body(degp_ref, x8_ref, y8_ref, dis_ref):
        deg = degp_ref[0] + degp_ref[1] + 1.0
        dis = lax.rsqrt(deg)
        dis_ref[...] = dis
        y8_ref[...] = dis * x8_ref[...]

    return pl.pallas_call(
        body,
        grid=(_N1 // ra,),
        in_specs=[
            pl.BlockSpec((2, ra, 1), lambda i: (0, i, 0)),
            pl.BlockSpec((ra, 8), lambda i: (i, 0)),
        ],
        out_specs=[
            pl.BlockSpec((ra, 8), lambda i: (i, 0)),
            pl.BlockSpec((ra, 1), lambda i: (i, 0)),
        ],
        out_shape=[
            jax.ShapeDtypeStruct((_N1, 8), jnp.float32),
            jax.ShapeDtypeStruct((_N1, 1), jnp.float32),
        ],
    )(degp, x8)


def _tc_head(zp, dis3, x83, batch3, bounds, W18, b1r, W2, b2r):
    neg_inf = float("-inf")

    def body(zp_ref, dis_ref, x8_ref, bt_ref, bounds_ref,
             w1_ref, b1_ref, w2_ref, b2_ref, out_ref, pooled):
        i = pl.program_id(0)

        @pl.when(i == 0)
        def _():
            pooled[...] = jnp.full((_B + 8, _NHID), neg_inf, jnp.float32)

        z = zp_ref[0] + zp_ref[1]
        dis = dis_ref[0]
        aggx = dis * z + (dis * dis) * x8_ref[0]
        h = jnp.dot(aggx, w1_ref[...], preferred_element_type=jnp.float32)
        h = jnp.maximum(h + b1_ref[...], 0.0)
        bt = bt_ref[0]

        bmin = bounds_ref[0, 0, 0]
        bmax = bounds_ref[0, 0, 1]

        def upd(b, _):
            m = jnp.where(bt == b, h, neg_inf)
            row = jnp.max(m, axis=0, keepdims=True)
            pooled[pl.ds(b, 1), :] = jnp.maximum(pooled[pl.ds(b, 1), :], row)
            return 0

        lax.fori_loop(bmin, bmax + 1, upd, 0)

        @pl.when(i == _G - 1)
        def _():
            p = pooled[0:_B, :]
            logits = jnp.dot(p, w2_ref[...],
                             preferred_element_type=jnp.float32) + b2_ref[...]
            mx = jnp.max(logits, axis=1, keepdims=True)
            e = jnp.exp(logits - mx)
            lse = jnp.log(jnp.sum(e, axis=1, keepdims=True)) + mx
            out_ref[...] = logits - lse

    return pl.pallas_call(
        body,
        grid=(_G,),
        in_specs=[
            pl.BlockSpec((2, _T, 8), lambda i: (0, i, 0)),
            pl.BlockSpec((1, _T, 1), lambda i: (i, 0, 0)),
            pl.BlockSpec((1, _T, 8), lambda i: (i, 0, 0)),
            pl.BlockSpec((1, _T, 1), lambda i: (i, 0, 0)),
            pl.BlockSpec((1, 1, 2), lambda i: (i, 0, 0), memory_space=pltpu.SMEM),
            pl.BlockSpec((8, _NHID), lambda i: (0, 0)),
            pl.BlockSpec((1, _NHID), lambda i: (0, 0)),
            pl.BlockSpec((_NHID, _NCLS), lambda i: (0, 0)),
            pl.BlockSpec((1, _NCLS), lambda i: (0, 0)),
        ],
        out_specs=pl.BlockSpec((_B, _NCLS), lambda i: (0, 0)),
        out_shape=jax.ShapeDtypeStruct((_B, _NCLS), jnp.float32),
        scratch_shapes=[pltpu.VMEM((_B + 8, _NHID), jnp.float32)],
    )(zp, dis3, x83, batch3, bounds, W18, b1r, W2, b2r)


def kernel(x, edge_index, batch, W1, b1, W2, b2):
    src = edge_index[0]
    dst = edge_index[1]
    pad_e = _EPAD - _E
    src2d = jnp.concatenate(
        [src, jnp.full((pad_e,), _N, jnp.int32)]).reshape(_ER, 128)
    dst2d = jnp.concatenate(
        [dst, jnp.full((pad_e,), _N, jnp.int32)]).reshape(_ER, 128)
    x8 = jnp.pad(x, ((0, _N1 - _N), (0, 8 - x.shape[1])))

    deg_flat = _sc_degree(dst2d)
    degp = deg_flat.reshape(2, _N1, 1)
    y8, dis = _tc_prep(degp, x8)

    zeros = jnp.zeros((_RSTG, 8), jnp.float32)
    zp = _sc_scatter(src2d, dst2d, y8, zeros)

    batchp = jnp.concatenate([batch, jnp.full((_N1 - _N,), _B, jnp.int32)])
    bp = batchp.reshape(_G, _T)
    bounds = jnp.stack([bp.min(axis=1), bp.max(axis=1)], axis=1)

    W18 = jnp.pad(W1, ((0, 8 - W1.shape[0]), (0, 0)))

    return _tc_head(
        zp.reshape(2, _N1, 8),
        dis.reshape(_G, _T, 1),
        x8.reshape(_G, _T, 8),
        bp.reshape(_G, _T, 1),
        bounds.reshape(_G, 1, 2),
        W18,
        b1.reshape(1, _NHID),
        W2,
        b2.reshape(1, _NCLS),
    )

# --- scband reference (transcript-rebuilt; emitter-appended) ---
"""Pipeline reference for scband-model-77850577207794 (READ-ONLY COPY).

The authoritative reference and input builder live on the scoring server;
editing this copy changes nothing except your own understanding.
"""

import jax, jax.numpy as jnp
import numpy as np

N = 100000      # nodes
E = 1600000     # edges
F_IN = 3        # num_features
NHID = 128
NCLS = 2
B = 128         # number of graphs for global max pool


def setup_inputs(seed: int = 0) -> dict:
    key = jax.random.key(seed)
    k1, k2, k3, k4, k5, k6, k7 = jax.random.split(key, 7)
    x = jax.random.normal(k1, (N, F_IN), dtype=jnp.float32)
    edge_index = jax.random.randint(k2, (2, E), 0, N, dtype=jnp.int32)
    batch = jnp.sort(jax.random.randint(k3, (N,), 0, B, dtype=jnp.int32))
    # GCNConv weight/bias (num_features -> nhid)
    W1 = jax.random.normal(k4, (F_IN, NHID), dtype=jnp.float32) * (1.0 / np.sqrt(F_IN))
    b1 = jnp.zeros((NHID,), dtype=jnp.float32)
    # lin2 (nhid -> num_classes); note lin1 is unused when concat=False
    W2 = jax.random.normal(k5, (NHID, NCLS), dtype=jnp.float32) * (1.0 / np.sqrt(NHID))
    b2 = jnp.zeros((NCLS,), dtype=jnp.float32)
    return {"x": x, "edge_index": edge_index, "batch": batch,
            "W1": W1, "b1": b1, "W2": W2, "b2": b2}


def reference(x, edge_index, batch, W1, b1, W2, b2):
    # --- GCNConv(num_features, nhid) with self-loops + symmetric norm ---
    src = edge_index[0]
    dst = edge_index[1]
    loop = jnp.arange(N, dtype=src.dtype)
    src = jnp.concatenate([src, loop])
    dst = jnp.concatenate([dst, loop])
    ones = jnp.ones_like(dst, dtype=jnp.float32)
    deg = jax.ops.segment_sum(ones, dst, num_segments=N)
    deg_inv_sqrt = jnp.where(deg > 0, jax.lax.rsqrt(deg), 0.0)
    norm = deg_inv_sqrt[src] * deg_inv_sqrt[dst]
    h = x @ W1                                   # [N, NHID]
    msg = norm[:, None] * jnp.take(h, src, axis=0)   # gather  [E+N, NHID]
    agg = jax.ops.segment_sum(msg, dst, num_segments=N)  # scatter-add
    h = jax.nn.relu(agg + b1)
    # --- global max pool over graphs ---
    pooled = jax.ops.segment_max(h, batch, num_segments=B)  # [B, NHID]
    # --- lin2 + log_softmax (lin1 skipped since concat=False) ---
    logits = pooled @ W2 + b2
    return jax.nn.log_softmax(logits, axis=-1)

if __name__ == "__main__":
    import jax
    _d = setup_inputs()
    print(jax.jit(kernel)(*tuple(_d.values())))

</pallas_src>

<mosaic_0001>
#map = affine_map<(d0, d1) -> (0, 0)>
#map1 = affine_map<(d0, d1) -> (0)>
module attributes {stable_mosaic.version = 14 : i64} {
  func.func @k(%arg0: i32, %arg1: i32, %arg2: memref<12800x128xi32, #tpu.memory_space<hbm>>, %arg3: memref<200704xf32, #tpu.memory_space<hbm>>, %arg4: memref<16x128xi32, #tpu.memory_space<vmem>>, %arg5: memref<6272xf32, #tpu.memory_space<vmem>>, %arg6: memref<128xf32, #tpu.memory_space<vmem>>, %arg7: memref<100352xf32, #tpu.memory_space<vmem_shared>>, %arg8: memref<!tpu.dma_semaphore, #tpu.memory_space<semaphore_mem>>) attributes {dimension_semantics = [#tpu.dimension_semantics<core_parallel>, #tpu.dimension_semantics<subcore_parallel>], iteration_bounds = array<i64: 2, 16>, scalar_prefetch = 0 : i64, scratch_operands = 5 : i64, tpu.core_type = #tpu.core_type<sc_vector_subcore>, window_params = [{transform_indices = #map}, {transform_indices = #map1}]} {
    %mul3A = arith.constant 16 : i32
    %mul3A_0 = arith.muli %arg0, %mul3A : i32
    %add3A = arith.addi %mul3A_0, %arg1 : i32
    %scan3A = arith.constant 0 : i32
    %scan3A_1 = arith.constant 0 : i32
    %scan3A_2 = arith.constant 392 : i32
    %scan3A_3 = arith.addi %scan3A_1, %scan3A_2 : i32
    %scan3A_4 = arith.constant 1 : i32
    %scan3A_5 = scf.for %scan3A_72 = %scan3A_1 to %scan3A_3 step %scan3A_4 iter_args(%scan3A_73 = %scan3A) -> (i32)  : i32 {
      %broadcast_in_dim3A_74 = arith.constant 0.000000e+00 : f32
      %broadcast_in_dim3A_75 = vector.broadcast %broadcast_in_dim3A_74 : f32 to vector<16xf32>
      %mul3A_76 = arith.constant 16 : i32
      %mul3A_77 = arith.muli %scan3A_72, %mul3A_76 : i32
      %swap3A_78 = arith.index_cast %mul3A_77 : i32 to index
      %swap3A_79 = tpu.vector_load %arg5[%swap3A_78] {strides = array<i32>} : memref<6272xf32, #tpu.memory_space<vmem>>, vector<16xf32>,
      %swap3A_80 = vector.shape_cast %swap3A_79 : vector<16xf32> to vector<16xf32>
      %swap3A_81 = vector.shape_cast %broadcast_in_dim3A_75 : vector<16xf32> to vector<16xf32>
      tpu.vector_store %arg5[%swap3A_78], %swap3A_81 {strides = array<i32>} : memref<6272xf32, #tpu.memory_space<vmem>>, vector<16xf32>,
      %scan3A_82 = arith.constant 0 : i32
      scf.yield %scan3A_82 : i32
    }
    %scan3A_6 = arith.constant 392 : i32
    %broadcast_in_dim3A = arith.constant 1.000000e+00 : f32
    %broadcast_in_dim3A_7 = vector.broadcast %broadcast_in_dim3A : f32 to vector<16xf32>
    %swap3A = arith.constant 0 : index
    %swap3A_8 = tpu.vector_load %arg6[%swap3A] {strides = array<i32>} : memref<128xf32, #tpu.memory_space<vmem>>, vector<16xf32>,
    %swap3A_9 = vector.shape_cast %swap3A_8 : vector<16xf32> to vector<16xf32>
    %swap3A_10 = vector.shape_cast %broadcast_in_dim3A_7 : vector<16xf32> to vector<16xf32>
    tpu.vector_store %arg6[%swap3A], %swap3A_10 {strides = array<i32>} : memref<128xf32, #tpu.memory_space<vmem>>, vector<16xf32>,
    %broadcast_in_dim3A_11 = arith.constant 1.000000e+00 : f32
    %broadcast_in_dim3A_12 = vector.broadcast %broadcast_in_dim3A_11 : f32 to vector<16xf32>
    %swap3A_13 = arith.constant 16 : index
    %swap3A_14 = tpu.vector_load %arg6[%swap3A_13] {strides = array<i32>} : memref<128xf32, #tpu.memory_space<vmem>>, vector<16xf32>,
    %swap3A_15 = vector.shape_cast %swap3A_14 : vector<16xf32> to vector<16xf32>
    %swap3A_16 = vector.shape_cast %broadcast_in_dim3A_12 : vector<16xf32> to vector<16xf32>
    tpu.vector_store %arg6[%swap3A_13], %swap3A_16 {strides = array<i32>} : memref<128xf32, #tpu.memory_space<vmem>>, vector<16xf32>,
    %broadcast_in_dim3A_17 = arith.constant 1.000000e+00 : f32
    %broadcast_in_dim3A_18 = vector.broadcast %broadcast_in_dim3A_17 : f32 to vector<16xf32>
    %swap3A_19 = arith.constant 32 : index
    %swap3A_20 = tpu.vector_load %arg6[%swap3A_19] {strides = array<i32>} : memref<128xf32, #tpu.memory_space<vmem>>, vector<16xf32>,
    %swap3A_21 = vector.shape_cast %swap3A_20 : vector<16xf32> to vector<16xf32>
    %swap3A_22 = vector.shape_cast %broadcast_in_dim3A_18 : vector<16xf32> to vector<16xf32>
    tpu.vector_store %arg6[%swap3A_19], %swap3A_22 {strides = array<i32>} : memref<128xf32, #tpu.memory_space<vmem>>, vector<16xf32>,
    %broadcast_in_dim3A_23 = arith.constant 1.000000e+00 : f32
    %broadcast_in_dim3A_24 = vector.broadcast %broadcast_in_dim3A_23 : f32 to vector<16xf32>
    %swap3A_25 = arith.constant 48 : index
    %swap3A_26 = tpu.vector_load %arg6[%swap3A_25] {strides = array<i32>} : memref<128xf32, #tpu.memory_space<vmem>>, vector<16xf32>,
    %swap3A_27 = vector.shape_cast %swap3A_26 : vector<16xf32> to vector<16xf32>
    %swap3A_28 = vector.shape_cast %broadcast_in_dim3A_24 : vector<16xf32> to vector<16xf32>
    tpu.vector_store %arg6[%swap3A_25], %swap3A_28 {strides = array<i32>} : memref<128xf32, #tpu.memory_space<vmem>>, vector<16xf32>,
    %broadcast_in_dim3A_29 = arith.constant 1.000000e+00 : f32
    %broadcast_in_dim3A_30 = vector.broadcast %broadcast_in_dim3A_29 : f32 to vector<16xf32>
    %swap3A_31 = arith.constant 64 : index
    %swap3A_32 = tpu.vector_load %arg6[%swap3A_31] {strides = array<i32>} : memref<128xf32, #tpu.memory_space<vmem>>, vector<16xf32>,
    %swap3A_33 = vector.shape_cast %swap3A_32 : vector<16xf32> to vector<16xf32>
    %swap3A_34 = vector.shape_cast %broadcast_in_dim3A_30 : vector<16xf32> to vector<16xf32>
    tpu.vector_store %arg6[%swap3A_31], %swap3A_34 {strides = array<i32>} : memref<128xf32, #tpu.memory_space<vmem>>, vector<16xf32>,
    %broadcast_in_dim3A_35 = arith.constant 1.000000e+00 : f32
    %broadcast_in_dim3A_36 = vector.broadcast %broadcast_in_dim3A_35 : f32 to vector<16xf32>
    %swap3A_37 = arith.constant 80 : index
    %swap3A_38 = tpu.vector_load %arg6[%swap3A_37] {strides = array<i32>} : memref<128xf32, #tpu.memory_space<vmem>>, vector<16xf32>,
    %swap3A_39 = vector.shape_cast %swap3A_38 : vector<16xf32> to vector<16xf32>
    %swap3A_40 = vector.shape_cast %broadcast_in_dim3A_36 : vector<16xf32> to vector<16xf32>
    tpu.vector_store %arg6[%swap3A_37], %swap3A_40 {strides = array<i32>} : memref<128xf32, #tpu.memory_space<vmem>>, vector<16xf32>,
    %broadcast_in_dim3A_41 = arith.constant 1.000000e+00 : f32
    %broadcast_in_dim3A_42 = vector.broadcast %broadcast_in_dim3A_41 : f32 to vector<16xf32>
    %swap3A_43 = arith.constant 96 : index
    %swap3A_44 = tpu.vector_load %arg6[%swap3A_43] {strides = array<i32>} : memref<128xf32, #tpu.memory_space<vmem>>, vector<16xf32>,
    %swap3A_45 = vector.shape_cast %swap3A_44 : vector<16xf32> to vector<16xf32>
    %swap3A_46 = vector.shape_cast %broadcast_in_dim3A_42 : vector<16xf32> to vector<16xf32>
    tpu.vector_store %arg6[%swap3A_43], %swap3A_46 {strides = array<i32>} : memref<128xf32, #tpu.memory_space<vmem>>, vector<16xf32>,
    %broadcast_in_dim3A_47 = arith.constant 1.000000e+00 : f32
    %broadcast_in_dim3A_48 = vector.broadcast %broadcast_in_dim3A_47 : f32 to vector<16xf32>
    %swap3A_49 = arith.constant 112 : index
    %swap3A_50 = tpu.vector_load %arg6[%swap3A_49] {strides = array<i32>} : memref<128xf32, #tpu.memory_space<vmem>>, vector<16xf32>,
    %swap3A_51 = vector.shape_cast %swap3A_50 : vector<16xf32> to vector<16xf32>
    %swap3A_52 = vector.shape_cast %broadcast_in_dim3A_48 : vector<16xf32> to vector<16xf32>
    tpu.vector_store %arg6[%swap3A_49], %swap3A_52 {strides = array<i32>} : memref<128xf32, #tpu.memory_space<vmem>>, vector<16xf32>,
    %mul3A_53 = arith.constant 6272 : i32
    %mul3A_54 = arith.muli %arg1, %mul3A_53 : i32
    "tpu.region"() ({
      %run_scoped3A = tpu.sem_alloc : memref<!tpu.dma_semaphore, #tpu.memory_space<semaphore_mem>>
      %dma_start3A = tpu.memref_slice %arg7[%mul3A_54] : memref<100352xf32, #tpu.memory_space<vmem_shared>> -> memref<6272xf32, #tpu.memory_space<vmem_shared>>
      %dma_start3A_72 = tpu.memref_slice %arg7[%mul3A_54] : memref<100352xf32, #tpu.memory_space<vmem_shared>> -> memref<6272xf32, #tpu.memory_space<vmem_shared>>
      tpu.enqueue_dma source(%arg5 : memref<6272xf32, #tpu.memory_space<vmem>>) target(%dma_start3A_72 : memref<6272xf32, #tpu.memory_space<vmem_shared>>) target_semaphore(%run_scoped3A : memref<!tpu.dma_semaphore, #tpu.memory_space<semaphore_mem>>)
      %dma_wait3A = tpu.memref_slice %arg7[%mul3A_54] : memref<100352xf32, #tpu.memory_space<vmem_shared>> -> memref<6272xf32, #tpu.memory_space<vmem_shared>>
      %dma_wait3A_73 = tpu.memref_slice %arg7[%mul3A_54] : memref<100352xf32, #tpu.memory_space<vmem_shared>> -> memref<6272xf32, #tpu.memory_space<vmem_shared>>
      tpu.wait_dma2 semaphore(%run_scoped3A : memref<!tpu.dma_semaphore, #tpu.memory_space<semaphore_mem>>) src(%arg5 : memref<6272xf32, #tpu.memory_space<vmem>>) dst(%dma_wait3A_73 : memref<6272xf32, #tpu.memory_space<vmem_shared>>)
      tpu.yield
    }) : () -> ()
    %barrier3A = arith.constant 0 : index
    tpu.barrier barrier_id(%barrier3A)
    %mul3A_55 = arith.constant 400 : i32
    %mul3A_56 = arith.muli %add3A, %mul3A_55 : i32
    %scan3A_57 = arith.constant 0 : i32
    %scan3A_58 = arith.constant 0 : i32
    %scan3A_59 = arith.constant 25 : i32
    %scan3A_60 = arith.addi %scan3A_58, %scan3A_59 : i32
    %scan3A_61 = arith.constant 1 : i32
    %scan3A_62 = scf.for %scan3A_72 = %scan3A_58 to %scan3A_60 step %scan3A_61 iter_args(%scan3A_73 = %scan3A_57) -> (i32)  : i32 {
      %mul3A_74 = arith.constant 16 : i32
      %mul3A_75 = arith.muli %scan3A_72, %mul3A_74 : i32
      %add3A_76 = arith.addi %mul3A_56, %mul3A_75 : i32
      "tpu.region"() ({
        %run_scoped3A = tpu.sem_alloc : memref<!tpu.dma_semaphore, #tpu.memory_space<semaphore_mem>>
        %dma_start3A_180 = arith.constant 0 : i32
        %dma_start3A_181 = tpu.memref_slice %arg2[%add3A_76, %dma_start3A_180] : memref<12800x128xi32, #tpu.memory_space<hbm>> -> memref<16x128xi32, #tpu.memory_space<hbm>>
        %dma_start3A_182 = arith.constant 0 : i32
        %dma_start3A_183 = tpu.memref_slice %arg2[%add3A_76, %dma_start3A_182] : memref<12800x128xi32, #tpu.memory_space<hbm>> -> memref<16x128xi32, #tpu.memory_space<hbm>>
        tpu.enqueue_dma source(%dma_start3A_183 : memref<16x128xi32, #tpu.memory_space<hbm>>) target(%arg4 : memref<16x128xi32, #tpu.memory_space<vmem>>) target_semaphore(%run_scoped3A : memref<!tpu.dma_semaphore, #tpu.memory_space<semaphore_mem>>)
        %dma_wait3A_184 = arith.constant 0 : i32
        %dma_wait3A_185 = tpu.memref_slice %arg2[%add3A_76, %dma_wait3A_184] : memref<12800x128xi32, #tpu.memory_space<hbm>> -> memref<16x128xi32, #tpu.memory_space<hbm>>
        %dma_wait3A_186 = arith.constant 0 : i32
        %dma_wait3A_187 = tpu.memref_slice %arg2[%add3A_76, %dma_wait3A_186] : memref<12800x128xi32, #tpu.memory_space<hbm>> -> memref<16x128xi32, #tpu.memory_space<hbm>>
        tpu.wait_dma2 semaphore(%run_scoped3A : memref<!tpu.dma_semaphore, #tpu.memory_space<semaphore_mem>>) src(%dma_wait3A_187 : memref<16x128xi32, #tpu.memory_space<hbm>>) dst(%arg4 : memref<16x128xi32, #tpu.memory_space<vmem>>)
        tpu.yield
      }) : () -> ()
      %dma_start3A = arith.constant 0 : i32
      %dma_start3A_77 = arith.constant 0 : i32
      %dma_start3A_78 = tpu.memref_slice %arg4[%dma_start3A, %dma_start3A_77] : memref<16x128xi32, #tpu.memory_space<vmem>> -> memref<1x128xi32, #tpu.memory_space<vmem>>
      %dma_start3A_79 = tpu.memref_squeeze %dma_start3A_78 : memref<1x128xi32, #tpu.memory_space<vmem>> -> memref<128xi32, #tpu.memory_space<vmem>>
      %dma_start3A_80 = arith.constant 0 : i32
      %dma_start3A_81 = tpu.memref_slice %arg7[%dma_start3A_80] : memref<100352xf32, #tpu.memory_space<vmem_shared>> -> memref<100352xf32, #tpu.memory_space<vmem_shared>>
      tpu.enqueue_indirect_dma source(%arg6 : memref<128xf32, #tpu.memory_space<vmem>>) target(%dma_start3A_81 : memref<100352xf32, #tpu.memory_space<vmem_shared>>) offsets(%dma_start3A_79 : memref<128xi32, #tpu.memory_space<vmem>>) semaphore(%arg8 : memref<!tpu.dma_semaphore, #tpu.memory_space<semaphore_mem>>) {add = true}
      %dma_start3A_82 = arith.constant 1 : i32
      %dma_start3A_83 = arith.constant 0 : i32
      %dma_start3A_84 = tpu.memref_slice %arg4[%dma_start3A_82, %dma_start3A_83] : memref<16x128xi32, #tpu.memory_space<vmem>> -> memref<1x128xi32, #tpu.memory_space<vmem>>
      %dma_start3A_85 = tpu.memref_squeeze %dma_start3A_84 : memref<1x128xi32, #tpu.memory_space<vmem>> -> memref<128xi32, #tpu.memory_space<vmem>>
      %dma_start3A_86 = arith.constant 0 : i32
      %dma_start3A_87 = tpu.memref_slice %arg7[%dma_start3A_86] : memref<100352xf32, #tpu.memory_space<vmem_shared>> -> memref<100352xf32, #tpu.memory_space<vmem_shared>>
      tpu.enqueue_indirect_dma source(%arg6 : memref<128xf32, #tpu.memory_space<vmem>>) target(%dma_start3A_87 : memref<100352xf32, #tpu.memory_space<vmem_shared>>) offsets(%dma_start3A_85 : memref<128xi32, #tpu.memory_space<vmem>>) semaphore(%arg8 : memref<!tpu.dma_semaphore, #tpu.memory_space<semaphore_mem>>) {add = true}
      %dma_start3A_88 = arith.constant 2 : i32
      %dma_start3A_89 = arith.constant 0 : i32
      %dma_start3A_90 = tpu.memref_slice %arg4[%dma_start3A_88, %dma_start3A_89] : memref<16x128xi32, #tpu.memory_space<vmem>> -> memref<1x128xi32, #tpu.memory_space<vmem>>
      %dma_start3A_91 = tpu.memref_squeeze %dma_start3A_90 : memref<1x128xi32, #tpu.memory_space<vmem>> -> memref<128xi32, #tpu.memory_space<vmem>>
      %dma_start3A_92 = arith.constant 0 : i32
      %dma_start3A_93 = tpu.memref_slice %arg7[%dma_start3A_92] : memref<100352xf32, #tpu.memory_space<vmem_shared>> -> memref<100352xf32, #tpu.memory_space<vmem_shared>>
      tpu.enqueue_indirect_dma source(%arg6 : memref<128xf32, #tpu.memory_space<vmem>>) target(%dma_start3A_93 : memref<100352xf32, #tpu.memory_space<vmem_shared>>) offsets(%dma_start3A_91 : memref<128xi32, #tpu.memory_space<vmem>>) semaphore(%arg8 : memref<!tpu.dma_semaphore, #tpu.memory_space<semaphore_mem>>) {add = true}
      %dma_start3A_94 = arith.constant 3 : i32
      %dma_start3A_95 = arith.constant 0 : i32
      %dma_start3A_96 = tpu.memref_slice %arg4[%dma_start3A_94, %dma_start3A_95] : memref<16x128xi32, #tpu.memory_space<vmem>> -> memref<1x128xi32, #tpu.memory_space<vmem>>
      %dma_start3A_97 = tpu.memref_squeeze %dma_start3A_96 : memref<1x128xi32, #tpu.memory_space<vmem>> -> memref<128xi32, #tpu.memory_space<vmem>>
      %dma_start3A_98 = arith.constant 0 : i32
      %dma_start3A_99 = tpu.memref_slice %arg7[%dma_start3A_98] : memref<100352xf32, #tpu.memory_space<vmem_shared>> -> memref<100352xf32, #tpu.memory_space<vmem_shared>>
      tpu.enqueue_indirect_dma source(%arg6 : memref<128xf32, #tpu.memory_space<vmem>>) target(%dma_start3A_99 : memref<100352xf32, #tpu.memory_space<vmem_shared>>) offsets(%dma_start3A_97 : memref<128xi32, #tpu.memory_space<vmem>>) semaphore(%arg8 : memref<!tpu.dma_semaphore, #tpu.memory_space<semaphore_mem>>) {add = true}
      %dma_start3A_100 = arith.constant 4 : i32
      %dma_start3A_101 = arith.constant 0 : i32
      %dma_start3A_102 = tpu.memref_slice %arg4[%dma_start3A_100, %dma_start3A_101] : memref<16x128xi32, #tpu.memory_space<vmem>> -> memref<1x128xi32, #tpu.memory_space<vmem>>
      %dma_start3A_103 = tpu.memref_squeeze %dma_start3A_102 : memref<1x128xi32, #tpu.memory_space<vmem>> -> memref<128xi32, #tpu.memory_space<vmem>>
      %dma_start3A_104 = arith.constant 0 : i32
      %dma_start3A_105 = tpu.memref_slice %arg7[%dma_start3A_104] : memref<100352xf32, #tpu.memory_space<vmem_shared>> -> memref<100352xf32, #tpu.memory_space<vmem_shared>>
      tpu.enqueue_indirect_dma source(%arg6 : memref<128xf32, #tpu.memory_space<vmem>>) target(%dma_start3A_105 : memref<100352xf32, #tpu.memory_space<vmem_shared>>) offsets(%dma_start3A_103 : memref<128xi32, #tpu.memory_space<vmem>>) semaphore(%arg8 : memref<!tpu.dma_semaphore, #tpu.memory_space<semaphore_mem>>) {add = true}
      %dma_start3A_106 = arith.constant 5 : i32
      %dma_start3A_107 = arith.constant 0 : i32
      %dma_start3A_108 = tpu.memref_slice %arg4[%dma_start3A_106, %dma_start3A_107] : memref<16x128xi32, #tpu.memory_space<vmem>> -> memref<1x128xi32, #tpu.memory_space<vmem>>
      %dma_start3A_109 = tpu.memref_squeeze %dma_start3A_108 : memref<1x128xi32, #tpu.memory_space<vmem>> -> memref<128xi32, #tpu.memory_space<vmem>>
      %dma_start3A_110 = arith.constant 0 : i32
      %dma_start3A_111 = tpu.memref_slice %arg7[%dma_start3A_110] : memref<100352xf32, #tpu.memory_space<vmem_shared>> -> memref<100352xf32, #tpu.memory_space<vmem_shared>>
      tpu.enqueue_indirect_dma source(%arg6 : memref<128xf32, #tpu.memory_space<vmem>>) target(%dma_start3A_111 : memref<100352xf32, #tpu.memory_space<vmem_shared>>) offsets(%dma_start3A_109 : memref<128xi32, #tpu.memory_space<vmem>>) semaphore(%arg8 : memref<!tpu.dma_semaphore, #tpu.memory_space<semaphore_mem>>) {add = true}
      %dma_start3A_112 = arith.constant 6 : i32
      %dma_start3A_113 = arith.constant 0 : i32
      %dma_start3A_114 = tpu.memref_slice %arg4[%dma_start3A_112, %dma_start3A_113] : memref<16x128xi32, #tpu.memory_space<vmem>> -> memref<1x128xi32, #tpu.memory_space<vmem>>
      %dma_start3A_115 = tpu.memref_squeeze %dma_start3A_114 : memref<1x128xi32, #tpu.memory_space<vmem>> -> memref<128xi32, #tpu.memory_space<vmem>>
      %dma_start3A_116 = arith.constant 0 : i32
      %dma_start3A_117 = tpu.memref_slice %arg7[%dma_start3A_116] : memref<100352xf32, #tpu.memory_space<vmem_shared>> -> memref<100352xf32, #tpu.memory_space<vmem_shared>>
      tpu.enqueue_indirect_dma source(%arg6 : memref<128xf32, #tpu.memory_space<vmem>>) target(%dma_start3A_117 : memref<100352xf32, #tpu.memory_space<vmem_shared>>) offsets(%dma_start3A_115 : memref<128xi32, #tpu.memory_space<vmem>>) semaphore(%arg8 : memref<!tpu.dma_semaphore, #tpu.memory_space<semaphore_mem>>) {add = true}
      %dma_start3A_118 = arith.constant 7 : i32
      %dma_start3A_119 = arith.constant 0 : i32
      %dma_start3A_120 = tpu.memref_slice %arg4[%dma_start3A_118, %dma_start3A_119] : memref<16x128xi32, #tpu.memory_space<vmem>> -> memref<1x128xi32, #tpu.memory_space<vmem>>
      %dma_start3A_121 = tpu.memref_squeeze %dma_start3A_120 : memref<1x128xi32, #tpu.memory_space<vmem>> -> memref<128xi32, #tpu.memory_space<vmem>>
      %dma_start3A_122 = arith.constant 0 : i32
      %dma_start3A_123 = tpu.memref_slice %arg7[%dma_start3A_122] : memref<100352xf32, #tpu.memory_space<vmem_shared>> -> memref<100352xf32, #tpu.memory_space<vmem_shared>>
      tpu.enqueue_indirect_dma source(%arg6 : memref<128xf32, #tpu.memory_space<vmem>>) target(%dma_start3A_123 : memref<100352xf32, #tpu.memory_space<vmem_shared>>) offsets(%dma_start3A_121 : memref<128xi32, #tpu.memory_space<vmem>>) semaphore(%arg8 : memref<!tpu.dma_semaphore, #tpu.memory_space<semaphore_mem>>) {add = true}
      %dma_start3A_124 = arith.constant 8 : i32
      %dma_start3A_125 = arith.constant 0 : i32
      %dma_start3A_126 = tpu.memref_slice %arg4[%dma_start3A_124, %dma_start3A_125] : memref<16x128xi32, #tpu.memory_space<vmem>> -> memref<1x128xi32, #tpu.memory_space<vmem>>
      %dma_start3A_127 = tpu.memref_squeeze %dma_start3A_126 : memref<1x128xi32, #tpu.memory_space<vmem>> -> memref<128xi32, #tpu.memory_space<vmem>>
      %dma_start3A_128 = arith.constant 0 : i32
      %dma_start3A_129 = tpu.memref_slice %arg7[%dma_start3A_128] : memref<100352xf32, #tpu.memory_space<vmem_shared>> -> memref<100352xf32, #tpu.memory_space<vmem_shared>>
      tpu.enqueue_indirect_dma source(%arg6 : memref<128xf32, #tpu.memory_space<vmem>>) target(%dma_start3A_129 : memref<100352xf32, #tpu.memory_space<vmem_shared>>) offsets(%dma_start3A_127 : memref<128xi32, #tpu.memory_space<vmem>>) semaphore(%arg8 : memref<!tpu.dma_semaphore, #tpu.memory_space<semaphore_mem>>) {add = true}
      %dma_start3A_130 = arith.constant 9 : i32
      %dma_start3A_131 = arith.constant 0 : i32
      %dma_start3A_132 = tpu.memref_slice %arg4[%dma_start3A_130, %dma_start3A_131] : memref<16x128xi32, #tpu.memory_space<vmem>> -> memref<1x128xi32, #tpu.memory_space<vmem>>
      %dma_start3A_133 = tpu.memref_squeeze %dma_start3A_132 : memref<1x128xi32, #tpu.memory_space<vmem>> -> memref<128xi32, #tpu.memory_space<vmem>>
      %dma_start3A_134 = arith.constant 0 : i32
      %dma_start3A_135 = tpu.memref_slice %arg7[%dma_start3A_134] : memref<100352xf32, #tpu.memory_space<vmem_shared>> -> memref<100352xf32, #tpu.memory_space<vmem_shared>>
      tpu.enqueue_indirect_dma source(%arg6 : memref<128xf32, #tpu.memory_space<vmem>>) target(%dma_start3A_135 : memref<100352xf32, #tpu.memory_space<vmem_shared>>) offsets(%dma_start3A_133 : memref<128xi32, #tpu.memory_space<vmem>>) semaphore(%arg8 : memref<!tpu.dma_semaphore, #tpu.memory_space<semaphore_mem>>) {add = true}
      %dma_start3A_136 = arith.constant 10 : i32
      %dma_start3A_137 = arith.constant 0 : i32
      %dma_start3A_138 = tpu.memref_slice %arg4[%dma_start3A_136, %dma_start3A_137] : memref<16x128xi32, #tpu.memory_space<vmem>> -> memref<1x128xi32, #tpu.memory_space<vmem>>
      %dma_start3A_139 = tpu.memref_squeeze %dma_start3A_138 : memref<1x128xi32, #tpu.memory_space<vmem>> -> memref<128xi32, #tpu.memory_space<vmem>>
      %dma_start3A_140 = arith.constant 0 : i32
      %dma_start3A_141 = tpu.memref_slice %arg7[%dma_start3A_140] : memref<100352xf32, #tpu.memory_space<vmem_shared>> -> memref<100352xf32, #tpu.memory_space<vmem_shared>>
      tpu.enqueue_indirect_dma source(%arg6 : memref<128xf32, #tpu.memory_space<vmem>>) target(%dma_start3A_141 : memref<100352xf32, #tpu.memory_space<vmem_shared>>) offsets(%dma_start3A_139 : memref<128xi32, #tpu.memory_space<vmem>>) semaphore(%arg8 : memref<!tpu.dma_semaphore, #tpu.memory_space<semaphore_mem>>) {add = true}
      %dma_start3A_142 = arith.constant 11 : i32
      %dma_start3A_143 = arith.constant 0 : i32
      %dma_start3A_144 = tpu.memref_slice %arg4[%dma_start3A_142, %dma_start3A_143] : memref<16x128xi32, #tpu.memory_space<vmem>> -> memref<1x128xi32, #tpu.memory_space<vmem>>
      %dma_start3A_145 = tpu.memref_squeeze %dma_start3A_144 : memref<1x128xi32, #tpu.memory_space<vmem>> -> memref<128xi32, #tpu.memory_space<vmem>>
      %dma_start3A_146 = arith.constant 0 : i32
      %dma_start3A_147 = tpu.memref_slice %arg7[%dma_start3A_146] : memref<100352xf32, #tpu.memory_space<vmem_shared>> -> memref<100352xf32, #tpu.memory_space<vmem_shared>>
      tpu.enqueue_indirect_dma source(%arg6 : memref<128xf32, #tpu.memory_space<vmem>>) target(%dma_start3A_147 : memref<100352xf32, #tpu.memory_space<vmem_shared>>) offsets(%dma_start3A_145 : memref<128xi32, #tpu.memory_space<vmem>>) semaphore(%arg8 : memref<!tpu.dma_semaphore, #tpu.memory_space<semaphore_mem>>) {add = true}
      %dma_start3A_148 = arith.constant 12 : i32
      %dma_start3A_149 = arith.constant 0 : i32
      %dma_start3A_150 = tpu.memref_slice %arg4[%dma_start3A_148, %dma_start3A_149] : memref<16x128xi32, #tpu.memory_space<vmem>> -> memref<1x128xi32, #tpu.memory_space<vmem>>
      %dma_start3A_151 = tpu.memref_squeeze %dma_start3A_150 : memref<1x128xi32, #tpu.memory_space<vmem>> -> memref<128xi32, #tpu.memory_space<vmem>>
      %dma_start3A_152 = arith.constant 0 : i32
      %dma_start3A_153 = tpu.memref_slice %arg7[%dma_start3A_152] : memref<100352xf32, #tpu.memory_space<vmem_shared>> -> memref<100352xf32, #tpu.memory_space<vmem_shared>>
      tpu.enqueue_indirect_dma source(%arg6 : memref<128xf32, #tpu.memory_space<vmem>>) target(%dma_start3A_153 : memref<100352xf32, #tpu.memory_space<vmem_shared>>) offsets(%dma_start3A_151 : memref<128xi32, #tpu.memory_space<vmem>>) semaphore(%arg8 : memref<!tpu.dma_semaphore, #tpu.memory_space<semaphore_mem>>) {add = true}
      %dma_start3A_154 = arith.constant 13 : i32
      %dma_start3A_155 = arith.constant 0 : i32
      %dma_start3A_156 = tpu.memref_slice %arg4[%dma_start3A_154, %dma_start3A_155] : memref<16x128xi32, #tpu.memory_space<vmem>> -> memref<1x128xi32, #tpu.memory_space<vmem>>
      %dma_start3A_157 = tpu.memref_squeeze %dma_start3A_156 : memref<1x128xi32, #tpu.memory_space<vmem>> -> memref<128xi32, #tpu.memory_space<vmem>>
      %dma_start3A_158 = arith.constant 0 : i32
      %dma_start3A_159 = tpu.memref_slice %arg7[%dma_start3A_158] : memref<100352xf32, #tpu.memory_space<vmem_shared>> -> memref<100352xf32, #tpu.memory_space<vmem_shared>>
      tpu.enqueue_indirect_dma source(%arg6 : memref<128xf32, #tpu.memory_space<vmem>>) target(%dma_start3A_159 : memref<100352xf32, #tpu.memory_space<vmem_shared>>) offsets(%dma_start3A_157 : memref<128xi32, #tpu.memory_space<vmem>>) semaphore(%arg8 : memref<!tpu.dma_semaphore, #tpu.memory_space<semaphore_mem>>) {add = true}
      %dma_start3A_160 = arith.constant 14 : i32
      %dma_start3A_161 = arith.constant 0 : i32
      %dma_start3A_162 = tpu.memref_slice %arg4[%dma_start3A_160, %dma_start3A_161] : memref<16x128xi32, #tpu.memory_space<vmem>> -> memref<1x128xi32, #tpu.memory_space<vmem>>
      %dma_start3A_163 = tpu.memref_squeeze %dma_start3A_162 : memref<1x128xi32, #tpu.memory_space<vmem>> -> memref<128xi32, #tpu.memory_space<vmem>>
      %dma_start3A_164 = arith.constant 0 : i32
      %dma_start3A_165 = tpu.memref_slice %arg7[%dma_start3A_164] : memref<100352xf32, #tpu.memory_space<vmem_shared>> -> memref<100352xf32, #tpu.memory_space<vmem_shared>>
      tpu.enqueue_indirect_dma source(%arg6 : memref<128xf32, #tpu.memory_space<vmem>>) target(%dma_start3A_165 : memref<100352xf32, #tpu.memory_space<vmem_shared>>) offsets(%dma_start3A_163 : memref<128xi32, #tpu.memory_space<vmem>>) semaphore(%arg8 : memref<!tpu.dma_semaphore, #tpu.memory_space<semaphore_mem>>) {add = true}
      %dma_start3A_166 = arith.constant 15 : i32
      %dma_start3A_167 = arith.constant 0 : i32
      %dma_start3A_168 = tpu.memref_slice %arg4[%dma_start3A_166, %dma_start3A_167] : memref<16x128xi32, #tpu.memory_space<vmem>> -> memref<1x128xi32, #tpu.memory_space<vmem>>
      %dma_start3A_169 = tpu.memref_squeeze %dma_start3A_168 : memref<1x128xi32, #tpu.memory_space<vmem>> -> memref<128xi32, #tpu.memory_space<vmem>>
      %dma_start3A_170 = arith.constant 0 : i32
      %dma_start3A_171 = tpu.memref_slice %arg7[%dma_start3A_170] : memref<100352xf32, #tpu.memory_space<vmem_shared>> -> memref<100352xf32, #tpu.memory_space<vmem_shared>>
      tpu.enqueue_indirect_dma source(%arg6 : memref<128xf32, #tpu.memory_space<vmem>>) target(%dma_start3A_171 : memref<100352xf32, #tpu.memory_space<vmem_shared>>) offsets(%dma_start3A_169 : memref<128xi32, #tpu.memory_space<vmem>>) semaphore(%arg8 : memref<!tpu.dma_semaphore, #tpu.memory_space<semaphore_mem>>) {add = true}
      %dma_wait3A = arith.constant 0 : i32
      %dma_wait3A_172 = tpu.memref_slice %arg5[%dma_wait3A] : memref<6272xf32, #tpu.memory_space<vmem>> -> memref<2048xf32, #tpu.memory_space<vmem>>
      %dma_wait3A_173 = arith.constant 0 : i32
      %dma_wait3A_174 = tpu.memref_slice %arg7[%dma_wait3A_173] : memref<100352xf32, #tpu.memory_space<vmem_shared>> -> memref<2048xf32, #tpu.memory_space<vmem_shared>>
      %dma_wait3A_175 = arith.constant 0 : i32
      %dma_wait3A_176 = tpu.memref_slice %arg7[%dma_wait3A_175] : memref<100352xf32, #tpu.memory_space<vmem_shared>> -> memref<2048xf32, #tpu.memory_space<vmem_shared>>
      %dma_wait3A_177 = arith.constant 0 : i32
      %dma_wait3A_178 = tpu.memref_slice %arg5[%dma_wait3A_177] : memref<6272xf32, #tpu.memory_space<vmem>> -> memref<2048xf32, #tpu.memory_space<vmem>>
      tpu.wait_dma2 semaphore(%arg8 : memref<!tpu.dma_semaphore, #tpu.memory_space<semaphore_mem>>) src(%dma_wait3A_178 : memref<2048xf32, #tpu.memory_space<vmem>>) dst(%dma_wait3A_176 : memref<2048xf32, #tpu.memory_space<vmem_shared>>)
      %scan3A_179 = arith.constant 0 : i32
      scf.yield %scan3A_179 : i32
    }
    %scan3A_63 = arith.constant 25 : i32
    %barrier3A_64 = arith.constant 0 : index
    tpu.barrier barrier_id(%barrier3A_64)
    %mul3A_65 = arith.constant 6272 : i32
    %mul3A_66 = arith.muli %arg1, %mul3A_65 : i32
    "tpu.region"() ({
      %run_scoped3A = tpu.sem_alloc : memref<!tpu.dma_semaphore, #tpu.memory_space<semaphore_mem>>
      %dma_start3A = tpu.memref_slice %arg7[%mul3A_66] : memref<100352xf32, #tpu.memory_space<vmem_shared>> -> memref<6272xf32, #tpu.memory_space<vmem_shared>>
      %dma_start3A_72 = tpu.memref_slice %arg7[%mul3A_66] : memref<100352xf32, #tpu.memory_space<vmem_shared>> -> memref<6272xf32, #tpu.memory_space<vmem_shared>>
      tpu.enqueue_dma source(%dma_start3A_72 : memref<6272xf32, #tpu.memory_space<vmem_shared>>) target(%arg5 : memref<6272xf32, #tpu.memory_space<vmem>>) target_semaphore(%run_scoped3A : memref<!tpu.dma_semaphore, #tpu.memory_space<semaphore_mem>>)
      %dma_wait3A = tpu.memref_slice %arg7[%mul3A_66] : memref<100352xf32, #tpu.memory_space<vmem_shared>> -> memref<6272xf32, #tpu.memory_space<vmem_shared>>
      %dma_wait3A_73 = tpu.memref_slice %arg7[%mul3A_66] : memref<100352xf32, #tpu.memory_space<vmem_shared>> -> memref<6272xf32, #tpu.memory_space<vmem_shared>>
      tpu.wait_dma2 semaphore(%run_scoped3A : memref<!tpu.dma_semaphore, #tpu.memory_space<semaphore_mem>>) src(%dma_wait3A_73 : memref<6272xf32, #tpu.memory_space<vmem_shared>>) dst(%arg5 : memref<6272xf32, #tpu.memory_space<vmem>>)
      tpu.yield
    }) : () -> ()
    %mul3A_67 = arith.constant 100352 : i32
    %mul3A_68 = arith.muli %arg0, %mul3A_67 : i32
    %mul3A_69 = arith.constant 6272 : i32
    %mul3A_70 = arith.muli %arg1, %mul3A_69 : i32
    %add3A_71 = arith.addi %mul3A_68, %mul3A_70 : i32
    "tpu.region"() ({
      %run_scoped3A = tpu.sem_alloc : memref<!tpu.dma_semaphore, #tpu.memory_space<semaphore_mem>>
      %dma_start3A = tpu.memref_slice %arg3[%add3A_71] : memref<200704xf32, #tpu.memory_space<hbm>> -> memref<6272xf32, #tpu.memory_space<hbm>>
      %dma_start3A_72 = tpu.memref_slice %arg3[%add3A_71] : memref<200704xf32, #tpu.memory_space<hbm>> -> memref<6272xf32, #tpu.memory_space<hbm>>
      tpu.enqueue_dma source(%arg5 : memref<6272xf32, #tpu.memory_space<vmem>>) target(%dma_start3A_72 : memref<6272xf32, #tpu.memory_space<hbm>>) target_semaphore(%run_scoped3A : memref<!tpu.dma_semaphore, #tpu.memory_space<semaphore_mem>>)
      %dma_wait3A = tpu.memref_slice %arg3[%add3A_71] : memref<200704xf32, #tpu.memory_space<hbm>> -> memref<6272xf32, #tpu.memory_space<hbm>>
      %dma_wait3A_73 = tpu.memref_slice %arg3[%add3A_71] : memref<200704xf32, #tpu.memory_space<hbm>> -> memref<6272xf32, #tpu.memory_space<hbm>>
      tpu.wait_dma2 semaphore(%run_scoped3A : memref<!tpu.dma_semaphore, #tpu.memory_space<semaphore_mem>>) src(%arg5 : memref<6272xf32, #tpu.memory_space<vmem>>) dst(%dma_wait3A_73 : memref<6272xf32, #tpu.memory_space<hbm>>)
      tpu.yield
    }) : () -> ()
    return
  }
}

#map = affine_map<(d0, d1) -> (0, 0)>
module attributes {stable_mosaic.version = 14 : i64} {
  func.func @k(%arg0: i32, %arg1: i32, %arg2: memref<12800x128xi32, #tpu.memory_space<hbm>>, %arg3: memref<12800x128xi32, #tpu.memory_space<hbm>>, %arg4: memref<100352x8xf32, #tpu.memory_space<hbm>>, %arg5: memref<1568x8xf32, #tpu.memory_space<hbm>>, %arg6: memref<200704x8xf32, #tpu.memory_space<hbm>>, %arg7: memref<2x10x128xi32, #tpu.memory_space<vmem>>, %arg8: memref<2x10x128xi32, #tpu.memory_space<vmem>>, %arg9: memref<2x1280x8xf32, #tpu.memory_space<vmem>>, %arg10: memref<100352x8xf32, #tpu.memory_space<vmem_shared>>, %arg11: memref<100352x8xf32, #tpu.memory_space<vmem_shared>>, %arg12: memref<!tpu.dma_semaphore, #tpu.memory_space<semaphore_mem>>, %arg13: memref<!tpu.dma_semaphore, #tpu.memory_space<semaphore_mem>>, %arg14: memref<!tpu.dma_semaphore, #tpu.memory_space<semaphore_mem>>, %arg15: memref<!tpu.dma_semaphore, #tpu.memory_space<semaphore_mem>>) attributes {dimension_semantics = [#tpu.dimension_semantics<core_parallel>, #tpu.dimension_semantics<subcore_parallel>], iteration_bounds = array<i64: 2, 16>, scalar_prefetch = 0 : i64, scratch_operands = 9 : i64, tpu.core_type = #tpu.core_type<sc_vector_subcore>, window_params = [{transform_indices = #map}, {transform_indices = #map}, {transform_indices = #map}, {transform_indices = #map}, {transform_indices = #map}]} {
    %mul3A = arith.constant 16 : i32
    %mul3A_0 = arith.muli %arg0, %mul3A : i32
    %add3A = arith.addi %mul3A_0, %arg1 : i32
    %run_scoped3A = arith.constant 0 : i32
    "tpu.region"() ({
      %run_scoped3A_268 = tpu.sem_alloc : memref<!tpu.dma_semaphore, #tpu.memory_space<semaphore_mem>>
      %dma_start3A_269 = arith.constant 0 : i32
      %dma_start3A_270 = arith.constant 0 : i32
      %dma_start3A_271 = tpu.memref_slice %arg9[%run_scoped3A, %dma_start3A_269, %dma_start3A_270] : memref<2x1280x8xf32, #tpu.memory_space<vmem>> -> memref<1x1568x8xf32, #tpu.memory_space<vmem>>
      %dma_start3A_272 = tpu.memref_squeeze %dma_start3A_271 : memref<1x1568x8xf32, #tpu.memory_space<vmem>> -> memref<1568x8xf32, #tpu.memory_space<vmem>>
      %dma_start3A_273 = arith.constant 0 : i32
      %dma_start3A_274 = arith.constant 0 : i32
      %dma_start3A_275 = tpu.memref_slice %arg9[%run_scoped3A, %dma_start3A_273, %dma_start3A_274] : memref<2x1280x8xf32, #tpu.memory_space<vmem>> -> memref<1x1568x8xf32, #tpu.memory_space<vmem>>
      %dma_start3A_276 = tpu.memref_squeeze %dma_start3A_275 : memref<1x1568x8xf32, #tpu.memory_space<vmem>> -> memref<1568x8xf32, #tpu.memory_space<vmem>>
      tpu.enqueue_dma source(%arg5 : memref<1568x8xf32, #tpu.memory_space<hbm>>) target(%dma_start3A_276 : memref<1568x8xf32, #tpu.memory_space<vmem>>) target_semaphore(%run_scoped3A_268 : memref<!tpu.dma_semaphore, #tpu.memory_space<semaphore_mem>>)
      %dma_wait3A_277 = arith.constant 0 : i32
      %dma_wait3A_278 = arith.constant 0 : i32
      %dma_wait3A_279 = tpu.memref_slice %arg9[%run_scoped3A, %dma_wait3A_277, %dma_wait3A_278] : memref<2x1280x8xf32, #tpu.memory_space<vmem>> -> memref<1x1568x8xf32, #tpu.memory_space<vmem>>
      %dma_wait3A_280 = tpu.memref_squeeze %dma_wait3A_279 : memref<1x1568x8xf32, #tpu.memory_space<vmem>> -> memref<1568x8xf32, #tpu.memory_space<vmem>>
      %dma_wait3A_281 = arith.constant 0 : i32
      %dma_wait3A_282 = arith.constant 0 : i32
      %dma_wait3A_283 = tpu.memref_slice %arg9[%run_scoped3A, %dma_wait3A_281, %dma_wait3A_282] : memref<2x1280x8xf32, #tpu.memory_space<vmem>> -> memref<1x1568x8xf32, #tpu.memory_space<vmem>>
      %dma_wait3A_284 = tpu.memref_squeeze %dma_wait3A_283 : memref<1x1568x8xf32, #tpu.memory_space<vmem>> -> memref<1568x8xf32, #tpu.memory_space<vmem>>
      tpu.wait_dma2 semaphore(%run_scoped3A_268 : memref<!tpu.dma_semaphore, #tpu.memory_space<semaphore_mem>>) src(%arg5 : memref<1568x8xf32, #tpu.memory_space<hbm>>) dst(%dma_wait3A_284 : memref<1568x8xf32, #tpu.memory_space<vmem>>)
      tpu.yield
    }) : () -> ()
    %mul3A_1 = arith.constant 6272 : i32
    %mul3A_2 = arith.muli %arg1, %mul3A_1 : i32
    %add3A_3 = arith.constant 0 : i32
    %add3A_4 = arith.addi %mul3A_2, %add3A_3 : i32
    %run_scoped3A_5 = arith.constant 0 : i32
    "tpu.region"() ({
      %run_scoped3A_268 = tpu.sem_alloc : memref<!tpu.dma_semaphore, #tpu.memory_space<semaphore_mem>>
      %dma_start3A_269 = arith.constant 0 : i32
      %dma_start3A_270 = arith.constant 0 : i32
      %dma_start3A_271 = tpu.memref_slice %arg9[%run_scoped3A_5, %dma_start3A_269, %dma_start3A_270] : memref<2x1280x8xf32, #tpu.memory_space<vmem>> -> memref<1x1568x8xf32, #tpu.memory_space<vmem>>
      %dma_start3A_272 = tpu.memref_squeeze %dma_start3A_271 : memref<1x1568x8xf32, #tpu.memory_space<vmem>> -> memref<1568x8xf32, #tpu.memory_space<vmem>>
      %dma_start3A_273 = arith.constant 0 : i32
      %dma_start3A_274 = tpu.memref_slice %arg10[%add3A_4, %dma_start3A_273] : memref<100352x8xf32, #tpu.memory_space<vmem_shared>> -> memref<1568x8xf32, #tpu.memory_space<vmem_shared>>
      %dma_start3A_275 = arith.constant 0 : i32
      %dma_start3A_276 = tpu.memref_slice %arg10[%add3A_4, %dma_start3A_275] : memref<100352x8xf32, #tpu.memory_space<vmem_shared>> -> memref<1568x8xf32, #tpu.memory_space<vmem_shared>>
      %dma_start3A_277 = arith.constant 0 : i32
      %dma_start3A_278 = arith.constant 0 : i32
      %dma_start3A_279 = tpu.memref_slice %arg9[%run_scoped3A_5, %dma_start3A_277, %dma_start3A_278] : memref<2x1280x8xf32, #tpu.memory_space<vmem>> -> memref<1x1568x8xf32, #tpu.memory_space<vmem>>
      %dma_start3A_280 = tpu.memref_squeeze %dma_start3A_279 : memref<1x1568x8xf32, #tpu.memory_space<vmem>> -> memref<1568x8xf32, #tpu.memory_space<vmem>>
      tpu.enqueue_dma source(%dma_start3A_280 : memref<1568x8xf32, #tpu.memory_space<vmem>>) target(%dma_start3A_276 : memref<1568x8xf32, #tpu.memory_space<vmem_shared>>) target_semaphore(%run_scoped3A_268 : memref<!tpu.dma_semaphore, #tpu.memory_space<semaphore_mem>>)
      %dma_wait3A_281 = arith.constant 0 : i32
      %dma_wait3A_282 = arith.constant 0 : i32
      %dma_wait3A_283 = tpu.memref_slice %arg9[%run_scoped3A_5, %dma_wait3A_281, %dma_wait3A_282] : memref<2x1280x8xf32, #tpu.memory_space<vmem>> -> memref<1x1568x8xf32, #tpu.memory_space<vmem>>
      %dma_wait3A_284 = tpu.memref_squeeze %dma_wait3A_283 : memref<1x1568x8xf32, #tpu.memory_space<vmem>> -> memref<1568x8xf32, #tpu.memory_space<vmem>>
      %dma_wait3A_285 = arith.constant 0 : i32
      %dma_wait3A_286 = tpu.memref_slice %arg10[%add3A_4, %dma_wait3A_285] : memref<100352x8xf32, #tpu.memory_space<vmem_shared>> -> memref<1568x8xf32, #tpu.memory_space<vmem_shared>>
      %dma_wait3A_287 = arith.constant 0 : i32
      %dma_wait3A_288 = tpu.memref_slice %arg10[%add3A_4, %dma_wait3A_287] : memref<100352x8xf32, #tpu.memory_space<vmem_shared>> -> memref<1568x8xf32, #tpu.memory_space<vmem_shared>>
      %dma_wait3A_289 = arith.constant 0 : i32
      %dma_wait3A_290 = arith.constant 0 : i32
      %dma_wait3A_291 = tpu.memref_slice %arg9[%run_scoped3A_5, %dma_wait3A_289, %dma_wait3A_290] : memref<2x1280x8xf32, #tpu.memory_space<vmem>> -> memref<1x1568x8xf32, #tpu.memory_space<vmem>>
      %dma_wait3A_292 = tpu.memref_squeeze %dma_wait3A_291 : memref<1x1568x8xf32, #tpu.memory_space<vmem>> -> memref<1568x8xf32, #tpu.memory_space<vmem>>
      tpu.wait_dma2 semaphore(%run_scoped3A_268 : memref<!tpu.dma_semaphore, #tpu.memory_space<semaphore_mem>>) src(%dma_wait3A_292 : memref<1568x8xf32, #tpu.memory_space<vmem>>) dst(%dma_wait3A_288 : memref<1568x8xf32, #tpu.memory_space<vmem_shared>>)
      tpu.yield
    }) : () -> ()
    %mul3A_6 = arith.constant 6272 : i32
    %mul3A_7 = arith.muli %arg1, %mul3A_6 : i32
    %add3A_8 = arith.constant 1568 : i32
    %add3A_9 = arith.addi %mul3A_7, %add3A_8 : i32
    %run_scoped3A_10 = arith.constant 0 : i32
    "tpu.region"() ({
      %run_scoped3A_268 = tpu.sem_alloc : memref<!tpu.dma_semaphore, #tpu.memory_space<semaphore_mem>>
      %dma_start3A_269 = arith.constant 0 : i32
      %dma_start3A_270 = arith.constant 0 : i32
      %dma_start3A_271 = tpu.memref_slice %arg9[%run_scoped3A_10, %dma_start3A_269, %dma_start3A_270] : memref<2x1280x8xf32, #tpu.memory_space<vmem>> -> memref<1x1568x8xf32, #tpu.memory_space<vmem>>
      %dma_start3A_272 = tpu.memref_squeeze %dma_start3A_271 : memref<1x1568x8xf32, #tpu.memory_space<vmem>> -> memref<1568x8xf32, #tpu.memory_space<vmem>>
      %dma_start3A_273 = arith.constant 0 : i32
      %dma_start3A_274 = tpu.memref_slice %arg10[%add3A_9, %dma_start3A_273] : memref<100352x8xf32, #tpu.memory_space<vmem_shared>> -> memref<1568x8xf32, #tpu.memory_space<vmem_shared>>
      %dma_start3A_275 = arith.constant 0 : i32
      %dma_start3A_276 = tpu.memref_slice %arg10[%add3A_9, %dma_start3A_275] : memref<100352x8xf32, #tpu.memory_space<vmem_shared>> -> memref<1568x8xf32, #tpu.memory_space<vmem_shared>>
      %dma_start3A_277 = arith.constant 0 : i32
      %dma_start3A_278 = arith.constant 0 : i32
      %dma_start3A_279 = tpu.memref_slice %arg9[%run_scoped3A_10, %dma_start3A_277, %dma_start3A_278] : memref<2x1280x8xf32, #tpu.memory_space<vmem>> -> memref<1x1568x8xf32, #tpu.memory_space<vmem>>
      %dma_start3A_280 = tpu.memref_squeeze %dma_start3A_279 : memref<1x1568x8xf32, #tpu.memory_space<vmem>> -> memref<1568x8xf32, #tpu.memory_space<vmem>>
      tpu.enqueue_dma source(%dma_start3A_280 : memref<1568x8xf32, #tpu.memory_space<vmem>>) target(%dma_start3A_276 : memref<1568x8xf32, #tpu.memory_space<vmem_shared>>) target_semaphore(%run_scoped3A_268 : memref<!tpu.dma_semaphore, #tpu.memory_space<semaphore_mem>>)
      %dma_wait3A_281 = arith.constant 0 : i32
      %dma_wait3A_282 = arith.constant 0 : i32
      %dma_wait3A_283 = tpu.memref_slice %arg9[%run_scoped3A_10, %dma_wait3A_281, %dma_wait3A_282] : memref<2x1280x8xf32, #tpu.memory_space<vmem>> -> memref<1x1568x8xf32, #tpu.memory_space<vmem>>
      %dma_wait3A_284 = tpu.memref_squeeze %dma_wait3A_283 : memref<1x1568x8xf32, #tpu.memory_space<vmem>> -> memref<1568x8xf32, #tpu.memory_space<vmem>>
      %dma_wait3A_285 = arith.constant 0 : i32
      %dma_wait3A_286 = tpu.memref_slice %arg10[%add3A_9, %dma_wait3A_285] : memref<100352x8xf32, #tpu.memory_space<vmem_shared>> -> memref<1568x8xf32, #tpu.memory_space<vmem_shared>>
      %dma_wait3A_287 = arith.constant 0 : i32
      %dma_wait3A_288 = tpu.memref_slice %arg10[%add3A_9, %dma_wait3A_287] : memref<100352x8xf32, #tpu.memory_space<vmem_shared>> -> memref<1568x8xf32, #tpu.memory_space<vmem_shared>>
      %dma_wait3A_289 = arith.constant 0 : i32
      %dma_wait3A_290 = arith.constant 0 : i32
      %dma_wait3A_291 = tpu.memref_slice %arg9[%run_scoped3A_10, %dma_wait3A_289, %dma_wait3A_290] : memref<2x1280x8xf32, #tpu.memory_space<vmem>> -> memref<1x1568x8xf32, #tpu.memory_space<vmem>>
      %dma_wait3A_292 = tpu.memref_squeeze %dma_wait3A_291 : memref<1x1568x8xf32, #tpu.memory_space<vmem>> -> memref<1568x8xf32, #tpu.memory_space<vmem>>
      tpu.wait_dma2 semaphore(%run_scoped3A_268 : memref<!tpu.dma_semaphore, #tpu.memory_space<semaphore_mem>>) src(%dma_wait3A_292 : memref<1568x8xf32, #tpu.memory_space<vmem>>) dst(%dma_wait3A_288 : memref<1568x8xf32, #tpu.memory_space<vmem_shared>>)
      tpu.yield
    }) : () -> ()
    %mul3A_11 = arith.constant 6272 : i32
    %mul3A_12 = arith.muli %arg1, %mul3A_11 : i32
    %add3A_13 = arith.constant 3136 : i32
    %add3A_14 = arith.addi %mul3A_12, %add3A_13 : i32
    %run_scoped3A_15 = arith.constant 0 : i32
    "tpu.region"() ({
      %run_scoped3A_268 = tpu.sem_alloc : memref<!tpu.dma_semaphore, #tpu.memory_space<semaphore_mem>>
      %dma_start3A_269 = arith.constant 0 : i32
      %dma_start3A_270 = arith.constant 0 : i32
      %dma_start3A_271 = tpu.memref_slice %arg9[%run_scoped3A_15, %dma_start3A_269, %dma_start3A_270] : memref<2x1280x8xf32, #tpu.memory_space<vmem>> -> memref<1x1568x8xf32, #tpu.memory_space<vmem>>
      %dma_start3A_272 = tpu.memref_squeeze %dma_start3A_271 : memref<1x1568x8xf32, #tpu.memory_space<vmem>> -> memref<1568x8xf32, #tpu.memory_space<vmem>>
      %dma_start3A_273 = arith.constant 0 : i32
      %dma_start3A_274 = tpu.memref_slice %arg10[%add3A_14, %dma_start3A_273] : memref<100352x8xf32, #tpu.memory_space<vmem_shared>> -> memref<1568x8xf32, #tpu.memory_space<vmem_shared>>
      %dma_start3A_275 = arith.constant 0 : i32
      %dma_start3A_276 = tpu.memref_slice %arg10[%add3A_14, %dma_start3A_275] : memref<100352x8xf32, #tpu.memory_space<vmem_shared>> -> memref<1568x8xf32, #tpu.memory_space<vmem_shared>>
      %dma_start3A_277 = arith.constant 0 : i32
      %dma_start3A_278 = arith.constant 0 : i32
      %dma_start3A_279 = tpu.memref_slice %arg9[%run_scoped3A_15, %dma_start3A_277, %dma_start3A_278] : memref<2x1280x8xf32, #tpu.memory_space<vmem>> -> memref<1x1568x8xf32, #tpu.memory_space<vmem>>
      %dma_start3A_280 = tpu.memref_squeeze %dma_start3A_279 : memref<1x1568x8xf32, #tpu.memory_space<vmem>> -> memref<1568x8xf32, #tpu.memory_space<vmem>>
      tpu.enqueue_dma source(%dma_start3A_280 : memref<1568x8xf32, #tpu.memory_space<vmem>>) target(%dma_start3A_276 : memref<1568x8xf32, #tpu.memory_space<vmem_shared>>) target_semaphore(%run_scoped3A_268 : memref<!tpu.dma_semaphore, #tpu.memory_space<semaphore_mem>>)
      %dma_wait3A_281 = arith.constant 0 : i32
      %dma_wait3A_282 = arith.constant 0 : i32
      %dma_wait3A_283 = tpu.memref_slice %arg9[%run_scoped3A_15, %dma_wait3A_281, %dma_wait3A_282] : memref<2x1280x8xf32, #tpu.memory_space<vmem>> -> memref<1x1568x8xf32, #tpu.memory_space<vmem>>
      %dma_wait3A_284 = tpu.memref_squeeze %dma_wait3A_283 : memref<1x1568x8xf32, #tpu.memory_space<vmem>> -> memref<1568x8xf32, #tpu.memory_space<vmem>>
      %dma_wait3A_285 = arith.constant 0 : i32
      %dma_wait3A_286 = tpu.memref_slice %arg10[%add3A_14, %dma_wait3A_285] : memref<100352x8xf32, #tpu.memory_space<vmem_shared>> -> memref<1568x8xf32, #tpu.memory_space<vmem_shared>>
      %dma_wait3A_287 = arith.constant 0 : i32
      %dma_wait3A_288 = tpu.memref_slice %arg10[%add3A_14, %dma_wait3A_287] : memref<100352x8xf32, #tpu.memory_space<vmem_shared>> -> memref<1568x8xf32, #tpu.memory_space<vmem_shared>>
      %dma_wait3A_289 = arith.constant 0 : i32
      %dma_wait3A_290 = arith.constant 0 : i32
      %dma_wait3A_291 = tpu.memref_slice %arg9[%run_scoped3A_15, %dma_wait3A_289, %dma_wait3A_290] : memref<2x1280x8xf32, #tpu.memory_space<vmem>> -> memref<1x1568x8xf32, #tpu.memory_space<vmem>>
      %dma_wait3A_292 = tpu.memref_squeeze %dma_wait3A_291 : memref<1x1568x8xf32, #tpu.memory_space<vmem>> -> memref<1568x8xf32, #tpu.memory_space<vmem>>
      tpu.wait_dma2 semaphore(%run_scoped3A_268 : memref<!tpu.dma_semaphore, #tpu.memory_space<semaphore_mem>>) src(%dma_wait3A_292 : memref<1568x8xf32, #tpu.memory_space<vmem>>) dst(%dma_wait3A_288 : memref<1568x8xf32, #tpu.memory_space<vmem_shared>>)
      tpu.yield
    }) : () -> ()
    %mul3A_16 = arith.constant 6272 : i32
    %mul3A_17 = arith.muli %arg1, %mul3A_16 : i32
    %add3A_18 = arith.constant 4704 : i32
    %add3A_19 = arith.addi %mul3A_17, %add3A_18 : i32
    %run_scoped3A_20 = arith.constant 0 : i32
    "tpu.region"() ({
      %run_scoped3A_268 = tpu.sem_alloc : memref<!tpu.dma_semaphore, #tpu.memory_space<semaphore_mem>>
      %dma_start3A_269 = arith.constant 0 : i32
      %dma_start3A_270 = arith.constant 0 : i32
      %dma_start3A_271 = tpu.memref_slice %arg9[%run_scoped3A_20, %dma_start3A_269, %dma_start3A_270] : memref<2x1280x8xf32, #tpu.memory_space<vmem>> -> memref<1x1568x8xf32, #tpu.memory_space<vmem>>
      %dma_start3A_272 = tpu.memref_squeeze %dma_start3A_271 : memref<1x1568x8xf32, #tpu.memory_space<vmem>> -> memref<1568x8xf32, #tpu.memory_space<vmem>>
      %dma_start3A_273 = arith.constant 0 : i32
      %dma_start3A_274 = tpu.memref_slice %arg10[%add3A_19, %dma_start3A_273] : memref<100352x8xf32, #tpu.memory_space<vmem_shared>> -> memref<1568x8xf32, #tpu.memory_space<vmem_shared>>
      %dma_start3A_275 = arith.constant 0 : i32
      %dma_start3A_276 = tpu.memref_slice %arg10[%add3A_19, %dma_start3A_275] : memref<100352x8xf32, #tpu.memory_space<vmem_shared>> -> memref<1568x8xf32, #tpu.memory_space<vmem_shared>>
      %dma_start3A_277 = arith.constant 0 : i32
      %dma_start3A_278 = arith.constant 0 : i32
      %dma_start3A_279 = tpu.memref_slice %arg9[%run_scoped3A_20, %dma_start3A_277, %dma_start3A_278] : memref<2x1280x8xf32, #tpu.memory_space<vmem>> -> memref<1x1568x8xf32, #tpu.memory_space<vmem>>
      %dma_start3A_280 = tpu.memref_squeeze %dma_start3A_279 : memref<1x1568x8xf32, #tpu.memory_space<vmem>> -> memref<1568x8xf32, #tpu.memory_space<vmem>>
      tpu.enqueue_dma source(%dma_start3A_280 : memref<1568x8xf32, #tpu.memory_space<vmem>>) target(%dma_start3A_276 : memref<1568x8xf32, #tpu.memory_space<vmem_shared>>) target_semaphore(%run_scoped3A_268 : memref<!tpu.dma_semaphore, #tpu.memory_space<semaphore_mem>>)
      %dma_wait3A_281 = arith.constant 0 : i32
      %dma_wait3A_282 = arith.constant 0 : i32
      %dma_wait3A_283 = tpu.memref_slice %arg9[%run_scoped3A_20, %dma_wait3A_281, %dma_wait3A_282] : memref<2x1280x8xf32, #tpu.memory_space<vmem>> -> memref<1x1568x8xf32, #tpu.memory_space<vmem>>
      %dma_wait3A_284 = tpu.memref_squeeze %dma_wait3A_283 : memref<1x1568x8xf32, #tpu.memory_space<vmem>> -> memref<1568x8xf32, #tpu.memory_space<vmem>>
      %dma_wait3A_285 = arith.constant 0 : i32
      %dma_wait3A_286 = tpu.memref_slice %arg10[%add3A_19, %dma_wait3A_285] : memref<100352x8xf32, #tpu.memory_space<vmem_shared>> -> memref<1568x8xf32, #tpu.memory_space<vmem_shared>>
      %dma_wait3A_287 = arith.constant 0 : i32
      %dma_wait3A_288 = tpu.memref_slice %arg10[%add3A_19, %dma_wait3A_287] : memref<100352x8xf32, #tpu.memory_space<vmem_shared>> -> memref<1568x8xf32, #tpu.memory_space<vmem_shared>>
      %dma_wait3A_289 = arith.constant 0 : i32
      %dma_wait3A_290 = arith.constant 0 : i32
      %dma_wait3A_291 = tpu.memref_slice %arg9[%run_scoped3A_20, %dma_wait3A_289, %dma_wait3A_290] : memref<2x1280x8xf32, #tpu.memory_space<vmem>> -> memref<1x1568x8xf32, #tpu.memory_space<vmem>>
      %dma_wait3A_292 = tpu.memref_squeeze %dma_wait3A_291 : memref<1x1568x8xf32, #tpu.memory_space<vmem>> -> memref<1568x8xf32, #tpu.memory_space<vmem>>
      tpu.wait_dma2 semaphore(%run_scoped3A_268 : memref<!tpu.dma_semaphore, #tpu.memory_space<semaphore_mem>>) src(%dma_wait3A_292 : memref<1568x8xf32, #tpu.memory_space<vmem>>) dst(%dma_wait3A_288 : memref<1568x8xf32, #tpu.memory_space<vmem_shared>>)
      tpu.yield
    }) : () -> ()
    %mul3A_21 = arith.constant 6272 : i32
    %mul3A_22 = arith.muli %arg1, %mul3A_21 : i32
    %add3A_23 = arith.constant 0 : i32
    %add3A_24 = arith.addi %mul3A_22, %add3A_23 : i32
    %run_scoped3A_25 = arith.constant 0 : i32
    "tpu.region"() ({
      %run_scoped3A_268 = tpu.sem_alloc : memref<!tpu.dma_semaphore, #tpu.memory_space<semaphore_mem>>
      %dma_start3A_269 = arith.constant 0 : i32
      %dma_start3A_270 = arith.constant 0 : i32
      %dma_start3A_271 = tpu.memref_slice %arg9[%run_scoped3A_25, %dma_start3A_269, %dma_start3A_270] : memref<2x1280x8xf32, #tpu.memory_space<vmem>> -> memref<1x1568x8xf32, #tpu.memory_space<vmem>>
      %dma_start3A_272 = tpu.memref_squeeze %dma_start3A_271 : memref<1x1568x8xf32, #tpu.memory_space<vmem>> -> memref<1568x8xf32, #tpu.memory_space<vmem>>
      %dma_start3A_273 = arith.constant 0 : i32
      %dma_start3A_274 = tpu.memref_slice %arg4[%add3A_24, %dma_start3A_273] : memref<100352x8xf32, #tpu.memory_space<hbm>> -> memref<1568x8xf32, #tpu.memory_space<hbm>>
      %dma_start3A_275 = arith.constant 0 : i32
      %dma_start3A_276 = arith.constant 0 : i32
      %dma_start3A_277 = tpu.memref_slice %arg9[%run_scoped3A_25, %dma_start3A_275, %dma_start3A_276] : memref<2x1280x8xf32, #tpu.memory_space<vmem>> -> memref<1x1568x8xf32, #tpu.memory_space<vmem>>
      %dma_start3A_278 = tpu.memref_squeeze %dma_start3A_277 : memref<1x1568x8xf32, #tpu.memory_space<vmem>> -> memref<1568x8xf32, #tpu.memory_space<vmem>>
      %dma_start3A_279 = arith.constant 0 : i32
      %dma_start3A_280 = tpu.memref_slice %arg4[%add3A_24, %dma_start3A_279] : memref<100352x8xf32, #tpu.memory_space<hbm>> -> memref<1568x8xf32, #tpu.memory_space<hbm>>
      tpu.enqueue_dma source(%dma_start3A_280 : memref<1568x8xf32, #tpu.memory_space<hbm>>) target(%dma_start3A_278 : memref<1568x8xf32, #tpu.memory_space<vmem>>) target_semaphore(%run_scoped3A_268 : memref<!tpu.dma_semaphore, #tpu.memory_space<semaphore_mem>>)
      %dma_wait3A_281 = arith.constant 0 : i32
      %dma_wait3A_282 = arith.constant 0 : i32
      %dma_wait3A_283 = tpu.memref_slice %arg9[%run_scoped3A_25, %dma_wait3A_281, %dma_wait3A_282] : memref<2x1280x8xf32, #tpu.memory_space<vmem>> -> memref<1x1568x8xf32, #tpu.memory_space<vmem>>
      %dma_wait3A_284 = tpu.memref_squeeze %dma_wait3A_283 : memref<1x1568x8xf32, #tpu.memory_space<vmem>> -> memref<1568x8xf32, #tpu.memory_space<vmem>>
      %dma_wait3A_285 = arith.constant 0 : i32
      %dma_wait3A_286 = tpu.memref_slice %arg4[%add3A_24, %dma_wait3A_285] : memref<100352x8xf32, #tpu.memory_space<hbm>> -> memref<1568x8xf32, #tpu.memory_space<hbm>>
      %dma_wait3A_287 = arith.constant 0 : i32
      %dma_wait3A_288 = arith.constant 0 : i32
      %dma_wait3A_289 = tpu.memref_slice %arg9[%run_scoped3A_25, %dma_wait3A_287, %dma_wait3A_288] : memref<2x1280x8xf32, #tpu.memory_space<vmem>> -> memref<1x1568x8xf32, #tpu.memory_space<vmem>>
      %dma_wait3A_290 = tpu.memref_squeeze %dma_wait3A_289 : memref<1x1568x8xf32, #tpu.memory_space<vmem>> -> memref<1568x8xf32, #tpu.memory_space<vmem>>
      %dma_wait3A_291 = arith.constant 0 : i32
      %dma_wait3A_292 = tpu.memref_slice %arg4[%add3A_24, %dma_wait3A_291] : memref<100352x8xf32, #tpu.memory_space<hbm>> -> memref<1568x8xf32, #tpu.memory_space<hbm>>
      tpu.wait_dma2 semaphore(%run_scoped3A_268 : memref<!tpu.dma_semaphore, #tpu.memory_space<semaphore_mem>>) src(%dma_wait3A_292 : memref<1568x8xf32, #tpu.memory_space<hbm>>) dst(%dma_wait3A_290 : memref<1568x8xf32, #tpu.memory_space<vmem>>)
      tpu.yield
    }) : () -> ()
    %run_scoped3A_26 = arith.constant 0 : i32
    "tpu.region"() ({
      %run_scoped3A_268 = tpu.sem_alloc : memref<!tpu.dma_semaphore, #tpu.memory_space<semaphore_mem>>
      %dma_start3A_269 = arith.constant 0 : i32
      %dma_start3A_270 = arith.constant 0 : i32
      %dma_start3A_271 = tpu.memref_slice %arg9[%run_scoped3A_26, %dma_start3A_269, %dma_start3A_270] : memref<2x1280x8xf32, #tpu.memory_space<vmem>> -> memref<1x1568x8xf32, #tpu.memory_space<vmem>>
      %dma_start3A_272 = tpu.memref_squeeze %dma_start3A_271 : memref<1x1568x8xf32, #tpu.memory_space<vmem>> -> memref<1568x8xf32, #tpu.memory_space<vmem>>
      %dma_start3A_273 = arith.constant 0 : i32
      %dma_start3A_274 = tpu.memref_slice %arg11[%add3A_24, %dma_start3A_273] : memref<100352x8xf32, #tpu.memory_space<vmem_shared>> -> memref<1568x8xf32, #tpu.memory_space<vmem_shared>>
      %dma_start3A_275 = arith.constant 0 : i32
      %dma_start3A_276 = tpu.memref_slice %arg11[%add3A_24, %dma_start3A_275] : memref<100352x8xf32, #tpu.memory_space<vmem_shared>> -> memref<1568x8xf32, #tpu.memory_space<vmem_shared>>
      %dma_start3A_277 = arith.constant 0 : i32
      %dma_start3A_278 = arith.constant 0 : i32
      %dma_start3A_279 = tpu.memref_slice %arg9[%run_scoped3A_26, %dma_start3A_277, %dma_start3A_278] : memref<2x1280x8xf32, #tpu.memory_space<vmem>> -> memref<1x1568x8xf32, #tpu.memory_space<vmem>>
      %dma_start3A_280 = tpu.memref_squeeze %dma_start3A_279 : memref<1x1568x8xf32, #tpu.memory_space<vmem>> -> memref<1568x8xf32, #tpu.memory_space<vmem>>
      tpu.enqueue_dma source(%dma_start3A_280 : memref<1568x8xf32, #tpu.memory_space<vmem>>) target(%dma_start3A_276 : memref<1568x8xf32, #tpu.memory_space<vmem_shared>>) target_semaphore(%run_scoped3A_268 : memref<!tpu.dma_semaphore, #tpu.memory_space<semaphore_mem>>)
      %dma_wait3A_281 = arith.constant 0 : i32
      %dma_wait3A_282 = arith.constant 0 : i32
      %dma_wait3A_283 = tpu.memref_slice %arg9[%run_scoped3A_26, %dma_wait3A_281, %dma_wait3A_282] : memref<2x1280x8xf32, #tpu.memory_space<vmem>> -> memref<1x1568x8xf32, #tpu.memory_space<vmem>>
      %dma_wait3A_284 = tpu.memref_squeeze %dma_wait3A_283 : memref<1x1568x8xf32, #tpu.memory_space<vmem>> -> memref<1568x8xf32, #tpu.memory_space<vmem>>
      %dma_wait3A_285 = arith.constant 0 : i32
      %dma_wait3A_286 = tpu.memref_slice %arg11[%add3A_24, %dma_wait3A_285] : memref<100352x8xf32, #tpu.memory_space<vmem_shared>> -> memref<1568x8xf32, #tpu.memory_space<vmem_shared>>
      %dma_wait3A_287 = arith.constant 0 : i32
      %dma_wait3A_288 = tpu.memref_slice %arg11[%add3A_24, %dma_wait3A_287] : memref<100352x8xf32, #tpu.memory_space<vmem_shared>> -> memref<1568x8xf32, #tpu.memory_space<vmem_shared>>
      %dma_wait3A_289 = arith.constant 0 : i32
      %dma_wait3A_290 = arith.constant 0 : i32
      %dma_wait3A_291 = tpu.memref_slice %arg9[%run_scoped3A_26, %dma_wait3A_289, %dma_wait3A_290] : memref<2x1280x8xf32, #tpu.memory_space<vmem>> -> memref<1x1568x8xf32, #tpu.memory_space<vmem>>
      %dma_wait3A_292 = tpu.memref_squeeze %dma_wait3A_291 : memref<1x1568x8xf32, #tpu.memory_space<vmem>> -> memref<1568x8xf32, #tpu.memory_space<vmem>>
      tpu.wait_dma2 semaphore(%run_scoped3A_268 : memref<!tpu.dma_semaphore, #tpu.memory_space<semaphore_mem>>) src(%dma_wait3A_292 : memref<1568x8xf32, #tpu.memory_space<vmem>>) dst(%dma_wait3A_288 : memref<1568x8xf32, #tpu.memory_space<vmem_shared>>)
      tpu.yield
    }) : () -> ()
    %mul3A_27 = arith.constant 6272 : i32
    %mul3A_28 = arith.muli %arg1, %mul3A_27 : i32
    %add3A_29 = arith.constant 1568 : i32
    %add3A_30 = arith.addi %mul3A_28, %add3A_29 : i32
    %run_scoped3A_31 = arith.constant 0 : i32
    "tpu.region"() ({
      %run_scoped3A_268 = tpu.sem_alloc : memref<!tpu.dma_semaphore, #tpu.memory_space<semaphore_mem>>
      %dma_start3A_269 = arith.constant 0 : i32
      %dma_start3A_270 = arith.constant 0 : i32
      %dma_start3A_271 = tpu.memref_slice %arg9[%run_scoped3A_31, %dma_start3A_269, %dma_start3A_270] : memref<2x1280x8xf32, #tpu.memory_space<vmem>> -> memref<1x1568x8xf32, #tpu.memory_space<vmem>>
      %dma_start3A_272 = tpu.memref_squeeze %dma_start3A_271 : memref<1x1568x8xf32, #tpu.memory_space<vmem>> -> memref<1568x8xf32, #tpu.memory_space<vmem>>
      %dma_start3A_273 = arith.constant 0 : i32
      %dma_start3A_274 = tpu.memref_slice %arg4[%add3A_30, %dma_start3A_273] : memref<100352x8xf32, #tpu.memory_space<hbm>> -> memref<1568x8xf32, #tpu.memory_space<hbm>>
      %dma_start3A_275 = arith.constant 0 : i32
      %dma_start3A_276 = arith.constant 0 : i32
      %dma_start3A_277 = tpu.memref_slice %arg9[%run_scoped3A_31, %dma_start3A_275, %dma_start3A_276] : memref<2x1280x8xf32, #tpu.memory_space<vmem>> -> memref<1x1568x8xf32, #tpu.memory_space<vmem>>
      %dma_start3A_278 = tpu.memref_squeeze %dma_start3A_277 : memref<1x1568x8xf32, #tpu.memory_space<vmem>> -> memref<1568x8xf32, #tpu.memory_space<vmem>>
      %dma_start3A_279 = arith.constant 0 : i32
      %dma_start3A_280 = tpu.memref_slice %arg4[%add3A_30, %dma_start3A_279] : memref<100352x8xf32, #tpu.memory_space<hbm>> -> memref<1568x8xf32, #tpu.memory_space<hbm>>
      tpu.enqueue_dma source(%dma_start3A_280 : memref<1568x8xf32, #tpu.memory_space<hbm>>) target(%dma_start3A_278 : memref<1568x8xf32, #tpu.memory_space<vmem>>) target_semaphore(%run_scoped3A_268 : memref<!tpu.dma_semaphore, #tpu.memory_space<semaphore_mem>>)
      %dma_wait3A_281 = arith.constant 0 : i32
      %dma_wait3A_282 = arith.constant 0 : i32
      %dma_wait3A_283 = tpu.memref_slice %arg9[%run_scoped3A_31, %dma_wait3A_281, %dma_wait3A_282] : memref<2x1280x8xf32, #tpu.memory_space<vmem>> -> memref<1x1568x8xf32, #tpu.memory_space<vmem>>
      %dma_wait3A_284 = tpu.memref_squeeze %dma_wait3A_283 : memref<1x1568x8xf32, #tpu.memory_space<vmem>> -> memref<1568x8xf32, #tpu.memory_space<vmem>>
      %dma_wait3A_285 = arith.constant 0 : i32
      %dma_wait3A_286 = tpu.memref_slice %arg4[%add3A_30, %dma_wait3A_285] : memref<100352x8xf32, #tpu.memory_space<hbm>> -> memref<1568x8xf32, #tpu.memory_space<hbm>>
      %dma_wait3A_287 = arith.constant 0 : i32
      %dma_wait3A_288 = arith.constant 0 : i32
      %dma_wait3A_289 = tpu.memref_slice %arg9[%run_scoped3A_31, %dma_wait3A_287, %dma_wait3A_288] : memref<2x1280x8xf32, #tpu.memory_space<vmem>> -> memref<1x1568x8xf32, #tpu.memory_space<vmem>>
      %dma_wait3A_290 = tpu.memref_squeeze %dma_wait3A_289 : memref<1x1568x8xf32, #tpu.memory_space<vmem>> -> memref<1568x8xf32, #tpu.memory_space<vmem>>
      %dma_wait3A_291 = arith.constant 0 : i32
      %dma_wait3A_292 = tpu.memref_slice %arg4[%add3A_30, %dma_wait3A_291] : memref<100352x8xf32, #tpu.memory_space<hbm>> -> memref<1568x8xf32, #tpu.memory_space<hbm>>
      tpu.wait_dma2 semaphore(%run_scoped3A_268 : memref<!tpu.dma_semaphore, #tpu.memory_space<semaphore_mem>>) src(%dma_wait3A_292 : memref<1568x8xf32, #tpu.memory_space<hbm>>) dst(%dma_wait3A_290 : memref<1568x8xf32, #tpu.memory_space<vmem>>)
      tpu.yield
    }) : () -> ()
    %run_scoped3A_32 = arith.constant 0 : i32
    "tpu.region"() ({
      %run_scoped3A_268 = tpu.sem_alloc : memref<!tpu.dma_semaphore, #tpu.memory_space<semaphore_mem>>
      %dma_start3A_269 = arith.constant 0 : i32
      %dma_start3A_270 = arith.constant 0 : i32
      %dma_start3A_271 = tpu.memref_slice %arg9[%run_scoped3A_32, %dma_start3A_269, %dma_start3A_270] : memref<2x1280x8xf32, #tpu.memory_space<vmem>> -> memref<1x1568x8xf32, #tpu.memory_space<vmem>>
      %dma_start3A_272 = tpu.memref_squeeze %dma_start3A_271 : memref<1x1568x8xf32, #tpu.memory_space<vmem>> -> memref<1568x8xf32, #tpu.memory_space<vmem>>
      %dma_start3A_273 = arith.constant 0 : i32
      %dma_start3A_274 = tpu.memref_slice %arg11[%add3A_30, %dma_start3A_273] : memref<100352x8xf32, #tpu.memory_space<vmem_shared>> -> memref<1568x8xf32, #tpu.memory_space<vmem_shared>>
      %dma_start3A_275 = arith.constant 0 : i32
      %dma_start3A_276 = tpu.memref_slice %arg11[%add3A_30, %dma_start3A_275] : memref<100352x8xf32, #tpu.memory_space<vmem_shared>> -> memref<1568x8xf32, #tpu.memory_space<vmem_shared>>
      %dma_start3A_277 = arith.constant 0 : i32
      %dma_start3A_278 = arith.constant 0 : i32
      %dma_start3A_279 = tpu.memref_slice %arg9[%run_scoped3A_32, %dma_start3A_277, %dma_start3A_278] : memref<2x1280x8xf32, #tpu.memory_space<vmem>> -> memref<1x1568x8xf32, #tpu.memory_space<vmem>>
      %dma_start3A_280 = tpu.memref_squeeze %dma_start3A_279 : memref<1x1568x8xf32, #tpu.memory_space<vmem>> -> memref<1568x8xf32, #tpu.memory_space<vmem>>
      tpu.enqueue_dma source(%dma_start3A_280 : memref<1568x8xf32, #tpu.memory_space<vmem>>) target(%dma_start3A_276 : memref<1568x8xf32, #tpu.memory_space<vmem_shared>>) target_semaphore(%run_scoped3A_268 : memref<!tpu.dma_semaphore, #tpu.memory_space<semaphore_mem>>)
      %dma_wait3A_281 = arith.constant 0 : i32
      %dma_wait3A_282 = arith.constant 0 : i32
      %dma_wait3A_283 = tpu.memref_slice %arg9[%run_scoped3A_32, %dma_wait3A_281, %dma_wait3A_282] : memref<2x1280x8xf32, #tpu.memory_space<vmem>> -> memref<1x1568x8xf32, #tpu.memory_space<vmem>>
      %dma_wait3A_284 = tpu.memref_squeeze %dma_wait3A_283 : memref<1x1568x8xf32, #tpu.memory_space<vmem>> -> memref<1568x8xf32, #tpu.memory_space<vmem>>
      %dma_wait3A_285 = arith.constant 0 : i32
      %dma_wait3A_286 = tpu.memref_slice %arg11[%add3A_30, %dma_wait3A_285] : memref<100352x8xf32, #tpu.memory_space<vmem_shared>> -> memref<1568x8xf32, #tpu.memory_space<vmem_shared>>
      %dma_wait3A_287 = arith.constant 0 : i32
      %dma_wait3A_288 = tpu.memref_slice %arg11[%add3A_30, %dma_wait3A_287] : memref<100352x8xf32, #tpu.memory_space<vmem_shared>> -> memref<1568x8xf32, #tpu.memory_space<vmem_shared>>
      %dma_wait3A_289 = arith.constant 0 : i32
      %dma_wait3A_290 = arith.constant 0 : i32
      %dma_wait3A_291 = tpu.memref_slice %arg9[%run_scoped3A_32, %dma_wait3A_289, %dma_wait3A_290] : memref<2x1280x8xf32, #tpu.memory_space<vmem>> -> memref<1x1568x8xf32, #tpu.memory_space<vmem>>
      %dma_wait3A_292 = tpu.memref_squeeze %dma_wait3A_291 : memref<1x1568x8xf32, #tpu.memory_space<vmem>> -> memref<1568x8xf32, #tpu.memory_space<vmem>>
      tpu.wait_dma2 semaphore(%run_scoped3A_268 : memref<!tpu.dma_semaphore, #tpu.memory_space<semaphore_mem>>) src(%dma_wait3A_292 : memref<1568x8xf32, #tpu.memory_space<vmem>>) dst(%dma_wait3A_288 : memref<1568x8xf32, #tpu.memory_space<vmem_shared>>)
      tpu.yield
    }) : () -> ()
    %mul3A_33 = arith.constant 6272 : i32
    %mul3A_34 = arith.muli %arg1, %mul3A_33 : i32
    %add3A_35 = arith.constant 3136 : i32
    %add3A_36 = arith.addi %mul3A_34, %add3A_35 : i32
    %run_scoped3A_37 = arith.constant 0 : i32
    "tpu.region"() ({
      %run_scoped3A_268 = tpu.sem_alloc : memref<!tpu.dma_semaphore, #tpu.memory_space<semaphore_mem>>
      %dma_start3A_269 = arith.constant 0 : i32
      %dma_start3A_270 = arith.constant 0 : i32
      %dma_start3A_271 = tpu.memref_slice %arg9[%run_scoped3A_37, %dma_start3A_269, %dma_start3A_270] : memref<2x1280x8xf32, #tpu.memory_space<vmem>> -> memref<1x1568x8xf32, #tpu.memory_space<vmem>>
      %dma_start3A_272 = tpu.memref_squeeze %dma_start3A_271 : memref<1x1568x8xf32, #tpu.memory_space<vmem>> -> memref<1568x8xf32, #tpu.memory_space<vmem>>
      %dma_start3A_273 = arith.constant 0 : i32
      %dma_start3A_274 = tpu.memref_slice %arg4[%add3A_36, %dma_start3A_273] : memref<100352x8xf32, #tpu.memory_space<hbm>> -> memref<1568x8xf32, #tpu.memory_space<hbm>>
      %dma_start3A_275 = arith.constant 0 : i32
      %dma_start3A_276 = arith.constant 0 : i32
      %dma_start3A_277 = tpu.memref_slice %arg9[%run_scoped3A_37, %dma_start3A_275, %dma_start3A_276] : memref<2x1280x8xf32, #tpu.memory_space<vmem>> -> memref<1x1568x8xf32, #tpu.memory_space<vmem>>
      %dma_start3A_278 = tpu.memref_squeeze %dma_start3A_277 : memref<1x1568x8xf32, #tpu.memory_space<vmem>> -> memref<1568x8xf32, #tpu.memory_space<vmem>>
      %dma_start3A_279 = arith.constant 0 : i32
      %dma_start3A_280 = tpu.memref_slice %arg4[%add3A_36, %dma_start3A_279] : memref<100352x8xf32, #tpu.memory_space<hbm>> -> memref<1568x8xf32, #tpu.memory_space<hbm>>
      tpu.enqueue_dma source(%dma_start3A_280 : memref<1568x8xf32, #tpu.memory_space<hbm>>) target(%dma_start3A_278 : memref<1568x8xf32, #tpu.memory_space<vmem>>) target_semaphore(%run_scoped3A_268 : memref<!tpu.dma_semaphore, #tpu.memory_space<semaphore_mem>>)
      %dma_wait3A_281 = arith.constant 0 : i32
      %dma_wait3A_282 = arith.constant 0 : i32
      %dma_wait3A_283 = tpu.memref_slice %arg9[%run_scoped3A_37, %dma_wait3A_281, %dma_wait3A_282] : memref<2x1280x8xf32, #tpu.memory_space<vmem>> -> memref<1x1568x8xf32, #tpu.memory_space<vmem>>
      %dma_wait3A_284 = tpu.memref_squeeze %dma_wait3A_283 : memref<1x1568x8xf32, #tpu.memory_space<vmem>> -> memref<1568x8xf32, #tpu.memory_space<vmem>>
      %dma_wait3A_285 = arith.constant 0 : i32
      %dma_wait3A_286 = tpu.memref_slice %arg4[%add3A_36, %dma_wait3A_285] : memref<100352x8xf32, #tpu.memory_space<hbm>> -> memref<1568x8xf32, #tpu.memory_space<hbm>>
      %dma_wait3A_287 = arith.constant 0 : i32
      %dma_wait3A_288 = arith.constant 0 : i32
      %dma_wait3A_289 = tpu.memref_slice %arg9[%run_scoped3A_37, %dma_wait3A_287, %dma_wait3A_288] : memref<2x1280x8xf32, #tpu.memory_space<vmem>> -> memref<1x1568x8xf32, #tpu.memory_space<vmem>>
      %dma_wait3A_290 = tpu.memref_squeeze %dma_wait3A_289 : memref<1x1568x8xf32, #tpu.memory_space<vmem>> -> memref<1568x8xf32, #tpu.memory_space<vmem>>
      %dma_wait3A_291 = arith.constant 0 : i32
      %dma_wait3A_292 = tpu.memref_slice %arg4[%add3A_36, %dma_wait3A_291] : memref<100352x8xf32, #tpu.memory_space<hbm>> -> memref<1568x8xf32, #tpu.memory_space<hbm>>
      tpu.wait_dma2 semaphore(%run_scoped3A_268 : memref<!tpu.dma_semaphore, #tpu.memory_space<semaphore_mem>>) src(%dma_wait3A_292 : memref<1568x8xf32, #tpu.memory_space<hbm>>) dst(%dma_wait3A_290 : memref<1568x8xf32, #tpu.memory_space<vmem>>)
      tpu.yield
    }) : () -> ()
    %run_scoped3A_38 = arith.constant 0 : i32
    "tpu.region"() ({
      %run_scoped3A_268 = tpu.sem_alloc : memref<!tpu.dma_semaphore, #tpu.memory_space<semaphore_mem>>
      %dma_start3A_269 = arith.constant 0 : i32
      %dma_start3A_270 = arith.constant 0 : i32
      %dma_start3A_271 = tpu.memref_slice %arg9[%run_scoped3A_38, %dma_start3A_269, %dma_start3A_270] : memref<2x1280x8xf32, #tpu.memory_space<vmem>> -> memref<1x1568x8xf32, #tpu.memory_space<vmem>>
      %dma_start3A_272 = tpu.memref_squeeze %dma_start3A_271 : memref<1x1568x8xf32, #tpu.memory_space<vmem>> -> memref<1568x8xf32, #tpu.memory_space<vmem>>
      %dma_start3A_273 = arith.constant 0 : i32
      %dma_start3A_274 = tpu.memref_slice %arg11[%add3A_36, %dma_start3A_273] : memref<100352x8xf32, #tpu.memory_space<vmem_shared>> -> memref<1568x8xf32, #tpu.memory_space<vmem_shared>>
      %dma_start3A_275 = arith.constant 0 : i32
      %dma_start3A_276 = tpu.memref_slice %arg11[%add3A_36, %dma_start3A_275] : memref<100352x8xf32, #tpu.memory_space<vmem_shared>> -> memref<1568x8xf32, #tpu.memory_space<vmem_shared>>
      %dma_start3A_277 = arith.constant 0 : i32
      %dma_start3A_278 = arith.constant 0 : i32
      %dma_start3A_279 = tpu.memref_slice %arg9[%run_scoped3A_38, %dma_start3A_277, %dma_start3A_278] : memref<2x1280x8xf32, #tpu.memory_space<vmem>> -> memref<1x1568x8xf32, #tpu.memory_space<vmem>>
      %dma_start3A_280 = tpu.memref_squeeze %dma_start3A_279 : memref<1x1568x8xf32, #tpu.memory_space<vmem>> -> memref<1568x8xf32, #tpu.memory_space<vmem>>
      tpu.enqueue_dma source(%dma_start3A_280 : memref<1568x8xf32, #tpu.memory_space<vmem>>) target(%dma_start3A_276 : memref<1568x8xf32, #tpu.memory_space<vmem_shared>>) target_semaphore(%run_scoped3A_268 : memref<!tpu.dma_semaphore, #tpu.memory_space<semaphore_mem>>)
      %dma_wait3A_281 = arith.constant 0 : i32
      %dma_wait3A_282 = arith.constant 0 : i32
      %dma_wait3A_283 = tpu.memref_slice %arg9[%run_scoped3A_38, %dma_wait3A_281, %dma_wait3A_282] : memref<2x1280x8xf32, #tpu.memory_space<vmem>> -> memref<1x1568x8xf32, #tpu.memory_space<vmem>>
      %dma_wait3A_284 = tpu.memref_squeeze %dma_wait3A_283 : memref<1x1568x8xf32, #tpu.memory_space<vmem>> -> memref<1568x8xf32, #tpu.memory_space<vmem>>
      %dma_wait3A_285 = arith.constant 0 : i32
      %dma_wait3A_286 = tpu.memref_slice %arg11[%add3A_36, %dma_wait3A_285] : memref<100352x8xf32, #tpu.memory_space<vmem_shared>> -> memref<1568x8xf32, #tpu.memory_space<vmem_shared>>
      %dma_wait3A_287 = arith.constant 0 : i32
      %dma_wait3A_288 = tpu.memref_slice %arg11[%add3A_36, %dma_wait3A_287] : memref<100352x8xf32, #tpu.memory_space<vmem_shared>> -> memref<1568x8xf32, #tpu.memory_space<vmem_shared>>
      %dma_wait3A_289 = arith.constant 0 : i32
      %dma_wait3A_290 = arith.constant 0 : i32
      %dma_wait3A_291 = tpu.memref_slice %arg9[%run_scoped3A_38, %dma_wait3A_289, %dma_wait3A_290] : memref<2x1280x8xf32, #tpu.memory_space<vmem>> -> memref<1x1568x8xf32, #tpu.memory_space<vmem>>
      %dma_wait3A_292 = tpu.memref_squeeze %dma_wait3A_291 : memref<1x1568x8xf32, #tpu.memory_space<vmem>> -> memref<1568x8xf32, #tpu.memory_space<vmem>>
      tpu.wait_dma2 semaphore(%run_scoped3A_268 : memref<!tpu.dma_semaphore, #tpu.memory_space<semaphore_mem>>) src(%dma_wait3A_292 : memref<1568x8xf32, #tpu.memory_space<vmem>>) dst(%dma_wait3A_288 : memref<1568x8xf32, #tpu.memory_space<vmem_shared>>)
      tpu.yield
    }) : () -> ()
    %mul3A_39 = arith.constant 6272 : i32
    %mul3A_40 = arith.muli %arg1, %mul3A_39 : i32
    %add3A_41 = arith.constant 4704 : i32
    %add3A_42 = arith.addi %mul3A_40, %add3A_41 : i32
    %run_scoped3A_43 = arith.constant 0 : i32
    "tpu.region"() ({
      %run_scoped3A_268 = tpu.sem_alloc : memref<!tpu.dma_semaphore, #tpu.memory_space<semaphore_mem>>
      %dma_start3A_269 = arith.constant 0 : i32
      %dma_start3A_270 = arith.constant 0 : i32
      %dma_start3A_271 = tpu.memref_slice %arg9[%run_scoped3A_43, %dma_start3A_269, %dma_start3A_270] : memref<2x1280x8xf32, #tpu.memory_space<vmem>> -> memref<1x1568x8xf32, #tpu.memory_space<vmem>>
      %dma_start3A_272 = tpu.memref_squeeze %dma_start3A_271 : memref<1x1568x8xf32, #tpu.memory_space<vmem>> -> memref<1568x8xf32, #tpu.memory_space<vmem>>
      %dma_start3A_273 = arith.constant 0 : i32
      %dma_start3A_274 = tpu.memref_slice %arg4[%add3A_42, %dma_start3A_273] : memref<100352x8xf32, #tpu.memory_space<hbm>> -> memref<1568x8xf32, #tpu.memory_space<hbm>>
      %dma_start3A_275 = arith.constant 0 : i32
      %dma_start3A_276 = arith.constant 0 : i32
      %dma_start3A_277 = tpu.memref_slice %arg9[%run_scoped3A_43, %dma_start3A_275, %dma_start3A_276] : memref<2x1280x8xf32, #tpu.memory_space<vmem>> -> memref<1x1568x8xf32, #tpu.memory_space<vmem>>
      %dma_start3A_278 = tpu.memref_squeeze %dma_start3A_277 : memref<1x1568x8xf32, #tpu.memory_space<vmem>> -> memref<1568x8xf32, #tpu.memory_space<vmem>>
      %dma_start3A_279 = arith.constant 0 : i32
      %dma_start3A_280 = tpu.memref_slice %arg4[%add3A_42, %dma_start3A_279] : memref<100352x8xf32, #tpu.memory_space<hbm>> -> memref<1568x8xf32, #tpu.memory_space<hbm>>
      tpu.enqueue_dma source(%dma_start3A_280 : memref<1568x8xf32, #tpu.memory_space<hbm>>) target(%dma_start3A_278 : memref<1568x8xf32, #tpu.memory_space<vmem>>) target_semaphore(%run_scoped3A_268 : memref<!tpu.dma_semaphore, #tpu.memory_space<semaphore_mem>>)
      %dma_wait3A_281 = arith.constant 0 : i32
      %dma_wait3A_282 = arith.constant 0 : i32
      %dma_wait3A_283 = tpu.memref_slice %arg9[%run_scoped3A_43, %dma_wait3A_281, %dma_wait3A_282] : memref<2x1280x8xf32, #tpu.memory_space<vmem>> -> memref<1x1568x8xf32, #tpu.memory_space<vmem>>
      %dma_wait3A_284 = tpu.memref_squeeze %dma_wait3A_283 : memref<1x1568x8xf32, #tpu.memory_space<vmem>> -> memref<1568x8xf32, #tpu.memory_space<vmem>>
      %dma_wait3A_285 = arith.constant 0 : i32
      %dma_wait3A_286 = tpu.memref_slice %arg4[%add3A_42, %dma_wait3A_285] : memref<100352x8xf32, #tpu.memory_space<hbm>> -> memref<1568x8xf32, #tpu.memory_space<hbm>>
      %dma_wait3A_287 = arith.constant 0 : i32
      %dma_wait3A_288 = arith.constant 0 : i32
      %dma_wait3A_289 = tpu.memref_slice %arg9[%run_scoped3A_43, %dma_wait3A_287, %dma_wait3A_288] : memref<2x1280x8xf32, #tpu.memory_space<vmem>> -> memref<1x1568x8xf32, #tpu.memory_space<vmem>>
      %dma_wait3A_290 = tpu.memref_squeeze %dma_wait3A_289 : memref<1x1568x8xf32, #tpu.memory_space<vmem>> -> memref<1568x8xf32, #tpu.memory_space<vmem>>
      %dma_wait3A_291 = arith.constant 0 : i32
      %dma_wait3A_292 = tpu.memref_slice %arg4[%add3A_42, %dma_wait3A_291] : memref<100352x8xf32, #tpu.memory_space<hbm>> -> memref<1568x8xf32, #tpu.memory_space<hbm>>
      tpu.wait_dma2 semaphore(%run_scoped3A_268 : memref<!tpu.dma_semaphore, #tpu.memory_space<semaphore_mem>>) src(%dma_wait3A_292 : memref<1568x8xf32, #tpu.memory_space<hbm>>) dst(%dma_wait3A_290 : memref<1568x8xf32, #tpu.memory_space<vmem>>)
      tpu.yield
    }) : () -> ()
    %run_scoped3A_44 = arith.constant 0 : i32
    "tpu.region"() ({
      %run_scoped3A_268 = tpu.sem_alloc : memref<!tpu.dma_semaphore, #tpu.memory_space<semaphore_mem>>
      %dma_start3A_269 = arith.constant 0 : i32
      %dma_start3A_270 = arith.constant 0 : i32
      %dma_start3A_271 = tpu.memref_slice %arg9[%run_scoped3A_44, %dma_start3A_269, %dma_start3A_270] : memref<2x1280x8xf32, #tpu.memory_space<vmem>> -> memref<1x1568x8xf32, #tpu.memory_space<vmem>>
      %dma_start3A_272 = tpu.memref_squeeze %dma_start3A_271 : memref<1x1568x8xf32, #tpu.memory_space<vmem>> -> memref<1568x8xf32, #tpu.memory_space<vmem>>
      %dma_start3A_273 = arith.constant 0 : i32
      %dma_start3A_274 = tpu.memref_slice %arg11[%add3A_42, %dma_start3A_273] : memref<100352x8xf32, #tpu.memory_space<vmem_shared>> -> memref<1568x8xf32, #tpu.memory_space<vmem_shared>>
      %dma_start3A_275 = arith.constant 0 : i32
      %dma_start3A_276 = tpu.memref_slice %arg11[%add3A_42, %dma_start3A_275] : memref<100352x8xf32, #tpu.memory_space<vmem_shared>> -> memref<1568x8xf32, #tpu.memory_space<vmem_shared>>
      %dma_start3A_277 = arith.constant 0 : i32
      %dma_start3A_278 = arith.constant 0 : i32
      %dma_start3A_279 = tpu.memref_slice %arg9[%run_scoped3A_44, %dma_start3A_277, %dma_start3A_278] : memref<2x1280x8xf32, #tpu.memory_space<vmem>> -> memref<1x1568x8xf32, #tpu.memory_space<vmem>>
      %dma_start3A_280 = tpu.memref_squeeze %dma_start3A_279 : memref<1x1568x8xf32, #tpu.memory_space<vmem>> -> memref<1568x8xf32, #tpu.memory_space<vmem>>
      tpu.enqueue_dma source(%dma_start3A_280 : memref<1568x8xf32, #tpu.memory_space<vmem>>) target(%dma_start3A_276 : memref<1568x8xf32, #tpu.memory_space<vmem_shared>>) target_semaphore(%run_scoped3A_268 : memref<!tpu.dma_semaphore, #tpu.memory_space<semaphore_mem>>)
      %dma_wait3A_281 = arith.constant 0 : i32
      %dma_wait3A_282 = arith.constant 0 : i32
      %dma_wait3A_283 = tpu.memref_slice %arg9[%run_scoped3A_44, %dma_wait3A_281, %dma_wait3A_282] : memref<2x1280x8xf32, #tpu.memory_space<vmem>> -> memref<1x1568x8xf32, #tpu.memory_space<vmem>>
      %dma_wait3A_284 = tpu.memref_squeeze %dma_wait3A_283 : memref<1x1568x8xf32, #tpu.memory_space<vmem>> -> memref<1568x8xf32, #tpu.memory_space<vmem>>
      %dma_wait3A_285 = arith.constant 0 : i32
      %dma_wait3A_286 = tpu.memref_slice %arg11[%add3A_42, %dma_wait3A_285] : memref<100352x8xf32, #tpu.memory_space<vmem_shared>> -> memref<1568x8xf32, #tpu.memory_space<vmem_shared>>
      %dma_wait3A_287 = arith.constant 0 : i32
      %dma_wait3A_288 = tpu.memref_slice %arg11[%add3A_42, %dma_wait3A_287] : memref<100352x8xf32, #tpu.memory_space<vmem_shared>> -> memref<1568x8xf32, #tpu.memory_space<vmem_shared>>
      %dma_wait3A_289 = arith.constant 0 : i32
      %dma_wait3A_290 = arith.constant 0 : i32
      %dma_wait3A_291 = tpu.memref_slice %arg9[%run_scoped3A_44, %dma_wait3A_289, %dma_wait3A_290] : memref<2x1280x8xf32, #tpu.memory_space<vmem>> -> memref<1x1568x8xf32, #tpu.memory_space<vmem>>
      %dma_wait3A_292 = tpu.memref_squeeze %dma_wait3A_291 : memref<1x1568x8xf32, #tpu.memory_space<vmem>> -> memref<1568x8xf32, #tpu.memory_space<vmem>>
      tpu.wait_dma2 semaphore(%run_scoped3A_268 : memref<!tpu.dma_semaphore, #tpu.memory_space<semaphore_mem>>) src(%dma_wait3A_292 : memref<1568x8xf32, #tpu.memory_space<vmem>>) dst(%dma_wait3A_288 : memref<1568x8xf32, #tpu.memory_space<vmem_shared>>)
      tpu.yield
    }) : () -> ()
    %barrier3A = arith.constant 0 : index
    tpu.barrier barrier_id(%barrier3A)
    %mul3A_45 = arith.constant 400 : i32
    %mul3A_46 = arith.muli %add3A, %mul3A_45 : i32
    %add3A_47 = arith.constant 0 : i32
    %add3A_48 = arith.addi %mul3A_46, %add3A_47 : i32
    %run_scoped3A_49 = arith.constant 0 : i32
    "tpu.region"() ({
      %run_scoped3A_268 = tpu.sem_alloc : memref<!tpu.dma_semaphore, #tpu.memory_space<semaphore_mem>>
      %dma_start3A_269 = arith.constant 0 : i32
      %dma_start3A_270 = arith.constant 0 : i32
      %dma_start3A_271 = tpu.memref_slice %arg7[%run_scoped3A_49, %dma_start3A_269, %dma_start3A_270] : memref<2x10x128xi32, #tpu.memory_space<vmem>> -> memref<1x10x128xi32, #tpu.memory_space<vmem>>
      %dma_start3A_272 = tpu.memref_squeeze %dma_start3A_271 : memref<1x10x128xi32, #tpu.memory_space<vmem>> -> memref<10x128xi32, #tpu.memory_space<vmem>>
      %dma_start3A_273 = arith.constant 0 : i32
      %dma_start3A_274 = tpu.memref_slice %arg2[%add3A_48, %dma_start3A_273] : memref<12800x128xi32, #tpu.memory_space<hbm>> -> memref<10x128xi32, #tpu.memory_space<hbm>>
      %dma_start3A_275 = arith.constant 0 : i32
      %dma_start3A_276 = arith.constant 0 : i32
      %dma_start3A_277 = tpu.memref_slice %arg7[%run_scoped3A_49, %dma_start3A_275, %dma_start3A_276] : memref<2x10x128xi32, #tpu.memory_space<vmem>> -> memref<1x10x128xi32, #tpu.memory_space<vmem>>
      %dma_start3A_278 = tpu.memref_squeeze %dma_start3A_277 : memref<1x10x128xi32, #tpu.memory_space<vmem>> -> memref<10x128xi32, #tpu.memory_space<vmem>>
      %dma_start3A_279 = arith.constant 0 : i32
      %dma_start3A_280 = tpu.memref_slice %arg2[%add3A_48, %dma_start3A_279] : memref<12800x128xi32, #tpu.memory_space<hbm>> -> memref<10x128xi32, #tpu.memory_space<hbm>>
      tpu.enqueue_dma source(%dma_start3A_280 : memref<10x128xi32, #tpu.memory_space<hbm>>) target(%dma_start3A_278 : memref<10x128xi32, #tpu.memory_space<vmem>>) target_semaphore(%run_scoped3A_268 : memref<!tpu.dma_semaphore, #tpu.memory_space<semaphore_mem>>)
      %dma_wait3A_281 = arith.constant 0 : i32
      %dma_wait3A_282 = arith.constant 0 : i32
      %dma_wait3A_283 = tpu.memref_slice %arg7[%run_scoped3A_49, %dma_wait3A_281, %dma_wait3A_282] : memref<2x10x128xi32, #tpu.memory_space<vmem>> -> memref<1x10x128xi32, #tpu.memory_space<vmem>>
      %dma_wait3A_284 = tpu.memref_squeeze %dma_wait3A_283 : memref<1x10x128xi32, #tpu.memory_space<vmem>> -> memref<10x128xi32, #tpu.memory_space<vmem>>
      %dma_wait3A_285 = arith.constant 0 : i32
      %dma_wait3A_286 = tpu.memref_slice %arg2[%add3A_48, %dma_wait3A_285] : memref<12800x128xi32, #tpu.memory_space<hbm>> -> memref<10x128xi32, #tpu.memory_space<hbm>>
      %dma_wait3A_287 = arith.constant 0 : i32
      %dma_wait3A_288 = arith.constant 0 : i32
      %dma_wait3A_289 = tpu.memref_slice %arg7[%run_scoped3A_49, %dma_wait3A_287, %dma_wait3A_288] : memref<2x10x128xi32, #tpu.memory_space<vmem>> -> memref<1x10x128xi32, #tpu.memory_space<vmem>>
      %dma_wait3A_290 = tpu.memref_squeeze %dma_wait3A_289 : memref<1x10x128xi32, #tpu.memory_space<vmem>> -> memref<10x128xi32, #tpu.memory_space<vmem>>
      %dma_wait3A_291 = arith.constant 0 : i32
      %dma_wait3A_292 = tpu.memref_slice %arg2[%add3A_48, %dma_wait3A_291] : memref<12800x128xi32, #tpu.memory_space<hbm>> -> memref<10x128xi32, #tpu.memory_space<hbm>>
      tpu.wait_dma2 semaphore(%run_scoped3A_268 : memref<!tpu.dma_semaphore, #tpu.memory_space<semaphore_mem>>) src(%dma_wait3A_292 : memref<10x128xi32, #tpu.memory_space<hbm>>) dst(%dma_wait3A_290 : memref<10x128xi32, #tpu.memory_space<vmem>>)
      tpu.yield
    }) : () -> ()
    %run_scoped3A_50 = arith.constant 0 : i32
    "tpu.region"() ({
      %run_scoped3A_268 = tpu.sem_alloc : memref<!tpu.dma_semaphore, #tpu.memory_space<semaphore_mem>>
      %dma_start3A_269 = arith.constant 0 : i32
      %dma_start3A_270 = arith.constant 0 : i32
      %dma_start3A_271 = tpu.memref_slice %arg8[%run_scoped3A_50, %dma_start3A_269, %dma_start3A_270] : memref<2x10x128xi32, #tpu.memory_space<vmem>> -> memref<1x10x128xi32, #tpu.memory_space<vmem>>
      %dma_start3A_272 = tpu.memref_squeeze %dma_start3A_271 : memref<1x10x128xi32, #tpu.memory_space<vmem>> -> memref<10x128xi32, #tpu.memory_space<vmem>>
      %dma_start3A_273 = arith.constant 0 : i32
      %dma_start3A_274 = tpu.memref_slice %arg3[%add3A_48, %dma_start3A_273] : memref<12800x128xi32, #tpu.memory_space<hbm>> -> memref<10x128xi32, #tpu.memory_space<hbm>>
      %dma_start3A_275 = arith.constant 0 : i32
      %dma_start3A_276 = arith.constant 0 : i32
      %dma_start3A_277 = tpu.memref_slice %arg8[%run_scoped3A_50, %dma_start3A_275, %dma_start3A_276] : memref<2x10x128xi32, #tpu.memory_space<vmem>> -> memref<1x10x128xi32, #tpu.memory_space<vmem>>
      %dma_start3A_278 = tpu.memref_squeeze %dma_start3A_277 : memref<1x10x128xi32, #tpu.memory_space<vmem>> -> memref<10x128xi32, #tpu.memory_space<vmem>>
      %dma_start3A_279 = arith.constant 0 : i32
      %dma_start3A_280 = tpu.memref_slice %arg3[%add3A_48, %dma_start3A_279] : memref<12800x128xi32, #tpu.memory_space<hbm>> -> memref<10x128xi32, #tpu.memory_space<hbm>>
      tpu.enqueue_dma source(%dma_start3A_280 : memref<10x128xi32, #tpu.memory_space<hbm>>) target(%dma_start3A_278 : memref<10x128xi32, #tpu.memory_space<vmem>>) target_semaphore(%run_scoped3A_268 : memref<!tpu.dma_semaphore, #tpu.memory_space<semaphore_mem>>)
      %dma_wait3A_281 = arith.constant 0 : i32
      %dma_wait3A_282 = arith.constant 0 : i32
      %dma_wait3A_283 = tpu.memref_slice %arg8[%run_scoped3A_50, %dma_wait3A_281, %dma_wait3A_282] : memref<2x10x128xi32, #tpu.memory_space<vmem>> -> memref<1x10x128xi32, #tpu.memory_space<vmem>>
      %dma_wait3A_284 = tpu.memref_squeeze %dma_wait3A_283 : memref<1x10x128xi32, #tpu.memory_space<vmem>> -> memref<10x128xi32, #tpu.memory_space<vmem>>
      %dma_wait3A_285 = arith.constant 0 : i32
      %dma_wait3A_286 = tpu.memref_slice %arg3[%add3A_48, %dma_wait3A_285] : memref<12800x128xi32, #tpu.memory_space<hbm>> -> memref<10x128xi32, #tpu.memory_space<hbm>>
      %dma_wait3A_287 = arith.constant 0 : i32
      %dma_wait3A_288 = arith.constant 0 : i32
      %dma_wait3A_289 = tpu.memref_slice %arg8[%run_scoped3A_50, %dma_wait3A_287, %dma_wait3A_288] : memref<2x10x128xi32, #tpu.memory_space<vmem>> -> memref<1x10x128xi32, #tpu.memory_space<vmem>>
      %dma_wait3A_290 = tpu.memref_squeeze %dma_wait3A_289 : memref<1x10x128xi32, #tpu.memory_space<vmem>> -> memref<10x128xi32, #tpu.memory_space<vmem>>
      %dma_wait3A_291 = arith.constant 0 : i32
      %dma_wait3A_292 = tpu.memref_slice %arg3[%add3A_48, %dma_wait3A_291] : memref<12800x128xi32, #tpu.memory_space<hbm>> -> memref<10x128xi32, #tpu.memory_space<hbm>>
      tpu.wait_dma2 semaphore(%run_scoped3A_268 : memref<!tpu.dma_semaphore, #tpu.memory_space<semaphore_mem>>) src(%dma_wait3A_292 : memref<10x128xi32, #tpu.memory_space<hbm>>) dst(%dma_wait3A_290 : memref<10x128xi32, #tpu.memory_space<vmem>>)
      tpu.yield
    }) : () -> ()
    %dma_start3A = arith.constant 0 : i32
    %dma_start3A_51 = arith.constant 0 : i32
    %dma_start3A_52 = arith.constant 0 : i32
    %dma_start3A_53 = arith.constant 0 : i32
    %dma_start3A_54 = arith.constant 0 : i32
    %dma_start3A_55 = tpu.memref_slice %arg9[%dma_start3A_52, %dma_start3A_53, %dma_start3A_54] : memref<2x1280x8xf32, #tpu.memory_space<vmem>> -> memref<1x128x8xf32, #tpu.memory_space<vmem>>
    %dma_start3A_56 = tpu.memref_squeeze %dma_start3A_55 : memref<1x128x8xf32, #tpu.memory_space<vmem>> -> memref<128x8xf32, #tpu.memory_space<vmem>>
    %dma_start3A_57 = arith.constant 0 : i32
    %dma_start3A_58 = tpu.memref_slice %arg7[%dma_start3A, %dma_start3A_51, %dma_start3A_57] : memref<2x10x128xi32, #tpu.memory_space<vmem>> -> memref<1x1x128xi32, #tpu.memory_space<vmem>>
    %dma_start3A_59 = tpu.memref_squeeze %dma_start3A_58 : memref<1x1x128xi32, #tpu.memory_space<vmem>> -> memref<128xi32, #tpu.memory_space<vmem>>
    %dma_start3A_60 = arith.constant 0 : i32
    %dma_start3A_61 = arith.constant 0 : i32
    %dma_start3A_62 = tpu.memref_slice %arg11[%dma_start3A_60, %dma_start3A_61] : memref<100352x8xf32, #tpu.memory_space<vmem_shared>> -> memref<100352x8xf32, #tpu.memory_space<vmem_shared>>
    tpu.enqueue_indirect_dma source(%dma_start3A_62 : memref<100352x8xf32, #tpu.memory_space<vmem_shared>>) target(%dma_start3A_56 : memref<128x8xf32, #tpu.memory_space<vmem>>) offsets(%dma_start3A_59 : memref<128xi32, #tpu.memory_space<vmem>>) semaphore(%arg12 : memref<!tpu.dma_semaphore, #tpu.memory_space<semaphore_mem>>)
    %dma_start3A_63 = arith.constant 0 : i32
    %dma_start3A_64 = arith.constant 1 : i32
    %dma_start3A_65 = arith.constant 0 : i32
    %dma_start3A_66 = arith.constant 128 : i32
    %dma_start3A_67 = arith.constant 0 : i32
    %dma_start3A_68 = tpu.memref_slice %arg9[%dma_start3A_65, %dma_start3A_66, %dma_start3A_67] : memref<2x1280x8xf32, #tpu.memory_space<vmem>> -> memref<1x128x8xf32, #tpu.memory_space<vmem>>
    %dma_start3A_69 = tpu.memref_squeeze %dma_start3A_68 : memref<1x128x8xf32, #tpu.memory_space<vmem>> -> memref<128x8xf32, #tpu.memory_space<vmem>>
    %dma_start3A_70 = arith.constant 0 : i32
    %dma_start3A_71 = tpu.memref_slice %arg7[%dma_start3A_63, %dma_start3A_64, %dma_start3A_70] : memref<2x10x128xi32, #tpu.memory_space<vmem>> -> memref<1x1x128xi32, #tpu.memory_space<vmem>>
    %dma_start3A_72 = tpu.memref_squeeze %dma_start3A_71 : memref<1x1x128xi32, #tpu.memory_space<vmem>> -> memref<128xi32, #tpu.memory_space<vmem>>
    %dma_start3A_73 = arith.constant 0 : i32
    %dma_start3A_74 = arith.constant 0 : i32
    %dma_start3A_75 = tpu.memref_slice %arg11[%dma_start3A_73, %dma_start3A_74] : memref<100352x8xf32, #tpu.memory_space<vmem_shared>> -> memref<100352x8xf32, #tpu.memory_space<vmem_shared>>
    tpu.enqueue_indirect_dma source(%dma_start3A_75 : memref<100352x8xf32, #tpu.memory_space<vmem_shared>>) target(%dma_start3A_69 : memref<128x8xf32, #tpu.memory_space<vmem>>) offsets(%dma_start3A_72 : memref<128xi32, #tpu.memory_space<vmem>>) semaphore(%arg12 : memref<!tpu.dma_semaphore, #tpu.memory_space<semaphore_mem>>)
    %dma_start3A_76 = arith.constant 0 : i32
    %dma_start3A_77 = arith.constant 2 : i32
    %dma_start3A_78 = arith.constant 0 : i32
    %dma_start3A_79 = arith.constant 256 : i32
    %dma_start3A_80 = arith.constant 0 : i32
    %dma_start3A_81 = tpu.memref_slice %arg9[%dma_start3A_78, %dma_start3A_79, %dma_start3A_80] : memref<2x1280x8xf32, #tpu.memory_space<vmem>> -> memref<1x128x8xf32, #tpu.memory_space<vmem>>
    %dma_start3A_82 = tpu.memref_squeeze %dma_start3A_81 : memref<1x128x8xf32, #tpu.memory_space<vmem>> -> memref<128x8xf32, #tpu.memory_space<vmem>>
    %dma_start3A_83 = arith.constant 0 : i32
    %dma_start3A_84 = tpu.memref_slice %arg7[%dma_start3A_76, %dma_start3A_77, %dma_start3A_83] : memref<2x10x128xi32, #tpu.memory_space<vmem>> -> memref<1x1x128xi32, #tpu.memory_space<vmem>>
    %dma_start3A_85 = tpu.memref_squeeze %dma_start3A_84 : memref<1x1x128xi32, #tpu.memory_space<vmem>> -> memref<128xi32, #tpu.memory_space<vmem>>
    %dma_start3A_86 = arith.constant 0 : i32
    %dma_start3A_87 = arith.constant 0 : i32
    %dma_start3A_88 = tpu.memref_slice %arg11[%dma_start3A_86, %dma_start3A_87] : memref<100352x8xf32, #tpu.memory_space<vmem_shared>> -> memref<100352x8xf32, #tpu.memory_space<vmem_shared>>
    tpu.enqueue_indirect_dma source(%dma_start3A_88 : memref<100352x8xf32, #tpu.memory_space<vmem_shared>>) target(%dma_start3A_82 : memref<128x8xf32, #tpu.memory_space<vmem>>) offsets(%dma_start3A_85 : memref<128xi32, #tpu.memory_space<vmem>>) semaphore(%arg12 : memref<!tpu.dma_semaphore, #tpu.memory_space<semaphore_mem>>)
    %dma_start3A_89 = arith.constant 0 : i32
    %dma_start3A_90 = arith.constant 3 : i32
    %dma_start3A_91 = arith.constant 0 : i32
    %dma_start3A_92 = arith.constant 384 : i32
    %dma_start3A_93 = arith.constant 0 : i32
    %dma_start3A_94 = tpu.memref_slice %arg9[%dma_start3A_91, %dma_start3A_92, %dma_start3A_93] : memref<2x1280x8xf32, #tpu.memory_space<vmem>> -> memref<1x128x8xf32, #tpu.memory_space<vmem>>
    %dma_start3A_95 = tpu.memref_squeeze %dma_start3A_94 : memref<1x128x8xf32, #tpu.memory_space<vmem>> -> memref<128x8xf32, #tpu.memory_space<vmem>>
    %dma_start3A_96 = arith.constant 0 : i32
    %dma_start3A_97 = tpu.memref_slice %arg7[%dma_start3A_89, %dma_start3A_90, %dma_start3A_96] : memref<2x10x128xi32, #tpu.memory_space<vmem>> -> memref<1x1x128xi32, #tpu.memory_space<vmem>>
    %dma_start3A_98 = tpu.memref_squeeze %dma_start3A_97 : memref<1x1x128xi32, #tpu.memory_space<vmem>> -> memref<128xi32, #tpu.memory_space<vmem>>
    %dma_start3A_99 = arith.constant 0 : i32
    %dma_start3A_100 = arith.constant 0 : i32
    %dma_start3A_101 = tpu.memref_slice %arg11[%dma_start3A_99, %dma_start3A_100] : memref<100352x8xf32, #tpu.memory_space<vmem_shared>> -> memref<100352x8xf32, #tpu.memory_space<vmem_shared>>
    tpu.enqueue_indirect_dma source(%dma_start3A_101 : memref<100352x8xf32, #tpu.memory_space<vmem_shared>>) target(%dma_start3A_95 : memref<128x8xf32, #tpu.memory_space<vmem>>) offsets(%dma_start3A_98 : memref<128xi32, #tpu.memory_space<vmem>>) semaphore(%arg12 : memref<!tpu.dma_semaphore, #tpu.memory_space<semaphore_mem>>)
    %dma_start3A_102 = arith.constant 0 : i32
    %dma_start3A_103 = arith.constant 4 : i32
    %dma_start3A_104 = arith.constant 0 : i32
    %dma_start3A_105 = arith.constant 512 : i32
    %dma_start3A_106 = arith.constant 0 : i32
    %dma_start3A_107 = tpu.memref_slice %arg9[%dma_start3A_104, %dma_start3A_105, %dma_start3A_106] : memref<2x1280x8xf32, #tpu.memory_space<vmem>> -> memref<1x128x8xf32, #tpu.memory_space<vmem>>
    %dma_start3A_108 = tpu.memref_squeeze %dma_start3A_107 : memref<1x128x8xf32, #tpu.memory_space<vmem>> -> memref<128x8xf32, #tpu.memory_space<vmem>>
    %dma_start3A_109 = arith.constant 0 : i32
    %dma_start3A_110 = tpu.memref_slice %arg7[%dma_start3A_102, %dma_start3A_103, %dma_start3A_109] : memref<2x10x128xi32, #tpu.memory_space<vmem>> -> memref<1x1x128xi32, #tpu.memory_space<vmem>>
    %dma_start3A_111 = tpu.memref_squeeze %dma_start3A_110 : memref<1x1x128xi32, #tpu.memory_space<vmem>> -> memref<128xi32, #tpu.memory_space<vmem>>
    %dma_start3A_112 = arith.constant 0 : i32
    %dma_start3A_113 = arith.constant 0 : i32
    %dma_start3A_114 = tpu.memref_slice %arg11[%dma_start3A_112, %dma_start3A_113] : memref<100352x8xf32, #tpu.memory_space<vmem_shared>> -> memref<100352x8xf32, #tpu.memory_space<vmem_shared>>
    tpu.enqueue_indirect_dma source(%dma_start3A_114 : memref<100352x8xf32, #tpu.memory_space<vmem_shared>>) target(%dma_start3A_108 : memref<128x8xf32, #tpu.memory_space<vmem>>) offsets(%dma_start3A_111 : memref<128xi32, #tpu.memory_space<vmem>>) semaphore(%arg12 : memref<!tpu.dma_semaphore, #tpu.memory_space<semaphore_mem>>)
    %dma_start3A_115 = arith.constant 0 : i32
    %dma_start3A_116 = arith.constant 5 : i32
    %dma_start3A_117 = arith.constant 0 : i32
    %dma_start3A_118 = arith.constant 640 : i32
    %dma_start3A_119 = arith.constant 0 : i32
    %dma_start3A_120 = tpu.memref_slice %arg9[%dma_start3A_117, %dma_start3A_118, %dma_start3A_119] : memref<2x1280x8xf32, #tpu.memory_space<vmem>> -> memref<1x128x8xf32, #tpu.memory_space<vmem>>
    %dma_start3A_121 = tpu.memref_squeeze %dma_start3A_120 : memref<1x128x8xf32, #tpu.memory_space<vmem>> -> memref<128x8xf32, #tpu.memory_space<vmem>>
    %dma_start3A_122 = arith.constant 0 : i32
    %dma_start3A_123 = tpu.memref_slice %arg7[%dma_start3A_115, %dma_start3A_116, %dma_start3A_122] : memref<2x10x128xi32, #tpu.memory_space<vmem>> -> memref<1x1x128xi32, #tpu.memory_space<vmem>>
    %dma_start3A_124 = tpu.memref_squeeze %dma_start3A_123 : memref<1x1x128xi32, #tpu.memory_space<vmem>> -> memref<128xi32, #tpu.memory_space<vmem>>
    %dma_start3A_125 = arith.constant 0 : i32
    %dma_start3A_126 = arith.constant 0 : i32
    %dma_start3A_127 = tpu.memref_slice %arg11[%dma_start3A_125, %dma_start3A_126] : memref<100352x8xf32, #tpu.memory_space<vmem_shared>> -> memref<100352x8xf32, #tpu.memory_space<vmem_shared>>
    tpu.enqueue_indirect_dma source(%dma_start3A_127 : memref<100352x8xf32, #tpu.memory_space<vmem_shared>>) target(%dma_start3A_121 : memref<128x8xf32, #tpu.memory_space<vmem>>) offsets(%dma_start3A_124 : memref<128xi32, #tpu.memory_space<vmem>>) semaphore(%arg12 : memref<!tpu.dma_semaphore, #tpu.memory_space<semaphore_mem>>)
    %dma_start3A_128 = arith.constant 0 : i32
    %dma_start3A_129 = arith.constant 6 : i32
    %dma_start3A_130 = arith.constant 0 : i32
    %dma_start3A_131 = arith.constant 768 : i32
    %dma_start3A_132 = arith.constant 0 : i32
    %dma_start3A_133 = tpu.memref_slice %arg9[%dma_start3A_130, %dma_start3A_131, %dma_start3A_132] : memref<2x1280x8xf32, #tpu.memory_space<vmem>> -> memref<1x128x8xf32, #tpu.memory_space<vmem>>
    %dma_start3A_134 = tpu.memref_squeeze %dma_start3A_133 : memref<1x128x8xf32, #tpu.memory_space<vmem>> -> memref<128x8xf32, #tpu.memory_space<vmem>>
    %dma_start3A_135 = arith.constant 0 : i32
    %dma_start3A_136 = tpu.memref_slice %arg7[%dma_start3A_128, %dma_start3A_129, %dma_start3A_135] : memref<2x10x128xi32, #tpu.memory_space<vmem>> -> memref<1x1x128xi32, #tpu.memory_space<vmem>>
    %dma_start3A_137 = tpu.memref_squeeze %dma_start3A_136 : memref<1x1x128xi32, #tpu.memory_space<vmem>> -> memref<128xi32, #tpu.memory_space<vmem>>
    %dma_start3A_138 = arith.constant 0 : i32
    %dma_start3A_139 = arith.constant 0 : i32
    %dma_start3A_140 = tpu.memref_slice %arg11[%dma_start3A_138, %dma_start3A_139] : memref<100352x8xf32, #tpu.memory_space<vmem_shared>> -> memref<100352x8xf32, #tpu.memory_space<vmem_shared>>
    tpu.enqueue_indirect_dma source(%dma_start3A_140 : memref<100352x8xf32, #tpu.memory_space<vmem_shared>>) target(%dma_start3A_134 : memref<128x8xf32, #tpu.memory_space<vmem>>) offsets(%dma_start3A_137 : memref<128xi32, #tpu.memory_space<vmem>>) semaphore(%arg12 : memref<!tpu.dma_semaphore, #tpu.memory_space<semaphore_mem>>)
    %dma_start3A_141 = arith.constant 0 : i32
    %dma_start3A_142 = arith.constant 7 : i32
    %dma_start3A_143 = arith.constant 0 : i32
    %dma_start3A_144 = arith.constant 896 : i32
    %dma_start3A_145 = arith.constant 0 : i32
    %dma_start3A_146 = tpu.memref_slice %arg9[%dma_start3A_143, %dma_start3A_144, %dma_start3A_145] : memref<2x1280x8xf32, #tpu.memory_space<vmem>> -> memref<1x128x8xf32, #tpu.memory_space<vmem>>
    %dma_start3A_147 = tpu.memref_squeeze %dma_start3A_146 : memref<1x128x8xf32, #tpu.memory_space<vmem>> -> memref<128x8xf32, #tpu.memory_space<vmem>>
    %dma_start3A_148 = arith.constant 0 : i32
    %dma_start3A_149 = tpu.memref_slice %arg7[%dma_start3A_141, %dma_start3A_142, %dma_start3A_148] : memref<2x10x128xi32, #tpu.memory_space<vmem>> -> memref<1x1x128xi32, #tpu.memory_space<vmem>>
    %dma_start3A_150 = tpu.memref_squeeze %dma_start3A_149 : memref<1x1x128xi32, #tpu.memory_space<vmem>> -> memref<128xi32, #tpu.memory_space<vmem>>
    %dma_start3A_151 = arith.constant 0 : i32
    %dma_start3A_152 = arith.constant 0 : i32
    %dma_start3A_153 = tpu.memref_slice %arg11[%dma_start3A_151, %dma_start3A_152] : memref<100352x8xf32, #tpu.memory_space<vmem_shared>> -> memref<100352x8xf32, #tpu.memory_space<vmem_shared>>
    tpu.enqueue_indirect_dma source(%dma_start3A_153 : memref<100352x8xf32, #tpu.memory_space<vmem_shared>>) target(%dma_start3A_147 : memref<128x8xf32, #tpu.memory_space<vmem>>) offsets(%dma_start3A_150 : memref<128xi32, #tpu.memory_space<vmem>>) semaphore(%arg12 : memref<!tpu.dma_semaphore, #tpu.memory_space<semaphore_mem>>)
    %dma_start3A_154 = arith.constant 0 : i32
    %dma_start3A_155 = arith.constant 8 : i32
    %dma_start3A_156 = arith.constant 0 : i32
    %dma_start3A_157 = arith.constant 1024 : i32
    %dma_start3A_158 = arith.constant 0 : i32
    %dma_start3A_159 = tpu.memref_slice %arg9[%dma_start3A_156, %dma_start3A_157, %dma_start3A_158] : memref<2x1280x8xf32, #tpu.memory_space<vmem>> -> memref<1x128x8xf32, #tpu.memory_space<vmem>>
    %dma_start3A_160 = tpu.memref_squeeze %dma_start3A_159 : memref<1x128x8xf32, #tpu.memory_space<vmem>> -> memref<128x8xf32, #tpu.memory_space<vmem>>
    %dma_start3A_161 = arith.constant 0 : i32
    %dma_start3A_162 = tpu.memref_slice %arg7[%dma_start3A_154, %dma_start3A_155, %dma_start3A_161] : memref<2x10x128xi32, #tpu.memory_space<vmem>> -> memref<1x1x128xi32, #tpu.memory_space<vmem>>
    %dma_start3A_163 = tpu.memref_squeeze %dma_start3A_162 : memref<1x1x128xi32, #tpu.memory_space<vmem>> -> memref<128xi32, #tpu.memory_space<vmem>>
    %dma_start3A_164 = arith.constant 0 : i32
    %dma_start3A_165 = arith.constant 0 : i32
    %dma_start3A_166 = tpu.memref_slice %arg11[%dma_start3A_164, %dma_start3A_165] : memref<100352x8xf32, #tpu.memory_space<vmem_shared>> -> memref<100352x8xf32, #tpu.memory_space<vmem_shared>>
    tpu.enqueue_indirect_dma source(%dma_start3A_166 : memref<100352x8xf32, #tpu.memory_space<vmem_shared>>) target(%dma_start3A_160 : memref<128x8xf32, #tpu.memory_space<vmem>>) offsets(%dma_start3A_163 : memref<128xi32, #tpu.memory_space<vmem>>) semaphore(%arg12 : memref<!tpu.dma_semaphore, #tpu.memory_space<semaphore_mem>>)
    %dma_start3A_167 = arith.constant 0 : i32
    %dma_start3A_168 = arith.constant 9 : i32
    %dma_start3A_169 = arith.constant 0 : i32
    %dma_start3A_170 = arith.constant 1152 : i32
    %dma_start3A_171 = arith.constant 0 : i32
    %dma_start3A_172 = tpu.memref_slice %arg9[%dma_start3A_169, %dma_start3A_170, %dma_start3A_171] : memref<2x1280x8xf32, #tpu.memory_space<vmem>> -> memref<1x128x8xf32, #tpu.memory_space<vmem>>
    %dma_start3A_173 = tpu.memref_squeeze %dma_start3A_172 : memref<1x128x8xf32, #tpu.memory_space<vmem>> -> memref<128x8xf32, #tpu.memory_space<vmem>>
    %dma_start3A_174 = arith.constant 0 : i32
    %dma_start3A_175 = tpu.memref_slice %arg7[%dma_start3A_167, %dma_start3A_168, %dma_start3A_174] : memref<2x10x128xi32, #tpu.memory_space<vmem>> -> memref<1x1x128xi32, #tpu.memory_space<vmem>>
    %dma_start3A_176 = tpu.memref_squeeze %dma_start3A_175 : memref<1x1x128xi32, #tpu.memory_space<vmem>> -> memref<128xi32, #tpu.memory_space<vmem>>
    %dma_start3A_177 = arith.constant 0 : i32
    %dma_start3A_178 = arith.constant 0 : i32
    %dma_start3A_179 = tpu.memref_slice %arg11[%dma_start3A_177, %dma_start3A_178] : memref<100352x8xf32, #tpu.memory_space<vmem_shared>> -> memref<100352x8xf32, #tpu.memory_space<vmem_shared>>
    tpu.enqueue_indirect_dma source(%dma_start3A_179 : memref<100352x8xf32, #tpu.memory_space<vmem_shared>>) target(%dma_start3A_173 : memref<128x8xf32, #tpu.memory_space<vmem>>) offsets(%dma_start3A_176 : memref<128xi32, #tpu.memory_space<vmem>>) semaphore(%arg12 : memref<!tpu.dma_semaphore, #tpu.memory_space<semaphore_mem>>)
    %scan3A = arith.constant 0 : i32
    %scan3A_180 = arith.constant 0 : i32
    %scan3A_181 = arith.constant 20 : i32
    %scan3A_182 = arith.addi %scan3A_180, %scan3A_181 : i32
    %scan3A_183 = arith.constant 1 : i32
    %scan3A_184 = scf.for %scan3A_268 = %scan3A_180 to %scan3A_182 step %scan3A_183 iter_args(%scan3A_269 = %scan3A) -> (i32)  : i32 {
      %mul3A_270 = arith.constant 2 : i32
      %mul3A_271 = arith.muli %mul3A_270, %scan3A_268 : i32
      %ge3A = arith.constant 1 : i32
      %ge3A_272 = arith.cmpi sge, %scan3A_268, %ge3A : i32
      %convert_element_type3A = arith.extui %ge3A_272 : i1 to i32
      %cond3A = arith.constant 0 : i32
      %cond3A_273 = arith.cmpi ne, %convert_element_type3A, %cond3A : i32
      scf.if %cond3A_273 {
        %dma_wait3A_708 = arith.constant 1 : i32
        %dma_wait3A_709 = arith.constant 0 : i32
        %dma_wait3A_710 = arith.constant 0 : i32
        %dma_wait3A_711 = tpu.memref_slice %arg9[%dma_wait3A_708, %dma_wait3A_709, %dma_wait3A_710] : memref<2x1280x8xf32, #tpu.memory_space<vmem>> -> memref<1x1280x8xf32, #tpu.memory_space<vmem>>
        %dma_wait3A_712 = tpu.memref_squeeze %dma_wait3A_711 : memref<1x1280x8xf32, #tpu.memory_space<vmem>> -> memref<1280x8xf32, #tpu.memory_space<vmem>>
        %dma_wait3A_713 = arith.constant 0 : i32
        %dma_wait3A_714 = arith.constant 0 : i32
        %dma_wait3A_715 = tpu.memref_slice %arg10[%dma_wait3A_713, %dma_wait3A_714] : memref<100352x8xf32, #tpu.memory_space<vmem_shared>> -> memref<1280x8xf32, #tpu.memory_space<vmem_shared>>
        %dma_wait3A_716 = arith.constant 0 : i32
        %dma_wait3A_717 = arith.constant 0 : i32
        %dma_wait3A_718 = tpu.memref_slice %arg10[%dma_wait3A_716, %dma_wait3A_717] : memref<100352x8xf32, #tpu.memory_space<vmem_shared>> -> memref<1280x8xf32, #tpu.memory_space<vmem_shared>>
        %dma_wait3A_719 = arith.constant 0 : i32
        %dma_wait3A_720 = arith.constant 0 : i32
        %dma_wait3A_721 = tpu.memref_slice %arg9[%dma_wait3A_708, %dma_wait3A_719, %dma_wait3A_720] : memref<2x1280x8xf32, #tpu.memory_space<vmem>> -> memref<1x1280x8xf32, #tpu.memory_space<vmem>>
        %dma_wait3A_722 = tpu.memref_squeeze %dma_wait3A_721 : memref<1x1280x8xf32, #tpu.memory_space<vmem>> -> memref<1280x8xf32, #tpu.memory_space<vmem>>
        tpu.wait_dma2 semaphore(%arg15 : memref<!tpu.dma_semaphore, #tpu.memory_space<semaphore_mem>>) src(%dma_wait3A_722 : memref<1280x8xf32, #tpu.memory_space<vmem>>) dst(%dma_wait3A_718 : memref<1280x8xf32, #tpu.memory_space<vmem_shared>>)
      } else {
      }
      %add3A_274 = arith.constant 1 : i32
      %add3A_275 = arith.addi %mul3A_271, %add3A_274 : i32
      %mul3A_276 = arith.constant 10 : i32
      %mul3A_277 = arith.muli %add3A_275, %mul3A_276 : i32
      %add3A_278 = arith.addi %mul3A_46, %mul3A_277 : i32
      %run_scoped3A_279 = arith.constant 1 : i32
      "tpu.region"() ({
        %run_scoped3A_708 = tpu.sem_alloc : memref<!tpu.dma_semaphore, #tpu.memory_space<semaphore_mem>>
        %dma_start3A_709 = arith.constant 0 : i32
        %dma_start3A_710 = arith.constant 0 : i32
        %dma_start3A_711 = tpu.memref_slice %arg7[%run_scoped3A_279, %dma_start3A_709, %dma_start3A_710] : memref<2x10x128xi32, #tpu.memory_space<vmem>> -> memref<1x10x128xi32, #tpu.memory_space<vmem>>
        %dma_start3A_712 = tpu.memref_squeeze %dma_start3A_711 : memref<1x10x128xi32, #tpu.memory_space<vmem>> -> memref<10x128xi32, #tpu.memory_space<vmem>>
        %dma_start3A_713 = arith.constant 0 : i32
        %dma_start3A_714 = tpu.memref_slice %arg2[%add3A_278, %dma_start3A_713] : memref<12800x128xi32, #tpu.memory_space<hbm>> -> memref<10x128xi32, #tpu.memory_space<hbm>>
        %dma_start3A_715 = arith.constant 0 : i32
        %dma_start3A_716 = arith.constant 0 : i32
        %dma_start3A_717 = tpu.memref_slice %arg7[%run_scoped3A_279, %dma_start3A_715, %dma_start3A_716] : memref<2x10x128xi32, #tpu.memory_space<vmem>> -> memref<1x10x128xi32, #tpu.memory_space<vmem>>
        %dma_start3A_718 = tpu.memref_squeeze %dma_start3A_717 : memref<1x10x128xi32, #tpu.memory_space<vmem>> -> memref<10x128xi32, #tpu.memory_space<vmem>>
        %dma_start3A_719 = arith.constant 0 : i32
        %dma_start3A_720 = tpu.memref_slice %arg2[%add3A_278, %dma_start3A_719] : memref<12800x128xi32, #tpu.memory_space<hbm>> -> memref<10x128xi32, #tpu.memory_space<hbm>>
        tpu.enqueue_dma source(%dma_start3A_720 : memref<10x128xi32, #tpu.memory_space<hbm>>) target(%dma_start3A_718 : memref<10x128xi32, #tpu.memory_space<vmem>>) target_semaphore(%run_scoped3A_708 : memref<!tpu.dma_semaphore, #tpu.memory_space<semaphore_mem>>)
        %dma_wait3A_721 = arith.constant 0 : i32
        %dma_wait3A_722 = arith.constant 0 : i32
        %dma_wait3A_723 = tpu.memref_slice %arg7[%run_scoped3A_279, %dma_wait3A_721, %dma_wait3A_722] : memref<2x10x128xi32, #tpu.memory_space<vmem>> -> memref<1x10x128xi32, #tpu.memory_space<vmem>>
        %dma_wait3A_724 = tpu.memref_squeeze %dma_wait3A_723 : memref<1x10x128xi32, #tpu.memory_space<vmem>> -> memref<10x128xi32, #tpu.memory_space<vmem>>
        %dma_wait3A_725 = arith.constant 0 : i32
        %dma_wait3A_726 = tpu.memref_slice %arg2[%add3A_278, %dma_wait3A_725] : memref<12800x128xi32, #tpu.memory_space<hbm>> -> memref<10x128xi32, #tpu.memory_space<hbm>>
        %dma_wait3A_727 = arith.constant 0 : i32
        %dma_wait3A_728 = arith.constant 0 : i32
        %dma_wait3A_729 = tpu.memref_slice %arg7[%run_scoped3A_279, %dma_wait3A_727, %dma_wait3A_728] : memref<2x10x128xi32, #tpu.memory_space<vmem>> -> memref<1x10x128xi32, #tpu.memory_space<vmem>>
        %dma_wait3A_730 = tpu.memref_squeeze %dma_wait3A_729 : memref<1x10x128xi32, #tpu.memory_space<vmem>> -> memref<10x128xi32, #tpu.memory_space<vmem>>
        %dma_wait3A_731 = arith.constant 0 : i32
        %dma_wait3A_732 = tpu.memref_slice %arg2[%add3A_278, %dma_wait3A_731] : memref<12800x128xi32, #tpu.memory_space<hbm>> -> memref<10x128xi32, #tpu.memory_space<hbm>>
        tpu.wait_dma2 semaphore(%run_scoped3A_708 : memref<!tpu.dma_semaphore, #tpu.memory_space<semaphore_mem>>) src(%dma_wait3A_732 : memref<10x128xi32, #tpu.memory_space<hbm>>) dst(%dma_wait3A_730 : memref<10x128xi32, #tpu.memory_space<vmem>>)
        tpu.yield
      }) : () -> ()
      %run_scoped3A_280 = arith.constant 1 : i32
      "tpu.region"() ({
        %run_scoped3A_708 = tpu.sem_alloc : memref<!tpu.dma_semaphore, #tpu.memory_space<semaphore_mem>>
        %dma_start3A_709 = arith.constant 0 : i32
        %dma_start3A_710 = arith.constant 0 : i32
        %dma_start3A_711 = tpu.memref_slice %arg8[%run_scoped3A_280, %dma_start3A_709, %dma_start3A_710] : memref<2x10x128xi32, #tpu.memory_space<vmem>> -> memref<1x10x128xi32, #tpu.memory_space<vmem>>
        %dma_start3A_712 = tpu.memref_squeeze %dma_start3A_711 : memref<1x10x128xi32, #tpu.memory_space<vmem>> -> memref<10x128xi32, #tpu.memory_space<vmem>>
        %dma_start3A_713 = arith.constant 0 : i32
        %dma_start3A_714 = tpu.memref_slice %arg3[%add3A_278, %dma_start3A_713] : memref<12800x128xi32, #tpu.memory_space<hbm>> -> memref<10x128xi32, #tpu.memory_space<hbm>>
        %dma_start3A_715 = arith.constant 0 : i32
        %dma_start3A_716 = arith.constant 0 : i32
        %dma_start3A_717 = tpu.memref_slice %arg8[%run_scoped3A_280, %dma_start3A_715, %dma_start3A_716] : memref<2x10x128xi32, #tpu.memory_space<vmem>> -> memref<1x10x128xi32, #tpu.memory_space<vmem>>
        %dma_start3A_718 = tpu.memref_squeeze %dma_start3A_717 : memref<1x10x128xi32, #tpu.memory_space<vmem>> -> memref<10x128xi32, #tpu.memory_space<vmem>>
        %dma_start3A_719 = arith.constant 0 : i32
        %dma_start3A_720 = tpu.memref_slice %arg3[%add3A_278, %dma_start3A_719] : memref<12800x128xi32, #tpu.memory_space<hbm>> -> memref<10x128xi32, #tpu.memory_space<hbm>>
        tpu.enqueue_dma source(%dma_start3A_720 : memref<10x128xi32, #tpu.memory_space<hbm>>) target(%dma_start3A_718 : memref<10x128xi32, #tpu.memory_space<vmem>>) target_semaphore(%run_scoped3A_708 : memref<!tpu.dma_semaphore, #tpu.memory_space<semaphore_mem>>)
        %dma_wait3A_721 = arith.constant 0 : i32
        %dma_wait3A_722 = arith.constant 0 : i32
        %dma_wait3A_723 = tpu.memref_slice %arg8[%run_scoped3A_280, %dma_wait3A_721, %dma_wait3A_722] : memref<2x10x128xi32, #tpu.memory_space<vmem>> -> memref<1x10x128xi32, #tpu.memory_space<vmem>>
        %dma_wait3A_724 = tpu.memref_squeeze %dma_wait3A_723 : memref<1x10x128xi32, #tpu.memory_space<vmem>> -> memref<10x128xi32, #tpu.memory_space<vmem>>
        %dma_wait3A_725 = arith.constant 0 : i32
        %dma_wait3A_726 = tpu.memref_slice %arg3[%add3A_278, %dma_wait3A_725] : memref<12800x128xi32, #tpu.memory_space<hbm>> -> memref<10x128xi32, #tpu.memory_space<hbm>>
        %dma_wait3A_727 = arith.constant 0 : i32
        %dma_wait3A_728 = arith.constant 0 : i32
        %dma_wait3A_729 = tpu.memref_slice %arg8[%run_scoped3A_280, %dma_wait3A_727, %dma_wait3A_728] : memref<2x10x128xi32, #tpu.memory_space<vmem>> -> memref<1x10x128xi32, #tpu.memory_space<vmem>>
        %dma_wait3A_730 = tpu.memref_squeeze %dma_wait3A_729 : memref<1x10x128xi32, #tpu.memory_space<vmem>> -> memref<10x128xi32, #tpu.memory_space<vmem>>
        %dma_wait3A_731 = arith.constant 0 : i32
        %dma_wait3A_732 = tpu.memref_slice %arg3[%add3A_278, %dma_wait3A_731] : memref<12800x128xi32, #tpu.memory_space<hbm>> -> memref<10x128xi32, #tpu.memory_space<hbm>>
        tpu.wait_dma2 semaphore(%run_scoped3A_708 : memref<!tpu.dma_semaphore, #tpu.memory_space<semaphore_mem>>) src(%dma_wait3A_732 : memref<10x128xi32, #tpu.memory_space<hbm>>) dst(%dma_wait3A_730 : memref<10x128xi32, #tpu.memory_space<vmem>>)
        tpu.yield
      }) : () -> ()
      %dma_start3A_281 = arith.constant 1 : i32
      %dma_start3A_282 = arith.constant 0 : i32
      %dma_start3A_283 = arith.constant 1 : i32
      %dma_start3A_284 = arith.constant 0 : i32
      %dma_start3A_285 = arith.constant 0 : i32
      %dma_start3A_286 = tpu.memref_slice %arg9[%dma_start3A_283, %dma_start3A_284, %dma_start3A_285] : memref<2x1280x8xf32, #tpu.memory_space<vmem>> -> memref<1x128x8xf32, #tpu.memory_space<vmem>>
      %dma_start3A_287 = tpu.memref_squeeze %dma_start3A_286 : memref<1x128x8xf32, #tpu.memory_space<vmem>> -> memref<128x8xf32, #tpu.memory_space<vmem>>
      %dma_start3A_288 = arith.constant 0 : i32
      %dma_start3A_289 = tpu.memref_slice %arg7[%dma_start3A_281, %dma_start3A_282, %dma_start3A_288] : memref<2x10x128xi32, #tpu.memory_space<vmem>> -> memref<1x1x128xi32, #tpu.memory_space<vmem>>
      %dma_start3A_290 = tpu.memref_squeeze %dma_start3A_289 : memref<1x1x128xi32, #tpu.memory_space<vmem>> -> memref<128xi32, #tpu.memory_space<vmem>>
      %dma_start3A_291 = arith.constant 0 : i32
      %dma_start3A_292 = arith.constant 0 : i32
      %dma_start3A_293 = tpu.memref_slice %arg11[%dma_start3A_291, %dma_start3A_292] : memref<100352x8xf32, #tpu.memory_space<vmem_shared>> -> memref<100352x8xf32, #tpu.memory_space<vmem_shared>>
      tpu.enqueue_indirect_dma source(%dma_start3A_293 : memref<100352x8xf32, #tpu.memory_space<vmem_shared>>) target(%dma_start3A_287 : memref<128x8xf32, #tpu.memory_space<vmem>>) offsets(%dma_start3A_290 : memref<128xi32, #tpu.memory_space<vmem>>) semaphore(%arg13 : memref<!tpu.dma_semaphore, #tpu.memory_space<semaphore_mem>>)
      %dma_start3A_294 = arith.constant 1 : i32
      %dma_start3A_295 = arith.constant 1 : i32
      %dma_start3A_296 = arith.constant 1 : i32
      %dma_start3A_297 = arith.constant 128 : i32
      %dma_start3A_298 = arith.constant 0 : i32
      %dma_start3A_299 = tpu.memref_slice %arg9[%dma_start3A_296, %dma_start3A_297, %dma_start3A_298] : memref<2x1280x8xf32, #tpu.memory_space<vmem>> -> memref<1x128x8xf32, #tpu.memory_space<vmem>>
      %dma_start3A_300 = tpu.memref_squeeze %dma_start3A_299 : memref<1x128x8xf32, #tpu.memory_space<vmem>> -> memref<128x8xf32, #tpu.memory_space<vmem>>
      %dma_start3A_301 = arith.constant 0 : i32
      %dma_start3A_302 = tpu.memref_slice %arg7[%dma_start3A_294, %dma_start3A_295, %dma_start3A_301] : memref<2x10x128xi32, #tpu.memory_space<vmem>> -> memref<1x1x128xi32, #tpu.memory_space<vmem>>
      %dma_start3A_303 = tpu.memref_squeeze %dma_start3A_302 : memref<1x1x128xi32, #tpu.memory_space<vmem>> -> memref<128xi32, #tpu.memory_space<vmem>>
      %dma_start3A_304 = arith.constant 0 : i32
      %dma_start3A_305 = arith.constant 0 : i32
      %dma_start3A_306 = tpu.memref_slice %arg11[%dma_start3A_304, %dma_start3A_305] : memref<100352x8xf32, #tpu.memory_space<vmem_shared>> -> memref<100352x8xf32, #tpu.memory_space<vmem_shared>>
      tpu.enqueue_indirect_dma source(%dma_start3A_306 : memref<100352x8xf32, #tpu.memory_space<vmem_shared>>) target(%dma_start3A_300 : memref<128x8xf32, #tpu.memory_space<vmem>>) offsets(%dma_start3A_303 : memref<128xi32, #tpu.memory_space<vmem>>) semaphore(%arg13 : memref<!tpu.dma_semaphore, #tpu.memory_space<semaphore_mem>>)
      %dma_start3A_307 = arith.constant 1 : i32
      %dma_start3A_308 = arith.constant 2 : i32
      %dma_start3A_309 = arith.constant 1 : i32
      %dma_start3A_310 = arith.constant 256 : i32
      %dma_start3A_311 = arith.constant 0 : i32
      %dma_start3A_312 = tpu.memref_slice %arg9[%dma_start3A_309, %dma_start3A_310, %dma_start3A_311] : memref<2x1280x8xf32, #tpu.memory_space<vmem>> -> memref<1x128x8xf32, #tpu.memory_space<vmem>>
      %dma_start3A_313 = tpu.memref_squeeze %dma_start3A_312 : memref<1x128x8xf32, #tpu.memory_space<vmem>> -> memref<128x8xf32, #tpu.memory_space<vmem>>
      %dma_start3A_314 = arith.constant 0 : i32
      %dma_start3A_315 = tpu.memref_slice %arg7[%dma_start3A_307, %dma_start3A_308, %dma_start3A_314] : memref<2x10x128xi32, #tpu.memory_space<vmem>> -> memref<1x1x128xi32, #tpu.memory_space<vmem>>
      %dma_start3A_316 = tpu.memref_squeeze %dma_start3A_315 : memref<1x1x128xi32, #tpu.memory_space<vmem>> -> memref<128xi32, #tpu.memory_space<vmem>>
      %dma_start3A_317 = arith.constant 0 : i32
      %dma_start3A_318 = arith.constant 0 : i32
      %dma_start3A_319 = tpu.memref_slice %arg11[%dma_start3A_317, %dma_start3A_318] : memref<100352x8xf32, #tpu.memory_space<vmem_shared>> -> memref<100352x8xf32, #tpu.memory_space<vmem_shared>>
      tpu.enqueue_indirect_dma source(%dma_start3A_319 : memref<100352x8xf32, #tpu.memory_space<vmem_shared>>) target(%dma_start3A_313 : memref<128x8xf32, #tpu.memory_space<vmem>>) offsets(%dma_start3A_316 : memref<128xi32, #tpu.memory_space<vmem>>) semaphore(%arg13 : memref<!tpu.dma_semaphore, #tpu.memory_space<semaphore_mem>>)
      %dma_start3A_320 = arith.constant 1 : i32
      %dma_start3A_321 = arith.constant 3 : i32
      %dma_start3A_322 = arith.constant 1 : i32
      %dma_start3A_323 = arith.constant 384 : i32
      %dma_start3A_324 = arith.constant 0 : i32
      %dma_start3A_325 = tpu.memref_slice %arg9[%dma_start3A_322, %dma_start3A_323, %dma_start3A_324] : memref<2x1280x8xf32, #tpu.memory_space<vmem>> -> memref<1x128x8xf32, #tpu.memory_space<vmem>>
      %dma_start3A_326 = tpu.memref_squeeze %dma_start3A_325 : memref<1x128x8xf32, #tpu.memory_space<vmem>> -> memref<128x8xf32, #tpu.memory_space<vmem>>
      %dma_start3A_327 = arith.constant 0 : i32
      %dma_start3A_328 = tpu.memref_slice %arg7[%dma_start3A_320, %dma_start3A_321, %dma_start3A_327] : memref<2x10x128xi32, #tpu.memory_space<vmem>> -> memref<1x1x128xi32, #tpu.memory_space<vmem>>
      %dma_start3A_329 = tpu.memref_squeeze %dma_start3A_328 : memref<1x1x128xi32, #tpu.memory_space<vmem>> -> memref<128xi32, #tpu.memory_space<vmem>>
      %dma_start3A_330 = arith.constant 0 : i32
      %dma_start3A_331 = arith.constant 0 : i32
      %dma_start3A_332 = tpu.memref_slice %arg11[%dma_start3A_330, %dma_start3A_331] : memref<100352x8xf32, #tpu.memory_space<vmem_shared>> -> memref<100352x8xf32, #tpu.memory_space<vmem_shared>>
      tpu.enqueue_indirect_dma source(%dma_start3A_332 : memref<100352x8xf32, #tpu.memory_space<vmem_shared>>) target(%dma_start3A_326 : memref<128x8xf32, #tpu.memory_space<vmem>>) offsets(%dma_start3A_329 : memref<128xi32, #tpu.memory_space<vmem>>) semaphore(%arg13 : memref<!tpu.dma_semaphore, #tpu.memory_space<semaphore_mem>>)
      %dma_start3A_333 = arith.constant 1 : i32
      %dma_start3A_334 = arith.constant 4 : i32
      %dma_start3A_335 = arith.constant 1 : i32
      %dma_start3A_336 = arith.constant 512 : i32
      %dma_start3A_337 = arith.constant 0 : i32
      %dma_start3A_338 = tpu.memref_slice %arg9[%dma_start3A_335, %dma_start3A_336, %dma_start3A_337] : memref<2x1280x8xf32, #tpu.memory_space<vmem>> -> memref<1x128x8xf32, #tpu.memory_space<vmem>>
      %dma_start3A_339 = tpu.memref_squeeze %dma_start3A_338 : memref<1x128x8xf32, #tpu.memory_space<vmem>> -> memref<128x8xf32, #tpu.memory_space<vmem>>
      %dma_start3A_340 = arith.constant 0 : i32
      %dma_start3A_341 = tpu.memref_slice %arg7[%dma_start3A_333, %dma_start3A_334, %dma_start3A_340] : memref<2x10x128xi32, #tpu.memory_space<vmem>> -> memref<1x1x128xi32, #tpu.memory_space<vmem>>
      %dma_start3A_342 = tpu.memref_squeeze %dma_start3A_341 : memref<1x1x128xi32, #tpu.memory_space<vmem>> -> memref<128xi32, #tpu.memory_space<vmem>>
      %dma_start3A_343 = arith.constant 0 : i32
      %dma_start3A_344 = arith.constant 0 : i32
      %dma_start3A_345 = tpu.memref_slice %arg11[%dma_start3A_343, %dma_start3A_344] : memref<100352x8xf32, #tpu.memory_space<vmem_shared>> -> memref<100352x8xf32, #tpu.memory_space<vmem_shared>>
      tpu.enqueue_indirect_dma source(%dma_start3A_345 : memref<100352x8xf32, #tpu.memory_space<vmem_shared>>) target(%dma_start3A_339 : memref<128x8xf32, #tpu.memory_space<vmem>>) offsets(%dma_start3A_342 : memref<128xi32, #tpu.memory_space<vmem>>) semaphore(%arg13 : memref<!tpu.dma_semaphore, #tpu.memory_space<semaphore_mem>>)
      %dma_start3A_346 = arith.constant 1 : i32
      %dma_start3A_347 = arith.constant 5 : i32
      %dma_start3A_348 = arith.constant 1 : i32
      %dma_start3A_349 = arith.constant 640 : i32
      %dma_start3A_350 = arith.constant 0 : i32
      %dma_start3A_351 = tpu.memref_slice %arg9[%dma_start3A_348, %dma_start3A_349, %dma_start3A_350] : memref<2x1280x8xf32, #tpu.memory_space<vmem>> -> memref<1x128x8xf32, #tpu.memory_space<vmem>>
      %dma_start3A_352 = tpu.memref_squeeze %dma_start3A_351 : memref<1x128x8xf32, #tpu.memory_space<vmem>> -> memref<128x8xf32, #tpu.memory_space<vmem>>
      %dma_start3A_353 = arith.constant 0 : i32
      %dma_start3A_354 = tpu.memref_slice %arg7[%dma_start3A_346, %dma_start3A_347, %dma_start3A_353] : memref<2x10x128xi32, #tpu.memory_space<vmem>> -> memref<1x1x128xi32, #tpu.memory_space<vmem>>
      %dma_start3A_355 = tpu.memref_squeeze %dma_start3A_354 : memref<1x1x128xi32, #tpu.memory_space<vmem>> -> memref<128xi32, #tpu.memory_space<vmem>>
      %dma_start3A_356 = arith.constant 0 : i32
      %dma_start3A_357 = arith.constant 0 : i32
      %dma_start3A_358 = tpu.memref_slice %arg11[%dma_start3A_356, %dma_start3A_357] : memref<100352x8xf32, #tpu.memory_space<vmem_shared>> -> memref<100352x8xf32, #tpu.memory_space<vmem_shared>>
      tpu.enqueue_indirect_dma source(%dma_start3A_358 : memref<100352x8xf32, #tpu.memory_space<vmem_shared>>) target(%dma_start3A_352 : memref<128x8xf32, #tpu.memory_space<vmem>>) offsets(%dma_start3A_355 : memref<128xi32, #tpu.memory_space<vmem>>) semaphore(%arg13 : memref<!tpu.dma_semaphore, #tpu.memory_space<semaphore_mem>>)
      %dma_start3A_359 = arith.constant 1 : i32
      %dma_start3A_360 = arith.constant 6 : i32
      %dma_start3A_361 = arith.constant 1 : i32
      %dma_start3A_362 = arith.constant 768 : i32
      %dma_start3A_363 = arith.constant 0 : i32
      %dma_start3A_364 = tpu.memref_slice %arg9[%dma_start3A_361, %dma_start3A_362, %dma_start3A_363] : memref<2x1280x8xf32, #tpu.memory_space<vmem>> -> memref<1x128x8xf32, #tpu.memory_space<vmem>>
      %dma_start3A_365 = tpu.memref_squeeze %dma_start3A_364 : memref<1x128x8xf32, #tpu.memory_space<vmem>> -> memref<128x8xf32, #tpu.memory_space<vmem>>
      %dma_start3A_366 = arith.constant 0 : i32
      %dma_start3A_367 = tpu.memref_slice %arg7[%dma_start3A_359, %dma_start3A_360, %dma_start3A_366] : memref<2x10x128xi32, #tpu.memory_space<vmem>> -> memref<1x1x128xi32, #tpu.memory_space<vmem>>
      %dma_start3A_368 = tpu.memref_squeeze %dma_start3A_367 : memref<1x1x128xi32, #tpu.memory_space<vmem>> -> memref<128xi32, #tpu.memory_space<vmem>>
      %dma_start3A_369 = arith.constant 0 : i32
      %dma_start3A_370 = arith.constant 0 : i32
      %dma_start3A_371 = tpu.memref_slice %arg11[%dma_start3A_369, %dma_start3A_370] : memref<100352x8xf32, #tpu.memory_space<vmem_shared>> -> memref<100352x8xf32, #tpu.memory_space<vmem_shared>>
      tpu.enqueue_indirect_dma source(%dma_start3A_371 : memref<100352x8xf32, #tpu.memory_space<vmem_shared>>) target(%dma_start3A_365 : memref<128x8xf32, #tpu.memory_space<vmem>>) offsets(%dma_start3A_368 : memref<128xi32, #tpu.memory_space<vmem>>) semaphore(%arg13 : memref<!tpu.dma_semaphore, #tpu.memory_space<semaphore_mem>>)
      %dma_start3A_372 = arith.constant 1 : i32
      %dma_start3A_373 = arith.constant 7 : i32
      %dma_start3A_374 = arith.constant 1 : i32
      %dma_start3A_375 = arith.constant 896 : i32
      %dma_start3A_376 = arith.constant 0 : i32
      %dma_start3A_377 = tpu.memref_slice %arg9[%dma_start3A_374, %dma_start3A_375, %dma_start3A_376] : memref<2x1280x8xf32, #tpu.memory_space<vmem>> -> memref<1x128x8xf32, #tpu.memory_space<vmem>>
      %dma_start3A_378 = tpu.memref_squeeze %dma_start3A_377 : memref<1x128x8xf32, #tpu.memory_space<vmem>> -> memref<128x8xf32, #tpu.memory_space<vmem>>
      %dma_start3A_379 = arith.constant 0 : i32
      %dma_start3A_380 = tpu.memref_slice %arg7[%dma_start3A_372, %dma_start3A_373, %dma_start3A_379] : memref<2x10x128xi32, #tpu.memory_space<vmem>> -> memref<1x1x128xi32, #tpu.memory_space<vmem>>
      %dma_start3A_381 = tpu.memref_squeeze %dma_start3A_380 : memref<1x1x128xi32, #tpu.memory_space<vmem>> -> memref<128xi32, #tpu.memory_space<vmem>>
      %dma_start3A_382 = arith.constant 0 : i32
      %dma_start3A_383 = arith.constant 0 : i32
      %dma_start3A_384 = tpu.memref_slice %arg11[%dma_start3A_382, %dma_start3A_383] : memref<100352x8xf32, #tpu.memory_space<vmem_shared>> -> memref<100352x8xf32, #tpu.memory_space<vmem_shared>>
      tpu.enqueue_indirect_dma source(%dma_start3A_384 : memref<100352x8xf32, #tpu.memory_space<vmem_shared>>) target(%dma_start3A_378 : memref<128x8xf32, #tpu.memory_space<vmem>>) offsets(%dma_start3A_381 : memref<128xi32, #tpu.memory_space<vmem>>) semaphore(%arg13 : memref<!tpu.dma_semaphore, #tpu.memory_space<semaphore_mem>>)
      %dma_start3A_385 = arith.constant 1 : i32
      %dma_start3A_386 = arith.constant 8 : i32
      %dma_start3A_387 = arith.constant 1 : i32
      %dma_start3A_388 = arith.constant 1024 : i32
      %dma_start3A_389 = arith.constant 0 : i32
      %dma_start3A_390 = tpu.memref_slice %arg9[%dma_start3A_387, %dma_start3A_388, %dma_start3A_389] : memref<2x1280x8xf32, #tpu.memory_space<vmem>> -> memref<1x128x8xf32, #tpu.memory_space<vmem>>
      %dma_start3A_391 = tpu.memref_squeeze %dma_start3A_390 : memref<1x128x8xf32, #tpu.memory_space<vmem>> -> memref<128x8xf32, #tpu.memory_space<vmem>>
      %dma_start3A_392 = arith.constant 0 : i32
      %dma_start3A_393 = tpu.memref_slice %arg7[%dma_start3A_385, %dma_start3A_386, %dma_start3A_392] : memref<2x10x128xi32, #tpu.memory_space<vmem>> -> memref<1x1x128xi32, #tpu.memory_space<vmem>>
      %dma_start3A_394 = tpu.memref_squeeze %dma_start3A_393 : memref<1x1x128xi32, #tpu.memory_space<vmem>> -> memref<128xi32, #tpu.memory_space<vmem>>
      %dma_start3A_395 = arith.constant 0 : i32
      %dma_start3A_396 = arith.constant 0 : i32
      %dma_start3A_397 = tpu.memref_slice %arg11[%dma_start3A_395, %dma_start3A_396] : memref<100352x8xf32, #tpu.memory_space<vmem_shared>> -> memref<100352x8xf32, #tpu.memory_space<vmem_shared>>
      tpu.enqueue_indirect_dma source(%dma_start3A_397 : memref<100352x8xf32, #tpu.memory_space<vmem_shared>>) target(%dma_start3A_391 : memref<128x8xf32, #tpu.memory_space<vmem>>) offsets(%dma_start3A_394 : memref<128xi32, #tpu.memory_space<vmem>>) semaphore(%arg13 : memref<!tpu.dma_semaphore, #tpu.memory_space<semaphore_mem>>)
      %dma_start3A_398 = arith.constant 1 : i32
      %dma_start3A_399 = arith.constant 9 : i32
      %dma_start3A_400 = arith.constant 1 : i32
      %dma_start3A_401 = arith.constant 1152 : i32
      %dma_start3A_402 = arith.constant 0 : i32
      %dma_start3A_403 = tpu.memref_slice %arg9[%dma_start3A_400, %dma_start3A_401, %dma_start3A_402] : memref<2x1280x8xf32, #tpu.memory_space<vmem>> -> memref<1x128x8xf32, #tpu.memory_space<vmem>>
      %dma_start3A_404 = tpu.memref_squeeze %dma_start3A_403 : memref<1x128x8xf32, #tpu.memory_space<vmem>> -> memref<128x8xf32, #tpu.memory_space<vmem>>
      %dma_start3A_405 = arith.constant 0 : i32
      %dma_start3A_406 = tpu.memref_slice %arg7[%dma_start3A_398, %dma_start3A_399, %dma_start3A_405] : memref<2x10x128xi32, #tpu.memory_space<vmem>> -> memref<1x1x128xi32, #tpu.memory_space<vmem>>
      %dma_start3A_407 = tpu.memref_squeeze %dma_start3A_406 : memref<1x1x128xi32, #tpu.memory_space<vmem>> -> memref<128xi32, #tpu.memory_space<vmem>>
      %dma_start3A_408 = arith.constant 0 : i32
      %dma_start3A_409 = arith.constant 0 : i32
      %dma_start3A_410 = tpu.memref_slice %arg11[%dma_start3A_408, %dma_start3A_409] : memref<100352x8xf32, #tpu.memory_space<vmem_shared>> -> memref<100352x8xf32, #tpu.memory_space<vmem_shared>>
      tpu.enqueue_indirect_dma source(%dma_start3A_410 : memref<100352x8xf32, #tpu.memory_space<vmem_shared>>) target(%dma_start3A_404 : memref<128x8xf32, #tpu.memory_space<vmem>>) offsets(%dma_start3A_407 : memref<128xi32, #tpu.memory_space<vmem>>) semaphore(%arg13 : memref<!tpu.dma_semaphore, #tpu.memory_space<semaphore_mem>>)
      %dma_wait3A_411 = arith.constant 0 : i32
      %dma_wait3A_412 = arith.constant 0 : i32
      %dma_wait3A_413 = arith.constant 0 : i32
      %dma_wait3A_414 = tpu.memref_slice %arg9[%dma_wait3A_411, %dma_wait3A_412, %dma_wait3A_413] : memref<2x1280x8xf32, #tpu.memory_space<vmem>> -> memref<1x1280x8xf32, #tpu.memory_space<vmem>>
      %dma_wait3A_415 = tpu.memref_squeeze %dma_wait3A_414 : memref<1x1280x8xf32, #tpu.memory_space<vmem>> -> memref<1280x8xf32, #tpu.memory_space<vmem>>
      %dma_wait3A_416 = arith.constant 0 : i32
      %dma_wait3A_417 = arith.constant 0 : i32
      %dma_wait3A_418 = tpu.memref_slice %arg11[%dma_wait3A_416, %dma_wait3A_417] : memref<100352x8xf32, #tpu.memory_space<vmem_shared>> -> memref<1280x8xf32, #tpu.memory_space<vmem_shared>>
      %dma_wait3A_419 = arith.constant 0 : i32
      %dma_wait3A_420 = arith.constant 0 : i32
      %dma_wait3A_421 = tpu.memref_slice %arg9[%dma_wait3A_411, %dma_wait3A_419, %dma_wait3A_420] : memref<2x1280x8xf32, #tpu.memory_space<vmem>> -> memref<1x1280x8xf32, #tpu.memory_space<vmem>>
      %dma_wait3A_422 = tpu.memref_squeeze %dma_wait3A_421 : memref<1x1280x8xf32, #tpu.memory_space<vmem>> -> memref<1280x8xf32, #tpu.memory_space<vmem>>
      %dma_wait3A_423 = arith.constant 0 : i32
      %dma_wait3A_424 = arith.constant 0 : i32
      %dma_wait3A_425 = tpu.memref_slice %arg11[%dma_wait3A_423, %dma_wait3A_424] : memref<100352x8xf32, #tpu.memory_space<vmem_shared>> -> memref<1280x8xf32, #tpu.memory_space<vmem_shared>>
      tpu.wait_dma2 semaphore(%arg12 : memref<!tpu.dma_semaphore, #tpu.memory_space<semaphore_mem>>) src(%dma_wait3A_425 : memref<1280x8xf32, #tpu.memory_space<vmem_shared>>) dst(%dma_wait3A_422 : memref<1280x8xf32, #tpu.memory_space<vmem>>)
      %dma_start3A_426 = arith.constant 0 : i32
      %dma_start3A_427 = arith.constant 0 : i32
      %dma_start3A_428 = arith.constant 0 : i32
      %dma_start3A_429 = arith.constant 0 : i32
      %dma_start3A_430 = arith.constant 0 : i32
      %dma_start3A_431 = tpu.memref_slice %arg9[%dma_start3A_426, %dma_start3A_429, %dma_start3A_430] : memref<2x1280x8xf32, #tpu.memory_space<vmem>> -> memref<1x128x8xf32, #tpu.memory_space<vmem>>
      %dma_start3A_432 = tpu.memref_squeeze %dma_start3A_431 : memref<1x128x8xf32, #tpu.memory_space<vmem>> -> memref<128x8xf32, #tpu.memory_space<vmem>>
      %dma_start3A_433 = arith.constant 0 : i32
      %dma_start3A_434 = tpu.memref_slice %arg8[%dma_start3A_427, %dma_start3A_428, %dma_start3A_433] : memref<2x10x128xi32, #tpu.memory_space<vmem>> -> memref<1x1x128xi32, #tpu.memory_space<vmem>>
      %dma_start3A_435 = tpu.memref_squeeze %dma_start3A_434 : memref<1x1x128xi32, #tpu.memory_space<vmem>> -> memref<128xi32, #tpu.memory_space<vmem>>
      %dma_start3A_436 = arith.constant 0 : i32
      %dma_start3A_437 = arith.constant 0 : i32
      %dma_start3A_438 = tpu.memref_slice %arg10[%dma_start3A_436, %dma_start3A_437] : memref<100352x8xf32, #tpu.memory_space<vmem_shared>> -> memref<100352x8xf32, #tpu.memory_space<vmem_shared>>
      tpu.enqueue_indirect_dma source(%dma_start3A_432 : memref<128x8xf32, #tpu.memory_space<vmem>>) target(%dma_start3A_438 : memref<100352x8xf32, #tpu.memory_space<vmem_shared>>) offsets(%dma_start3A_435 : memref<128xi32, #tpu.memory_space<vmem>>) semaphore(%arg14 : memref<!tpu.dma_semaphore, #tpu.memory_space<semaphore_mem>>) {add = true}
      %dma_start3A_439 = arith.constant 0 : i32
      %dma_start3A_440 = arith.constant 0 : i32
      %dma_start3A_441 = arith.constant 1 : i32
      %dma_start3A_442 = arith.constant 128 : i32
      %dma_start3A_443 = arith.constant 0 : i32
      %dma_start3A_444 = tpu.memref_slice %arg9[%dma_start3A_439, %dma_start3A_442, %dma_start3A_443] : memref<2x1280x8xf32, #tpu.memory_space<vmem>> -> memref<1x128x8xf32, #tpu.memory_space<vmem>>
      %dma_start3A_445 = tpu.memref_squeeze %dma_start3A_444 : memref<1x128x8xf32, #tpu.memory_space<vmem>> -> memref<128x8xf32, #tpu.memory_space<vmem>>
      %dma_start3A_446 = arith.constant 0 : i32
      %dma_start3A_447 = tpu.memref_slice %arg8[%dma_start3A_440, %dma_start3A_441, %dma_start3A_446] : memref<2x10x128xi32, #tpu.memory_space<vmem>> -> memref<1x1x128xi32, #tpu.memory_space<vmem>>
      %dma_start3A_448 = tpu.memref_squeeze %dma_start3A_447 : memref<1x1x128xi32, #tpu.memory_space<vmem>> -> memref<128xi32, #tpu.memory_space<vmem>>
      %dma_start3A_449 = arith.constant 0 : i32
      %dma_start3A_450 = arith.constant 0 : i32
      %dma_start3A_451 = tpu.memref_slice %arg10[%dma_start3A_449, %dma_start3A_450] : memref<100352x8xf32, #tpu.memory_space<vmem_shared>> -> memref<100352x8xf32, #tpu.memory_space<vmem_shared>>
      tpu.enqueue_indirect_dma source(%dma_start3A_445 : memref<128x8xf32, #tpu.memory_space<vmem>>) target(%dma_start3A_451 : memref<100352x8xf32, #tpu.memory_space<vmem_shared>>) offsets(%dma_start3A_448 : memref<128xi32, #tpu.memory_space<vmem>>) semaphore(%arg14 : memref<!tpu.dma_semaphore, #tpu.memory_space<semaphore_mem>>) {add = true}
      %dma_start3A_452 = arith.constant 0 : i32
      %dma_start3A_453 = arith.constant 0 : i32
      %dma_start3A_454 = arith.constant 2 : i32
      %dma_start3A_455 = arith.constant 256 : i32
      %dma_start3A_456 = arith.constant 0 : i32
      %dma_start3A_457 = tpu.memref_slice %arg9[%dma_start3A_452, %dma_start3A_455, %dma_start3A_456] : memref<2x1280x8xf32, #tpu.memory_space<vmem>> -> memref<1x128x8xf32, #tpu.memory_space<vmem>>
      %dma_start3A_458 = tpu.memref_squeeze %dma_start3A_457 : memref<1x128x8xf32, #tpu.memory_space<vmem>> -> memref<128x8xf32, #tpu.memory_space<vmem>>
      %dma_start3A_459 = arith.constant 0 : i32
      %dma_start3A_460 = tpu.memref_slice %arg8[%dma_start3A_453, %dma_start3A_454, %dma_start3A_459] : memref<2x10x128xi32, #tpu.memory_space<vmem>> -> memref<1x1x128xi32, #tpu.memory_space<vmem>>
      %dma_start3A_461 = tpu.memref_squeeze %dma_start3A_460 : memref<1x1x128xi32, #tpu.memory_space<vmem>> -> memref<128xi32, #tpu.memory_space<vmem>>
      %dma_start3A_462 = arith.constant 0 : i32
      %dma_start3A_463 = arith.constant 0 : i32
      %dma_start3A_464 = tpu.memref_slice %arg10[%dma_start3A_462, %dma_start3A_463] : memref<100352x8xf32, #tpu.memory_space<vmem_shared>> -> memref<100352x8xf32, #tpu.memory_space<vmem_shared>>
      tpu.enqueue_indirect_dma source(%dma_start3A_458 : memref<128x8xf32, #tpu.memory_space<vmem>>) target(%dma_start3A_464 : memref<100352x8xf32, #tpu.memory_space<vmem_shared>>) offsets(%dma_start3A_461 : memref<128xi32, #tpu.memory_space<vmem>>) semaphore(%arg14 : memref<!tpu.dma_semaphore, #tpu.memory_space<semaphore_mem>>) {add = true}
      %dma_start3A_465 = arith.constant 0 : i32
      %dma_start3A_466 = arith.constant 0 : i32
      %dma_start3A_467 = arith.constant 3 : i32
      %dma_start3A_468 = arith.constant 384 : i32
      %dma_start3A_469 = arith.constant 0 : i32
      %dma_start3A_470 = tpu.memref_slice %arg9[%dma_start3A_465, %dma_start3A_468, %dma_start3A_469] : memref<2x1280x8xf32, #tpu.memory_space<vmem>> -> memref<1x128x8xf32, #tpu.memory_space<vmem>>
      %dma_start3A_471 = tpu.memref_squeeze %dma_start3A_470 : memref<1x128x8xf32, #tpu.memory_space<vmem>> -> memref<128x8xf32, #tpu.memory_space<vmem>>
      %dma_start3A_472 = arith.constant 0 : i32
      %dma_start3A_473 = tpu.memref_slice %arg8[%dma_start3A_466, %dma_start3A_467, %dma_start3A_472] : memref<2x10x128xi32, #tpu.memory_space<vmem>> -> memref<1x1x128xi32, #tpu.memory_space<vmem>>
      %dma_start3A_474 = tpu.memref_squeeze %dma_start3A_473 : memref<1x1x128xi32, #tpu.memory_space<vmem>> -> memref<128xi32, #tpu.memory_space<vmem>>
      %dma_start3A_475 = arith.constant 0 : i32
      %dma_start3A_476 = arith.constant 0 : i32
      %dma_start3A_477 = tpu.memref_slice %arg10[%dma_start3A_475, %dma_start3A_476] : memref<100352x8xf32, #tpu.memory_space<vmem_shared>> -> memref<100352x8xf32, #tpu.memory_space<vmem_shared>>
      tpu.enqueue_indirect_dma source(%dma_start3A_471 : memref<128x8xf32, #tpu.memory_space<vmem>>) target(%dma_start3A_477 : memref<100352x8xf32, #tpu.memory_space<vmem_shared>>) offsets(%dma_start3A_474 : memref<128xi32, #tpu.memory_space<vmem>>) semaphore(%arg14 : memref<!tpu.dma_semaphore, #tpu.memory_space<semaphore_mem>>) {add = true}
      %dma_start3A_478 = arith.constant 0 : i32
      %dma_start3A_479 = arith.constant 0 : i32
      %dma_start3A_480 = arith.constant 4 : i32
      %dma_start3A_481 = arith.constant 512 : i32
      %dma_start3A_482 = arith.constant 0 : i32
      %dma_start3A_483 = tpu.memref_slice %arg9[%dma_start3A_478, %dma_start3A_481, %dma_start3A_482] : memref<2x1280x8xf32, #tpu.memory_space<vmem>> -> memref<1x128x8xf32, #tpu.memory_space<vmem>>
      %dma_start3A_484 = tpu.memref_squeeze %dma_start3A_483 : memref<1x128x8xf32, #tpu.memory_space<vmem>> -> memref<128x8xf32, #tpu.memory_space<vmem>>
      %dma_start3A_485 = arith.constant 0 : i32
      %dma_start3A_486 = tpu.memref_slice %arg8[%dma_start3A_479, %dma_start3A_480, %dma_start3A_485] : memref<2x10x128xi32, #tpu.memory_space<vmem>> -> memref<1x1x128xi32, #tpu.memory_space<vmem>>
      %dma_start3A_487 = tpu.memref_squeeze %dma_start3A_486 : memref<1x1x128xi32, #tpu.memory_space<vmem>> -> memref<128xi32, #tpu.memory_space<vmem>>
      %dma_start3A_488 = arith.constant 0 : i32
      %dma_start3A_489 = arith.constant 0 : i32
      %dma_start3A_490 = tpu.memref_slice %arg10[%dma_start3A_488, %dma_start3A_489] : memref<100352x8xf32, #tpu.memory_space<vmem_shared>> -> memref<100352x8xf32, #tpu.memory_space<vmem_shared>>
      tpu.enqueue_indirect_dma source(%dma_start3A_484 : memref<128x8xf32, #tpu.memory_space<vmem>>) target(%dma_start3A_490 : memref<100352x8xf32, #tpu.memory_space<vmem_shared>>) offsets(%dma_start3A_487 : memref<128xi32, #tpu.memory_space<vmem>>) semaphore(%arg14 : memref<!tpu.dma_semaphore, #tpu.memory_space<semaphore_mem>>) {add = true}
      %dma_start3A_491 = arith.constant 0 : i32
      %dma_start3A_492 = arith.constant 0 : i32
      %dma_start3A_493 = arith.constant 5 : i32
      %dma_start3A_494 = arith.constant 640 : i32
      %dma_start3A_495 = arith.constant 0 : i32
      %dma_start3A_496 = tpu.memref_slice %arg9[%dma_start3A_491, %dma_start3A_494, %dma_start3A_495] : memref<2x1280x8xf32, #tpu.memory_space<vmem>> -> memref<1x128x8xf32, #tpu.memory_space<vmem>>
      %dma_start3A_497 = tpu.memref_squeeze %dma_start3A_496 : memref<1x128x8xf32, #tpu.memory_space<vmem>> -> memref<128x8xf32, #tpu.memory_space<vmem>>
      %dma_start3A_498 = arith.constant 0 : i32
      %dma_start3A_499 = tpu.memref_slice %arg8[%dma_start3A_492, %dma_start3A_493, %dma_start3A_498] : memref<2x10x128xi32, #tpu.memory_space<vmem>> -> memref<1x1x128xi32, #tpu.memory_space<vmem>>
      %dma_start3A_500 = tpu.memref_squeeze %dma_start3A_499 : memref<1x1x128xi32, #tpu.memory_space<vmem>> -> memref<128xi32, #tpu.memory_space<vmem>>
      %dma_start3A_501 = arith.constant 0 : i32
      %dma_start3A_502 = arith.constant 0 : i32
      %dma_start3A_503 = tpu.memref_slice %arg10[%dma_start3A_501, %dma_start3A_502] : memref<100352x8xf32, #tpu.memory_space<vmem_shared>> -> memref<100352x8xf32, #tpu.memory_space<vmem_shared>>
      tpu.enqueue_indirect_dma source(%dma_start3A_497 : memref<128x8xf32, #tpu.memory_space<vmem>>) target(%dma_start3A_503 : memref<100352x8xf32, #tpu.memory_space<vmem_shared>>) offsets(%dma_start3A_500 : memref<128xi32, #tpu.memory_space<vmem>>) semaphore(%arg14 : memref<!tpu.dma_semaphore, #tpu.memory_space<semaphore_mem>>) {add = true}
      %dma_start3A_504 = arith.constant 0 : i32
      %dma_start3A_505 = arith.constant 0 : i32
      %dma_start3A_506 = arith.constant 6 : i32
      %dma_start3A_507 = arith.constant 768 : i32
      %dma_start3A_508 = arith.constant 0 : i32
      %dma_start3A_509 = tpu.memref_slice %arg9[%dma_start3A_504, %dma_start3A_507, %dma_start3A_508] : memref<2x1280x8xf32, #tpu.memory_space<vmem>> -> memref<1x128x8xf32, #tpu.memory_space<vmem>>
      %dma_start3A_510 = tpu.memref_squeeze %dma_start3A_509 : memref<1x128x8xf32, #tpu.memory_space<vmem>> -> memref<128x8xf32, #tpu.memory_space<vmem>>
      %dma_start3A_511 = arith.constant 0 : i32
      %dma_start3A_512 = tpu.memref_slice %arg8[%dma_start3A_505, %dma_start3A_506, %dma_start3A_511] : memref<2x10x128xi32, #tpu.memory_space<vmem>> -> memref<1x1x128xi32, #tpu.memory_space<vmem>>
      %dma_start3A_513 = tpu.memref_squeeze %dma_start3A_512 : memref<1x1x128xi32, #tpu.memory_space<vmem>> -> memref<128xi32, #tpu.memory_space<vmem>>
      %dma_start3A_514 = arith.constant 0 : i32
      %dma_start3A_515 = arith.constant 0 : i32
      %dma_start3A_516 = tpu.memref_slice %arg10[%dma_start3A_514, %dma_start3A_515] : memref<100352x8xf32, #tpu.memory_space<vmem_shared>> -> memref<100352x8xf32, #tpu.memory_space<vmem_shared>>
      tpu.enqueue_indirect_dma source(%dma_start3A_510 : memref<128x8xf32, #tpu.memory_space<vmem>>) target(%dma_start3A_516 : memref<100352x8xf32, #tpu.memory_space<vmem_shared>>) offsets(%dma_start3A_513 : memref<128xi32, #tpu.memory_space<vmem>>) semaphore(%arg14 : memref<!tpu.dma_semaphore, #tpu.memory_space<semaphore_mem>>) {add = true}
      %dma_start3A_517 = arith.constant 0 : i32
      %dma_start3A_518 = arith.constant 0 : i32
      %dma_start3A_519 = arith.constant 7 : i32
      %dma_start3A_520 = arith.constant 896 : i32
      %dma_start3A_521 = arith.constant 0 : i32
      %dma_start3A_522 = tpu.memref_slice %arg9[%dma_start3A_517, %dma_start3A_520, %dma_start3A_521] : memref<2x1280x8xf32, #tpu.memory_space<vmem>> -> memref<1x128x8xf32, #tpu.memory_space<vmem>>
      %dma_start3A_523 = tpu.memref_squeeze %dma_start3A_522 : memref<1x128x8xf32, #tpu.memory_space<vmem>> -> memref<128x8xf32, #tpu.memory_space<vmem>>
      %dma_start3A_524 = arith.constant 0 : i32
      %dma_start3A_525 = tpu.memref_slice %arg8[%dma_start3A_518, %dma_start3A_519, %dma_start3A_524] : memref<2x10x128xi32, #tpu.memory_space<vmem>> -> memref<1x1x128xi32, #tpu.memory_space<vmem>>
      %dma_start3A_526 = tpu.memref_squeeze %dma_start3A_525 : memref<1x1x128xi32, #tpu.memory_space<vmem>> -> memref<128xi32, #tpu.memory_space<vmem>>
      %dma_start3A_527 = arith.constant 0 : i32
      %dma_start3A_528 = arith.constant 0 : i32
      %dma_start3A_529 = tpu.memref_slice %arg10[%dma_start3A_527, %dma_start3A_528] : memref<100352x8xf32, #tpu.memory_space<vmem_shared>> -> memref<100352x8xf32, #tpu.memory_space<vmem_shared>>
      tpu.enqueue_indirect_dma source(%dma_start3A_523 : memref<128x8xf32, #tpu.memory_space<vmem>>) target(%dma_start3A_529 : memref<100352x8xf32, #tpu.memory_space<vmem_shared>>) offsets(%dma_start3A_526 : memref<128xi32, #tpu.memory_space<vmem>>) semaphore(%arg14 : memref<!tpu.dma_semaphore, #tpu.memory_space<semaphore_mem>>) {add = true}
      %dma_start3A_530 = arith.constant 0 : i32
      %dma_start3A_531 = arith.constant 0 : i32
      %dma_start3A_532 = arith.constant 8 : i32
      %dma_start3A_533 = arith.constant 1024 : i32
      %dma_start3A_534 = arith.constant 0 : i32
      %dma_start3A_535 = tpu.memref_slice %arg9[%dma_start3A_530, %dma_start3A_533, %dma_start3A_534] : memref<2x1280x8xf32, #tpu.memory_space<vmem>> -> memref<1x128x8xf32, #tpu.memory_space<vmem>>
      %dma_start3A_536 = tpu.memref_squeeze %dma_start3A_535 : memref<1x128x8xf32, #tpu.memory_space<vmem>> -> memref<128x8xf32, #tpu.memory_space<vmem>>
      %dma_start3A_537 = arith.constant 0 : i32
      %dma_start3A_538 = tpu.memref_slice %arg8[%dma_start3A_531, %dma_start3A_532, %dma_start3A_537] : memref<2x10x128xi32, #tpu.memory_space<vmem>> -> memref<1x1x128xi32, #tpu.memory_space<vmem>>
      %dma_start3A_539 = tpu.memref_squeeze %dma_start3A_538 : memref<1x1x128xi32, #tpu.memory_space<vmem>> -> memref<128xi32, #tpu.memory_space<vmem>>
      %dma_start3A_540 = arith.constant 0 : i32
      %dma_start3A_541 = arith.constant 0 : i32
      %dma_start3A_542 = tpu.memref_slice %arg10[%dma_start3A_540, %dma_start3A_541] : memref<100352x8xf32, #tpu.memory_space<vmem_shared>> -> memref<100352x8xf32, #tpu.memory_space<vmem_shared>>
      tpu.enqueue_indirect_dma source(%dma_start3A_536 : memref<128x8xf32, #tpu.memory_space<vmem>>) target(%dma_start3A_542 : memref<100352x8xf32, #tpu.memory_space<vmem_shared>>) offsets(%dma_start3A_539 : memref<128xi32, #tpu.memory_space<vmem>>) semaphore(%arg14 : memref<!tpu.dma_semaphore, #tpu.memory_space<semaphore_mem>>) {add = true}
      %dma_start3A_543 = arith.constant 0 : i32
      %dma_start3A_544 = arith.constant 0 : i32
      %dma_start3A_545 = arith.constant 9 : i32
      %dma_start3A_546 = arith.constant 1152 : i32
      %dma_start3A_547 = arith.constant 0 : i32
      %dma_start3A_548 = tpu.memref_slice %arg9[%dma_start3A_543, %dma_start3A_546, %dma_start3A_547] : memref<2x1280x8xf32, #tpu.memory_space<vmem>> -> memref<1x128x8xf32, #tpu.memory_space<vmem>>
      %dma_start3A_549 = tpu.memref_squeeze %dma_start3A_548 : memref<1x128x8xf32, #tpu.memory_space<vmem>> -> memref<128x8xf32, #tpu.memory_space<vmem>>
      %dma_start3A_550 = arith.constant 0 : i32
      %dma_start3A_551 = tpu.memref_slice %arg8[%dma_start3A_544, %dma_start3A_545, %dma_start3A_550] : memref<2x10x128xi32, #tpu.memory_space<vmem>> -> memref<1x1x128xi32, #tpu.memory_space<vmem>>
      %dma_start3A_552 = tpu.memref_squeeze %dma_start3A_551 : memref<1x1x128xi32, #tpu.memory_space<vmem>> -> memref<128xi32, #tpu.memory_space<vmem>>
      %dma_start3A_553 = arith.constant 0 : i32
      %dma_start3A_554 = arith.constant 0 : i32
      %dma_start3A_555 = tpu.memref_slice %arg10[%dma_start3A_553, %dma_start3A_554] : memref<100352x8xf32, #tpu.memory_space<vmem_shared>> -> memref<100352x8xf32, #tpu.memory_space<vmem_shared>>
      tpu.enqueue_indirect_dma source(%dma_start3A_549 : memref<128x8xf32, #tpu.memory_space<vmem>>) target(%dma_start3A_555 : memref<100352x8xf32, #tpu.memory_space<vmem_shared>>) offsets(%dma_start3A_552 : memref<128xi32, #tpu.memory_space<vmem>>) semaphore(%arg14 : memref<!tpu.dma_semaphore, #tpu.memory_space<semaphore_mem>>) {add = true}
      %add3A_556 = arith.constant 1 : i32
      %add3A_557 = arith.addi %scan3A_268, %add3A_556 : i32
      %lt3A = arith.constant 20 : i32
      %lt3A_558 = arith.cmpi slt, %add3A_557, %lt3A : i32
      %convert_element_type3A_559 = arith.extui %lt3A_558 : i1 to i32
      %cond3A_560 = arith.constant 0 : i32
      %cond3A_561 = arith.cmpi ne, %convert_element_type3A_559, %cond3A_560 : i32
      scf.if %cond3A_561 {
        %dma_wait3A_708 = arith.constant 0 : i32
        %dma_wait3A_709 = arith.constant 0 : i32
        %dma_wait3A_710 = arith.constant 0 : i32
        %dma_wait3A_711 = tpu.memref_slice %arg9[%dma_wait3A_708, %dma_wait3A_709, %dma_wait3A_710] : memref<2x1280x8xf32, #tpu.memory_space<vmem>> -> memref<1x1280x8xf32, #tpu.memory_space<vmem>>
        %dma_wait3A_712 = tpu.memref_squeeze %dma_wait3A_711 : memref<1x1280x8xf32, #tpu.memory_space<vmem>> -> memref<1280x8xf32, #tpu.memory_space<vmem>>
        %dma_wait3A_713 = arith.constant 0 : i32
        %dma_wait3A_714 = arith.constant 0 : i32
        %dma_wait3A_715 = tpu.memref_slice %arg10[%dma_wait3A_713, %dma_wait3A_714] : memref<100352x8xf32, #tpu.memory_space<vmem_shared>> -> memref<1280x8xf32, #tpu.memory_space<vmem_shared>>
        %dma_wait3A_716 = arith.constant 0 : i32
        %dma_wait3A_717 = arith.constant 0 : i32
        %dma_wait3A_718 = tpu.memref_slice %arg10[%dma_wait3A_716, %dma_wait3A_717] : memref<100352x8xf32, #tpu.memory_space<vmem_shared>> -> memref<1280x8xf32, #tpu.memory_space<vmem_shared>>
        %dma_wait3A_719 = arith.constant 0 : i32
        %dma_wait3A_720 = arith.constant 0 : i32
        %dma_wait3A_721 = tpu.memref_slice %arg9[%dma_wait3A_708, %dma_wait3A_719, %dma_wait3A_720] : memref<2x1280x8xf32, #tpu.memory_space<vmem>> -> memref<1x1280x8xf32, #tpu.memory_space<vmem>>
        %dma_wait3A_722 = tpu.memref_squeeze %dma_wait3A_721 : memref<1x1280x8xf32, #tpu.memory_space<vmem>> -> memref<1280x8xf32, #tpu.memory_space<vmem>>
        tpu.wait_dma2 semaphore(%arg14 : memref<!tpu.dma_semaphore, #tpu.memory_space<semaphore_mem>>) src(%dma_wait3A_722 : memref<1280x8xf32, #tpu.memory_space<vmem>>) dst(%dma_wait3A_718 : memref<1280x8xf32, #tpu.memory_space<vmem_shared>>)
        %add3A_723 = arith.constant 2 : i32
        %add3A_724 = arith.addi %mul3A_271, %add3A_723 : i32
        %mul3A_725 = arith.constant 10 : i32
        %mul3A_726 = arith.muli %add3A_724, %mul3A_725 : i32
        %add3A_727 = arith.addi %mul3A_46, %mul3A_726 : i32
        %run_scoped3A_728 = arith.constant 0 : i32
        "tpu.region"() ({
          %run_scoped3A_860 = tpu.sem_alloc : memref<!tpu.dma_semaphore, #tpu.memory_space<semaphore_mem>>
          %dma_start3A_861 = arith.constant 0 : i32
          %dma_start3A_862 = arith.constant 0 : i32
          %dma_start3A_863 = tpu.memref_slice %arg7[%run_scoped3A_728, %dma_start3A_861, %dma_start3A_862] : memref<2x10x128xi32, #tpu.memory_space<vmem>> -> memref<1x10x128xi32, #tpu.memory_space<vmem>>
          %dma_start3A_864 = tpu.memref_squeeze %dma_start3A_863 : memref<1x10x128xi32, #tpu.memory_space<vmem>> -> memref<10x128xi32, #tpu.memory_space<vmem>>
          %dma_start3A_865 = arith.constant 0 : i32
          %dma_start3A_866 = tpu.memref_slice %arg2[%add3A_727, %dma_start3A_865] : memref<12800x128xi32, #tpu.memory_space<hbm>> -> memref<10x128xi32, #tpu.memory_space<hbm>>
          %dma_start3A_867 = arith.constant 0 : i32
          %dma_start3A_868 = arith.constant 0 : i32
          %dma_start3A_869 = tpu.memref_slice %arg7[%run_scoped3A_728, %dma_start3A_867, %dma_start3A_868] : memref<2x10x128xi32, #tpu.memory_space<vmem>> -> memref<1x10x128xi32, #tpu.memory_space<vmem>>
          %dma_start3A_870 = tpu.memref_squeeze %dma_start3A_869 : memref<1x10x128xi32, #tpu.memory_space<vmem>> -> memref<10x128xi32, #tpu.memory_space<vmem>>
          %dma_start3A_871 = arith.constant 0 : i32
          %dma_start3A_872 = tpu.memref_slice %arg2[%add3A_727, %dma_start3A_871] : memref<12800x128xi32, #tpu.memory_space<hbm>> -> memref<10x128xi32, #tpu.memory_space<hbm>>
          tpu.enqueue_dma source(%dma_start3A_872 : memref<10x128xi32, #tpu.memory_space<hbm>>) target(%dma_start3A_870 : memref<10x128xi32, #tpu.memory_space<vmem>>) target_semaphore(%run_scoped3A_860 : memref<!tpu.dma_semaphore, #tpu.memory_space<semaphore_mem>>)
          %dma_wait3A_873 = arith.constant 0 : i32
          %dma_wait3A_874 = arith.constant 0 : i32
          %dma_wait3A_875 = tpu.memref_slice %arg7[%run_scoped3A_728, %dma_wait3A_873, %dma_wait3A_874] : memref<2x10x128xi32, #tpu.memory_space<vmem>> -> memref<1x10x128xi32, #tpu.memory_space<vmem>>
          %dma_wait3A_876 = tpu.memref_squeeze %dma_wait3A_875 : memref<1x10x128xi32, #tpu.memory_space<vmem>> -> memref<10x128xi32, #tpu.memory_space<vmem>>
          %dma_wait3A_877 = arith.constant 0 : i32
          %dma_wait3A_878 = tpu.memref_slice %arg2[%add3A_727, %dma_wait3A_877] : memref<12800x128xi32, #tpu.memory_space<hbm>> -> memref<10x128xi32, #tpu.memory_space<hbm>>
          %dma_wait3A_879 = arith.constant 0 : i32
          %dma_wait3A_880 = arith.constant 0 : i32
          %dma_wait3A_881 = tpu.memref_slice %arg7[%run_scoped3A_728, %dma_wait3A_879, %dma_wait3A_880] : memref<2x10x128xi32, #tpu.memory_space<vmem>> -> memref<1x10x128xi32, #tpu.memory_space<vmem>>
          %dma_wait3A_882 = tpu.memref_squeeze %dma_wait3A_881 : memref<1x10x128xi32, #tpu.memory_space<vmem>> -> memref<10x128xi32, #tpu.memory_space<vmem>>
          %dma_wait3A_883 = arith.constant 0 : i32
          %dma_wait3A_884 = tpu.memref_slice %arg2[%add3A_727, %dma_wait3A_883] : memref<12800x128xi32, #tpu.memory_space<hbm>> -> memref<10x128xi32, #tpu.memory_space<hbm>>
          tpu.wait_dma2 semaphore(%run_scoped3A_860 : memref<!tpu.dma_semaphore, #tpu.memory_space<semaphore_mem>>) src(%dma_wait3A_884 : memref<10x128xi32, #tpu.memory_space<hbm>>) dst(%dma_wait3A_882 : memref<10x128xi32, #tpu.memory_space<vmem>>)
          tpu.yield
        }) : () -> ()
        %run_scoped3A_729 = arith.constant 0 : i32
        "tpu.region"() ({
          %run_scoped3A_860 = tpu.sem_alloc : memref<!tpu.dma_semaphore, #tpu.memory_space<semaphore_mem>>
          %dma_start3A_861 = arith.constant 0 : i32
          %dma_start3A_862 = arith.constant 0 : i32
          %dma_start3A_863 = tpu.memref_slice %arg8[%run_scoped3A_729, %dma_start3A_861, %dma_start3A_862] : memref<2x10x128xi32, #tpu.memory_space<vmem>> -> memref<1x10x128xi32, #tpu.memory_space<vmem>>
          %dma_start3A_864 = tpu.memref_squeeze %dma_start3A_863 : memref<1x10x128xi32, #tpu.memory_space<vmem>> -> memref<10x128xi32, #tpu.memory_space<vmem>>
          %dma_start3A_865 = arith.constant 0 : i32
          %dma_start3A_866 = tpu.memref_slice %arg3[%add3A_727, %dma_start3A_865] : memref<12800x128xi32, #tpu.memory_space<hbm>> -> memref<10x128xi32, #tpu.memory_space<hbm>>
          %dma_start3A_867 = arith.constant 0 : i32
          %dma_start3A_868 = arith.constant 0 : i32
          %dma_start3A_869 = tpu.memref_slice %arg8[%run_scoped3A_729, %dma_start3A_867, %dma_start3A_868] : memref<2x10x128xi32, #tpu.memory_space<vmem>> -> memref<1x10x128xi32, #tpu.memory_space<vmem>>
          %dma_start3A_870 = tpu.memref_squeeze %dma_start3A_869 : memref<1x10x128xi32, #tpu.memory_space<vmem>> -> memref<10x128xi32, #tpu.memory_space<vmem>>
          %dma_start3A_871 = arith.constant 0 : i32
          %dma_start3A_872 = tpu.memref_slice %arg3[%add3A_727, %dma_start3A_871] : memref<12800x128xi32, #tpu.memory_space<hbm>> -> memref<10x128xi32, #tpu.memory_space<hbm>>
          tpu.enqueue_dma source(%dma_start3A_872 : memref<10x128xi32, #tpu.memory_space<hbm>>) target(%dma_start3A_870 : memref<10x128xi32, #tpu.memory_space<vmem>>) target_semaphore(%run_scoped3A_860 : memref<!tpu.dma_semaphore, #tpu.memory_space<semaphore_mem>>)
          %dma_wait3A_873 = arith.constant 0 : i32
          %dma_wait3A_874 = arith.constant 0 : i32
          %dma_wait3A_875 = tpu.memref_slice %arg8[%run_scoped3A_729, %dma_wait3A_873, %dma_wait3A_874] : memref<2x10x128xi32, #tpu.memory_space<vmem>> -> memref<1x10x128xi32, #tpu.memory_space<vmem>>
          %dma_wait3A_876 = tpu.memref_squeeze %dma_wait3A_875 : memref<1x10x128xi32, #tpu.memory_space<vmem>> -> memref<10x128xi32, #tpu.memory_space<vmem>>
          %dma_wait3A_877 = arith.constant 0 : i32
          %dma_wait3A_878 = tpu.memref_slice %arg3[%add3A_727, %dma_wait3A_877] : memref<12800x128xi32, #tpu.memory_space<hbm>> -> memref<10x128xi32, #tpu.memory_space<hbm>>
          %dma_wait3A_879 = arith.constant 0 : i32
          %dma_wait3A_880 = arith.constant 0 : i32
          %dma_wait3A_881 = tpu.memref_slice %arg8[%run_scoped3A_729, %dma_wait3A_879, %dma_wait3A_880] : memref<2x10x128xi32, #tpu.memory_space<vmem>> -> memref<1x10x128xi32, #tpu.memory_space<vmem>>
          %dma_wait3A_882 = tpu.memref_squeeze %dma_wait3A_881 : memref<1x10x128xi32, #tpu.memory_space<vmem>> -> memref<10x128xi32, #tpu.memory_space<vmem>>
          %dma_wait3A_883 = arith.constant 0 : i32
          %dma_wait3A_884 = tpu.memref_slice %arg3[%add3A_727, %dma_wait3A_883] : memref<12800x128xi32, #tpu.memory_space<hbm>> -> memref<10x128xi32, #tpu.memory_space<hbm>>
          tpu.wait_dma2 semaphore(%run_scoped3A_860 : memref<!tpu.dma_semaphore, #tpu.memory_space<semaphore_mem>>) src(%dma_wait3A_884 : memref<10x128xi32, #tpu.memory_space<hbm>>) dst(%dma_wait3A_882 : memref<10x128xi32, #tpu.memory_space<vmem>>)
          tpu.yield
        }) : () -> ()
        %dma_start3A_730 = arith.constant 0 : i32
        %dma_start3A_731 = arith.constant 0 : i32
        %dma_start3A_732 = arith.constant 0 : i32
        %dma_start3A_733 = arith.constant 0 : i32
        %dma_start3A_734 = arith.constant 0 : i32
        %dma_start3A_735 = tpu.memref_slice %arg9[%dma_start3A_732, %dma_start3A_733, %dma_start3A_734] : memref<2x1280x8xf32, #tpu.memory_space<vmem>> -> memref<1x128x8xf32, #tpu.memory_space<vmem>>
        %dma_start3A_736 = tpu.memref_squeeze %dma_start3A_735 : memref<1x128x8xf32, #tpu.memory_space<vmem>> -> memref<128x8xf32, #tpu.memory_space<vmem>>
        %dma_start3A_737 = arith.constant 0 : i32
        %dma_start3A_738 = tpu.memref_slice %arg7[%dma_start3A_730, %dma_start3A_731, %dma_start3A_737] : memref<2x10x128xi32, #tpu.memory_space<vmem>> -> memref<1x1x128xi32, #tpu.memory_space<vmem>>
        %dma_start3A_739 = tpu.memref_squeeze %dma_start3A_738 : memref<1x1x128xi32, #tpu.memory_space<vmem>> -> memref<128xi32, #tpu.memory_space<vmem>>
        %dma_start3A_740 = arith.constant 0 : i32
        %dma_start3A_741 = arith.constant 0 : i32
        %dma_start3A_742 = tpu.memref_slice %arg11[%dma_start3A_740, %dma_start3A_741] : memref<100352x8xf32, #tpu.memory_space<vmem_shared>> -> memref<100352x8xf32, #tpu.memory_space<vmem_shared>>
        tpu.enqueue_indirect_dma source(%dma_start3A_742 : memref<100352x8xf32, #tpu.memory_space<vmem_shared>>) target(%dma_start3A_736 : memref<128x8xf32, #tpu.memory_space<vmem>>) offsets(%dma_start3A_739 : memref<128xi32, #tpu.memory_space<vmem>>) semaphore(%arg12 : memref<!tpu.dma_semaphore, #tpu.memory_space<semaphore_mem>>)
        %dma_start3A_743 = arith.constant 0 : i32
        %dma_start3A_744 = arith.constant 1 : i32
        %dma_start3A_745 = arith.constant 0 : i32
        %dma_start3A_746 = arith.constant 128 : i32
        %dma_start3A_747 = arith.constant 0 : i32
        %dma_start3A_748 = tpu.memref_slice %arg9[%dma_start3A_745, %dma_start3A_746, %dma_start3A_747] : memref<2x1280x8xf32, #tpu.memory_space<vmem>> -> memref<1x128x8xf32, #tpu.memory_space<vmem>>
        %dma_start3A_749 = tpu.memref_squeeze %dma_start3A_748 : memref<1x128x8xf32, #tpu.memory_space<vmem>> -> memref<128x8xf32, #tpu.memory_space<vmem>>
        %dma_start3A_750 = arith.constant 0 : i32
        %dma_start3A_751 = tpu.memref_slice %arg7[%dma_start3A_743, %dma_start3A_744, %dma_start3A_750] : memref<2x10x128xi32, #tpu.memory_space<vmem>> -> memref<1x1x128xi32, #tpu.memory_space<vmem>>
        %dma_start3A_752 = tpu.memref_squeeze %dma_start3A_751 : memref<1x1x128xi32, #tpu.memory_space<vmem>> -> memref<128xi32, #tpu.memory_space<vmem>>
        %dma_start3A_753 = arith.constant 0 : i32
        %dma_start3A_754 = arith.constant 0 : i32
        %dma_start3A_755 = tpu.memref_slice %arg11[%dma_start3A_753, %dma_start3A_754] : memref<100352x8xf32, #tpu.memory_space<vmem_shared>> -> memref<100352x8xf32, #tpu.memory_space<vmem_shared>>
        tpu.enqueue_indirect_dma source(%dma_start3A_755 : memref<100352x8xf32, #tpu.memory_space<vmem_shared>>) target(%dma_start3A_749 : memref<128x8xf32, #tpu.memory_space<vmem>>) offsets(%dma_start3A_752 : memref<128xi32, #tpu.memory_space<vmem>>) semaphore(%arg12 : memref<!tpu.dma_semaphore, #tpu.memory_space<semaphore_mem>>)
        %dma_start3A_756 = arith.constant 0 : i32
        %dma_start3A_757 = arith.constant 2 : i32
        %dma_start3A_758 = arith.constant 0 : i32
        %dma_start3A_759 = arith.constant 256 : i32
        %dma_start3A_760 = arith.constant 0 : i32
        %dma_start3A_761 = tpu.memref_slice %arg9[%dma_start3A_758, %dma_start3A_759, %dma_start3A_760] : memref<2x1280x8xf32, #tpu.memory_space<vmem>> -> memref<1x128x8xf32, #tpu.memory_space<vmem>>
        %dma_start3A_762 = tpu.memref_squeeze %dma_start3A_761 : memref<1x128x8xf32, #tpu.memory_space<vmem>> -> memref<128x8xf32, #tpu.memory_space<vmem>>
        %dma_start3A_763 = arith.constant 0 : i32
        %dma_start3A_764 = tpu.memref_slice %arg7[%dma_start3A_756, %dma_start3A_757, %dma_start3A_763] : memref<2x10x128xi32, #tpu.memory_space<vmem>> -> memref<1x1x128xi32, #tpu.memory_space<vmem>>
        %dma_start3A_765 = tpu.memref_squeeze %dma_start3A_764 : memref<1x1x128xi32, #tpu.memory_space<vmem>> -> memref<128xi32, #tpu.memory_space<vmem>>
        %dma_start3A_766 = arith.constant 0 : i32
        %dma_start3A_767 = arith.constant 0 : i32
        %dma_start3A_768 = tpu.memref_slice %arg11[%dma_start3A_766, %dma_start3A_767] : memref<100352x8xf32, #tpu.memory_space<vmem_shared>> -> memref<100352x8xf32, #tpu.memory_space<vmem_shared>>
        tpu.enqueue_indirect_dma source(%dma_start3A_768 : memref<100352x8xf32, #tpu.memory_space<vmem_shared>>) target(%dma_start3A_762 : memref<128x8xf32, #tpu.memory_space<vmem>>) offsets(%dma_start3A_765 : memref<128xi32, #tpu.memory_space<vmem>>) semaphore(%arg12 : memref<!tpu.dma_semaphore, #tpu.memory_space<semaphore_mem>>)
        %dma_start3A_769 = arith.constant 0 : i32
        %dma_start3A_770 = arith.constant 3 : i32
        %dma_start3A_771 = arith.constant 0 : i32
        %dma_start3A_772 = arith.constant 384 : i32
        %dma_start3A_773 = arith.constant 0 : i32
        %dma_start3A_774 = tpu.memref_slice %arg9[%dma_start3A_771, %dma_start3A_772, %dma_start3A_773] : memref<2x1280x8xf32, #tpu.memory_space<vmem>> -> memref<1x128x8xf32, #tpu.memory_space<vmem>>
        %dma_start3A_775 = tpu.memref_squeeze %dma_start3A_774 : memref<1x128x8xf32, #tpu.memory_space<vmem>> -> memref<128x8xf32, #tpu.memory_space<vmem>>
        %dma_start3A_776 = arith.constant 0 : i32
        %dma_start3A_777 = tpu.memref_slice %arg7[%dma_start3A_769, %dma_start3A_770, %dma_start3A_776] : memref<2x10x128xi32, #tpu.memory_space<vmem>> -> memref<1x1x128xi32, #tpu.memory_space<vmem>>
        %dma_start3A_778 = tpu.memref_squeeze %dma_start3A_777 : memref<1x1x128xi32, #tpu.memory_space<vmem>> -> memref<128xi32, #tpu.memory_space<vmem>>
        %dma_start3A_779 = arith.constant 0 : i32
        %dma_start3A_780 = arith.constant 0 : i32
        %dma_start3A_781 = tpu.memref_slice %arg11[%dma_start3A_779, %dma_start3A_780] : memref<100352x8xf32, #tpu.memory_space<vmem_shared>> -> memref<100352x8xf32, #tpu.memory_space<vmem_shared>>
        tpu.enqueue_indirect_dma source(%dma_start3A_781 : memref<100352x8xf32, #tpu.memory_space<vmem_shared>>) target(%dma_start3A_775 : memref<128x8xf32, #tpu.memory_space<vmem>>) offsets(%dma_start3A_778 : memref<128xi32, #tpu.memory_space<vmem>>) semaphore(%arg12 : memref<!tpu.dma_semaphore, #tpu.memory_space<semaphore_mem>>)
        %dma_start3A_782 = arith.constant 0 : i32
        %dma_start3A_783 = arith.constant 4 : i32
        %dma_start3A_784 = arith.constant 0 : i32
        %dma_start3A_785 = arith.constant 512 : i32
        %dma_start3A_786 = arith.constant 0 : i32
        %dma_start3A_787 = tpu.memref_slice %arg9[%dma_start3A_784, %dma_start3A_785, %dma_start3A_786] : memref<2x1280x8xf32, #tpu.memory_space<vmem>> -> memref<1x128x8xf32, #tpu.memory_space<vmem>>
        %dma_start3A_788 = tpu.memref_squeeze %dma_start3A_787 : memref<1x128x8xf32, #tpu.memory_space<vmem>> -> memref<128x8xf32, #tpu.memory_space<vmem>>
        %dma_start3A_789 = arith.constant 0 : i32
        %dma_start3A_790 = tpu.memref_slice %arg7[%dma_start3A_782, %dma_start3A_783, %dma_start3A_789] : memref<2x10x128xi32, #tpu.memory_space<vmem>> -> memref<1x1x128xi32, #tpu.memory_space<vmem>>
        %dma_start3A_791 = tpu.memref_squeeze %dma_start3A_790 : memref<1x1x128xi32, #tpu.memory_space<vmem>> -> memref<128xi32, #tpu.memory_space<vmem>>
        %dma_start3A_792 = arith.constant 0 : i32
        %dma_start3A_793 = arith.constant 0 : i32
        %dma_start3A_794 = tpu.memref_slice %arg11[%dma_start3A_792, %dma_start3A_793] : memref<100352x8xf32, #tpu.memory_space<vmem_shared>> -> memref<100352x8xf32, #tpu.memory_space<vmem_shared>>
        tpu.enqueue_indirect_dma source(%dma_start3A_794 : memref<100352x8xf32, #tpu.memory_space<vmem_shared>>) target(%dma_start3A_788 : memref<128x8xf32, #tpu.memory_space<vmem>>) offsets(%dma_start3A_791 : memref<128xi32, #tpu.memory_space<vmem>>) semaphore(%arg12 : memref<!tpu.dma_semaphore, #tpu.memory_space<semaphore_mem>>)
        %dma_start3A_795 = arith.constant 0 : i32
        %dma_start3A_796 = arith.constant 5 : i32
        %dma_start3A_797 = arith.constant 0 : i32
        %dma_start3A_798 = arith.constant 640 : i32
        %dma_start3A_799 = arith.constant 0 : i32
        %dma_start3A_800 = tpu.memref_slice %arg9[%dma_start3A_797, %dma_start3A_798, %dma_start3A_799] : memref<2x1280x8xf32, #tpu.memory_space<vmem>> -> memref<1x128x8xf32, #tpu.memory_space<vmem>>
        %dma_start3A_801 = tpu.memref_squeeze %dma_start3A_800 : memref<1x128x8xf32, #tpu.memory_space<vmem>> -> memref<128x8xf32, #tpu.memory_space<vmem>>
        %dma_start3A_802 = arith.constant 0 : i32
        %dma_start3A_803 = tpu.memref_slice %arg7[%dma_start3A_795, %dma_start3A_796, %dma_start3A_802] : memref<2x10x128xi32, #tpu.memory_space<vmem>> -> memref<1x1x128xi32, #tpu.memory_space<vmem>>
        %dma_start3A_804 = tpu.memref_squeeze %dma_start3A_803 : memref<1x1x128xi32, #tpu.memory_space<vmem>> -> memref<128xi32, #tpu.memory_space<vmem>>
        %dma_start3A_805 = arith.constant 0 : i32
        %dma_start3A_806 = arith.constant 0 : i32
        %dma_start3A_807 = tpu.memref_slice %arg11[%dma_start3A_805, %dma_start3A_806] : memref<100352x8xf32, #tpu.memory_space<vmem_shared>> -> memref<100352x8xf32, #tpu.memory_space<vmem_shared>>
        tpu.enqueue_indirect_dma source(%dma_start3A_807 : memref<100352x8xf32, #tpu.memory_space<vmem_shared>>) target(%dma_start3A_801 : memref<128x8xf32, #tpu.memory_space<vmem>>) offsets(%dma_start3A_804 : memref<128xi32, #tpu.memory_space<vmem>>) semaphore(%arg12 : memref<!tpu.dma_semaphore, #tpu.memory_space<semaphore_mem>>)
        %dma_start3A_808 = arith.constant 0 : i32
        %dma_start3A_809 = arith.constant 6 : i32
        %dma_start3A_810 = arith.constant 0 : i32
        %dma_start3A_811 = arith.constant 768 : i32
        %dma_start3A_812 = arith.constant 0 : i32
        %dma_start3A_813 = tpu.memref_slice %arg9[%dma_start3A_810, %dma_start3A_811, %dma_start3A_812] : memref<2x1280x8xf32, #tpu.memory_space<vmem>> -> memref<1x128x8xf32, #tpu.memory_space<vmem>>
        %dma_start3A_814 = tpu.memref_squeeze %dma_start3A_813 : memref<1x128x8xf32, #tpu.memory_space<vmem>> -> memref<128x8xf32, #tpu.memory_space<vmem>>
        %dma_start3A_815 = arith.constant 0 : i32
        %dma_start3A_816 = tpu.memref_slice %arg7[%dma_start3A_808, %dma_start3A_809, %dma_start3A_815] : memref<2x10x128xi32, #tpu.memory_space<vmem>> -> memref<1x1x128xi32, #tpu.memory_space<vmem>>
        %dma_start3A_817 = tpu.memref_squeeze %dma_start3A_816 : memref<1x1x128xi32, #tpu.memory_space<vmem>> -> memref<128xi32, #tpu.memory_space<vmem>>
        %dma_start3A_818 = arith.constant 0 : i32
        %dma_start3A_819 = arith.constant 0 : i32
        %dma_start3A_820 = tpu.memref_slice %arg11[%dma_start3A_818, %dma_start3A_819] : memref<100352x8xf32, #tpu.memory_space<vmem_shared>> -> memref<100352x8xf32, #tpu.memory_space<vmem_shared>>
        tpu.enqueue_indirect_dma source(%dma_start3A_820 : memref<100352x8xf32, #tpu.memory_space<vmem_shared>>) target(%dma_start3A_814 : memref<128x8xf32, #tpu.memory_space<vmem>>) offsets(%dma_start3A_817 : memref<128xi32, #tpu.memory_space<vmem>>) semaphore(%arg12 : memref<!tpu.dma_semaphore, #tpu.memory_space<semaphore_mem>>)
        %dma_start3A_821 = arith.constant 0 : i32
        %dma_start3A_822 = arith.constant 7 : i32
        %dma_start3A_823 = arith.constant 0 : i32
        %dma_start3A_824 = arith.constant 896 : i32
        %dma_start3A_825 = arith.constant 0 : i32
        %dma_start3A_826 = tpu.memref_slice %arg9[%dma_start3A_823, %dma_start3A_824, %dma_start3A_825] : memref<2x1280x8xf32, #tpu.memory_space<vmem>> -> memref<1x128x8xf32, #tpu.memory_space<vmem>>
        %dma_start3A_827 = tpu.memref_squeeze %dma_start3A_826 : memref<1x128x8xf32, #tpu.memory_space<vmem>> -> memref<128x8xf32, #tpu.memory_space<vmem>>
        %dma_start3A_828 = arith.constant 0 : i32
        %dma_start3A_829 = tpu.memref_slice %arg7[%dma_start3A_821, %dma_start3A_822, %dma_start3A_828] : memref<2x10x128xi32, #tpu.memory_space<vmem>> -> memref<1x1x128xi32, #tpu.memory_space<vmem>>
        %dma_start3A_830 = tpu.memref_squeeze %dma_start3A_829 : memref<1x1x128xi32, #tpu.memory_space<vmem>> -> memref<128xi32, #tpu.memory_space<vmem>>
        %dma_start3A_831 = arith.constant 0 : i32
        %dma_start3A_832 = arith.constant 0 : i32
        %dma_start3A_833 = tpu.memref_slice %arg11[%dma_start3A_831, %dma_start3A_832] : memref<100352x8xf32, #tpu.memory_space<vmem_shared>> -> memref<100352x8xf32, #tpu.memory_space<vmem_shared>>
        tpu.enqueue_indirect_dma source(%dma_start3A_833 : memref<100352x8xf32, #tpu.memory_space<vmem_shared>>) target(%dma_start3A_827 : memref<128x8xf32, #tpu.memory_space<vmem>>) offsets(%dma_start3A_830 : memref<128xi32, #tpu.memory_space<vmem>>) semaphore(%arg12 : memref<!tpu.dma_semaphore, #tpu.memory_space<semaphore_mem>>)
        %dma_start3A_834 = arith.constant 0 : i32
        %dma_start3A_835 = arith.constant 8 : i32
        %dma_start3A_836 = arith.constant 0 : i32
        %dma_start3A_837 = arith.constant 1024 : i32
        %dma_start3A_838 = arith.constant 0 : i32
        %dma_start3A_839 = tpu.memref_slice %arg9[%dma_start3A_836, %dma_start3A_837, %dma_start3A_838] : memref<2x1280x8xf32, #tpu.memory_space<vmem>> -> memref<1x128x8xf32, #tpu.memory_space<vmem>>
        %dma_start3A_840 = tpu.memref_squeeze %dma_start3A_839 : memref<1x128x8xf32, #tpu.memory_space<vmem>> -> memref<128x8xf32, #tpu.memory_space<vmem>>
        %dma_start3A_841 = arith.constant 0 : i32
        %dma_start3A_842 = tpu.memref_slice %arg7[%dma_start3A_834, %dma_start3A_835, %dma_start3A_841] : memref<2x10x128xi32, #tpu.memory_space<vmem>> -> memref<1x1x128xi32, #tpu.memory_space<vmem>>
        %dma_start3A_843 = tpu.memref_squeeze %dma_start3A_842 : memref<1x1x128xi32, #tpu.memory_space<vmem>> -> memref<128xi32, #tpu.memory_space<vmem>>
        %dma_start3A_844 = arith.constant 0 : i32
        %dma_start3A_845 = arith.constant 0 : i32
        %dma_start3A_846 = tpu.memref_slice %arg11[%dma_start3A_844, %dma_start3A_845] : memref<100352x8xf32, #tpu.memory_space<vmem_shared>> -> memref<100352x8xf32, #tpu.memory_space<vmem_shared>>
        tpu.enqueue_indirect_dma source(%dma_start3A_846 : memref<100352x8xf32, #tpu.memory_space<vmem_shared>>) target(%dma_start3A_840 : memref<128x8xf32, #tpu.memory_space<vmem>>) offsets(%dma_start3A_843 : memref<128xi32, #tpu.memory_space<vmem>>) semaphore(%arg12 : memref<!tpu.dma_semaphore, #tpu.memory_space<semaphore_mem>>)
        %dma_start3A_847 = arith.constant 0 : i32
        %dma_start3A_848 = arith.constant 9 : i32
        %dma_start3A_849 = arith.constant 0 : i32
        %dma_start3A_850 = arith.constant 1152 : i32
        %dma_start3A_851 = arith.constant 0 : i32
        %dma_start3A_852 = tpu.memref_slice %arg9[%dma_start3A_849, %dma_start3A_850, %dma_start3A_851] : memref<2x1280x8xf32, #tpu.memory_space<vmem>> -> memref<1x128x8xf32, #tpu.memory_space<vmem>>
        %dma_start3A_853 = tpu.memref_squeeze %dma_start3A_852 : memref<1x128x8xf32, #tpu.memory_space<vmem>> -> memref<128x8xf32, #tpu.memory_space<vmem>>
        %dma_start3A_854 = arith.constant 0 : i32
        %dma_start3A_855 = tpu.memref_slice %arg7[%dma_start3A_847, %dma_start3A_848, %dma_start3A_854] : memref<2x10x128xi32, #tpu.memory_space<vmem>> -> memref<1x1x128xi32, #tpu.memory_space<vmem>>
        %dma_start3A_856 = tpu.memref_squeeze %dma_start3A_855 : memref<1x1x128xi32, #tpu.memory_space<vmem>> -> memref<128xi32, #tpu.memory_space<vmem>>
        %dma_start3A_857 = arith.constant 0 : i32
        %dma_start3A_858 = arith.constant 0 : i32
        %dma_start3A_859 = tpu.memref_slice %arg11[%dma_start3A_857, %dma_start3A_858] : memref<100352x8xf32, #tpu.memory_space<vmem_shared>> -> memref<100352x8xf32, #tpu.memory_space<vmem_shared>>
        tpu.enqueue_indirect_dma source(%dma_start3A_859 : memref<100352x8xf32, #tpu.memory_space<vmem_shared>>) target(%dma_start3A_853 : memref<128x8xf32, #tpu.memory_space<vmem>>) offsets(%dma_start3A_856 : memref<128xi32, #tpu.memory_space<vmem>>) semaphore(%arg12 : memref<!tpu.dma_semaphore, #tpu.memory_space<semaphore_mem>>)
      } else {
      }
      %dma_wait3A_562 = arith.constant 1 : i32
      %dma_wait3A_563 = arith.constant 0 : i32
      %dma_wait3A_564 = arith.constant 0 : i32
      %dma_wait3A_565 = tpu.memref_slice %arg9[%dma_wait3A_562, %dma_wait3A_563, %dma_wait3A_564] : memref<2x1280x8xf32, #tpu.memory_space<vmem>> -> memref<1x1280x8xf32, #tpu.memory_space<vmem>>
      %dma_wait3A_566 = tpu.memref_squeeze %dma_wait3A_565 : memref<1x1280x8xf32, #tpu.memory_space<vmem>> -> memref<1280x8xf32, #tpu.memory_space<vmem>>
      %dma_wait3A_567 = arith.constant 0 : i32
      %dma_wait3A_568 = arith.constant 0 : i32
      %dma_wait3A_569 = tpu.memref_slice %arg11[%dma_wait3A_567, %dma_wait3A_568] : memref<100352x8xf32, #tpu.memory_space<vmem_shared>> -> memref<1280x8xf32, #tpu.memory_space<vmem_shared>>
      %dma_wait3A_570 = arith.constant 0 : i32
      %dma_wait3A_571 = arith.constant 0 : i32
      %dma_wait3A_572 = tpu.memref_slice %arg9[%dma_wait3A_562, %dma_wait3A_570, %dma_wait3A_571] : memref<2x1280x8xf32, #tpu.memory_space<vmem>> -> memref<1x1280x8xf32, #tpu.memory_space<vmem>>
      %dma_wait3A_573 = tpu.memref_squeeze %dma_wait3A_572 : memref<1x1280x8xf32, #tpu.memory_space<vmem>> -> memref<1280x8xf32, #tpu.memory_space<vmem>>
      %dma_wait3A_574 = arith.constant 0 : i32
      %dma_wait3A_575 = arith.constant 0 : i32
      %dma_wait3A_576 = tpu.memref_slice %arg11[%dma_wait3A_574, %dma_wait3A_575] : memref<100352x8xf32, #tpu.memory_space<vmem_shared>> -> memref<1280x8xf32, #tpu.memory_space<vmem_shared>>
      tpu.wait_dma2 semaphore(%arg13 : memref<!tpu.dma_semaphore, #tpu.memory_space<semaphore_mem>>) src(%dma_wait3A_576 : memref<1280x8xf32, #tpu.memory_space<vmem_shared>>) dst(%dma_wait3A_573 : memref<1280x8xf32, #tpu.memory_space<vmem>>)
      %dma_start3A_577 = arith.constant 1 : i32
      %dma_start3A_578 = arith.constant 1 : i32
      %dma_start3A_579 = arith.constant 0 : i32
      %dma_start3A_580 = arith.constant 0 : i32
      %dma_start3A_581 = arith.constant 0 : i32
      %dma_start3A_582 = tpu.memref_slice %arg9[%dma_start3A_577, %dma_start3A_580, %dma_start3A_581] : memref<2x1280x8xf32, #tpu.memory_space<vmem>> -> memref<1x128x8xf32, #tpu.memory_space<vmem>>
      %dma_start3A_583 = tpu.memref_squeeze %dma_start3A_582 : memref<1x128x8xf32, #tpu.memory_space<vmem>> -> memref<128x8xf32, #tpu.memory_space<vmem>>
      %dma_start3A_584 = arith.constant 0 : i32
      %dma_start3A_585 = tpu.memref_slice %arg8[%dma_start3A_578, %dma_start3A_579, %dma_start3A_584] : memref<2x10x128xi32, #tpu.memory_space<vmem>> -> memref<1x1x128xi32, #tpu.memory_space<vmem>>
      %dma_start3A_586 = tpu.memref_squeeze %dma_start3A_585 : memref<1x1x128xi32, #tpu.memory_space<vmem>> -> memref<128xi32, #tpu.memory_space<vmem>>
      %dma_start3A_587 = arith.constant 0 : i32
      %dma_start3A_588 = arith.constant 0 : i32
      %dma_start3A_589 = tpu.memref_slice %arg10[%dma_start3A_587, %dma_start3A_588] : memref<100352x8xf32, #tpu.memory_space<vmem_shared>> -> memref<100352x8xf32, #tpu.memory_space<vmem_shared>>
      tpu.enqueue_indirect_dma source(%dma_start3A_583 : memref<128x8xf32, #tpu.memory_space<vmem>>) target(%dma_start3A_589 : memref<100352x8xf32, #tpu.memory_space<vmem_shared>>) offsets(%dma_start3A_586 : memref<128xi32, #tpu.memory_space<vmem>>) semaphore(%arg15 : memref<!tpu.dma_semaphore, #tpu.memory_space<semaphore_mem>>) {add = true}
      %dma_start3A_590 = arith.constant 1 : i32
      %dma_start3A_591 = arith.constant 1 : i32
      %dma_start3A_592 = arith.constant 1 : i32
      %dma_start3A_593 = arith.constant 128 : i32
      %dma_start3A_594 = arith.constant 0 : i32
      %dma_start3A_595 = tpu.memref_slice %arg9[%dma_start3A_590, %dma_start3A_593, %dma_start3A_594] : memref<2x1280x8xf32, #tpu.memory_space<vmem>> -> memref<1x128x8xf32, #tpu.memory_space<vmem>>
      %dma_start3A_596 = tpu.memref_squeeze %dma_start3A_595 : memref<1x128x8xf32, #tpu.memory_space<vmem>> -> memref<128x8xf32, #tpu.memory_space<vmem>>
      %dma_start3A_597 = arith.constant 0 : i32
      %dma_start3A_598 = tpu.memref_slice %arg8[%dma_start3A_591, %dma_start3A_592, %dma_start3A_597] : memref<2x10x128xi32, #tpu.memory_space<vmem>> -> memref<1x1x128xi32, #tpu.memory_space<vmem>>
      %dma_start3A_599 = tpu.memref_squeeze %dma_start3A_598 : memref<1x1x128xi32, #tpu.memory_space<vmem>> -> memref<128xi32, #tpu.memory_space<vmem>>
      %dma_start3A_600 = arith.constant 0 : i32
      %dma_start3A_601 = arith.constant 0 : i32
      %dma_start3A_602 = tpu.memref_slice %arg10[%dma_start3A_600, %dma_start3A_601] : memref<100352x8xf32, #tpu.memory_space<vmem_shared>> -> memref<100352x8xf32, #tpu.memory_space<vmem_shared>>
      tpu.enqueue_indirect_dma source(%dma_start3A_596 : memref<128x8xf32, #tpu.memory_space<vmem>>) target(%dma_start3A_602 : memref<100352x8xf32, #tpu.memory_space<vmem_shared>>) offsets(%dma_start3A_599 : memref<128xi32, #tpu.memory_space<vmem>>) semaphore(%arg15 : memref<!tpu.dma_semaphore, #tpu.memory_space<semaphore_mem>>) {add = true}
      %dma_start3A_603 = arith.constant 1 : i32
      %dma_start3A_604 = arith.constant 1 : i32
      %dma_start3A_605 = arith.constant 2 : i32
      %dma_start3A_606 = arith.constant 256 : i32
      %dma_start3A_607 = arith.constant 0 : i32
      %dma_start3A_608 = tpu.memref_slice %arg9[%dma_start3A_603, %dma_start3A_606, %dma_start3A_607] : memref<2x1280x8xf32, #tpu.memory_space<vmem>> -> memref<1x128x8xf32, #tpu.memory_space<vmem>>
      %dma_start3A_609 = tpu.memref_squeeze %dma_start3A_608 : memref<1x128x8xf32, #tpu.memory_space<vmem>> -> memref<128x8xf32, #tpu.memory_space<vmem>>
      %dma_start3A_610 = arith.constant 0 : i32
      %dma_start3A_611 = tpu.memref_slice %arg8[%dma_start3A_604, %dma_start3A_605, %dma_start3A_610] : memref<2x10x128xi32, #tpu.memory_space<vmem>> -> memref<1x1x128xi32, #tpu.memory_space<vmem>>
      %dma_start3A_612 = tpu.memref_squeeze %dma_start3A_611 : memref<1x1x128xi32, #tpu.memory_space<vmem>> -> memref<128xi32, #tpu.memory_space<vmem>>
      %dma_start3A_613 = arith.constant 0 : i32
      %dma_start3A_614 = arith.constant 0 : i32
      %dma_start3A_615 = tpu.memref_slice %arg10[%dma_start3A_613, %dma_start3A_614] : memref<100352x8xf32, #tpu.memory_space<vmem_shared>> -> memref<100352x8xf32, #tpu.memory_space<vmem_shared>>
      tpu.enqueue_indirect_dma source(%dma_start3A_609 : memref<128x8xf32, #tpu.memory_space<vmem>>) target(%dma_start3A_615 : memref<100352x8xf32, #tpu.memory_space<vmem_shared>>) offsets(%dma_start3A_612 : memref<128xi32, #tpu.memory_space<vmem>>) semaphore(%arg15 : memref<!tpu.dma_semaphore, #tpu.memory_space<semaphore_mem>>) {add = true}
      %dma_start3A_616 = arith.constant 1 : i32
      %dma_start3A_617 = arith.constant 1 : i32
      %dma_start3A_618 = arith.constant 3 : i32
      %dma_start3A_619 = arith.constant 384 : i32
      %dma_start3A_620 = arith.constant 0 : i32
      %dma_start3A_621 = tpu.memref_slice %arg9[%dma_start3A_616, %dma_start3A_619, %dma_start3A_620] : memref<2x1280x8xf32, #tpu.memory_space<vmem>> -> memref<1x128x8xf32, #tpu.memory_space<vmem>>
      %dma_start3A_622 = tpu.memref_squeeze %dma_start3A_621 : memref<1x128x8xf32, #tpu.memory_space<vmem>> -> memref<128x8xf32, #tpu.memory_space<vmem>>
      %dma_start3A_623 = arith.constant 0 : i32
      %dma_start3A_624 = tpu.memref_slice %arg8[%dma_start3A_617, %dma_start3A_618, %dma_start3A_623] : memref<2x10x128xi32, #tpu.memory_space<vmem>> -> memref<1x1x128xi32, #tpu.memory_space<vmem>>
      %dma_start3A_625 = tpu.memref_squeeze %dma_start3A_624 : memref<1x1x128xi32, #tpu.memory_space<vmem>> -> memref<128xi32, #tpu.memory_space<vmem>>
      %dma_start3A_626 = arith.constant 0 : i32
      %dma_start3A_627 = arith.constant 0 : i32
      %dma_start3A_628 = tpu.memref_slice %arg10[%dma_start3A_626, %dma_start3A_627] : memref<100352x8xf32, #tpu.memory_space<vmem_shared>> -> memref<100352x8xf32, #tpu.memory_space<vmem_shared>>
      tpu.enqueue_indirect_dma source(%dma_start3A_622 : memref<128x8xf32, #tpu.memory_space<vmem>>) target(%dma_start3A_628 : memref<100352x8xf32, #tpu.memory_space<vmem_shared>>) offsets(%dma_start3A_625 : memref<128xi32, #tpu.memory_space<vmem>>) semaphore(%arg15 : memref<!tpu.dma_semaphore, #tpu.memory_space<semaphore_mem>>) {add = true}
      %dma_start3A_629 = arith.constant 1 : i32
      %dma_start3A_630 = arith.constant 1 : i32
      %dma_start3A_631 = arith.constant 4 : i32
      %dma_start3A_632 = arith.constant 512 : i32
      %dma_start3A_633 = arith.constant 0 : i32
      %dma_start3A_634 = tpu.memref_slice %arg9[%dma_start3A_629, %dma_start3A_632, %dma_start3A_633] : memref<2x1280x8xf32, #tpu.memory_space<vmem>> -> memref<1x128x8xf32, #tpu.memory_space<vmem>>
      %dma_start3A_635 = tpu.memref_squeeze %dma_start3A_634 : memref<1x128x8xf32, #tpu.memory_space<vmem>> -> memref<128x8xf32, #tpu.memory_space<vmem>>
      %dma_start3A_636 = arith.constant 0 : i32
      %dma_start3A_637 = tpu.memref_slice %arg8[%dma_start3A_630, %dma_start3A_631, %dma_start3A_636] : memref<2x10x128xi32, #tpu.memory_space<vmem>> -> memref<1x1x128xi32, #tpu.memory_space<vmem>>
      %dma_start3A_638 = tpu.memref_squeeze %dma_start3A_637 : memref<1x1x128xi32, #tpu.memory_space<vmem>> -> memref<128xi32, #tpu.memory_space<vmem>>
      %dma_start3A_639 = arith.constant 0 : i32
      %dma_start3A_640 = arith.constant 0 : i32
      %dma_start3A_641 = tpu.memref_slice %arg10[%dma_start3A_639, %dma_start3A_640] : memref<100352x8xf32, #tpu.memory_space<vmem_shared>> -> memref<100352x8xf32, #tpu.memory_space<vmem_shared>>
      tpu.enqueue_indirect_dma source(%dma_start3A_635 : memref<128x8xf32, #tpu.memory_space<vmem>>) target(%dma_start3A_641 : memref<100352x8xf32, #tpu.memory_space<vmem_shared>>) offsets(%dma_start3A_638 : memref<128xi32, #tpu.memory_space<vmem>>) semaphore(%arg15 : memref<!tpu.dma_semaphore, #tpu.memory_space<semaphore_mem>>) {add = true}
      %dma_start3A_642 = arith.constant 1 : i32
      %dma_start3A_643 = arith.constant 1 : i32
      %dma_start3A_644 = arith.constant 5 : i32
      %dma_start3A_645 = arith.constant 640 : i32
      %dma_start3A_646 = arith.constant 0 : i32
      %dma_start3A_647 = tpu.memref_slice %arg9[%dma_start3A_642, %dma_start3A_645, %dma_start3A_646] : memref<2x1280x8xf32, #tpu.memory_space<vmem>> -> memref<1x128x8xf32, #tpu.memory_space<vmem>>
      %dma_start3A_648 = tpu.memref_squeeze %dma_start3A_647 : memref<1x128x8xf32, #tpu.memory_space<vmem>> -> memref<128x8xf32, #tpu.memory_space<vmem>>
      %dma_start3A_649 = arith.constant 0 : i32
      %dma_start3A_650 = tpu.memref_slice %arg8[%dma_start3A_643, %dma_start3A_644, %dma_start3A_649] : memref<2x10x128xi32, #tpu.memory_space<vmem>> -> memref<1x1x128xi32, #tpu.memory_space<vmem>>
      %dma_start3A_651 = tpu.memref_squeeze %dma_start3A_650 : memref<1x1x128xi32, #tpu.memory_space<vmem>> -> memref<128xi32, #tpu.memory_space<vmem>>
      %dma_start3A_652 = arith.constant 0 : i32
      %dma_start3A_653 = arith.constant 0 : i32
      %dma_start3A_654 = tpu.memref_slice %arg10[%dma_start3A_652, %dma_start3A_653] : memref<100352x8xf32, #tpu.memory_space<vmem_shared>> -> memref<100352x8xf32, #tpu.memory_space<vmem_shared>>
      tpu.enqueue_indirect_dma source(%dma_start3A_648 : memref<128x8xf32, #tpu.memory_space<vmem>>) target(%dma_start3A_654 : memref<100352x8xf32, #tpu.memory_space<vmem_shared>>) offsets(%dma_start3A_651 : memref<128xi32, #tpu.memory_space<vmem>>) semaphore(%arg15 : memref<!tpu.dma_semaphore, #tpu.memory_space<semaphore_mem>>) {add = true}
      %dma_start3A_655 = arith.constant 1 : i32
      %dma_start3A_656 = arith.constant 1 : i32
      %dma_start3A_657 = arith.constant 6 : i32
      %dma_start3A_658 = arith.constant 768 : i32
      %dma_start3A_659 = arith.constant 0 : i32
      %dma_start3A_660 = tpu.memref_slice %arg9[%dma_start3A_655, %dma_start3A_658, %dma_start3A_659] : memref<2x1280x8xf32, #tpu.memory_space<vmem>> -> memref<1x128x8xf32, #tpu.memory_space<vmem>>
      %dma_start3A_661 = tpu.memref_squeeze %dma_start3A_660 : memref<1x128x8xf32, #tpu.memory_space<vmem>> -> memref<128x8xf32, #tpu.memory_space<vmem>>
      %dma_start3A_662 = arith.constant 0 : i32
      %dma_start3A_663 = tpu.memref_slice %arg8[%dma_start3A_656, %dma_start3A_657, %dma_start3A_662] : memref<2x10x128xi32, #tpu.memory_space<vmem>> -> memref<1x1x128xi32, #tpu.memory_space<vmem>>
      %dma_start3A_664 = tpu.memref_squeeze %dma_start3A_663 : memref<1x1x128xi32, #tpu.memory_space<vmem>> -> memref<128xi32, #tpu.memory_space<vmem>>
      %dma_start3A_665 = arith.constant 0 : i32
      %dma_start3A_666 = arith.constant 0 : i32
      %dma_start3A_667 = tpu.memref_slice %arg10[%dma_start3A_665, %dma_start3A_666] : memref<100352x8xf32, #tpu.memory_space<vmem_shared>> -> memref<100352x8xf32, #tpu.memory_space<vmem_shared>>
      tpu.enqueue_indirect_dma source(%dma_start3A_661 : memref<128x8xf32, #tpu.memory_space<vmem>>) target(%dma_start3A_667 : memref<100352x8xf32, #tpu.memory_space<vmem_shared>>) offsets(%dma_start3A_664 : memref<128xi32, #tpu.memory_space<vmem>>) semaphore(%arg15 : memref<!tpu.dma_semaphore, #tpu.memory_space<semaphore_mem>>) {add = true}
      %dma_start3A_668 = arith.constant 1 : i32
      %dma_start3A_669 = arith.constant 1 : i32
      %dma_start3A_670 = arith.constant 7 : i32
      %dma_start3A_671 = arith.constant 896 : i32
      %dma_start3A_672 = arith.constant 0 : i32
      %dma_start3A_673 = tpu.memref_slice %arg9[%dma_start3A_668, %dma_start3A_671, %dma_start3A_672] : memref<2x1280x8xf32, #tpu.memory_space<vmem>> -> memref<1x128x8xf32, #tpu.memory_space<vmem>>
      %dma_start3A_674 = tpu.memref_squeeze %dma_start3A_673 : memref<1x128x8xf32, #tpu.memory_space<vmem>> -> memref<128x8xf32, #tpu.memory_space<vmem>>
      %dma_start3A_675 = arith.constant 0 : i32
      %dma_start3A_676 = tpu.memref_slice %arg8[%dma_start3A_669, %dma_start3A_670, %dma_start3A_675] : memref<2x10x128xi32, #tpu.memory_space<vmem>> -> memref<1x1x128xi32, #tpu.memory_space<vmem>>
      %dma_start3A_677 = tpu.memref_squeeze %dma_start3A_676 : memref<1x1x128xi32, #tpu.memory_space<vmem>> -> memref<128xi32, #tpu.memory_space<vmem>>
      %dma_start3A_678 = arith.constant 0 : i32
      %dma_start3A_679 = arith.constant 0 : i32
      %dma_start3A_680 = tpu.memref_slice %arg10[%dma_start3A_678, %dma_start3A_679] : memref<100352x8xf32, #tpu.memory_space<vmem_shared>> -> memref<100352x8xf32, #tpu.memory_space<vmem_shared>>
      tpu.enqueue_indirect_dma source(%dma_start3A_674 : memref<128x8xf32, #tpu.memory_space<vmem>>) target(%dma_start3A_680 : memref<100352x8xf32, #tpu.memory_space<vmem_shared>>) offsets(%dma_start3A_677 : memref<128xi32, #tpu.memory_space<vmem>>) semaphore(%arg15 : memref<!tpu.dma_semaphore, #tpu.memory_space<semaphore_mem>>) {add = true}
      %dma_start3A_681 = arith.constant 1 : i32
      %dma_start3A_682 = arith.constant 1 : i32
      %dma_start3A_683 = arith.constant 8 : i32
      %dma_start3A_684 = arith.constant 1024 : i32
      %dma_start3A_685 = arith.constant 0 : i32
      %dma_start3A_686 = tpu.memref_slice %arg9[%dma_start3A_681, %dma_start3A_684, %dma_start3A_685] : memref<2x1280x8xf32, #tpu.memory_space<vmem>> -> memref<1x128x8xf32, #tpu.memory_space<vmem>>
      %dma_start3A_687 = tpu.memref_squeeze %dma_start3A_686 : memref<1x128x8xf32, #tpu.memory_space<vmem>> -> memref<128x8xf32, #tpu.memory_space<vmem>>
      %dma_start3A_688 = arith.constant 0 : i32
      %dma_start3A_689 = tpu.memref_slice %arg8[%dma_start3A_682, %dma_start3A_683, %dma_start3A_688] : memref<2x10x128xi32, #tpu.memory_space<vmem>> -> memref<1x1x128xi32, #tpu.memory_space<vmem>>
      %dma_start3A_690 = tpu.memref_squeeze %dma_start3A_689 : memref<1x1x128xi32, #tpu.memory_space<vmem>> -> memref<128xi32, #tpu.memory_space<vmem>>
      %dma_start3A_691 = arith.constant 0 : i32
      %dma_start3A_692 = arith.constant 0 : i32
      %dma_start3A_693 = tpu.memref_slice %arg10[%dma_start3A_691, %dma_start3A_692] : memref<100352x8xf32, #tpu.memory_space<vmem_shared>> -> memref<100352x8xf32, #tpu.memory_space<vmem_shared>>
      tpu.enqueue_indirect_dma source(%dma_start3A_687 : memref<128x8xf32, #tpu.memory_space<vmem>>) target(%dma_start3A_693 : memref<100352x8xf32, #tpu.memory_space<vmem_shared>>) offsets(%dma_start3A_690 : memref<128xi32, #tpu.memory_space<vmem>>) semaphore(%arg15 : memref<!tpu.dma_semaphore, #tpu.memory_space<semaphore_mem>>) {add = true}
      %dma_start3A_694 = arith.constant 1 : i32
      %dma_start3A_695 = arith.constant 1 : i32
      %dma_start3A_696 = arith.constant 9 : i32
      %dma_start3A_697 = arith.constant 1152 : i32
      %dma_start3A_698 = arith.constant 0 : i32
      %dma_start3A_699 = tpu.memref_slice %arg9[%dma_start3A_694, %dma_start3A_697, %dma_start3A_698] : memref<2x1280x8xf32, #tpu.memory_space<vmem>> -> memref<1x128x8xf32, #tpu.memory_space<vmem>>
      %dma_start3A_700 = tpu.memref_squeeze %dma_start3A_699 : memref<1x128x8xf32, #tpu.memory_space<vmem>> -> memref<128x8xf32, #tpu.memory_space<vmem>>
      %dma_start3A_701 = arith.constant 0 : i32
      %dma_start3A_702 = tpu.memref_slice %arg8[%dma_start3A_695, %dma_start3A_696, %dma_start3A_701] : memref<2x10x128xi32, #tpu.memory_space<vmem>> -> memref<1x1x128xi32, #tpu.memory_space<vmem>>
      %dma_start3A_703 = tpu.memref_squeeze %dma_start3A_702 : memref<1x1x128xi32, #tpu.memory_space<vmem>> -> memref<128xi32, #tpu.memory_space<vmem>>
      %dma_start3A_704 = arith.constant 0 : i32
      %dma_start3A_705 = arith.constant 0 : i32
      %dma_start3A_706 = tpu.memref_slice %arg10[%dma_start3A_704, %dma_start3A_705] : memref<100352x8xf32, #tpu.memory_space<vmem_shared>> -> memref<100352x8xf32, #tpu.memory_space<vmem_shared>>
      tpu.enqueue_indirect_dma source(%dma_start3A_700 : memref<128x8xf32, #tpu.memory_space<vmem>>) target(%dma_start3A_706 : memref<100352x8xf32, #tpu.memory_space<vmem_shared>>) offsets(%dma_start3A_703 : memref<128xi32, #tpu.memory_space<vmem>>) semaphore(%arg15 : memref<!tpu.dma_semaphore, #tpu.memory_space<semaphore_mem>>) {add = true}
      %scan3A_707 = arith.constant 0 : i32
      scf.yield %scan3A_707 : i32
    }
    %scan3A_185 = arith.constant 20 : i32
    %dma_wait3A = arith.constant 0 : i32
    %dma_wait3A_186 = arith.constant 0 : i32
    %dma_wait3A_187 = arith.constant 0 : i32
    %dma_wait3A_188 = tpu.memref_slice %arg9[%dma_wait3A, %dma_wait3A_186, %dma_wait3A_187] : memref<2x1280x8xf32, #tpu.memory_space<vmem>> -> memref<1x1280x8xf32, #tpu.memory_space<vmem>>
    %dma_wait3A_189 = tpu.memref_squeeze %dma_wait3A_188 : memref<1x1280x8xf32, #tpu.memory_space<vmem>> -> memref<1280x8xf32, #tpu.memory_space<vmem>>
    %dma_wait3A_190 = arith.constant 0 : i32
    %dma_wait3A_191 = arith.constant 0 : i32
    %dma_wait3A_192 = tpu.memref_slice %arg10[%dma_wait3A_190, %dma_wait3A_191] : memref<100352x8xf32, #tpu.memory_space<vmem_shared>> -> memref<1280x8xf32, #tpu.memory_space<vmem_shared>>
    %dma_wait3A_193 = arith.constant 0 : i32
    %dma_wait3A_194 = arith.constant 0 : i32
    %dma_wait3A_195 = tpu.memref_slice %arg10[%dma_wait3A_193, %dma_wait3A_194] : memref<100352x8xf32, #tpu.memory_space<vmem_shared>> -> memref<1280x8xf32, #tpu.memory_space<vmem_shared>>
    %dma_wait3A_196 = arith.constant 0 : i32
    %dma_wait3A_197 = arith.constant 0 : i32
    %dma_wait3A_198 = tpu.memref_slice %arg9[%dma_wait3A, %dma_wait3A_196, %dma_wait3A_197] : memref<2x1280x8xf32, #tpu.memory_space<vmem>> -> memref<1x1280x8xf32, #tpu.memory_space<vmem>>
    %dma_wait3A_199 = tpu.memref_squeeze %dma_wait3A_198 : memref<1x1280x8xf32, #tpu.memory_space<vmem>> -> memref<1280x8xf32, #tpu.memory_space<vmem>>
    tpu.wait_dma2 semaphore(%arg14 : memref<!tpu.dma_semaphore, #tpu.memory_space<semaphore_mem>>) src(%dma_wait3A_199 : memref<1280x8xf32, #tpu.memory_space<vmem>>) dst(%dma_wait3A_195 : memref<1280x8xf32, #tpu.memory_space<vmem_shared>>)
    %dma_wait3A_200 = arith.constant 1 : i32
    %dma_wait3A_201 = arith.constant 0 : i32
    %dma_wait3A_202 = arith.constant 0 : i32
    %dma_wait3A_203 = tpu.memref_slice %arg9[%dma_wait3A_200, %dma_wait3A_201, %dma_wait3A_202] : memref<2x1280x8xf32, #tpu.memory_space<vmem>> -> memref<1x1280x8xf32, #tpu.memory_space<vmem>>
    %dma_wait3A_204 = tpu.memref_squeeze %dma_wait3A_203 : memref<1x1280x8xf32, #tpu.memory_space<vmem>> -> memref<1280x8xf32, #tpu.memory_space<vmem>>
    %dma_wait3A_205 = arith.constant 0 : i32
    %dma_wait3A_206 = arith.constant 0 : i32
    %dma_wait3A_207 = tpu.memref_slice %arg10[%dma_wait3A_205, %dma_wait3A_206] : memref<100352x8xf32, #tpu.memory_space<vmem_shared>> -> memref<1280x8xf32, #tpu.memory_space<vmem_shared>>
    %dma_wait3A_208 = arith.constant 0 : i32
    %dma_wait3A_209 = arith.constant 0 : i32
    %dma_wait3A_210 = tpu.memref_slice %arg10[%dma_wait3A_208, %dma_wait3A_209] : memref<100352x8xf32, #tpu.memory_space<vmem_shared>> -> memref<1280x8xf32, #tpu.memory_space<vmem_shared>>
    %dma_wait3A_211 = arith.constant 0 : i32
    %dma_wait3A_212 = arith.constant 0 : i32
    %dma_wait3A_213 = tpu.memref_slice %arg9[%dma_wait3A_200, %dma_wait3A_211, %dma_wait3A_212] : memref<2x1280x8xf32, #tpu.memory_space<vmem>> -> memref<1x1280x8xf32, #tpu.memory_space<vmem>>
    %dma_wait3A_214 = tpu.memref_squeeze %dma_wait3A_213 : memref<1x1280x8xf32, #tpu.memory_space<vmem>> -> memref<1280x8xf32, #tpu.memory_space<vmem>>
    tpu.wait_dma2 semaphore(%arg15 : memref<!tpu.dma_semaphore, #tpu.memory_space<semaphore_mem>>) src(%dma_wait3A_214 : memref<1280x8xf32, #tpu.memory_space<vmem>>) dst(%dma_wait3A_210 : memref<1280x8xf32, #tpu.memory_space<vmem_shared>>)
    %barrier3A_215 = arith.constant 0 : index
    tpu.barrier barrier_id(%barrier3A_215)
    %mul3A_216 = arith.constant 6272 : i32
    %mul3A_217 = arith.muli %arg1, %mul3A_216 : i32
    %add3A_218 = arith.constant 0 : i32
    %add3A_219 = arith.addi %mul3A_217, %add3A_218 : i32
    %run_scoped3A_220 = arith.constant 0 : i32
    "tpu.region"() ({
      %run_scoped3A_268 = tpu.sem_alloc : memref<!tpu.dma_semaphore, #tpu.memory_space<semaphore_mem>>
      %dma_start3A_269 = arith.constant 0 : i32
      %dma_start3A_270 = arith.constant 0 : i32
      %dma_start3A_271 = tpu.memref_slice %arg9[%run_scoped3A_220, %dma_start3A_269, %dma_start3A_270] : memref<2x1280x8xf32, #tpu.memory_space<vmem>> -> memref<1x1568x8xf32, #tpu.memory_space<vmem>>
      %dma_start3A_272 = tpu.memref_squeeze %dma_start3A_271 : memref<1x1568x8xf32, #tpu.memory_space<vmem>> -> memref<1568x8xf32, #tpu.memory_space<vmem>>
      %dma_start3A_273 = arith.constant 0 : i32
      %dma_start3A_274 = tpu.memref_slice %arg10[%add3A_219, %dma_start3A_273] : memref<100352x8xf32, #tpu.memory_space<vmem_shared>> -> memref<1568x8xf32, #tpu.memory_space<vmem_shared>>
      %dma_start3A_275 = arith.constant 0 : i32
      %dma_start3A_276 = arith.constant 0 : i32
      %dma_start3A_277 = tpu.memref_slice %arg9[%run_scoped3A_220, %dma_start3A_275, %dma_start3A_276] : memref<2x1280x8xf32, #tpu.memory_space<vmem>> -> memref<1x1568x8xf32, #tpu.memory_space<vmem>>
      %dma_start3A_278 = tpu.memref_squeeze %dma_start3A_277 : memref<1x1568x8xf32, #tpu.memory_space<vmem>> -> memref<1568x8xf32, #tpu.memory_space<vmem>>
      %dma_start3A_279 = arith.constant 0 : i32
      %dma_start3A_280 = tpu.memref_slice %arg10[%add3A_219, %dma_start3A_279] : memref<100352x8xf32, #tpu.memory_space<vmem_shared>> -> memref<1568x8xf32, #tpu.memory_space<vmem_shared>>
      tpu.enqueue_dma source(%dma_start3A_280 : memref<1568x8xf32, #tpu.memory_space<vmem_shared>>) target(%dma_start3A_278 : memref<1568x8xf32, #tpu.memory_space<vmem>>) target_semaphore(%run_scoped3A_268 : memref<!tpu.dma_semaphore, #tpu.memory_space<semaphore_mem>>)
      %dma_wait3A_281 = arith.constant 0 : i32
      %dma_wait3A_282 = arith.constant 0 : i32
      %dma_wait3A_283 = tpu.memref_slice %arg9[%run_scoped3A_220, %dma_wait3A_281, %dma_wait3A_282] : memref<2x1280x8xf32, #tpu.memory_space<vmem>> -> memref<1x1568x8xf32, #tpu.memory_space<vmem>>
      %dma_wait3A_284 = tpu.memref_squeeze %dma_wait3A_283 : memref<1x1568x8xf32, #tpu.memory_space<vmem>> -> memref<1568x8xf32, #tpu.memory_space<vmem>>
      %dma_wait3A_285 = arith.constant 0 : i32
      %dma_wait3A_286 = tpu.memref_slice %arg10[%add3A_219, %dma_wait3A_285] : memref<100352x8xf32, #tpu.memory_space<vmem_shared>> -> memref<1568x8xf32, #tpu.memory_space<vmem_shared>>
      %dma_wait3A_287 = arith.constant 0 : i32
      %dma_wait3A_288 = arith.constant 0 : i32
      %dma_wait3A_289 = tpu.memref_slice %arg9[%run_scoped3A_220, %dma_wait3A_287, %dma_wait3A_288] : memref<2x1280x8xf32, #tpu.memory_space<vmem>> -> memref<1x1568x8xf32, #tpu.memory_space<vmem>>
      %dma_wait3A_290 = tpu.memref_squeeze %dma_wait3A_289 : memref<1x1568x8xf32, #tpu.memory_space<vmem>> -> memref<1568x8xf32, #tpu.memory_space<vmem>>
      %dma_wait3A_291 = arith.constant 0 : i32
      %dma_wait3A_292 = tpu.memref_slice %arg10[%add3A_219, %dma_wait3A_291] : memref<100352x8xf32, #tpu.memory_space<vmem_shared>> -> memref<1568x8xf32, #tpu.memory_space<vmem_shared>>
      tpu.wait_dma2 semaphore(%run_scoped3A_268 : memref<!tpu.dma_semaphore, #tpu.memory_space<semaphore_mem>>) src(%dma_wait3A_292 : memref<1568x8xf32, #tpu.memory_space<vmem_shared>>) dst(%dma_wait3A_290 : memref<1568x8xf32, #tpu.memory_space<vmem>>)
      tpu.yield
    }) : () -> ()
    %mul3A_221 = arith.constant 100352 : i32
    %mul3A_222 = arith.muli %arg0, %mul3A_221 : i32
    %mul3A_223 = arith.constant 6272 : i32
    %mul3A_224 = arith.muli %arg1, %mul3A_223 : i32
    %add3A_225 = arith.addi %mul3A_222, %mul3A_224 : i32
    %add3A_226 = arith.constant 0 : i32
    %add3A_227 = arith.addi %add3A_225, %add3A_226 : i32
    %run_scoped3A_228 = arith.constant 0 : i32
    "tpu.region"() ({
      %run_scoped3A_268 = tpu.sem_alloc : memref<!tpu.dma_semaphore, #tpu.memory_space<semaphore_mem>>
      %dma_start3A_269 = arith.constant 0 : i32
      %dma_start3A_270 = arith.constant 0 : i32
      %dma_start3A_271 = tpu.memref_slice %arg9[%run_scoped3A_228, %dma_start3A_269, %dma_start3A_270] : memref<2x1280x8xf32, #tpu.memory_space<vmem>> -> memref<1x1568x8xf32, #tpu.memory_space<vmem>>
      %dma_start3A_272 = tpu.memref_squeeze %dma_start3A_271 : memref<1x1568x8xf32, #tpu.memory_space<vmem>> -> memref<1568x8xf32, #tpu.memory_space<vmem>>
      %dma_start3A_273 = arith.constant 0 : i32
      %dma_start3A_274 = tpu.memref_slice %arg6[%add3A_227, %dma_start3A_273] : memref<200704x8xf32, #tpu.memory_space<hbm>> -> memref<1568x8xf32, #tpu.memory_space<hbm>>
      %dma_start3A_275 = arith.constant 0 : i32
      %dma_start3A_276 = tpu.memref_slice %arg6[%add3A_227, %dma_start3A_275] : memref<200704x8xf32, #tpu.memory_space<hbm>> -> memref<1568x8xf32, #tpu.memory_space<hbm>>
      %dma_start3A_277 = arith.constant 0 : i32
      %dma_start3A_278 = arith.constant 0 : i32
      %dma_start3A_279 = tpu.memref_slice %arg9[%run_scoped3A_228, %dma_start3A_277, %dma_start3A_278] : memref<2x1280x8xf32, #tpu.memory_space<vmem>> -> memref<1x1568x8xf32, #tpu.memory_space<vmem>>
      %dma_start3A_280 = tpu.memref_squeeze %dma_start3A_279 : memref<1x1568x8xf32, #tpu.memory_space<vmem>> -> memref<1568x8xf32, #tpu.memory_space<vmem>>
      tpu.enqueue_dma source(%dma_start3A_280 : memref<1568x8xf32, #tpu.memory_space<vmem>>) target(%dma_start3A_276 : memref<1568x8xf32, #tpu.memory_space<hbm>>) target_semaphore(%run_scoped3A_268 : memref<!tpu.dma_semaphore, #tpu.memory_space<semaphore_mem>>)
      %dma_wait3A_281 = arith.constant 0 : i32
      %dma_wait3A_282 = arith.constant 0 : i32
      %dma_wait3A_283 = tpu.memref_slice %arg9[%run_scoped3A_228, %dma_wait3A_281, %dma_wait3A_282] : memref<2x1280x8xf32, #tpu.memory_space<vmem>> -> memref<1x1568x8xf32, #tpu.memory_space<vmem>>
      %dma_wait3A_284 = tpu.memref_squeeze %dma_wait3A_283 : memref<1x1568x8xf32, #tpu.memory_space<vmem>> -> memref<1568x8xf32, #tpu.memory_space<vmem>>
      %dma_wait3A_285 = arith.constant 0 : i32
      %dma_wait3A_286 = tpu.memref_slice %arg6[%add3A_227, %dma_wait3A_285] : memref<200704x8xf32, #tpu.memory_space<hbm>> -> memref<1568x8xf32, #tpu.memory_space<hbm>>
      %dma_wait3A_287 = arith.constant 0 : i32
      %dma_wait3A_288 = tpu.memref_slice %arg6[%add3A_227, %dma_wait3A_287] : memref<200704x8xf32, #tpu.memory_space<hbm>> -> memref<1568x8xf32, #tpu.memory_space<hbm>>
      %dma_wait3A_289 = arith.constant 0 : i32
      %dma_wait3A_290 = arith.constant 0 : i32
      %dma_wait3A_291 = tpu.memref_slice %arg9[%run_scoped3A_228, %dma_wait3A_289, %dma_wait3A_290] : memref<2x1280x8xf32, #tpu.memory_space<vmem>> -> memref<1x1568x8xf32, #tpu.memory_space<vmem>>
      %dma_wait3A_292 = tpu.memref_squeeze %dma_wait3A_291 : memref<1x1568x8xf32, #tpu.memory_space<vmem>> -> memref<1568x8xf32, #tpu.memory_space<vmem>>
      tpu.wait_dma2 semaphore(%run_scoped3A_268 : memref<!tpu.dma_semaphore, #tpu.memory_space<semaphore_mem>>) src(%dma_wait3A_292 : memref<1568x8xf32, #tpu.memory_space<vmem>>) dst(%dma_wait3A_288 : memref<1568x8xf32, #tpu.memory_space<hbm>>)
      tpu.yield
    }) : () -> ()
    %mul3A_229 = arith.constant 6272 : i32
    %mul3A_230 = arith.muli %arg1, %mul3A_229 : i32
    %add3A_231 = arith.constant 1568 : i32
    %add3A_232 = arith.addi %mul3A_230, %add3A_231 : i32
    %run_scoped3A_233 = arith.constant 0 : i32
    "tpu.region"() ({
      %run_scoped3A_268 = tpu.sem_alloc : memref<!tpu.dma_semaphore, #tpu.memory_space<semaphore_mem>>
      %dma_start3A_269 = arith.constant 0 : i32
      %dma_start3A_270 = arith.constant 0 : i32
      %dma_start3A_271 = tpu.memref_slice %arg9[%run_scoped3A_233, %dma_start3A_269, %dma_start3A_270] : memref<2x1280x8xf32, #tpu.memory_space<vmem>> -> memref<1x1568x8xf32, #tpu.memory_space<vmem>>
      %dma_start3A_272 = tpu.memref_squeeze %dma_start3A_271 : memref<1x1568x8xf32, #tpu.memory_space<vmem>> -> memref<1568x8xf32, #tpu.memory_space<vmem>>
      %dma_start3A_273 = arith.constant 0 : i32
      %dma_start3A_274 = tpu.memref_slice %arg10[%add3A_232, %dma_start3A_273] : memref<100352x8xf32, #tpu.memory_space<vmem_shared>> -> memref<1568x8xf32, #tpu.memory_space<vmem_shared>>
      %dma_start3A_275 = arith.constant 0 : i32
      %dma_start3A_276 = arith.constant 0 : i32
      %dma_start3A_277 = tpu.memref_slice %arg9[%run_scoped3A_233, %dma_start3A_275, %dma_start3A_276] : memref<2x1280x8xf32, #tpu.memory_space<vmem>> -> memref<1x1568x8xf32, #tpu.memory_space<vmem>>
      %dma_start3A_278 = tpu.memref_squeeze %dma_start3A_277 : memref<1x1568x8xf32, #tpu.memory_space<vmem>> -> memref<1568x8xf32, #tpu.memory_space<vmem>>
      %dma_start3A_279 = arith.constant 0 : i32
      %dma_start3A_280 = tpu.memref_slice %arg10[%add3A_232, %dma_start3A_279] : memref<100352x8xf32, #tpu.memory_space<vmem_shared>> -> memref<1568x8xf32, #tpu.memory_space<vmem_shared>>
      tpu.enqueue_dma source(%dma_start3A_280 : memref<1568x8xf32, #tpu.memory_space<vmem_shared>>) target(%dma_start3A_278 : memref<1568x8xf32, #tpu.memory_space<vmem>>) target_semaphore(%run_scoped3A_268 : memref<!tpu.dma_semaphore, #tpu.memory_space<semaphore_mem>>)
      %dma_wait3A_281 = arith.constant 0 : i32
      %dma_wait3A_282 = arith.constant 0 : i32
      %dma_wait3A_283 = tpu.memref_slice %arg9[%run_scoped3A_233, %dma_wait3A_281, %dma_wait3A_282] : memref<2x1280x8xf32, #tpu.memory_space<vmem>> -> memref<1x1568x8xf32, #tpu.memory_space<vmem>>
      %dma_wait3A_284 = tpu.memref_squeeze %dma_wait3A_283 : memref<1x1568x8xf32, #tpu.memory_space<vmem>> -> memref<1568x8xf32, #tpu.memory_space<vmem>>
      %dma_wait3A_285 = arith.constant 0 : i32
      %dma_wait3A_286 = tpu.memref_slice %arg10[%add3A_232, %dma_wait3A_285] : memref<100352x8xf32, #tpu.memory_space<vmem_shared>> -> memref<1568x8xf32, #tpu.memory_space<vmem_shared>>
      %dma_wait3A_287 = arith.constant 0 : i32
      %dma_wait3A_288 = arith.constant 0 : i32
      %dma_wait3A_289 = tpu.memref_slice %arg9[%run_scoped3A_233, %dma_wait3A_287, %dma_wait3A_288] : memref<2x1280x8xf32, #tpu.memory_space<vmem>> -> memref<1x1568x8xf32, #tpu.memory_space<vmem>>
      %dma_wait3A_290 = tpu.memref_squeeze %dma_wait3A_289 : memref<1x1568x8xf32, #tpu.memory_space<vmem>> -> memref<1568x8xf32, #tpu.memory_space<vmem>>
      %dma_wait3A_291 = arith.constant 0 : i32
      %dma_wait3A_292 = tpu.memref_slice %arg10[%add3A_232, %dma_wait3A_291] : memref<100352x8xf32, #tpu.memory_space<vmem_shared>> -> memref<1568x8xf32, #tpu.memory_space<vmem_shared>>
      tpu.wait_dma2 semaphore(%run_scoped3A_268 : memref<!tpu.dma_semaphore, #tpu.memory_space<semaphore_mem>>) src(%dma_wait3A_292 : memref<1568x8xf32, #tpu.memory_space<vmem_shared>>) dst(%dma_wait3A_290 : memref<1568x8xf32, #tpu.memory_space<vmem>>)
      tpu.yield
    }) : () -> ()
    %mul3A_234 = arith.constant 100352 : i32
    %mul3A_235 = arith.muli %arg0, %mul3A_234 : i32
    %mul3A_236 = arith.constant 6272 : i32
    %mul3A_237 = arith.muli %arg1, %mul3A_236 : i32
    %add3A_238 = arith.addi %mul3A_235, %mul3A_237 : i32
    %add3A_239 = arith.constant 1568 : i32
    %add3A_240 = arith.addi %add3A_238, %add3A_239 : i32
    %run_scoped3A_241 = arith.constant 0 : i32
    "tpu.region"() ({
      %run_scoped3A_268 = tpu.sem_alloc : memref<!tpu.dma_semaphore, #tpu.memory_space<semaphore_mem>>
      %dma_start3A_269 = arith.constant 0 : i32
      %dma_start3A_270 = arith.constant 0 : i32
      %dma_start3A_271 = tpu.memref_slice %arg9[%run_scoped3A_241, %dma_start3A_269, %dma_start3A_270] : memref<2x1280x8xf32, #tpu.memory_space<vmem>> -> memref<1x1568x8xf32, #tpu.memory_space<vmem>>
      %dma_start3A_272 = tpu.memref_squeeze %dma_start3A_271 : memref<1x1568x8xf32, #tpu.memory_space<vmem>> -> memref<1568x8xf32, #tpu.memory_space<vmem>>
      %dma_start3A_273 = arith.constant 0 : i32
      %dma_start3A_274 = tpu.memref_slice %arg6[%add3A_240, %dma_start3A_273] : memref<200704x8xf32, #tpu.memory_space<hbm>> -> memref<1568x8xf32, #tpu.memory_space<hbm>>
      %dma_start3A_275 = arith.constant 0 : i32
      %dma_start3A_276 = tpu.memref_slice %arg6[%add3A_240, %dma_start3A_275] : memref<200704x8xf32, #tpu.memory_space<hbm>> -> memref<1568x8xf32, #tpu.memory_space<hbm>>
      %dma_start3A_277 = arith.constant 0 : i32
      %dma_start3A_278 = arith.constant 0 : i32
      %dma_start3A_279 = tpu.memref_slice %arg9[%run_scoped3A_241, %dma_start3A_277, %dma_start3A_278] : memref<2x1280x8xf32, #tpu.memory_space<vmem>> -> memref<1x1568x8xf32, #tpu.memory_space<vmem>>
      %dma_start3A_280 = tpu.memref_squeeze %dma_start3A_279 : memref<1x1568x8xf32, #tpu.memory_space<vmem>> -> memref<1568x8xf32, #tpu.memory_space<vmem>>
      tpu.enqueue_dma source(%dma_start3A_280 : memref<1568x8xf32, #tpu.memory_space<vmem>>) target(%dma_start3A_276 : memref<1568x8xf32, #tpu.memory_space<hbm>>) target_semaphore(%run_scoped3A_268 : memref<!tpu.dma_semaphore, #tpu.memory_space<semaphore_mem>>)
      %dma_wait3A_281 = arith.constant 0 : i32
      %dma_wait3A_282 = arith.constant 0 : i32
      %dma_wait3A_283 = tpu.memref_slice %arg9[%run_scoped3A_241, %dma_wait3A_281, %dma_wait3A_282] : memref<2x1280x8xf32, #tpu.memory_space<vmem>> -> memref<1x1568x8xf32, #tpu.memory_space<vmem>>
      %dma_wait3A_284 = tpu.memref_squeeze %dma_wait3A_283 : memref<1x1568x8xf32, #tpu.memory_space<vmem>> -> memref<1568x8xf32, #tpu.memory_space<vmem>>
      %dma_wait3A_285 = arith.constant 0 : i32
      %dma_wait3A_286 = tpu.memref_slice %arg6[%add3A_240, %dma_wait3A_285] : memref<200704x8xf32, #tpu.memory_space<hbm>> -> memref<1568x8xf32, #tpu.memory_space<hbm>>
      %dma_wait3A_287 = arith.constant 0 : i32
      %dma_wait3A_288 = tpu.memref_slice %arg6[%add3A_240, %dma_wait3A_287] : memref<200704x8xf32, #tpu.memory_space<hbm>> -> memref<1568x8xf32, #tpu.memory_space<hbm>>
      %dma_wait3A_289 = arith.constant 0 : i32
      %dma_wait3A_290 = arith.constant 0 : i32
      %dma_wait3A_291 = tpu.memref_slice %arg9[%run_scoped3A_241, %dma_wait3A_289, %dma_wait3A_290] : memref<2x1280x8xf32, #tpu.memory_space<vmem>> -> memref<1x1568x8xf32, #tpu.memory_space<vmem>>
      %dma_wait3A_292 = tpu.memref_squeeze %dma_wait3A_291 : memref<1x1568x8xf32, #tpu.memory_space<vmem>> -> memref<1568x8xf32, #tpu.memory_space<vmem>>
      tpu.wait_dma2 semaphore(%run_scoped3A_268 : memref<!tpu.dma_semaphore, #tpu.memory_space<semaphore_mem>>) src(%dma_wait3A_292 : memref<1568x8xf32, #tpu.memory_space<vmem>>) dst(%dma_wait3A_288 : memref<1568x8xf32, #tpu.memory_space<hbm>>)
      tpu.yield
    }) : () -> ()
    %mul3A_242 = arith.constant 6272 : i32
    %mul3A_243 = arith.muli %arg1, %mul3A_242 : i32
    %add3A_244 = arith.constant 3136 : i32
    %add3A_245 = arith.addi %mul3A_243, %add3A_244 : i32
    %run_scoped3A_246 = arith.constant 0 : i32
    "tpu.region"() ({
      %run_scoped3A_268 = tpu.sem_alloc : memref<!tpu.dma_semaphore, #tpu.memory_space<semaphore_mem>>
      %dma_start3A_269 = arith.constant 0 : i32
      %dma_start3A_270 = arith.constant 0 : i32
      %dma_start3A_271 = tpu.memref_slice %arg9[%run_scoped3A_246, %dma_start3A_269, %dma_start3A_270] : memref<2x1280x8xf32, #tpu.memory_space<vmem>> -> memref<1x1568x8xf32, #tpu.memory_space<vmem>>
      %dma_start3A_272 = tpu.memref_squeeze %dma_start3A_271 : memref<1x1568x8xf32, #tpu.memory_space<vmem>> -> memref<1568x8xf32, #tpu.memory_space<vmem>>
      %dma_start3A_273 = arith.constant 0 : i32
      %dma_start3A_274 = tpu.memref_slice %arg10[%add3A_245, %dma_start3A_273] : memref<100352x8xf32, #tpu.memory_space<vmem_shared>> -> memref<1568x8xf32, #tpu.memory_space<vmem_shared>>
      %dma_start3A_275 = arith.constant 0 : i32
      %dma_start3A_276 = arith.constant 0 : i32
      %dma_start3A_277 = tpu.memref_slice %arg9[%run_scoped3A_246, %dma_start3A_275, %dma_start3A_276] : memref<2x1280x8xf32, #tpu.memory_space<vmem>> -> memref<1x1568x8xf32, #tpu.memory_space<vmem>>
      %dma_start3A_278 = tpu.memref_squeeze %dma_start3A_277 : memref<1x1568x8xf32, #tpu.memory_space<vmem>> -> memref<1568x8xf32, #tpu.memory_space<vmem>>
      %dma_start3A_279 = arith.constant 0 : i32
      %dma_start3A_280 = tpu.memref_slice %arg10[%add3A_245, %dma_start3A_279] : memref<100352x8xf32, #tpu.memory_space<vmem_shared>> -> memref<1568x8xf32, #tpu.memory_space<vmem_shared>>
      tpu.enqueue_dma source(%dma_start3A_280 : memref<1568x8xf32, #tpu.memory_space<vmem_shared>>) target(%dma_start3A_278 : memref<1568x8xf32, #tpu.memory_space<vmem>>) target_semaphore(%run_scoped3A_268 : memref<!tpu.dma_semaphore, #tpu.memory_space<semaphore_mem>>)
      %dma_wait3A_281 = arith.constant 0 : i32
      %dma_wait3A_282 = arith.constant 0 : i32
      %dma_wait3A_283 = tpu.memref_slice %arg9[%run_scoped3A_246, %dma_wait3A_281, %dma_wait3A_282] : memref<2x1280x8xf32, #tpu.memory_space<vmem>> -> memref<1x1568x8xf32, #tpu.memory_space<vmem>>
      %dma_wait3A_284 = tpu.memref_squeeze %dma_wait3A_283 : memref<1x1568x8xf32, #tpu.memory_space<vmem>> -> memref<1568x8xf32, #tpu.memory_space<vmem>>
      %dma_wait3A_285 = arith.constant 0 : i32
      %dma_wait3A_286 = tpu.memref_slice %arg10[%add3A_245, %dma_wait3A_285] : memref<100352x8xf32, #tpu.memory_space<vmem_shared>> -> memref<1568x8xf32, #tpu.memory_space<vmem_shared>>
      %dma_wait3A_287 = arith.constant 0 : i32
      %dma_wait3A_288 = arith.constant 0 : i32
      %dma_wait3A_289 = tpu.memref_slice %arg9[%run_scoped3A_246, %dma_wait3A_287, %dma_wait3A_288] : memref<2x1280x8xf32, #tpu.memory_space<vmem>> -> memref<1x1568x8xf32, #tpu.memory_space<vmem>>
      %dma_wait3A_290 = tpu.memref_squeeze %dma_wait3A_289 : memref<1x1568x8xf32, #tpu.memory_space<vmem>> -> memref<1568x8xf32, #tpu.memory_space<vmem>>
      %dma_wait3A_291 = arith.constant 0 : i32
      %dma_wait3A_292 = tpu.memref_slice %arg10[%add3A_245, %dma_wait3A_291] : memref<100352x8xf32, #tpu.memory_space<vmem_shared>> -> memref<1568x8xf32, #tpu.memory_space<vmem_shared>>
      tpu.wait_dma2 semaphore(%run_scoped3A_268 : memref<!tpu.dma_semaphore, #tpu.memory_space<semaphore_mem>>) src(%dma_wait3A_292 : memref<1568x8xf32, #tpu.memory_space<vmem_shared>>) dst(%dma_wait3A_290 : memref<1568x8xf32, #tpu.memory_space<vmem>>)
      tpu.yield
    }) : () -> ()
    %mul3A_247 = arith.constant 100352 : i32
    %mul3A_248 = arith.muli %arg0, %mul3A_247 : i32
    %mul3A_249 = arith.constant 6272 : i32
    %mul3A_250 = arith.muli %arg1, %mul3A_249 : i32
    %add3A_251 = arith.addi %mul3A_248, %mul3A_250 : i32
    %add3A_252 = arith.constant 3136 : i32
    %add3A_253 = arith.addi %add3A_251, %add3A_252 : i32
    %run_scoped3A_254 = arith.constant 0 : i32
    "tpu.region"() ({
      %run_scoped3A_268 = tpu.sem_alloc : memref<!tpu.dma_semaphore, #tpu.memory_space<semaphore_mem>>
      %dma_start3A_269 = arith.constant 0 : i32
      %dma_start3A_270 = arith.constant 0 : i32
      %dma_start3A_271 = tpu.memref_slice %arg9[%run_scoped3A_254, %dma_start3A_269, %dma_start3A_270] : memref<2x1280x8xf32, #tpu.memory_space<vmem>> -> memref<1x1568x8xf32, #tpu.memory_space<vmem>>
      %dma_start3A_272 = tpu.memref_squeeze %dma_start3A_271 : memref<1x1568x8xf32, #tpu.memory_space<vmem>> -> memref<1568x8xf32, #tpu.memory_space<vmem>>
      %dma_start3A_273 = arith.constant 0 : i32
      %dma_start3A_274 = tpu.memref_slice %arg6[%add3A_253, %dma_start3A_273] : memref<200704x8xf32, #tpu.memory_space<hbm>> -> memref<1568x8xf32, #tpu.memory_space<hbm>>
      %dma_start3A_275 = arith.constant 0 : i32
      %dma_start3A_276 = tpu.memref_slice %arg6[%add3A_253, %dma_start3A_275] : memref<200704x8xf32, #tpu.memory_space<hbm>> -> memref<1568x8xf32, #tpu.memory_space<hbm>>
      %dma_start3A_277 = arith.constant 0 : i32
      %dma_start3A_278 = arith.constant 0 : i32
      %dma_start3A_279 = tpu.memref_slice %arg9[%run_scoped3A_254, %dma_start3A_277, %dma_start3A_278] : memref<2x1280x8xf32, #tpu.memory_space<vmem>> -> memref<1x1568x8xf32, #tpu.memory_space<vmem>>
      %dma_start3A_280 = tpu.memref_squeeze %dma_start3A_279 : memref<1x1568x8xf32, #tpu.memory_space<vmem>> -> memref<1568x8xf32, #tpu.memory_space<vmem>>
      tpu.enqueue_dma source(%dma_start3A_280 : memref<1568x8xf32, #tpu.memory_space<vmem>>) target(%dma_start3A_276 : memref<1568x8xf32, #tpu.memory_space<hbm>>) target_semaphore(%run_scoped3A_268 : memref<!tpu.dma_semaphore, #tpu.memory_space<semaphore_mem>>)
      %dma_wait3A_281 = arith.constant 0 : i32
      %dma_wait3A_282 = arith.constant 0 : i32
      %dma_wait3A_283 = tpu.memref_slice %arg9[%run_scoped3A_254, %dma_wait3A_281, %dma_wait3A_282] : memref<2x1280x8xf32, #tpu.memory_space<vmem>> -> memref<1x1568x8xf32, #tpu.memory_space<vmem>>
      %dma_wait3A_284 = tpu.memref_squeeze %dma_wait3A_283 : memref<1x1568x8xf32, #tpu.memory_space<vmem>> -> memref<1568x8xf32, #tpu.memory_space<vmem>>
      %dma_wait3A_285 = arith.constant 0 : i32
      %dma_wait3A_286 = tpu.memref_slice %arg6[%add3A_253, %dma_wait3A_285] : memref<200704x8xf32, #tpu.memory_space<hbm>> -> memref<1568x8xf32, #tpu.memory_space<hbm>>
      %dma_wait3A_287 = arith.constant 0 : i32
      %dma_wait3A_288 = tpu.memref_slice %arg6[%add3A_253, %dma_wait3A_287] : memref<200704x8xf32, #tpu.memory_space<hbm>> -> memref<1568x8xf32, #tpu.memory_space<hbm>>
      %dma_wait3A_289 = arith.constant 0 : i32
      %dma_wait3A_290 = arith.constant 0 : i32
      %dma_wait3A_291 = tpu.memref_slice %arg9[%run_scoped3A_254, %dma_wait3A_289, %dma_wait3A_290] : memref<2x1280x8xf32, #tpu.memory_space<vmem>> -> memref<1x1568x8xf32, #tpu.memory_space<vmem>>
      %dma_wait3A_292 = tpu.memref_squeeze %dma_wait3A_291 : memref<1x1568x8xf32, #tpu.memory_space<vmem>> -> memref<1568x8xf32, #tpu.memory_space<vmem>>
      tpu.wait_dma2 semaphore(%run_scoped3A_268 : memref<!tpu.dma_semaphore, #tpu.memory_space<semaphore_mem>>) src(%dma_wait3A_292 : memref<1568x8xf32, #tpu.memory_space<vmem>>) dst(%dma_wait3A_288 : memref<1568x8xf32, #tpu.memory_space<hbm>>)
      tpu.yield
    }) : () -> ()
    %mul3A_255 = arith.constant 6272 : i32
    %mul3A_256 = arith.muli %arg1, %mul3A_255 : i32
    %add3A_257 = arith.constant 4704 : i32
    %add3A_258 = arith.addi %mul3A_256, %add3A_257 : i32
    %run_scoped3A_259 = arith.constant 0 : i32
    "tpu.region"() ({
      %run_scoped3A_268 = tpu.sem_alloc : memref<!tpu.dma_semaphore, #tpu.memory_space<semaphore_mem>>
      %dma_start3A_269 = arith.constant 0 : i32
      %dma_start3A_270 = arith.constant 0 : i32
      %dma_start3A_271 = tpu.memref_slice %arg9[%run_scoped3A_259, %dma_start3A_269, %dma_start3A_270] : memref<2x1280x8xf32, #tpu.memory_space<vmem>> -> memref<1x1568x8xf32, #tpu.memory_space<vmem>>
      %dma_start3A_272 = tpu.memref_squeeze %dma_start3A_271 : memref<1x1568x8xf32, #tpu.memory_space<vmem>> -> memref<1568x8xf32, #tpu.memory_space<vmem>>
      %dma_start3A_273 = arith.constant 0 : i32
      %dma_start3A_274 = tpu.memref_slice %arg10[%add3A_258, %dma_start3A_273] : memref<100352x8xf32, #tpu.memory_space<vmem_shared>> -> memref<1568x8xf32, #tpu.memory_space<vmem_shared>>
      %dma_start3A_275 = arith.constant 0 : i32
      %dma_start3A_276 = arith.constant 0 : i32
      %dma_start3A_277 = tpu.memref_slice %arg9[%run_scoped3A_259, %dma_start3A_275, %dma_start3A_276] : memref<2x1280x8xf32, #tpu.memory_space<vmem>> -> memref<1x1568x8xf32, #tpu.memory_space<vmem>>
      %dma_start3A_278 = tpu.memref_squeeze %dma_start3A_277 : memref<1x1568x8xf32, #tpu.memory_space<vmem>> -> memref<1568x8xf32, #tpu.memory_space<vmem>>
      %dma_start3A_279 = arith.constant 0 : i32
      %dma_start3A_280 = tpu.memref_slice %arg10[%add3A_258, %dma_start3A_279] : memref<100352x8xf32, #tpu.memory_space<vmem_shared>> -> memref<1568x8xf32, #tpu.memory_space<vmem_shared>>
      tpu.enqueue_dma source(%dma_start3A_280 : memref<1568x8xf32, #tpu.memory_space<vmem_shared>>) target(%dma_start3A_278 : memref<1568x8xf32, #tpu.memory_space<vmem>>) target_semaphore(%run_scoped3A_268 : memref<!tpu.dma_semaphore, #tpu.memory_space<semaphore_mem>>)
      %dma_wait3A_281 = arith.constant 0 : i32
      %dma_wait3A_282 = arith.constant 0 : i32
      %dma_wait3A_283 = tpu.memref_slice %arg9[%run_scoped3A_259, %dma_wait3A_281, %dma_wait3A_282] : memref<2x1280x8xf32, #tpu.memory_space<vmem>> -> memref<1x1568x8xf32, #tpu.memory_space<vmem>>
      %dma_wait3A_284 = tpu.memref_squeeze %dma_wait3A_283 : memref<1x1568x8xf32, #tpu.memory_space<vmem>> -> memref<1568x8xf32, #tpu.memory_space<vmem>>
      %dma_wait3A_285 = arith.constant 0 : i32
      %dma_wait3A_286 = tpu.memref_slice %arg10[%add3A_258, %dma_wait3A_285] : memref<100352x8xf32, #tpu.memory_space<vmem_shared>> -> memref<1568x8xf32, #tpu.memory_space<vmem_shared>>
      %dma_wait3A_287 = arith.constant 0 : i32
      %dma_wait3A_288 = arith.constant 0 : i32
      %dma_wait3A_289 = tpu.memref_slice %arg9[%run_scoped3A_259, %dma_wait3A_287, %dma_wait3A_288] : memref<2x1280x8xf32, #tpu.memory_space<vmem>> -> memref<1x1568x8xf32, #tpu.memory_space<vmem>>
      %dma_wait3A_290 = tpu.memref_squeeze %dma_wait3A_289 : memref<1x1568x8xf32, #tpu.memory_space<vmem>> -> memref<1568x8xf32, #tpu.memory_space<vmem>>
      %dma_wait3A_291 = arith.constant 0 : i32
      %dma_wait3A_292 = tpu.memref_slice %arg10[%add3A_258, %dma_wait3A_291] : memref<100352x8xf32, #tpu.memory_space<vmem_shared>> -> memref<1568x8xf32, #tpu.memory_space<vmem_shared>>
      tpu.wait_dma2 semaphore(%run_scoped3A_268 : memref<!tpu.dma_semaphore, #tpu.memory_space<semaphore_mem>>) src(%dma_wait3A_292 : memref<1568x8xf32, #tpu.memory_space<vmem_shared>>) dst(%dma_wait3A_290 : memref<1568x8xf32, #tpu.memory_space<vmem>>)
      tpu.yield
    }) : () -> ()
    %mul3A_260 = arith.constant 100352 : i32
    %mul3A_261 = arith.muli %arg0, %mul3A_260 : i32
    %mul3A_262 = arith.constant 6272 : i32
    %mul3A_263 = arith.muli %arg1, %mul3A_262 : i32
    %add3A_264 = arith.addi %mul3A_261, %mul3A_263 : i32
    %add3A_265 = arith.constant 4704 : i32
    %add3A_266 = arith.addi %add3A_264, %add3A_265 : i32
    %run_scoped3A_267 = arith.constant 0 : i32
    "tpu.region"() ({
      %run_scoped3A_268 = tpu.sem_alloc : memref<!tpu.dma_semaphore, #tpu.memory_space<semaphore_mem>>
      %dma_start3A_269 = arith.constant 0 : i32
      %dma_start3A_270 = arith.constant 0 : i32
      %dma_start3A_271 = tpu.memref_slice %arg9[%run_scoped3A_267, %dma_start3A_269, %dma_start3A_270] : memref<2x1280x8xf32, #tpu.memory_space<vmem>> -> memref<1x1568x8xf32, #tpu.memory_space<vmem>>
      %dma_start3A_272 = tpu.memref_squeeze %dma_start3A_271 : memref<1x1568x8xf32, #tpu.memory_space<vmem>> -> memref<1568x8xf32, #tpu.memory_space<vmem>>
      %dma_start3A_273 = arith.constant 0 : i32
      %dma_start3A_274 = tpu.memref_slice %arg6[%add3A_266, %dma_start3A_273] : memref<200704x8xf32, #tpu.memory_space<hbm>> -> memref<1568x8xf32, #tpu.memory_space<hbm>>
      %dma_start3A_275 = arith.constant 0 : i32
      %dma_start3A_276 = tpu.memref_slice %arg6[%add3A_266, %dma_start3A_275] : memref<200704x8xf32, #tpu.memory_space<hbm>> -> memref<1568x8xf32, #tpu.memory_space<hbm>>
      %dma_start3A_277 = arith.constant 0 : i32
      %dma_start3A_278 = arith.constant 0 : i32
      %dma_start3A_279 = tpu.memref_slice %arg9[%run_scoped3A_267, %dma_start3A_277, %dma_start3A_278] : memref<2x1280x8xf32, #tpu.memory_space<vmem>> -> memref<1x1568x8xf32, #tpu.memory_space<vmem>>
      %dma_start3A_280 = tpu.memref_squeeze %dma_start3A_279 : memref<1x1568x8xf32, #tpu.memory_space<vmem>> -> memref<1568x8xf32, #tpu.memory_space<vmem>>
      tpu.enqueue_dma source(%dma_start3A_280 : memref<1568x8xf32, #tpu.memory_space<vmem>>) target(%dma_start3A_276 : memref<1568x8xf32, #tpu.memory_space<hbm>>) target_semaphore(%run_scoped3A_268 : memref<!tpu.dma_semaphore, #tpu.memory_space<semaphore_mem>>)
      %dma_wait3A_281 = arith.constant 0 : i32
      %dma_wait3A_282 = arith.constant 0 : i32
      %dma_wait3A_283 = tpu.memref_slice %arg9[%run_scoped3A_267, %dma_wait3A_281, %dma_wait3A_282] : memref<2x1280x8xf32, #tpu.memory_space<vmem>> -> memref<1x1568x8xf32, #tpu.memory_space<vmem>>
      %dma_wait3A_284 = tpu.memref_squeeze %dma_wait3A_283 : memref<1x1568x8xf32, #tpu.memory_space<vmem>> -> memref<1568x8xf32, #tpu.memory_space<vmem>>
      %dma_wait3A_285 = arith.constant 0 : i32
      %dma_wait3A_286 = tpu.memref_slice %arg6[%add3A_266, %dma_wait3A_285] : memref<200704x8xf32, #tpu.memory_space<hbm>> -> memref<1568x8xf32, #tpu.memory_space<hbm>>
      %dma_wait3A_287 = arith.constant 0 : i32
      %dma_wait3A_288 = tpu.memref_slice %arg6[%add3A_266, %dma_wait3A_287] : memref<200704x8xf32, #tpu.memory_space<hbm>> -> memref<1568x8xf32, #tpu.memory_space<hbm>>
      %dma_wait3A_289 = arith.constant 0 : i32
      %dma_wait3A_290 = arith.constant 0 : i32
      %dma_wait3A_291 = tpu.memref_slice %arg9[%run_scoped3A_267, %dma_wait3A_289, %dma_wait3A_290] : memref<2x1280x8xf32, #tpu.memory_space<vmem>> -> memref<1x1568x8xf32, #tpu.memory_space<vmem>>
      %dma_wait3A_292 = tpu.memref_squeeze %dma_wait3A_291 : memref<1x1568x8xf32, #tpu.memory_space<vmem>> -> memref<1568x8xf32, #tpu.memory_space<vmem>>
      tpu.wait_dma2 semaphore(%run_scoped3A_268 : memref<!tpu.dma_semaphore, #tpu.memory_space<semaphore_mem>>) src(%dma_wait3A_292 : memref<1568x8xf32, #tpu.memory_space<vmem>>) dst(%dma_wait3A_288 : memref<1568x8xf32, #tpu.memory_space<hbm>>)
      tpu.yield
    }) : () -> ()
    return
  }
}

module attributes {stable_mosaic.version = 14 : i64} {
  func.func @body(%arg0: i32, %arg1: memref<2x3136x1xf32, #tpu.memory_space<vmem>>, %arg2: memref<3136x8xf32, #tpu.memory_space<vmem>>, %arg3: memref<3136x8xf32, #tpu.memory_space<vmem>>, %arg4: memref<3136x1xf32, #tpu.memory_space<vmem>>) attributes {dimension_semantics = [#tpu.dimension_semantics<arbitrary>], iteration_bounds = array<i64: 32>, scalar_prefetch = 0 : i64, scratch_operands = 0 : i64, tpu.core_type = #tpu.core_type<tc>, window_params = [{transform_indices = @transform_0, window_bounds = array<i64: 2, 3136, 1>}, {transform_indices = @transform_1, window_bounds = array<i64: 3136, 8>}, {transform_indices = @transform_2, window_bounds = array<i64: 3136, 8>}, {transform_indices = @transform_3, window_bounds = array<i64: 3136, 1>}]} {
    %get3A = arith.constant 0 : index
    %get3A_0 = arith.constant 0 : index
    %get3A_1 = arith.constant 0 : index
    %get3A_2 = vector.load %arg1[%get3A, %get3A_0, %get3A_1] : memref<2x3136x1xf32, #tpu.memory_space<vmem>>, vector<1x3136x1xf32>
    %get3A_3 = vector.shape_cast %get3A_2 : vector<1x3136x1xf32> to vector<3136x1xf32>
    %get3A_4 = arith.constant 1 : index
    %get3A_5 = arith.constant 0 : index
    %get3A_6 = arith.constant 0 : index
    %get3A_7 = vector.load %arg1[%get3A_4, %get3A_5, %get3A_6] : memref<2x3136x1xf32, #tpu.memory_space<vmem>>, vector<1x3136x1xf32>
    %get3A_8 = vector.shape_cast %get3A_7 : vector<1x3136x1xf32> to vector<3136x1xf32>
    %add3A = arith.addf %get3A_3, %get3A_8 : vector<3136x1xf32>
    %add3A_9 = arith.constant 1.000000e+00 : f32
    %add3A_10 = vector.broadcast %add3A_9 : f32 to vector<3136x1xf32>
    %add3A_11 = arith.addf %add3A, %add3A_10 : vector<3136x1xf32>
    %rsqrt3A = math.rsqrt %add3A_11 : vector<3136x1xf32>
    %swap3A = arith.constant 0 : index
    %swap3A_12 = arith.constant 0 : index
    %swap3A_13 = vector.load %arg4[%swap3A, %swap3A_12] : memref<3136x1xf32, #tpu.memory_space<vmem>>, vector<3136x1xf32>
    tpu.vector_store %arg4[%swap3A, %swap3A_12], %rsqrt3A {strides = array<i32>} : memref<3136x1xf32, #tpu.memory_space<vmem>>, vector<3136x1xf32>,
    %get3A_14 = arith.constant 0 : index
    %get3A_15 = arith.constant 0 : index
    %get3A_16 = vector.load %arg2[%get3A_14, %get3A_15] : memref<3136x8xf32, #tpu.memory_space<vmem>>, vector<3136x8xf32>
    %mul3A = vector.broadcast %rsqrt3A : vector<3136x1xf32> to vector<3136x8xf32>
    %mul3A_17 = arith.mulf %mul3A, %get3A_16 : vector<3136x8xf32>
    %swap3A_18 = arith.constant 0 : index
    %swap3A_19 = arith.constant 0 : index
    %swap3A_20 = vector.load %arg3[%swap3A_18, %swap3A_19] : memref<3136x8xf32, #tpu.memory_space<vmem>>, vector<3136x8xf32>
    tpu.vector_store %arg3[%swap3A_18, %swap3A_19], %mul3A_17 {strides = array<i32>} : memref<3136x8xf32, #tpu.memory_space<vmem>>, vector<3136x8xf32>,
    return
  }
  func.func @transform_0(%arg0: i32) -> (i32, i32, i32) {
    %c0_i32 = arith.constant 0 : i32
    %c0_i32_0 = arith.constant 0 : i32
    %c0_i32_1 = arith.constant 0 : i32
    return %c0_i32, %arg0, %c0_i32_0 : i32, i32, i32
  }
  func.func @transform_1(%arg0: i32) -> (i32, i32) {
    %c0_i32 = arith.constant 0 : i32
    %c0_i32_0 = arith.constant 0 : i32
    return %arg0, %c0_i32 : i32, i32
  }
  func.func @transform_2(%arg0: i32) -> (i32, i32) {
    %c0_i32 = arith.constant 0 : i32
    %c0_i32_0 = arith.constant 0 : i32
    return %arg0, %c0_i32 : i32, i32
  }
  func.func @transform_3(%arg0: i32) -> (i32, i32) {
    %c0_i32 = arith.constant 0 : i32
    %c0_i32_0 = arith.constant 0 : i32
    return %arg0, %c0_i32 : i32, i32
  }
}

module attributes {stable_mosaic.version = 14 : i64} {
  func.func @body(%arg0: i32, %arg1: memref<2x2048x8xf32, #tpu.memory_space<vmem>>, %arg2: memref<1x2048x1xf32, #tpu.memory_space<vmem>>, %arg3: memref<1x2048x8xf32, #tpu.memory_space<vmem>>, %arg4: memref<1x2048x1xi32, #tpu.memory_space<vmem>>, %arg5: memref<1x1x2xi32, #tpu.memory_space<smem>>, %arg6: memref<8x128xf32, #tpu.memory_space<vmem>>, %arg7: memref<1x128xf32, #tpu.memory_space<vmem>>, %arg8: memref<128x2xf32, #tpu.memory_space<vmem>>, %arg9: memref<1x2xf32, #tpu.memory_space<vmem>>, %arg10: memref<128x2xf32, #tpu.memory_space<vmem>>, %arg11: memref<136x128xf32, #tpu.memory_space<vmem>>) attributes {dimension_semantics = [#tpu.dimension_semantics<arbitrary>], iteration_bounds = array<i64: 49>, scalar_prefetch = 0 : i64, scratch_operands = 1 : i64, tpu.core_type = #tpu.core_type<tc>, window_params = [{transform_indices = @transform_0, window_bounds = array<i64: 2, 2048, 8>}, {transform_indices = @transform_1, window_bounds = array<i64: 1, 2048, 1>}, {transform_indices = @transform_2, window_bounds = array<i64: 1, 2048, 8>}, {transform_indices = @transform_3, window_bounds = array<i64: 1, 2048, 1>}, {transform_indices = @transform_4, window_bounds = array<i64: 1, 1, 2>}, {pipeline_mode = #tpu.pipeline_mode<synchronous>, transform_indices = @transform_5, window_bounds = array<i64: 8, 128>}, {pipeline_mode = #tpu.pipeline_mode<synchronous>, transform_indices = @transform_6, window_bounds = array<i64: 1, 128>}, {pipeline_mode = #tpu.pipeline_mode<synchronous>, transform_indices = @transform_7, window_bounds = array<i64: 128, 2>}, {pipeline_mode = #tpu.pipeline_mode<synchronous>, transform_indices = @transform_8, window_bounds = array<i64: 1, 2>}, {pipeline_mode = #tpu.pipeline_mode<synchronous>, transform_indices = @transform_9, window_bounds = array<i64: 128, 2>}]} {
    %eq3A = arith.constant 0 : i32
    %eq3A_0 = arith.cmpi eq, %arg0, %eq3A : i32
    %convert_element_type3A = arith.extui %eq3A_0 : i1 to i32
    %cond3A = arith.constant 0 : i32
    %cond3A_1 = arith.cmpi ne, %convert_element_type3A, %cond3A : i32
    scf.if %cond3A_1 {
      %broadcast_in_dim3A = arith.constant 0xFF800000 : f32
      %broadcast_in_dim3A_67 = vector.broadcast %broadcast_in_dim3A : f32 to vector<136x128xf32>
      %swap3A = arith.constant 0 : index
      %swap3A_68 = arith.constant 0 : index
      %swap3A_69 = vector.load %arg11[%swap3A, %swap3A_68] : memref<136x128xf32, #tpu.memory_space<vmem>>, vector<136x128xf32>
      tpu.vector_store %arg11[%swap3A, %swap3A_68], %broadcast_in_dim3A_67 {strides = array<i32>} : memref<136x128xf32, #tpu.memory_space<vmem>>, vector<136x128xf32>,
    } else {
    }
    %get3A = arith.constant 0 : index
    %get3A_2 = arith.constant 0 : index
    %get3A_3 = arith.constant 0 : index
    %get3A_4 = vector.load %arg1[%get3A, %get3A_2, %get3A_3] : memref<2x2048x8xf32, #tpu.memory_space<vmem>>, vector<1x2048x8xf32>
    %get3A_5 = vector.shape_cast %get3A_4 : vector<1x2048x8xf32> to vector<2048x8xf32>
    %get3A_6 = arith.constant 1 : index
    %get3A_7 = arith.constant 0 : index
    %get3A_8 = arith.constant 0 : index
    %get3A_9 = vector.load %arg1[%get3A_6, %get3A_7, %get3A_8] : memref<2x2048x8xf32, #tpu.memory_space<vmem>>, vector<1x2048x8xf32>
    %get3A_10 = vector.shape_cast %get3A_9 : vector<1x2048x8xf32> to vector<2048x8xf32>
    %add3A = arith.addf %get3A_5, %get3A_10 : vector<2048x8xf32>
    %get3A_11 = arith.constant 0 : index
    %get3A_12 = arith.constant 0 : index
    %get3A_13 = arith.constant 0 : index
    %get3A_14 = vector.load %arg2[%get3A_11, %get3A_12, %get3A_13] : memref<1x2048x1xf32, #tpu.memory_space<vmem>>, vector<1x2048x1xf32>
    %get3A_15 = vector.shape_cast %get3A_14 : vector<1x2048x1xf32> to vector<2048x1xf32>
    %mul3A = vector.broadcast %get3A_15 : vector<2048x1xf32> to vector<2048x8xf32>
    %mul3A_16 = arith.mulf %mul3A, %add3A : vector<2048x8xf32>
    %mul3A_17 = arith.mulf %get3A_15, %get3A_15 : vector<2048x1xf32>
    %get3A_18 = arith.constant 0 : index
    %get3A_19 = arith.constant 0 : index
    %get3A_20 = arith.constant 0 : index
    %get3A_21 = vector.load %arg3[%get3A_18, %get3A_19, %get3A_20] : memref<1x2048x8xf32, #tpu.memory_space<vmem>>, vector<1x2048x8xf32>
    %get3A_22 = vector.shape_cast %get3A_21 : vector<1x2048x8xf32> to vector<2048x8xf32>
    %mul3A_23 = vector.broadcast %mul3A_17 : vector<2048x1xf32> to vector<2048x8xf32>
    %mul3A_24 = arith.mulf %mul3A_23, %get3A_22 : vector<2048x8xf32>
    %add3A_25 = arith.addf %mul3A_16, %mul3A_24 : vector<2048x8xf32>
    %get3A_26 = arith.constant 0 : index
    %get3A_27 = arith.constant 0 : index
    %get3A_28 = vector.load %arg6[%get3A_26, %get3A_27] : memref<8x128xf32, #tpu.memory_space<vmem>>, vector<8x128xf32>
    %dot_general3A = arith.constant dense<0.000000e+00> : vector<2048x128xf32>
    %dot_general3A_29 = tpu.matmul %add3A_25, %get3A_28, %dot_general3A {dimension_numbers = #tpu.dot_dimension_numbers<[1], [0], [0], [1], [0, 0, 1, 1], [], []>, transpose_lhs_hint = false} : vector<2048x8xf32>, vector<8x128xf32>, vector<2048x128xf32> -> vector<2048x128xf32>
    %get3A_30 = arith.constant 0 : index
    %get3A_31 = arith.constant 0 : index
    %get3A_32 = vector.load %arg7[%get3A_30, %get3A_31] : memref<1x128xf32, #tpu.memory_space<vmem>>, vector<1x128xf32>
    %add3A_33 = vector.broadcast %get3A_32 : vector<1x128xf32> to vector<2048x128xf32>
    %add3A_34 = arith.addf %dot_general3A_29, %add3A_33 : vector<2048x128xf32>
    %max3A = arith.constant 0.000000e+00 : f32
    %max3A_35 = vector.broadcast %max3A : f32 to vector<2048x128xf32>
    %max3A_36 = arith.maximumf %add3A_34, %max3A_35 : vector<2048x128xf32>
    %get3A_37 = arith.constant 0 : index
    %get3A_38 = arith.constant 0 : index
    %get3A_39 = arith.constant 0 : index
    %get3A_40 = vector.load %arg4[%get3A_37, %get3A_38, %get3A_39] : memref<1x2048x1xi32, #tpu.memory_space<vmem>>, vector<1x2048x1xi32>
    %get3A_41 = vector.shape_cast %get3A_40 : vector<1x2048x1xi32> to vector<2048x1xi32>
    %get3A_42 = arith.constant 0 : index
    %get3A_43 = arith.constant 0 : index
    %get3A_44 = arith.constant 0 : index
    %get3A_45 = memref.load %arg5[%get3A_42, %get3A_43, %get3A_44] : memref<1x1x2xi32, #tpu.memory_space<smem>>
    %get3A_46 = arith.constant 0 : index
    %get3A_47 = arith.constant 0 : index
    %get3A_48 = arith.constant 1 : index
    %get3A_49 = memref.load %arg5[%get3A_46, %get3A_47, %get3A_48] : memref<1x1x2xi32, #tpu.memory_space<smem>>
    %add3A_50 = arith.constant 1 : i32
    %add3A_51 = arith.addi %get3A_49, %add3A_50 : i32
    %while3A = arith.constant 0 : i32
    %while3A_52 = arith.subi %add3A_51, %get3A_45 : i32
    %while3A_53 = arith.addi %get3A_45, %while3A_52 : i32
    %while3A_54 = arith.constant 1 : i32
    %while3A_55 = arith.divsi %while3A_52, %while3A_54 : i32
    %while3A_56 = arith.muli %while3A_55, %while3A_54 : i32
    %while3A_57 = arith.addi %get3A_45, %while3A_56 : i32
    %while3A_58 = arith.constant 1 : i32
    %while3A_59 = scf.for %while3A_67 = %get3A_45 to %while3A_57 step %while3A_58 iter_args(%while3A_68 = %while3A) -> (i32)  : i32 {
      %eq3A_69 = vector.broadcast %while3A_67 : i32 to vector<2048x1xi32>
      %eq3A_70 = arith.cmpi eq, %get3A_41, %eq3A_69 : vector<2048x1xi32>
      %jit3A = arith.constant 0xFF800000 : f32
      %broadcast_in_dim3A = vector.shape_cast %eq3A_70 : vector<2048x1xi1> to vector<2048x1xi1>
      %broadcast_in_dim3A_71 = vector.broadcast %broadcast_in_dim3A : vector<2048x1xi1> to vector<2048x128xi1>
      %broadcast_in_dim3A_72 = vector.broadcast %jit3A : f32 to vector<2048x128xf32>
      %select_n3A = arith.select %broadcast_in_dim3A_71, %max3A_36, %broadcast_in_dim3A_72 : vector<2048x128xi1>, vector<2048x128xf32>
      %reduce_max3A = arith.constant dense<0xFF800000> : vector<128xf32>
      %reduce_max3A_73 = vector.multi_reduction <maximumf>, %select_n3A, %reduce_max3A [0] : vector<2048x128xf32> to vector<128xf32>
      %broadcast_in_dim3A_74 = vector.shape_cast %reduce_max3A_73 : vector<128xf32> to vector<1x128xf32>
      %get3A_75 = arith.index_cast %while3A_67 : i32 to index
      %get3A_76 = arith.constant 0 : index
      %get3A_77 = vector.load %arg11[%get3A_75, %get3A_76] : memref<136x128xf32, #tpu.memory_space<vmem>>, vector<1x128xf32>
      %max3A_78 = arith.maximumf %get3A_77, %broadcast_in_dim3A_74 : vector<1x128xf32>
      %swap3A = arith.index_cast %while3A_67 : i32 to index
      %swap3A_79 = arith.constant 0 : index
      %swap3A_80 = vector.load %arg11[%swap3A, %swap3A_79] : memref<136x128xf32, #tpu.memory_space<vmem>>, vector<1x128xf32>
      tpu.vector_store %arg11[%swap3A, %swap3A_79], %max3A_78 {strides = array<i32>} : memref<136x128xf32, #tpu.memory_space<vmem>>, vector<1x128xf32>,
      %while3A_81 = arith.constant 0 : i32
      scf.yield %while3A_81 : i32
    }
    %while3A_60 = arith.constant 1 : i32
    %while3A_61 = scf.for %while3A_67 = %while3A_57 to %while3A_53 step %while3A_60 iter_args(%while3A_68 = %while3A_59) -> (i32)  : i32 {
      %eq3A_69 = vector.broadcast %while3A_67 : i32 to vector<2048x1xi32>
      %eq3A_70 = arith.cmpi eq, %get3A_41, %eq3A_69 : vector<2048x1xi32>
      %jit3A = arith.constant 0xFF800000 : f32
      %broadcast_in_dim3A = vector.shape_cast %eq3A_70 : vector<2048x1xi1> to vector<2048x1xi1>
      %broadcast_in_dim3A_71 = vector.broadcast %broadcast_in_dim3A : vector<2048x1xi1> to vector<2048x128xi1>
      %broadcast_in_dim3A_72 = vector.broadcast %jit3A : f32 to vector<2048x128xf32>
      %select_n3A = arith.select %broadcast_in_dim3A_71, %max3A_36, %broadcast_in_dim3A_72 : vector<2048x128xi1>, vector<2048x128xf32>
      %reduce_max3A = arith.constant dense<0xFF800000> : vector<128xf32>
      %reduce_max3A_73 = vector.multi_reduction <maximumf>, %select_n3A, %reduce_max3A [0] : vector<2048x128xf32> to vector<128xf32>
      %broadcast_in_dim3A_74 = vector.shape_cast %reduce_max3A_73 : vector<128xf32> to vector<1x128xf32>
      %get3A_75 = arith.index_cast %while3A_67 : i32 to index
      %get3A_76 = arith.constant 0 : index
      %get3A_77 = vector.load %arg11[%get3A_75, %get3A_76] : memref<136x128xf32, #tpu.memory_space<vmem>>, vector<1x128xf32>
      %max3A_78 = arith.maximumf %get3A_77, %broadcast_in_dim3A_74 : vector<1x128xf32>
      %swap3A = arith.index_cast %while3A_67 : i32 to index
      %swap3A_79 = arith.constant 0 : index
      %swap3A_80 = vector.load %arg11[%swap3A, %swap3A_79] : memref<136x128xf32, #tpu.memory_space<vmem>>, vector<1x128xf32>
      tpu.vector_store %arg11[%swap3A, %swap3A_79], %max3A_78 {strides = array<i32>} : memref<136x128xf32, #tpu.memory_space<vmem>>, vector<1x128xf32>,
      %while3A_81 = arith.constant 0 : i32
      scf.yield %while3A_81 : i32
    }
    %eq3A_62 = arith.constant 48 : i32
    %eq3A_63 = arith.cmpi eq, %arg0, %eq3A_62 : i32
    %convert_element_type3A_64 = arith.extui %eq3A_63 : i1 to i32
    %cond3A_65 = arith.constant 0 : i32
    %cond3A_66 = arith.cmpi ne, %convert_element_type3A_64, %cond3A_65 : i32
    scf.if %cond3A_66 {
      %get3A_67 = arith.constant 0 : index
      %get3A_68 = arith.constant 0 : index
      %get3A_69 = vector.load %arg11[%get3A_67, %get3A_68] : memref<136x128xf32, #tpu.memory_space<vmem>>, vector<128x128xf32>
      %get3A_70 = arith.constant 0 : index
      %get3A_71 = arith.constant 0 : index
      %get3A_72 = vector.load %arg8[%get3A_70, %get3A_71] : memref<128x2xf32, #tpu.memory_space<vmem>>, vector<128x2xf32>
      %dot_general3A_73 = arith.constant dense<0.000000e+00> : vector<128x2xf32>
      %dot_general3A_74 = tpu.matmul %get3A_69, %get3A_72, %dot_general3A_73 {dimension_numbers = #tpu.dot_dimension_numbers<[1], [0], [0], [1], [0, 0, 1, 1], [], []>, transpose_lhs_hint = false} : vector<128x128xf32>, vector<128x2xf32>, vector<128x2xf32> -> vector<128x2xf32>
      %get3A_75 = arith.constant 0 : index
      %get3A_76 = arith.constant 0 : index
      %get3A_77 = vector.load %arg9[%get3A_75, %get3A_76] : memref<1x2xf32, #tpu.memory_space<vmem>>, vector<1x2xf32>
      %add3A_78 = vector.broadcast %get3A_77 : vector<1x2xf32> to vector<128x2xf32>
      %add3A_79 = arith.addf %dot_general3A_74, %add3A_78 : vector<128x2xf32>
      %reduce_max3A = arith.constant dense<0xFF800000> : vector<128xf32>
      %reduce_max3A_80 = vector.multi_reduction <maximumf>, %add3A_79, %reduce_max3A [1] : vector<128x2xf32> to vector<128xf32>
      %broadcast_in_dim3A = vector.shape_cast %reduce_max3A_80 : vector<128xf32> to vector<128x1xf32>
      %sub3A = vector.broadcast %broadcast_in_dim3A : vector<128x1xf32> to vector<128x2xf32>
      %sub3A_81 = arith.subf %add3A_79, %sub3A : vector<128x2xf32>
      %exp3A = math.exp %sub3A_81 : vector<128x2xf32>
      %reduce_sum3A = arith.constant dense<0.000000e+00> : vector<128xf32>
      %reduce_sum3A_82 = vector.multi_reduction <add>, %exp3A, %reduce_sum3A [1] : vector<128x2xf32> to vector<128xf32>
      %broadcast_in_dim3A_83 = vector.shape_cast %reduce_sum3A_82 : vector<128xf32> to vector<128x1xf32>
      %log3A = math.log %broadcast_in_dim3A_83 : vector<128x1xf32>
      %add3A_84 = arith.addf %log3A, %broadcast_in_dim3A : vector<128x1xf32>
      %sub3A_85 = vector.broadcast %add3A_84 : vector<128x1xf32> to vector<128x2xf32>
      %sub3A_86 = arith.subf %add3A_79, %sub3A_85 : vector<128x2xf32>
      %swap3A = arith.constant 0 : index
      %swap3A_87 = arith.constant 0 : index
      %swap3A_88 = vector.load %arg10[%swap3A, %swap3A_87] : memref<128x2xf32, #tpu.memory_space<vmem>>, vector<128x2xf32>
      tpu.vector_store %arg10[%swap3A, %swap3A_87], %sub3A_86 {strides = array<i32>} : memref<128x2xf32, #tpu.memory_space<vmem>>, vector<128x2xf32>,
    } else {
    }
    return
  }
  func.func @transform_0(%arg0: i32) -> (i32, i32, i32) {
    %c0_i32 = arith.constant 0 : i32
    %c0_i32_0 = arith.constant 0 : i32
    %c0_i32_1 = arith.constant 0 : i32
    return %c0_i32, %arg0, %c0_i32_0 : i32, i32, i32
  }
  func.func @transform_1(%arg0: i32) -> (i32, i32, i32) {
    %c0_i32 = arith.constant 0 : i32
    %c0_i32_0 = arith.constant 0 : i32
    %c0_i32_1 = arith.constant 0 : i32
    return %arg0, %c0_i32, %c0_i32_0 : i32, i32, i32
  }
  func.func @transform_2(%arg0: i32) -> (i32, i32, i32) {
    %c0_i32 = arith.constant 0 : i32
    %c0_i32_0 = arith.constant 0 : i32
    %c0_i32_1 = arith.constant 0 : i32
    return %arg0, %c0_i32, %c0_i32_0 : i32, i32, i32
  }
  func.func @transform_3(%arg0: i32) -> (i32, i32, i32) {
    %c0_i32 = arith.constant 0 : i32
    %c0_i32_0 = arith.constant 0 : i32
    %c0_i32_1 = arith.constant 0 : i32
    return %arg0, %c0_i32, %c0_i32_0 : i32, i32, i32
  }
  func.func @transform_4(%arg0: i32) -> (i32, i32, i32) {
    %c0_i32 = arith.constant 0 : i32
    %c0_i32_0 = arith.constant 0 : i32
    %c0_i32_1 = arith.constant 0 : i32
    return %arg0, %c0_i32, %c0_i32_0 : i32, i32, i32
  }
  func.func @transform_5(%arg0: i32) -> (i32, i32) {
    %c0_i32 = arith.constant 0 : i32
    %c0_i32_0 = arith.constant 0 : i32
    %c0_i32_1 = arith.constant 0 : i32
    return %c0_i32, %c0_i32_0 : i32, i32
  }
  func.func @transform_6(%arg0: i32) -> (i32, i32) {
    %c0_i32 = arith.constant 0 : i32
    %c0_i32_0 = arith.constant 0 : i32
    %c0_i32_1 = arith.constant 0 : i32
    return %c0_i32, %c0_i32_0 : i32, i32
  }
  func.func @transform_7(%arg0: i32) -> (i32, i32) {
    %c0_i32 = arith.constant 0 : i32
    %c0_i32_0 = arith.constant 0 : i32
    %c0_i32_1 = arith.constant 0 : i32
    return %c0_i32, %c0_i32_0 : i32, i32
  }
  func.func @transform_8(%arg0: i32) -> (i32, i32) {
    %c0_i32 = arith.constant 0 : i32
    %c0_i32_0 = arith.constant 0 : i32
    %c0_i32_1 = arith.constant 0 : i32
    return %c0_i32, %c0_i32_0 : i32, i32
  }
  func.func @transform_9(%arg0: i32) -> (i32, i32) {
    %c0_i32 = arith.constant 0 : i32
    %c0_i32_0 = arith.constant 0 : i32
    %c0_i32_1 = arith.constant 0 : i32
    return %c0_i32, %c0_i32_0 : i32, i32
  }
}

</mosaic_0001>

<sc_bundles>
// kernel: kernel.6.cloned.1.call-start
scs
__scs_entry_jumppad:
0x0: {  	(pc) =	sbr.rel $0x88, $3  }
0x1: {  	(tag) =	ssettag $0x0;
	lr =	simm.s32 $0x1  }
0x2: {  	[smem:$0x3F9A] =	sst lr;
	_ =	strace $0xD0000000  }
0x3: {  	_ = 	snop  }
0x4: {  	_ = 	snop  }
0x5: {  	_ = 	snop  }
0x6: {  	_ = 	snop  }
0x7: {  	_ = 	snop  }
__scs_overlays_trampoline_lowered:
0x8: {  	[smem:$0x3FA9] =	sst s0  }
0x9: {  	[smem:$0x3FAA] =	sst s1  }
0xa: {  	[smem:$0x3FAB] =	sst s2  }
0xb: {  	[smem:$0x3FAC] =	sst s3  }
0xc: {  	[smem:$0x3FAD] =	sst s4  }
0xd: {  	[smem:$0x3FAE] =	sst s5  }
0xe: {  	[smem:$0x3FAF] =	sst s6  }
0xf: {  	[smem:$0x3FB0] =	sst s7  }
0x10: {  	[smem:$0x3FB1] =	sst s8  }
0x11: {  	[smem:$0x3FB2] =	sst s9;
	s0 =	simm.s32 @!p0 $0x0  }
0x12: {  	s1 =	sld [smem:$0x3F98];
	s0 =	simm.s32 @p0 $0x1  }
0x13: {  	[smem:$0x3FB3] =	sst s0;
	s0 =	simm.s32 @!p1 $0x0  }
0x14: {  	s2 =	sld [smem:$0x3F97];
	s0 =	simm.s32 @p1 $0x1  }
0x15: {  	[smem:$0x3FB4] =	sst s0;
	s0 =	simm.s32 @!p2 $0x0  }
0x16: {  	s3 =	sld [smem:$0x3FDB];
	s0 =	simm.s32 @p2 $0x1  }
0x17: {  	s4 =	simm.s32 $0x1BF5;
	[smem:$0x3FB6] =	sst s0  }
0x18: {  	s0 =	sld [smem:$0x3F99];
	_ =	swait.ge [sflag:s4], $0x0  }
0x19: {  	s7 =	sld [smem:$0x3F9A]  }
0x1a: {  	s8 =	sadd.s32 $0xFFFFE003, lr  }
0x1b: {  	s9 =	sadd.s32 $0xFFFFFEF7, lr;
	s5 =	simm.s32 $0xFFFFFFFF;
	p2 =	slt.u32 s8, $0xFFFFF086  }
0x1c: {  	p1 =	slt.u32 s9, $0xF7A;
	s5 =	simm.s32 @!p2 $0x0  }
0x1d: {  	s5 =	simm.s32 @p1 $0x1;
	p0 =	seq.s32 s7, s2  }
0x1e: {  	s7 =	smul.u32 @!p0 $0xF7A, s2;
	p2 =	seq.s32 @!p0 s5, $0x0  }
0x1f: {  	s9 =	smul.u32 $0xF7A, s1;
	s8 =	simm.s32 @!p0 $0x1BF5;
	p2 =	por !p2, p0  }
0x20: {  	[sflag:s8] =	ssyncset.s32 @!p0 $0xFFFFF086;
	s6 =	sadd.s32 @!p0 s3, s7;
	s7 =	simm.s32 @!p0 $0x108  }
0x21: {  	s3 =	sadd.s32 s3, s9;
	s6 =	sadd.s32 @!p0 $0x88, s6;
	s7 =	simm.s32 @p2 $0x1082  }
0x22: {  	[simem:s7], [sflag:s8] =	dma.local @!p0 [hbm:s6], $0xF7A  }
0x23: {  	s9 =	sor.u32 $0xD0000000, s2;
	s6 =	simm.s32 $0x108;
	_ =	swait.ge @!p0 [sflag:s8], $0x0  }
0x24: {  	s3 =	sadd.s32 $0x88, s3;
	s6 =	simm.s32 @!p1 $0x1082;
	[sflag:s4] =	ssyncset.s32 $0xFFFFF086  }
0x25: {  	[simem:s6], [sflag:s4] =	dma.local [hbm:s3], $0xF7A  }
0x26: {  	[smem:$0x3F9A] =	sst s1;
	(tag) =	ssettag s2;
	_ =	strace s9  }
0x27: {  	s1 =	sld [smem:$0x3FAA]  }
0x28: {  	s2 =	sld [smem:$0x3FAB]  }
0x29: {  	s4 =	sld [smem:$0x3FAD]  }
0x2a: {  	p0 =	seq.s32 s5, $0x0;
	s5 =	sld [smem:$0x3FAE]  }
0x2b: {  	s6 =	sld [smem:$0x3FAF]  }
0x2c: {  	s7 =	sld [smem:$0x3FB0]  }
0x2d: {  	s3 =	simm.s32 $0x108;
	s8 =	sld [smem:$0x3FB1]  }
0x2e: {  	s3 =	simm.s32 @!p0 $0x1082;
	s9 =	sld [smem:$0x3FB2]  }
0x2f: {  	lr =	sadd.s32 s0, s3;
	s0 =	sld [smem:$0x3FA9]  }
0x30: {  	s3 =	sld [smem:$0x3FAC]  }
0x31: {  	[smem:$0x3FB5] =	sst s10  }
0x32: {  	s10 =	sld [smem:$0x3FB3];
	_ =	sdelay $0x3  }
0x33: {  	p0 =	seq.s32 s10, $0x1;
	s10 =	sld [smem:$0x3FB5];
	_ =	sdelay $0x3  }
0x34: {  	[smem:$0x3FB5] =	sst s10  }
0x35: {  	s10 =	sld [smem:$0x3FB4];
	_ =	sdelay $0x3  }
0x36: {  	p1 =	seq.s32 s10, $0x1;
	s10 =	sld [smem:$0x3FB5];
	_ =	sdelay $0x3  }
0x37: {  	[smem:$0x3FB5] =	sst s10  }
0x38: {  	s10 =	sld [smem:$0x3FB6]  }
0x39: {  	_ = 	snop;
	(pc) =	sbr.ind lr, $3  }
0x3a: {  	_ = 	snop  }
0x3b: {  	_ = 	snop  }
0x3c: {  	p2 =	seq.s32 s10, $0x1;
	s10 =	sld [smem:$0x3FB5]  }
0x3d: {  	_ =	shalt  }
0x3e: {  	_ =	shalt  }
0x3f: {  	_ =	shalt  }
0x40: {  	_ =	shalt  }
0x41: {  	_ =	shalt  }
0x42: {  	_ =	shalt  }
0x43: {  	_ =	shalt  }
0x44: {  	_ =	shalt  }
0x45: {  	_ =	shalt  }
0x46: {  	_ =	shalt  }
0x47: {  	_ =	shalt  }
0x48: {  	_ =	shalt  }
0x49: {  	_ =	shalt  }
0x4a: {  	_ =	shalt  }
0x4b: {  	_ =	shalt  }
0x4c: {  	_ =	shalt  }
0x4d: {  	_ =	shalt  }
0x4e: {  	_ =	shalt  }
0x4f: {  	_ =	shalt  }
0x50: {  	_ =	shalt  }
0x51: {  	_ =	shalt  }
0x52: {  	_ =	shalt  }
0x53: {  	_ =	shalt  }
0x54: {  	_ =	shalt  }
0x55: {  	_ =	shalt  }
0x56: {  	_ =	shalt  }
0x57: {  	_ =	shalt  }
0x58: {  	_ =	shalt  }
0x59: {  	_ =	shalt  }
0x5a: {  	_ =	shalt  }
0x5b: {  	_ =	shalt  }
0x5c: {  	_ =	shalt  }
0x5d: {  	_ =	shalt  }
0x5e: {  	_ =	shalt  }
0x5f: {  	_ =	shalt  }
0x60: {  	_ =	shalt  }
0x61: {  	_ =	shalt  }
0x62: {  	_ =	shalt  }
0x63: {  	_ =	shalt  }
0x64: {  	_ =	shalt  }
0x65: {  	_ =	shalt  }
0x66: {  	_ =	shalt  }
0x67: {  	_ =	shalt  }
0x68: {  	_ =	shalt  }
0x69: {  	_ =	shalt  }
0x6a: {  	_ =	shalt  }
0x6b: {  	_ =	shalt  }
0x6c: {  	_ =	shalt  }
0x6d: {  	_ =	shalt  }
0x6e: {  	_ =	shalt  }
0x6f: {  	_ =	shalt  }
0x70: {  	_ =	shalt  }
0x71: {  	_ =	shalt  }
0x72: {  	_ =	shalt  }
0x73: {  	_ =	shalt  }
0x74: {  	_ =	shalt  }
0x75: {  	_ =	shalt  }
0x76: {  	_ =	shalt  }
0x77: {  	_ =	shalt  }
0x78: {  	_ =	shalt  }
0x79: {  	_ =	shalt  }
0x7a: {  	_ =	shalt  }
0x7b: {  	_ =	shalt  }
0x7c: {  	_ =	shalt  }
0x7d: {  	_ =	shalt  }
0x7e: {  	_ =	shalt  }
0x7f: {  	_ =	shalt  }
0x80: {  	_ =	shalt  }
0x81: {  	_ =	shalt  }
0x82: {  	_ =	shalt  }
0x83: {  	_ =	shalt  }
0x84: {  	_ =	shalt  }
0x85: {  	_ =	shalt  }
0x86: {  	_ =	shalt  }
0x87: {  	_ =	shalt  }
.Lfunc_end0:
.L_simem_size_0:
called_computation_lowered:
.L_overlay_start_0:
0x88: {  	s2 =	sld [smem:$0x3FD9]  }
0x89: {  	s3 =	sld [smem:$0x3FFE];
	_ =	sdelay $0x1  }
0x8a: {  	s1 =	srdreg.scid  }
0x8b: {  	s0 =	sand.u32 $0x1, s1  }
0x8c: {  	s16 =	sshll.u32 s0, $0xA;
	s2 =	sadd.s32 s3, s2  }
0x8d: {  	s2 =	sadd.s32 s2, s16  }
0x8e: {  	[smem:$0x3FC1] =	sst s2  }
0x8f: {  	_ = 	snop  }
0x90: {  	(tm) =	ssettm $0x1  }
0x91: {  	s17 =	sld [smem:$0x3FFB];
	_ =	sdelay $0x3  }
0x92: {  	_ =	strace s17  }
0x93: {  	s2 =	sld [smem:$0x3FFC];
	_ =	sdelay $0x3  }
0x94: {  	_ =	strace s2  }
0x95: {  	s2 =	sld [smem:$0x3FFD];
	_ =	sdelay $0x3  }
0x96: {  	_ =	strace s2  }
0x97: {  	_ =	strace $0x8FFFFFFF  }
0x98: {  	s18 =	sld [smem:$0x3FDB];
	_ =	sdelay $0x1  }
0x99: {  	s19 =	simm.s32 $_scs_section_size  }
0x9a: {  	s4 =	simm.s32 $_size__tile_overlayer_lowered;
	s5 =	simm.s32 $_tile_overlayer_lowered  }
0x9b: {  	s22 =	simm.s32 $0x1BFF;
	s21 =	sshll.u32 s5, $0x1;
	s2 =	sadd.s32 s19, s18  }
0x9c: {  	s6 =	simm.s32 $0x0;
	s20 =	sshll.u32 s4, $0x1;
	s4 =	sadd.s32 s21, s2  }
0x9d: {  	[timem:s6], [sflag:s22] =	dma.local [hbm:s4], s20  }
0x9e: {  	_ =	swait.ge [sflag:s22], s20  }
0x9f: {  	s3 =	ssub.s32 $0x0, s20;
	[sflag:s22] =	ssyncset.done $0x0  }
0xa0: {  	[sflag:s22] =	ssyncadd.s32 s3;
	_ =	sdelay $0x1  }
0xa1: {  	s23 =	simm.s32 $0x1B8B  }
0xa2: {  	_ =	swait.ge [sflag:s23], $0x1  }
0xa3: {  	[sflag:s23] =	ssyncset.done $0x0  }
0xa4: {  	s25 =	simm.s32 $0x1B8E;
	s24 =	sld [smem:$0x3FFE];
	[sflag:s23] =	ssyncadd.s32 $0xFFFFFFFF  }
0xa5: {  	s26 =	simm.s32 $execute0_lowered;
	[smem:$0x3FD2] =	sst s25  }
0xa6: {  	s4 =	sshll.u32 s26, $0x1;
	_ =	strace $0x80000046;
	[dreg:$0x1] =	wrdreg $0xFFFFFFFF  }
0xa7: {  	s28 =	simm.s32 $_size_execute0_lowered;
	s2 =	sadd.s32 s2, s4;
	[dreg:$0x0] =	wrdreg $0x0  }
0xa8: {  	s4 =	sshll.u32 s28, $0x1;
	[dreg:$0x2] =	wrdreg s2  }
0xa9: {  	[dreg:$0x3] =	wrdreg s4  }
0xaa: {  	[dreg:$0x4] =	wrdreg $0xC0  }
0xab: {  	_ =	task [dreg:s6], $0x5FFFF  }
0xac: {  	[dreg:$0x1] =	wrdreg $0xFFFFFFFF  }
0xad: {  	[dreg:$0x0] =	wrdreg $0x60  }
0xae: {  	[dreg:$0x2] =	wrdreg s24  }
0xaf: {  	[dreg:$0x3] =	wrdreg $0x21000  }
0xb0: {  	[dreg:$0x4] =	wrdreg $0x9  }
0xb1: {  	_ =	task.clear_ibuf [dreg:s6], $0x5FFFF;
	_ =	strace $0x90000046  }
0xb2: {  	s29 =	simm.s32 $0x9;
	_ =	strace $0x80000048  }
0xb3: {  	_ =	swait.ge [sflag:s29], $0x1  }
0xb4: {  	[sflag:s29] =	ssyncadd.s32 $0xFFFFFFFF  }
0xb5: {  	_ =	strace $0x90000048  }
0xb6: {  	_ =	sfence  }
0xb7: {  	s30 =	sld [smem:$0x0];
	_ =	sdelay $0x2  }
0xb8: {  	s31 =	sshll.u32 s1, $0xD;
	s1 =	sshrl.u32 s1, $0x2  }
0xb9: {  	s3 =	sand.u32 $0x4000, s31;
	s1 =	sadd.s32 s1, s30  }
0xba: {  	s0 =	sor.u32 s3, s0;
	s1 =	sshll.u32 s1, $0x11  }
0xbb: {  	s0 =	sor.u32 s1, s0  }
0xbc: {  	s0 =	sadd.s32 $0x8F2B, s0  }
0xbd: {  	[sflag:s0] =	ssyncadd.remote.s32 $0x1  }
0xbe: {  	_ =	sfence.sel $0xFFFF  }
0xbf: {  	[dreg:$0x0] =	wrdreg $0xFFFFFFFF;
	(pc) =	sbr.abs _section_cstart, $3  }
0xc0: {  	[dreg:$0x1] =	wrdreg $0xFFFFFFFF  }
0xc1: {  	_ =	task.clear_ibuf [dreg:s6], $0x2FFFF;
	_ =	strace $0x9FFFFFFF  }
0xc2: {  	(tm) =	ssettm $0x7FFFFFFF  }
0xc3: {  	_ =	shalt  }
tec
execute0_lowered:
.L_overlay_start_1:
0x0: {  	(tag) =	ssettag $0x1  }
0x1: {  	s4 =	rddreg [dreg:$0x0]  }
0x2: {  	s2 =	rddreg [dreg:$0x1]  }
0x3: {  	s0 =	srdreg.scid;
	s1 =	rddreg [dreg:$0x2]  }
0x4: {  	s3 =	simm.s32 $0x0;
	s11 =	simm.s32 $0x2080;
	s12 =	simm.s32 $0x100  }
0x5: {  	s13 =	simm.s32 $0x180;
	s14 =	simm.s32 $0x200;
	s15 =	simm.s32 $0x280  }
0x6: {  	s16 =	simm.s32 $0x300;
	s17 =	simm.s32 $0x380;
	s18 =	simm.s32 $0x400  }
0x7: {  	s19 =	simm.s32 $0x480;
	s20 =	simm.s32 $0x500;
	s5 =	sand.u32 $0x1, s0  }
0x8: {  	s21 =	simm.s32 $0x580;
	s0 =	stileid.u32;
	s6 =	smul.u32 $0xC8000, s5  }
0x9: {  	s22 =	simm.s32 $0x600;
	s23 =	simm.s32 $0x680;
	s7 =	smul.u32 $0xC800, s0  }
0xa: {  	s24 =	simm.s32 $0x700;
	s25 =	simm.s32 $0x780;
	s8 =	smul.u32 $0x1880, s0  }
0xb: {  	[smem:$0x7FF] =	sst s3;
	s9 =	smul.u32 $0x18800, s5;
	s5 =	ssub.s32 $0x2, s5  }
0xc: {  	s28 =	simm.s32 $0x0;
	_ =	strace $0x80000047;
	s29 =	sshrl.u32 s5, $0x1  }
0xd: {  	s6 =	sadd.s32 s7, s6;
	s26 =	sadd.s32 s8, s9;
	s31 =	ssub.s32 s5, s29  }
0xe: {  	s9 =	simm.s32 $0x2;
	s6 =	sshrl.u32 s6, $0x3;
	s7 =	sshrl.u32 s26, $0x3  }
0xf: {  	s26 =	simm.s32 $0x1;
	s10 =	sadd.s32 s6, s4;
	s30 =	sadd.s32 s7, s4  }
0x10: {  	s4 =	sadd.s32 s8, s2;
	s6 =	smax.u32 s31, $0x1;
	s8 =	simm.s32 $0x800  }
0x11: {  	v0 =	vimm.f32 $0.0e+00;
	v1 =	vimm.f32 $1.000000000e+00;
	s5 =	sadd.s32 $0x64600, s30;
	s7 =	sadd.s32 $0x600, s10;
	s10 =	simm.s32 $0x80  }
.LBB2_1:
0x12: {  	s29 =	simm.s32 $0x40;
	s30 =	simm.s32 $0x0  }
.LBB2_2:
0x13: {  	p0 =	sne.s32 s29, $0x61C0;
	[tilespmem:s30+$0x800] =	vst v0;
	s30 =	smov.u32 s29;
	s29 =	sadd.s32 $0x40, s29  }
.Ltmp0:
0x14: {  	(pc) =	sbr.rel @p0 .LBB2_2-.Ltmp0, $2  }
0x15: {  	_ =	sdelay $0x2  }
0x16: {  	s30 =	sshra.s32 s30, $0x2  }
0x17: {  	[tilespmem:s30+$0x800] =	vst v0  }
0x18: {  	[tilespmem:$0x2080] =	vst v1  }
0x19: {  	[tilespmem:$0x2090] =	vst v1  }
0x1a: {  	[tilespmem:$0x20A0] =	vst v1  }
0x1b: {  	[tilespmem:$0x20B0] =	vst v1  }
0x1c: {  	[tilespmem:$0x20C0] =	vst v1  }
0x1d: {  	[tilespmem:$0x20D0] =	vst v1  }
0x1e: {  	[tilespmem:$0x20E0] =	vst v1  }
0x1f: {  	[tilespmem:$0x20F0] =	vst v1  }
0x20: {  	[spmem:s4] =	stream.linear.scatter [tilespmem:s8], [sflag:$0x2], $0x1880, $0x38;
	[tilespmem:$0x3980] =	vst v63  }
0x21: {  	_ =	swait.ge [sflag:s9], $0x1880  }
0x22: {  	[sflag:s9] =	ssyncset.done $0x0  }
0x23: {  	[sflag:s9] =	ssyncadd.s32 $0xFFFFE780  }
0x24: {  	s29 =	sadd.s32 $0x0, s7;
	[bflag:$0x0] =	sbarrier.arrive $0xFFFF  }
0x25: {  	[tilespmem:s3], [sflag:$0x2] =	stream.linear.gather [hbm4b:s29+s3], $0x800, $0x38;
	[tilespmem:$0x3980] =	vst v63  }
0x26: {  	_ =	swait.ge [sflag:s9], $0x800  }
0x27: {  	[sflag:s9] =	ssyncset.done $0x0  }
0x28: {  	[sflag:s9] =	ssyncadd.s32 $0xFFFFF800  }
0x29: {  	[spmem:s2] =	stream.indirect.scatter.add.f32 [tilespmem:s11], [sflag:$0x1], $0x1, s3, s10, $0xb8;
	[tilespmem:$0x3980] =	vst v63  }
0x2a: {  	_ = 	snop  }
0x2b: {  	[spmem:s2] =	stream.indirect.scatter.add.f32 [tilespmem:s11], [sflag:$0x1], $0x1, s10, s10, $0xb8;
	[tilespmem:$0x3980] =	vst v63  }
0x2c: {  	_ = 	snop  }
0x2d: {  	[spmem:s2] =	stream.indirect.scatter.add.f32 [tilespmem:s11], [sflag:$0x1], $0x1, s12, s10, $0xb8;
	[tilespmem:$0x3980] =	vst v63  }
0x2e: {  	_ = 	snop  }
0x2f: {  	[spmem:s2] =	stream.indirect.scatter.add.f32 [tilespmem:s11], [sflag:$0x1], $0x1, s13, s10, $0xb8;
	[tilespmem:$0x3980] =	vst v63  }
0x30: {  	_ = 	snop  }
0x31: {  	[spmem:s2] =	stream.indirect.scatter.add.f32 [tilespmem:s11], [sflag:$0x1], $0x1, s14, s10, $0xb8;
	[tilespmem:$0x3980] =	vst v63  }
0x32: {  	_ = 	snop  }
0x33: {  	[spmem:s2] =	stream.indirect.scatter.add.f32 [tilespmem:s11], [sflag:$0x1], $0x1, s15, s10, $0xb8;
	[tilespmem:$0x3980] =	vst v63  }
0x34: {  	_ = 	snop  }
0x35: {  	[spmem:s2] =	stream.indirect.scatter.add.f32 [tilespmem:s11], [sflag:$0x1], $0x1, s16, s10, $0xb8;
	[tilespmem:$0x3980] =	vst v63  }
0x36: {  	_ = 	snop  }
0x37: {  	[spmem:s2] =	stream.indirect.scatter.add.f32 [tilespmem:s11], [sflag:$0x1], $0x1, s17, s10, $0xb8;
	[tilespmem:$0x3980] =	vst v63  }
0x38: {  	_ = 	snop  }
0x39: {  	[spmem:s2] =	stream.indirect.scatter.add.f32 [tilespmem:s11], [sflag:$0x1], $0x1, s18, s10, $0xb8;
	[tilespmem:$0x3980] =	vst v63  }
0x3a: {  	_ = 	snop  }
0x3b: {  	[spmem:s2] =	stream.indirect.scatter.add.f32 [tilespmem:s11], [sflag:$0x1], $0x1, s19, s10, $0xb8;
	[tilespmem:$0x3980] =	vst v63  }
0x3c: {  	_ = 	snop  }
0x3d: {  	[spmem:s2] =	stream.indirect.scatter.add.f32 [tilespmem:s11], [sflag:$0x1], $0x1, s20, s10, $0xb8;
	[tilespmem:$0x3980] =	vst v63  }
0x3e: {  	_ = 	snop  }
0x3f: {  	[spmem:s2] =	stream.indirect.scatter.add.f32 [tilespmem:s11], [sflag:$0x1], $0x1, s21, s10, $0xb8;
	[tilespmem:$0x3980] =	vst v63  }
0x40: {  	_ = 	snop  }
0x41: {  	[spmem:s2] =	stream.indirect.scatter.add.f32 [tilespmem:s11], [sflag:$0x1], $0x1, s22, s10, $0xb8;
	[tilespmem:$0x3980] =	vst v63  }
0x42: {  	_ = 	snop  }
0x43: {  	[spmem:s2] =	stream.indirect.scatter.add.f32 [tilespmem:s11], [sflag:$0x1], $0x1, s23, s10, $0xb8;
	[tilespmem:$0x3980] =	vst v63  }
0x44: {  	_ = 	snop  }
0x45: {  	[spmem:s2] =	stream.indirect.scatter.add.f32 [tilespmem:s11], [sflag:$0x1], $0x1, s24, s10, $0xb8;
	[tilespmem:$0x3980] =	vst v63  }
0x46: {  	_ = 	snop  }
0x47: {  	[spmem:s2] =	stream.indirect.scatter.add.f32 [tilespmem:s11], [sflag:$0x1], $0x1, s25, s10, $0xb8;
	[tilespmem:$0x3980] =	vst v63  }
0x48: {  	_ =	swait.ge [sflag:s26], $0x800  }
0x49: {  	s29 =	simm.s32 $0x100;
	[sflag:s26] =	ssyncset.done $0x0  }
.LBB2_4:
0x4a: {  	p0 =	sne.s32 s29, $0x1800  }
0x4b: {  	[sflag:s26] =	ssyncadd.s32 $0xFFFFF800;
	s30 =	smov.u32 s29;
	s29 =	sadd.s32 $0x100, s29  }
0x4c: {  	s30 =	sadd.s32 s30, s7  }
0x4d: {  	[tilespmem:s3], [sflag:$0x2] =	stream.linear.gather [hbm4b:s30+s3], $0x800, $0x38;
	[tilespmem:$0x3980] =	vst v63  }
0x4e: {  	_ =	swait.ge [sflag:s9], $0x800  }
0x4f: {  	[sflag:s9] =	ssyncset.done $0x0  }
0x50: {  	[sflag:s9] =	ssyncadd.s32 $0xFFFFF800  }
0x51: {  	[spmem:s2] =	stream.indirect.scatter.add.f32 [tilespmem:s11], [sflag:$0x1], $0x1, s3, s10, $0xb8;
	[tilespmem:$0x3980] =	vst v63  }
0x52: {  	_ = 	snop  }
0x53: {  	[spmem:s2] =	stream.indirect.scatter.add.f32 [tilespmem:s11], [sflag:$0x1], $0x1, s10, s10, $0xb8;
	[tilespmem:$0x3980] =	vst v63  }
0x54: {  	_ = 	snop  }
0x55: {  	[spmem:s2] =	stream.indirect.scatter.add.f32 [tilespmem:s11], [sflag:$0x1], $0x1, s12, s10, $0xb8;
	[tilespmem:$0x3980] =	vst v63  }
0x56: {  	_ = 	snop  }
0x57: {  	[spmem:s2] =	stream.indirect.scatter.add.f32 [tilespmem:s11], [sflag:$0x1], $0x1, s13, s10, $0xb8;
	[tilespmem:$0x3980] =	vst v63  }
0x58: {  	_ = 	snop  }
0x59: {  	[spmem:s2] =	stream.indirect.scatter.add.f32 [tilespmem:s11], [sflag:$0x1], $0x1, s14, s10, $0xb8;
	[tilespmem:$0x3980] =	vst v63  }
0x5a: {  	_ = 	snop  }
0x5b: {  	[spmem:s2] =	stream.indirect.scatter.add.f32 [tilespmem:s11], [sflag:$0x1], $0x1, s15, s10, $0xb8;
	[tilespmem:$0x3980] =	vst v63  }
0x5c: {  	_ = 	snop  }
0x5d: {  	[spmem:s2] =	stream.indirect.scatter.add.f32 [tilespmem:s11], [sflag:$0x1], $0x1, s16, s10, $0xb8;
	[tilespmem:$0x3980] =	vst v63  }
0x5e: {  	_ = 	snop  }
0x5f: {  	[spmem:s2] =	stream.indirect.scatter.add.f32 [tilespmem:s11], [sflag:$0x1], $0x1, s17, s10, $0xb8;
	[tilespmem:$0x3980] =	vst v63  }
0x60: {  	_ = 	snop  }
0x61: {  	[spmem:s2] =	stream.indirect.scatter.add.f32 [tilespmem:s11], [sflag:$0x1], $0x1, s18, s10, $0xb8;
	[tilespmem:$0x3980] =	vst v63  }
0x62: {  	_ = 	snop  }
0x63: {  	[spmem:s2] =	stream.indirect.scatter.add.f32 [tilespmem:s11], [sflag:$0x1], $0x1, s19, s10, $0xb8;
	[tilespmem:$0x3980] =	vst v63  }
0x64: {  	_ = 	snop  }
0x65: {  	[spmem:s2] =	stream.indirect.scatter.add.f32 [tilespmem:s11], [sflag:$0x1], $0x1, s20, s10, $0xb8;
	[tilespmem:$0x3980] =	vst v63  }
0x66: {  	_ = 	snop  }
0x67: {  	[spmem:s2] =	stream.indirect.scatter.add.f32 [tilespmem:s11], [sflag:$0x1], $0x1, s21, s10, $0xb8;
	[tilespmem:$0x3980] =	vst v63  }
0x68: {  	_ = 	snop  }
0x69: {  	[spmem:s2] =	stream.indirect.scatter.add.f32 [tilespmem:s11], [sflag:$0x1], $0x1, s22, s10, $0xb8;
	[tilespmem:$0x3980] =	vst v63  }
0x6a: {  	_ = 	snop  }
0x6b: {  	[spmem:s2] =	stream.indirect.scatter.add.f32 [tilespmem:s11], [sflag:$0x1], $0x1, s23, s10, $0xb8;
	[tilespmem:$0x3980] =	vst v63  }
0x6c: {  	_ = 	snop  }
0x6d: {  	[spmem:s2] =	stream.indirect.scatter.add.f32 [tilespmem:s11], [sflag:$0x1], $0x1, s24, s10, $0xb8;
	[tilespmem:$0x3980] =	vst v63  }
.Ltmp1:
0x6e: {  	_ = 	snop;
	(pc) =	sbr.rel @p0 .LBB2_4-.Ltmp1, $4  }
0x6f: {  	_ = 	snop  }
0x70: {  	[spmem:s2] =	stream.indirect.scatter.add.f32 [tilespmem:s11], [sflag:$0x1], $0x1, s25, s10, $0xb8;
	[tilespmem:$0x3980] =	vst v63  }
0x71: {  	_ =	swait.ge [sflag:s26], $0x800  }
0x72: {  	[sflag:s26] =	ssyncset.done $0x0  }
0x73: {  	[sflag:s26] =	ssyncadd.s32 $0xFFFFF800  }
0x74: {  	[bflag:$0x0] =	sbarrier.arrive $0xFFFF  }
0x75: {  	[tilespmem:s8], [sflag:$0x2] =	stream.linear.gather [spmem:s4], $0x1880, $0x38;
	[tilespmem:$0x3980] =	vst v63  }
0x76: {  	s28 =	sadd.s32 $0x1, s28;
	_ =	swait.ge [sflag:s9], $0x1880  }
0x77: {  	p0 =	sne.s32 s28, s6;
	[sflag:s9] =	ssyncset.done $0x0  }
.Ltmp2:
0x78: {  	[sflag:s9] =	ssyncadd.s32 $0xFFFFE780;
	(pc) =	sbr.rel @p0 .LBB2_1-.Ltmp2, $4  }
0x79: {  	[hbm4b:s5+s3] =	stream.linear.scatter [tilespmem:s8], [sflag:$0x2], $0x1880, $0x38;
	[tilespmem:$0x3980] =	vst v63  }
0x7a: {  	_ =	swait.ge [sflag:s9], $0x1880  }
0x7b: {  	[sflag:s9] =	ssyncset.done $0x0  }
0x7c: {  	[sflag:s9] =	ssyncadd.s32 $0xFFFFE780  }
0x7d: {  	_ =	sfence.sel $0x180000  }
0x7e: {  	[bflag:$0x0] =	sbarrier.arrive $0xFFFF  }
0x7f: {  	p0 =	sne.s32 s0, $0x0;
	_ =	strace $0x90000047  }
0x80: {  	s0 =	sadd.s32 @!p0 $0x100000, s1;
	[bflag:$0x2] =	sbarrier.arrive $0xFFFF  }
0x81: {  	[sflag:s0] =	ssyncadd.tile.s32 @!p0 $0x1;
	_ =	shalt  }
.Lfunc_end2:
_tile_overlayer_lowered:
.L_overlay_start_2:
0x82: {  	(tag) =	ssettag $0x2  }
0x83: {  	s0 =	rddreg [dreg:$0x0];
	s2 =	stileid.u32  }
0x84: {  	s1 =	rddreg [dreg:$0x1];
	p0 =	sne.s32 s2, $0x0  }
0x85: {  	s3 =	rddreg [dreg:$0x2];
	[bflag:$0x3] =	sbarrier.arrive $0xFFFF;
	s2 =	simm.s32 @!p0 $0x1C02  }
0x86: {  	[timem:s3], [sflag:s2] =	dma.local @!p0 [hbm:s0], s1  }
0x87: {  	s0 =	simm.s32 @!p0 $0x2  }
0x88: {  	_ =	swait.ge @!p0 [sflag:s0], s1  }
0x89: {  	s1 =	ssub.s32 @!p0 $0x0, s1;
	[sflag:s0] =	ssyncset.done @!p0 $0x0  }
0x8a: {  	[sflag:s0] =	ssyncadd.s32 @!p0 s1  }
0x8b: {  	[bflag:$0x3] =	sbarrier.arrive $0xFFFF  }
0x8c: {  	_ =	shalt  }

// kernel: kernel.9.cloned.1.call-start
scs
__scs_entry_jumppad:
0x0: {  	(pc) =	sbr.rel $0x88, $3  }
0x1: {  	(tag) =	ssettag $0x0;
	lr =	simm.s32 $0x1  }
0x2: {  	[smem:$0x3F9A] =	sst lr;
	_ =	strace $0xD0000000  }
0x3: {  	_ = 	snop  }
0x4: {  	_ = 	snop  }
0x5: {  	_ = 	snop  }
0x6: {  	_ = 	snop  }
0x7: {  	_ = 	snop  }
__scs_overlays_trampoline_lowered:
0x8: {  	[smem:$0x3FA9] =	sst s0  }
0x9: {  	[smem:$0x3FAA] =	sst s1  }
0xa: {  	[smem:$0x3FAB] =	sst s2  }
0xb: {  	[smem:$0x3FAC] =	sst s3  }
0xc: {  	[smem:$0x3FAD] =	sst s4  }
0xd: {  	[smem:$0x3FAE] =	sst s5  }
0xe: {  	[smem:$0x3FAF] =	sst s6  }
0xf: {  	[smem:$0x3FB0] =	sst s7  }
0x10: {  	[smem:$0x3FB1] =	sst s8  }
0x11: {  	[smem:$0x3FB2] =	sst s9;
	s0 =	simm.s32 @!p0 $0x0  }
0x12: {  	s1 =	sld [smem:$0x3F98];
	s0 =	simm.s32 @p0 $0x1  }
0x13: {  	[smem:$0x3FB3] =	sst s0;
	s0 =	simm.s32 @!p1 $0x0  }
0x14: {  	s2 =	sld [smem:$0x3F97];
	s0 =	simm.s32 @p1 $0x1  }
0x15: {  	[smem:$0x3FB4] =	sst s0;
	s0 =	simm.s32 @!p2 $0x0  }
0x16: {  	s3 =	sld [smem:$0x3FDB];
	s0 =	simm.s32 @p2 $0x1  }
0x17: {  	s4 =	simm.s32 $0x1BF5;
	[smem:$0x3FB6] =	sst s0  }
0x18: {  	s0 =	sld [smem:$0x3F99];
	_ =	swait.ge [sflag:s4], $0x0  }
0x19: {  	s7 =	sld [smem:$0x3F9A]  }
0x1a: {  	s8 =	sadd.s32 $0xFFFFE003, lr  }
0x1b: {  	s9 =	sadd.s32 $0xFFFFFEF7, lr;
	s5 =	simm.s32 $0xFFFFFFFF;
	p2 =	slt.u32 s8, $0xFFFFF086  }
0x1c: {  	p1 =	slt.u32 s9, $0xF7A;
	s5 =	simm.s32 @!p2 $0x0  }
0x1d: {  	s5 =	simm.s32 @p1 $0x1;
	p0 =	seq.s32 s7, s2  }
0x1e: {  	s7 =	smul.u32 @!p0 $0xF7A, s2;
	p2 =	seq.s32 @!p0 s5, $0x0  }
0x1f: {  	s9 =	smul.u32 $0xF7A, s1;
	s8 =	simm.s32 @!p0 $0x1BF5;
	p2 =	por !p2, p0  }
0x20: {  	[sflag:s8] =	ssyncset.s32 @!p0 $0xFFFFF086;
	s6 =	sadd.s32 @!p0 s3, s7;
	s7 =	simm.s32 @!p0 $0x108  }
0x21: {  	s3 =	sadd.s32 s3, s9;
	s6 =	sadd.s32 @!p0 $0x88, s6;
	s7 =	simm.s32 @p2 $0x1082  }
0x22: {  	[simem:s7], [sflag:s8] =	dma.local @!p0 [hbm:s6], $0xF7A  }
0x23: {  	s9 =	sor.u32 $0xD0000000, s2;
	s6 =	simm.s32 $0x108;
	_ =	swait.ge @!p0 [sflag:s8], $0x0  }
0x24: {  	s3 =	sadd.s32 $0x88, s3;
	s6 =	simm.s32 @!p1 $0x1082;
	[sflag:s4] =	ssyncset.s32 $0xFFFFF086  }
0x25: {  	[simem:s6], [sflag:s4] =	dma.local [hbm:s3], $0xF7A  }
0x26: {  	[smem:$0x3F9A] =	sst s1;
	(tag) =	ssettag s2;
	_ =	strace s9  }
0x27: {  	s1 =	sld [smem:$0x3FAA]  }
0x28: {  	s2 =	sld [smem:$0x3FAB]  }
0x29: {  	s4 =	sld [smem:$0x3FAD]  }
0x2a: {  	p0 =	seq.s32 s5, $0x0;
	s5 =	sld [smem:$0x3FAE]  }
0x2b: {  	s6 =	sld [smem:$0x3FAF]  }
0x2c: {  	s7 =	sld [smem:$0x3FB0]  }
0x2d: {  	s3 =	simm.s32 $0x108;
	s8 =	sld [smem:$0x3FB1]  }
0x2e: {  	s3 =	simm.s32 @!p0 $0x1082;
	s9 =	sld [smem:$0x3FB2]  }
0x2f: {  	lr =	sadd.s32 s0, s3;
	s0 =	sld [smem:$0x3FA9]  }
0x30: {  	s3 =	sld [smem:$0x3FAC]  }
0x31: {  	[smem:$0x3FB5] =	sst s10  }
0x32: {  	s10 =	sld [smem:$0x3FB3];
	_ =	sdelay $0x3  }
0x33: {  	p0 =	seq.s32 s10, $0x1;
	s10 =	sld [smem:$0x3FB5];
	_ =	sdelay $0x3  }
0x34: {  	[smem:$0x3FB5] =	sst s10  }
0x35: {  	s10 =	sld [smem:$0x3FB4];
	_ =	sdelay $0x3  }
0x36: {  	p1 =	seq.s32 s10, $0x1;
	s10 =	sld [smem:$0x3FB5];
	_ =	sdelay $0x3  }
0x37: {  	[smem:$0x3FB5] =	sst s10  }
0x38: {  	s10 =	sld [smem:$0x3FB6]  }
0x39: {  	_ = 	snop;
	(pc) =	sbr.ind lr, $3  }
0x3a: {  	_ = 	snop  }
0x3b: {  	_ = 	snop  }
0x3c: {  	p2 =	seq.s32 s10, $0x1;
	s10 =	sld [smem:$0x3FB5]  }
0x3d: {  	_ =	shalt  }
0x3e: {  	_ =	shalt  }
0x3f: {  	_ =	shalt  }
0x40: {  	_ =	shalt  }
0x41: {  	_ =	shalt  }
0x42: {  	_ =	shalt  }
0x43: {  	_ =	shalt  }
0x44: {  	_ =	shalt  }
0x45: {  	_ =	shalt  }
0x46: {  	_ =	shalt  }
0x47: {  	_ =	shalt  }
0x48: {  	_ =	shalt  }
0x49: {  	_ =	shalt  }
0x4a: {  	_ =	shalt  }
0x4b: {  	_ =	shalt  }
0x4c: {  	_ =	shalt  }
0x4d: {  	_ =	shalt  }
0x4e: {  	_ =	shalt  }
0x4f: {  	_ =	shalt  }
0x50: {  	_ =	shalt  }
0x51: {  	_ =	shalt  }
0x52: {  	_ =	shalt  }
0x53: {  	_ =	shalt  }
0x54: {  	_ =	shalt  }
0x55: {  	_ =	shalt  }
0x56: {  	_ =	shalt  }
0x57: {  	_ =	shalt  }
0x58: {  	_ =	shalt  }
0x59: {  	_ =	shalt  }
0x5a: {  	_ =	shalt  }
0x5b: {  	_ =	shalt  }
0x5c: {  	_ =	shalt  }
0x5d: {  	_ =	shalt  }
0x5e: {  	_ =	shalt  }
0x5f: {  	_ =	shalt  }
0x60: {  	_ =	shalt  }
0x61: {  	_ =	shalt  }
0x62: {  	_ =	shalt  }
0x63: {  	_ =	shalt  }
0x64: {  	_ =	shalt  }
0x65: {  	_ =	shalt  }
0x66: {  	_ =	shalt  }
0x67: {  	_ =	shalt  }
0x68: {  	_ =	shalt  }
0x69: {  	_ =	shalt  }
0x6a: {  	_ =	shalt  }
0x6b: {  	_ =	shalt  }
0x6c: {  	_ =	shalt  }
0x6d: {  	_ =	shalt  }
0x6e: {  	_ =	shalt  }
0x6f: {  	_ =	shalt  }
0x70: {  	_ =	shalt  }
0x71: {  	_ =	shalt  }
0x72: {  	_ =	shalt  }
0x73: {  	_ =	shalt  }
0x74: {  	_ =	shalt  }
0x75: {  	_ =	shalt  }
0x76: {  	_ =	shalt  }
0x77: {  	_ =	shalt  }
0x78: {  	_ =	shalt  }
0x79: {  	_ =	shalt  }
0x7a: {  	_ =	shalt  }
0x7b: {  	_ =	shalt  }
0x7c: {  	_ =	shalt  }
0x7d: {  	_ =	shalt  }
0x7e: {  	_ =	shalt  }
0x7f: {  	_ =	shalt  }
0x80: {  	_ =	shalt  }
0x81: {  	_ =	shalt  }
0x82: {  	_ =	shalt  }
0x83: {  	_ =	shalt  }
0x84: {  	_ =	shalt  }
0x85: {  	_ =	shalt  }
0x86: {  	_ =	shalt  }
0x87: {  	_ =	shalt  }
.Lfunc_end0:
.L_simem_size_0:
called_computation.1_lowered:
.L_overlay_start_0:
0x88: {  	s2 =	sld [smem:$0x3FD9]  }
0x89: {  	s3 =	sld [smem:$0x3FFE];
	_ =	sdelay $0x1  }
0x8a: {  	s1 =	srdreg.scid  }
0x8b: {  	s0 =	sand.u32 $0x1, s1  }
0x8c: {  	s16 =	sshll.u32 s0, $0xA;
	s2 =	sadd.s32 s3, s2  }
0x8d: {  	s2 =	sadd.s32 s2, s16  }
0x8e: {  	[smem:$0x3FC1] =	sst s2  }
0x8f: {  	_ = 	snop  }
0x90: {  	(tm) =	ssettm $0x1  }
0x91: {  	s17 =	sld [smem:$0x3FFB];
	_ =	sdelay $0x3  }
0x92: {  	_ =	strace s17  }
0x93: {  	s2 =	sld [smem:$0x3FFC];
	_ =	sdelay $0x3  }
0x94: {  	_ =	strace s2  }
0x95: {  	s2 =	sld [smem:$0x3FFD];
	_ =	sdelay $0x3  }
0x96: {  	_ =	strace s2  }
0x97: {  	_ =	strace $0x8FFFFFFF  }
0x98: {  	s18 =	sld [smem:$0x3FDB];
	_ =	sdelay $0x1  }
0x99: {  	s19 =	simm.s32 $_scs_section_size  }
0x9a: {  	s4 =	simm.s32 $_size__tile_overlayer_lowered;
	s5 =	simm.s32 $_tile_overlayer_lowered  }
0x9b: {  	s22 =	simm.s32 $0x1BFF;
	s21 =	sshll.u32 s5, $0x1;
	s2 =	sadd.s32 s19, s18  }
0x9c: {  	s6 =	simm.s32 $0x0;
	s20 =	sshll.u32 s4, $0x1;
	s4 =	sadd.s32 s21, s2  }
0x9d: {  	[timem:s6], [sflag:s22] =	dma.local [hbm:s4], s20  }
0x9e: {  	_ =	swait.ge [sflag:s22], s20  }
0x9f: {  	s3 =	ssub.s32 $0x0, s20;
	[sflag:s22] =	ssyncset.done $0x0  }
0xa0: {  	[sflag:s22] =	ssyncadd.s32 s3;
	_ =	sdelay $0x1  }
0xa1: {  	s23 =	simm.s32 $0x1B8B  }
0xa2: {  	_ =	swait.ge [sflag:s23], $0x1  }
0xa3: {  	[sflag:s23] =	ssyncset.done $0x0  }
0xa4: {  	s25 =	simm.s32 $0x1B8E;
	s24 =	sld [smem:$0x3FFE];
	[sflag:s23] =	ssyncadd.s32 $0xFFFFFFFF  }
0xa5: {  	s26 =	simm.s32 $execute0_lowered;
	[smem:$0x3FD2] =	sst s25  }
0xa6: {  	s4 =	sshll.u32 s26, $0x1;
	_ =	strace $0x80000049;
	[dreg:$0x1] =	wrdreg $0xFFFFFFFF  }
0xa7: {  	s28 =	simm.s32 $_size_execute0_lowered;
	s2 =	sadd.s32 s2, s4;
	[dreg:$0x0] =	wrdreg $0x0  }
0xa8: {  	s4 =	sshll.u32 s28, $0x1;
	[dreg:$0x2] =	wrdreg s2  }
0xa9: {  	[dreg:$0x3] =	wrdreg s4  }
0xaa: {  	[dreg:$0x4] =	wrdreg $0xC0  }
0xab: {  	_ =	task [dreg:s6], $0x5FFFF  }
0xac: {  	[dreg:$0x1] =	wrdreg $0xFFFFFFFF  }
0xad: {  	[dreg:$0x0] =	wrdreg $0x60  }
0xae: {  	[dreg:$0x2] =	wrdreg s24  }
0xaf: {  	[dreg:$0x3] =	wrdreg $0x64000  }
0xb0: {  	[dreg:$0x4] =	wrdreg $0x128000  }
0xb1: {  	[dreg:$0x5] =	wrdreg $0x9  }
0xb2: {  	_ =	task.clear_ibuf [dreg:s6], $0x6FFFF;
	_ =	strace $0x90000049  }
0xb3: {  	s29 =	simm.s32 $0x9;
	_ =	strace $0x8000004B  }
0xb4: {  	_ =	swait.ge [sflag:s29], $0x1  }
0xb5: {  	[sflag:s29] =	ssyncadd.s32 $0xFFFFFFFF  }
0xb6: {  	_ =	strace $0x9000004B  }
0xb7: {  	_ =	sfence  }
0xb8: {  	s30 =	sld [smem:$0x0];
	_ =	sdelay $0x2  }
0xb9: {  	s31 =	sshll.u32 s1, $0xD;
	s1 =	sshrl.u32 s1, $0x2  }
0xba: {  	s3 =	sand.u32 $0x4000, s31;
	s1 =	sadd.s32 s1, s30  }
0xbb: {  	s0 =	sor.u32 s3, s0;
	s1 =	sshll.u32 s1, $0x11  }
0xbc: {  	s0 =	sor.u32 s1, s0  }
0xbd: {  	s0 =	sadd.s32 $0x8F2B, s0  }
0xbe: {  	[sflag:s0] =	ssyncadd.remote.s32 $0x1  }
0xbf: {  	_ =	sfence.sel $0xFFFF  }
0xc0: {  	[dreg:$0x0] =	wrdreg $0xFFFFFFFF;
	(pc) =	sbr.abs _section_cstart, $3  }
0xc1: {  	[dreg:$0x1] =	wrdreg $0xFFFFFFFF  }
0xc2: {  	_ =	task.clear_ibuf [dreg:s6], $0x2FFFF;
	_ =	strace $0x9FFFFFFF  }
0xc3: {  	(tm) =	ssettm $0x7FFFFFFF  }
tec
execute0_lowered:
.L_overlay_start_1:
0x0: {  	(tag) =	ssettag $0x1  }
0x1: {  	s0 =	rddreg [dreg:$0x0]  }
0x2: {  	s2 =	rddreg [dreg:$0x1]  }
0x3: {  	s3 =	rddreg [dreg:$0x2];
	s4 =	simm.s32 $0x0  }
0x4: {  	s1 =	srdreg.scid;
	[smem:$0x7FF] =	sst s4;
	s13 =	sadd.s32 $0x64600, s0  }
0x5: {  	s18 =	simm.s32 $0x580;
	_ =	strace $0x8000004A;
	[smem:$0x7E7] =	sst s13  }
0x6: {  	s12 =	stileid.u32;
	s19 =	simm.s32 $0x600;
	[dreg:$0x8] =	wrdreg s18  }
0x7: {  	s20 =	simm.s32 $0x680;
	s21 =	simm.s32 $0x700;
	[dreg:$0x9] =	wrdreg s19  }
0x8: {  	s22 =	simm.s32 $0x780;
	s23 =	simm.s32 $0x800;
	[dreg:$0xa] =	wrdreg s20  }
0x9: {  	s24 =	simm.s32 $0x880;
	s25 =	smul.u32 $0x1880, s12;
	[dreg:$0xb] =	wrdreg s21  }
0xa: {  	s8 =	sand.u32 $0x1, s1;
	s10 =	smul.u32 $0x190, s12;
	[dreg:$0xc] =	wrdreg s22  }
0xb: {  	s6 =	sadd.s32 $0x6A800, s0;
	s5 =	sadd.s32 $0x32600, s0;
	[dreg:$0xd] =	wrdreg s23  }
0xc: {  	s7 =	sadd.s32 $0x600, s0;
	[dreg:$0xe] =	wrdreg s24;
	s18 =	simm.s32 $0xB80  }
0xd: {  	s16 =	smul.u32 $0xC400, s12;
	s19 =	simm.s32 $0xC00;
	[dreg:$0x13] =	wrdreg s18  }
0xe: {  	s9 =	smul.u32 $0x1900, s8;
	s21 =	simm.s32 $0xC80;
	[dreg:$0x14] =	wrdreg s19  }
0xf: {  	s11 =	smul.u32 $0x18800, s8;
	s22 =	simm.s32 $0xD00;
	[dreg:$0x15] =	wrdreg s21  }
0x10: {  	s26 =	ssub.s32 $0x2, s8;
	s24 =	simm.s32 $0xD80;
	[dreg:$0x16] =	wrdreg s22  }
0x11: {  	s8 =	sshll.u32 s8, $0x4;
	[dreg:$0x17] =	wrdreg s24;
	s18 =	simm.s32 $0x1100  }
0x12: {  	s8 =	sor.u32 s12, s8;
	s22 =	simm.s32 $0x1200;
	[dreg:$0x1d] =	wrdreg s18  }
0x13: {  	s28 =	sadd.s32 s16, s2;
	s24 =	simm.s32 $0x1280;
	[dreg:$0x1f] =	wrdreg s22  }
0x14: {  	s12 =	sadd.s32 $0x6200, s16;
	s9 =	sadd.s32 s10, s9;
	[smem:$0x7F6] =	sst s24  }
0x15: {  	s1 =	sadd.s32 s25, s11;
	s25 =	simm.s32 $0x900;
	[smem:$0x7FA] =	sst s28  }
0x16: {  	s31 =	sadd.s32 s12, s2;
	s23 =	sadd.s32 s12, s3;
	[dreg:$0xf] =	wrdreg s25  }
0x17: {  	s20 =	sshrl.u32 s12, $0x3;
	s12 =	simm.s32 $0xF80;
	[smem:$0x7ED] =	sst s23  }
0x18: {  	s11 =	sshrl.u32 s26, $0x1;
	s0 =	sadd.s32 s1, s0;
	[dreg:$0x1a] =	wrdreg s12  }
0x19: {  	s1 =	ssub.s32 s26, s11;
	s11 =	sadd.s32 s16, s3;
	[smem:$0x7FC] =	sst s31  }
0x1a: {  	s10 =	sadd.s32 $0x3100, s16;
	s26 =	simm.s32 $0x980;
	[smem:$0x7E9] =	sst s11  }
0x1b: {  	s30 =	sadd.s32 s10, s2;
	[dreg:$0x10] =	wrdreg s26  }
0x1c: {  	s29 =	simm.s32 $0x80;
	s26 =	simm.s32 $0xE00;
	[smem:$0x7FB] =	sst s30  }
0x1d: {  	s8 =	smul.u32 $0x1900, s8;
	s19 =	sadd.s32 $0x9C800, s0;
	[dreg:$0x18] =	wrdreg s26  }
0x1e: {  	s18 =	simm.s32 $0x4400;
	s21 =	sadd.s32 $0x9CE20, s0;
	[smem:$0x7F2] =	sst s19  }
0x1f: {  	s22 =	simm.s32 $0x5400;
	s23 =	sadd.s32 $0x9D440, s0;
	[smem:$0x7F3] =	sst s21  }
0x20: {  	s9 =	sshll.u32 s9, $0x4;
	s0 =	sadd.s32 $0x9DA60, s0;
	[smem:$0x7F4] =	sst s23  }
0x21: {  	s13 =	sadd.s32 $0x140, s9;
	s1 =	smax.u32 s1, $0x1;
	[smem:$0x7F5] =	sst s0  }
0x22: {  	s24 =	simm.s32 $0x5C00;
	s14 =	sadd.s32 s13, s6;
	[smem:$0x7F7] =	sst s1  }
0x23: {  	s9 =	sor.u32 $0xA0, s9;
	s15 =	sadd.s32 s13, s5;
	[dreg:$0x4] =	wrdreg s14  }
0x24: {  	s12 =	simm.s32 $0x1C00;
	s17 =	sadd.s32 s9, s6;
	[dreg:$0x5] =	wrdreg s15  }
0x25: {  	s9 =	sadd.s32 s9, s5;
	s13 =	sadd.s32 $0x9300, s16;
	[dreg:$0x6] =	wrdreg s17  }
0x26: {  	s6 =	sadd.s32 s6, s8;
	s5 =	sadd.s32 s5, s8;
	[dreg:$0x7] =	wrdreg s9  }
0x27: {  	s26 =	simm.s32 $0x1380;
	s19 =	simm.s32 $0x4800;
	[smem:$0x7F0] =	sst s6  }
0x28: {  	s21 =	simm.s32 $0x5000;
	s23 =	simm.s32 $0x5800;
	[smem:$0x7F1] =	sst s5  }
0x29: {  	s14 =	sshrl.u32 s16, $0x3;
	s17 =	simm.s32 $0xB00;
	[smem:$0x7F9] =	sst s26  }
0x2a: {  	s16 =	sshrl.u32 s10, $0x3;
	s10 =	sadd.s32 s10, s3;
	[dreg:$0x12] =	wrdreg s17  }
0x2b: {  	s8 =	simm.s32 $0x2;
	s14 =	sadd.s32 s7, s14;
	[smem:$0x7EB] =	sst s10  }
0x2c: {  	s15 =	sadd.s32 s13, s2;
	s11 =	sadd.s32 s7, s16;
	[smem:$0x7E8] =	sst s14  }
0x2d: {  	s25 =	sshrl.u32 s13, $0x3;
	s10 =	sadd.s32 s7, s20;
	[smem:$0x7EA] =	sst s11  }
0x2e: {  	s26 =	simm.s32 $0x5;
	s7 =	sadd.s32 s7, s25;
	[smem:$0x7EC] =	sst s10  }
0x2f: {  	s6 =	simm.s32 $0x6000;
	s16 =	simm.s32 $0x1000;
	[smem:$0x7EE] =	sst s7  }
0x30: {  	s5 =	simm.s32 $0x0;
	s17 =	simm.s32 $0x1080;
	[dreg:$0x1b] =	wrdreg s16  }
0x31: {  	s20 =	simm.s32 $0x1180;
	s25 =	simm.s32 $0x1300;
	[dreg:$0x1c] =	wrdreg s17  }
0x32: {  	s1 =	smov.u32 s15;
	s15 =	simm.s32 $0xF00;
	[dreg:$0x1e] =	wrdreg s20  }
0x33: {  	s14 =	simm.s32 $0xA80;
	s11 =	simm.s32 $0xE80;
	[smem:$0x7F8] =	sst s25  }
0x34: {  	s16 =	simm.s32 $0x3C00;
	s17 =	simm.s32 $0x4000;
	[smem:$0x7FD] =	sst s1  }
0x35: {  	s20 =	simm.s32 $0x4C00;
	s7 =	simm.s32 $0x1;
	[dreg:$0x11] =	wrdreg s14  }
0x36: {  	s10 =	simm.s32 $0xA00;
	[dreg:$0x19] =	wrdreg s11;
	s14 =	sadd.s32 s13, s3  }
0x37: {  	s13 =	simm.s32 $0x2000;
	[smem:$0x7EF] =	sst s14;
	s14 =	simm.s32 $0x500  }
.LBB2_1:
0x38: {  	s0 =	sld [smem:$0x7E7];
	_ =	sdelay $0x1  }
0x39: {  	[smem:$0x7E6] =	sst s5;
	s25 =	simm.s32 $0x1400  }
0x3a: {  	[tilespmem:s25], [sflag:$0x5] =	stream.linear.gather [hbm4b:s0+s4], $0x3100, $0x38;
	[tilespmem:$0x1EC00] =	vst v63  }
0x3b: {  	_ =	swait.ge [sflag:s26], $0x3100  }
0x3c: {  	[sflag:s26] =	ssyncset.done $0x0  }
0x3d: {  	[sflag:s26] =	ssyncadd.s32 $0xFFFFCF00  }
0x3e: {  	[spmem:s28] =	stream.linear.scatter [tilespmem:s25], [sflag:$0x5], $0x3100, $0x38;
	[tilespmem:$0x1EC00] =	vst v63  }
0x3f: {  	_ =	swait.ge [sflag:s26], $0x3100  }
0x40: {  	[sflag:s26] =	ssyncset.done $0x0  }
0x41: {  	[sflag:s26] =	ssyncadd.s32 $0xFFFFCF00  }
0x42: {  	[spmem:s30] =	stream.linear.scatter [tilespmem:s25], [sflag:$0x5], $0x3100, $0x38;
	[tilespmem:$0x1EC00] =	vst v63  }
0x43: {  	_ =	swait.ge [sflag:s26], $0x3100  }
0x44: {  	[sflag:s26] =	ssyncset.done $0x0  }
0x45: {  	[sflag:s26] =	ssyncadd.s32 $0xFFFFCF00  }
0x46: {  	[spmem:s31] =	stream.linear.scatter [tilespmem:s25], [sflag:$0x5], $0x3100, $0x38;
	[tilespmem:$0x1EC00] =	vst v63  }
0x47: {  	_ =	swait.ge [sflag:s26], $0x3100  }
0x48: {  	[sflag:s26] =	ssyncset.done $0x0  }
0x49: {  	[sflag:s26] =	ssyncadd.s32 $0xFFFFCF00  }
0x4a: {  	[spmem:s1] =	stream.linear.scatter [tilespmem:s25], [sflag:$0x5], $0x3100, $0x38;
	[tilespmem:$0x1EC00] =	vst v63  }
0x4b: {  	_ =	swait.ge [sflag:s26], $0x3100  }
0x4c: {  	s1 =	sld [smem:$0x7E8]  }
0x4d: {  	[sflag:s26] =	ssyncset.done $0x0  }
0x4e: {  	[sflag:s26] =	ssyncadd.s32 $0xFFFFCF00  }
0x4f: {  	[tilespmem:s25], [sflag:$0x5] =	stream.linear.gather [hbm4b:s1+s4], $0x3100, $0x38;
	[tilespmem:$0x1EC00] =	vst v63  }
0x50: {  	_ =	swait.ge [sflag:s26], $0x3100  }
0x51: {  	s5 =	sld [smem:$0x7E9]  }
0x52: {  	[sflag:s26] =	ssyncset.done $0x0  }
0x53: {  	[sflag:s26] =	ssyncadd.s32 $0xFFFFCF00  }
0x54: {  	[spmem:s5] =	stream.linear.scatter [tilespmem:s25], [sflag:$0x5], $0x3100, $0x38;
	[tilespmem:$0x1EC00] =	vst v63  }
0x55: {  	_ =	swait.ge [sflag:s26], $0x3100  }
0x56: {  	s9 =	sld [smem:$0x7EA]  }
0x57: {  	[sflag:s26] =	ssyncset.done $0x0  }
0x58: {  	[sflag:s26] =	ssyncadd.s32 $0xFFFFCF00  }
0x59: {  	[tilespmem:s25], [sflag:$0x5] =	stream.linear.gather [hbm4b:s9+s4], $0x3100, $0x38;
	[tilespmem:$0x1EC00] =	vst v63  }
0x5a: {  	_ =	swait.ge [sflag:s26], $0x3100  }
0x5b: {  	s11 =	sld [smem:$0x7EB]  }
0x5c: {  	[sflag:s26] =	ssyncset.done $0x0  }
0x5d: {  	[sflag:s26] =	ssyncadd.s32 $0xFFFFCF00  }
0x5e: {  	[spmem:s11] =	stream.linear.scatter [tilespmem:s25], [sflag:$0x5], $0x3100, $0x38;
	[tilespmem:$0x1EC00] =	vst v63  }
0x5f: {  	_ =	swait.ge [sflag:s26], $0x3100  }
0x60: {  	s30 =	sld [smem:$0x7EC]  }
0x61: {  	[sflag:s26] =	ssyncset.done $0x0  }
0x62: {  	[sflag:s26] =	ssyncadd.s32 $0xFFFFCF00  }
0x63: {  	[tilespmem:s25], [sflag:$0x5] =	stream.linear.gather [hbm4b:s30+s4], $0x3100, $0x38;
	[tilespmem:$0x1EC00] =	vst v63  }
0x64: {  	_ =	swait.ge [sflag:s26], $0x3100  }
0x65: {  	s31 =	sld [smem:$0x7ED]  }
0x66: {  	[sflag:s26] =	ssyncset.done $0x0  }
0x67: {  	[sflag:s26] =	ssyncadd.s32 $0xFFFFCF00  }
0x68: {  	[spmem:s31] =	stream.linear.scatter [tilespmem:s25], [sflag:$0x5], $0x3100, $0x38;
	[tilespmem:$0x1EC00] =	vst v63  }
0x69: {  	_ =	swait.ge [sflag:s26], $0x3100  }
0x6a: {  	s1 =	sld [smem:$0x7EE]  }
0x6b: {  	[sflag:s26] =	ssyncset.done $0x0  }
0x6c: {  	[sflag:s26] =	ssyncadd.s32 $0xFFFFCF00  }
0x6d: {  	[tilespmem:s25], [sflag:$0x5] =	stream.linear.gather [hbm4b:s1+s4], $0x3100, $0x38;
	[tilespmem:$0x1EC00] =	vst v63  }
0x6e: {  	_ =	swait.ge [sflag:s26], $0x3100  }
0x6f: {  	s5 =	sld [smem:$0x7EF]  }
0x70: {  	[sflag:s26] =	ssyncset.done $0x0  }
0x71: {  	[sflag:s26] =	ssyncadd.s32 $0xFFFFCF00  }
0x72: {  	[spmem:s5] =	stream.linear.scatter [tilespmem:s25], [sflag:$0x5], $0x3100, $0x38;
	[tilespmem:$0x1EC00] =	vst v63  }
0x73: {  	_ =	swait.ge [sflag:s26], $0x3100  }
0x74: {  	[sflag:s26] =	ssyncset.done $0x0  }
0x75: {  	[sflag:s26] =	ssyncadd.s32 $0xFFFFCF00  }
0x76: {  	[bflag:$0x0] =	sbarrier.arrive $0xFFFF  }
0x77: {  	s9 =	sld [smem:$0x7F0];
	_ =	sdelay $0x2  }
0x78: {  	[tilespmem:s4], [sflag:$0x5] =	stream.linear.gather [hbm4b:s9+s4], $0x500, $0x38;
	[tilespmem:$0x1EC00] =	vst v63  }
0x79: {  	_ =	swait.ge [sflag:s26], $0x500  }
0x7a: {  	s11 =	sld [smem:$0x7F1]  }
0x7b: {  	[sflag:s26] =	ssyncset.done $0x0  }
0x7c: {  	s1 =	simm.s32 $0xA00;
	[sflag:s26] =	ssyncadd.s32 $0xFFFFFB00  }
0x7d: {  	[tilespmem:s1], [sflag:$0x5] =	stream.linear.gather [hbm4b:s11+s4], $0x500, $0x38;
	[tilespmem:$0x1EC00] =	vst v63  }
0x7e: {  	_ =	swait.ge [sflag:s26], $0x500  }
0x7f: {  	[sflag:s26] =	ssyncset.done $0x0  }
0x80: {  	[sflag:s26] =	ssyncadd.s32 $0xFFFFFB00  }
0x81: {  	[tilespmem:s25], [sflag:$0x1] =	stream.indirect.gather [spmem:s3], $0x8, s4, s29, $0xb8;
	[tilespmem:$0x1EC00] =	vst v63  }
0x82: {  	s5 =	simm.s32 $0x1800  }
0x83: {  	[tilespmem:s5], [sflag:$0x1] =	stream.indirect.gather [spmem:s3], $0x8, s29, s29, $0xb8;
	[tilespmem:$0x1EC00] =	vst v63  }
0x84: {  	s28 =	simm.s32 $0x1C00;
	s30 =	simm.s32 $0x100  }
0x85: {  	[tilespmem:s28], [sflag:$0x1] =	stream.indirect.gather [spmem:s3], $0x8, s30, s29, $0xb8;
	[tilespmem:$0x1EC00] =	vst v63  }
0x86: {  	s31 =	simm.s32 $0x180;
	s30 =	simm.s32 $0x2000  }
0x87: {  	[tilespmem:s30], [sflag:$0x1] =	stream.indirect.gather [spmem:s3], $0x8, s31, s29, $0xb8;
	[tilespmem:$0x1EC00] =	vst v63  }
0x88: {  	s9 =	simm.s32 $0x200;
	s31 =	simm.s32 $0x2400  }
0x89: {  	[tilespmem:s31], [sflag:$0x1] =	stream.indirect.gather [spmem:s3], $0x8, s9, s29, $0xb8;
	[tilespmem:$0x1EC00] =	vst v63  }
0x8a: {  	s11 =	simm.s32 $0x280;
	s9 =	simm.s32 $0x2800  }
0x8b: {  	[tilespmem:s9], [sflag:$0x1] =	stream.indirect.gather [spmem:s3], $0x8, s11, s29, $0xb8;
	[tilespmem:$0x1EC00] =	vst v63  }
0x8c: {  	s9 =	simm.s32 $0x300;
	s11 =	simm.s32 $0x2C00  }
0x8d: {  	[tilespmem:s11], [sflag:$0x1] =	stream.indirect.gather [spmem:s3], $0x8, s9, s29, $0xb8;
	[tilespmem:$0x1EC00] =	vst v63  }
0x8e: {  	p0 =	por $0x1, $0x1;
	s9 =	simm.s32 $0x380;
	s11 =	simm.s32 $0x3000  }
0x8f: {  	[tilespmem:s11], [sflag:$0x1] =	stream.indirect.gather [spmem:s3], $0x8, s9, s29, $0xb8;
	[tilespmem:$0x1EC00] =	vst v63  }
0x90: {  	p0 =	por p0, p0;
	s9 =	simm.s32 $0x400;
	s11 =	simm.s32 $0x3400  }
0x91: {  	[tilespmem:s11], [sflag:$0x1] =	stream.indirect.gather [spmem:s3], $0x8, s9, s29, $0xb8;
	[tilespmem:$0x1EC00] =	vst v63  }
0x92: {  	s0 =	simm.s32 @!p0 $0x4;
	s9 =	simm.s32 $0x480;
	s11 =	simm.s32 $0x3800  }
0x93: {  	[tilespmem:s11], [sflag:$0x1] =	stream.indirect.gather [spmem:s3], $0x8, s9, s29, $0xb8;
	[tilespmem:$0x1EC00] =	vst v63  }
0x94: {  	_ =	swait.ge @!p0 [sflag:s0], $0x2800  }
0x95: {  	s11 =	rddreg [dreg:$0x6];
	[sflag:s0] =	ssyncset.done @!p0 $0x0  }
0x96: {  	[sflag:s0] =	ssyncadd.s32 @!p0 $0xFFFFD800;
	s11 =	sadd.s32 $0x0, s11  }
0x97: {  	[tilespmem:s14], [sflag:$0x5] =	stream.linear.gather [hbm4b:s11+s4], $0x500, $0x38;
	[tilespmem:$0x1EC00] =	vst v63  }
0x98: {  	_ =	swait.ge [sflag:s26], $0x500  }
0x99: {  	s9 =	rddreg [dreg:$0x7];
	[sflag:s26] =	ssyncset.done $0x0  }
0x9a: {  	[sflag:s26] =	ssyncadd.s32 $0xFFFFFB00;
	s0 =	sadd.s32 $0x0, s9  }
0x9b: {  	[tilespmem:s15], [sflag:$0x5] =	stream.linear.gather [hbm4b:s0+s4], $0x500, $0x38;
	[tilespmem:$0x1EC00] =	vst v63  }
0x9c: {  	_ =	swait.ge [sflag:s26], $0x500  }
0x9d: {  	[sflag:s26] =	ssyncset.done $0x0  }
0x9e: {  	[sflag:s26] =	ssyncadd.s32 $0xFFFFFB00  }
0x9f: {  	[tilespmem:s16], [sflag:$0x2] =	stream.indirect.gather [spmem:s3], $0x8, s14, s29, $0xb8;
	[tilespmem:$0x1EC00] =	vst v63  }
0xa0: {  	s11 =	rddreg [dreg:$0x8]  }
0xa1: {  	[tilespmem:s17], [sflag:$0x2] =	stream.indirect.gather [spmem:s3], $0x8, s11, s29, $0xb8;
	[tilespmem:$0x1EC00] =	vst v63  }
0xa2: {  	s9 =	rddreg [dreg:$0x9]  }
0xa3: {  	[tilespmem:s18], [sflag:$0x2] =	stream.indirect.gather [spmem:s3], $0x8, s9, s29, $0xb8;
	[tilespmem:$0x1EC00] =	vst v63  }
0xa4: {  	s11 =	rddreg [dreg:$0xa]  }
0xa5: {  	[tilespmem:s19], [sflag:$0x2] =	stream.indirect.gather [spmem:s3], $0x8, s11, s29, $0xb8;
	[tilespmem:$0x1EC00] =	vst v63  }
0xa6: {  	s9 =	rddreg [dreg:$0xb]  }
0xa7: {  	[tilespmem:s20], [sflag:$0x2] =	stream.indirect.gather [spmem:s3], $0x8, s9, s29, $0xb8;
	[tilespmem:$0x1EC00] =	vst v63  }
0xa8: {  	s11 =	rddreg [dreg:$0xc]  }
0xa9: {  	[tilespmem:s21], [sflag:$0x2] =	stream.indirect.gather [spmem:s3], $0x8, s11, s29, $0xb8;
	[tilespmem:$0x1EC00] =	vst v63  }
0xaa: {  	s9 =	rddreg [dreg:$0xd]  }
0xab: {  	[tilespmem:s22], [sflag:$0x2] =	stream.indirect.gather [spmem:s3], $0x8, s9, s29, $0xb8;
	[tilespmem:$0x1EC00] =	vst v63  }
0xac: {  	s11 =	rddreg [dreg:$0xe]  }
0xad: {  	[tilespmem:s23], [sflag:$0x2] =	stream.indirect.gather [spmem:s3], $0x8, s11, s29, $0xb8;
	[tilespmem:$0x1EC00] =	vst v63  }
0xae: {  	s9 =	rddreg [dreg:$0xf]  }
0xaf: {  	[tilespmem:s24], [sflag:$0x2] =	stream.indirect.gather [spmem:s3], $0x8, s9, s29, $0xb8;
	[tilespmem:$0x1EC00] =	vst v63  }
0xb0: {  	s11 =	rddreg [dreg:$0x10]  }
0xb1: {  	[tilespmem:s6], [sflag:$0x2] =	stream.indirect.gather [spmem:s3], $0x8, s11, s29, $0xb8;
	[tilespmem:$0x1EC00] =	vst v63  }
0xb2: {  	_ =	swait.ge [sflag:s7], $0x2800  }
0xb3: {  	[sflag:s7] =	ssyncset.done $0x0  }
0xb4: {  	[sflag:s7] =	ssyncadd.s32 $0xFFFFD800  }
0xb5: {  	[spmem:s2] =	stream.indirect.scatter.add.f32 [tilespmem:s25], [sflag:$0x3], $0x8, s1, s29, $0xb8;
	[tilespmem:$0x1EC00] =	vst v63  }
0xb6: {  	s0 =	rddreg [dreg:$0x11]  }
0xb7: {  	[spmem:s2] =	stream.indirect.scatter.add.f32 [tilespmem:s5], [sflag:$0x3], $0x8, s0, s29, $0xb8;
	[tilespmem:$0x1EC00] =	vst v63  }
0xb8: {  	s9 =	rddreg [dreg:$0x12]  }
0xb9: {  	[spmem:s2] =	stream.indirect.scatter.add.f32 [tilespmem:s28], [sflag:$0x3], $0x8, s9, s29, $0xb8;
	[tilespmem:$0x1EC00] =	vst v63  }
0xba: {  	s1 =	rddreg [dreg:$0x13]  }
0xbb: {  	[spmem:s2] =	stream.indirect.scatter.add.f32 [tilespmem:s30], [sflag:$0x3], $0x8, s1, s29, $0xb8;
	[tilespmem:$0x1EC00] =	vst v63  }
0xbc: {  	s5 =	rddreg [dreg:$0x14]  }
0xbd: {  	[spmem:s2] =	stream.indirect.scatter.add.f32 [tilespmem:s31], [sflag:$0x3], $0x8, s5, s29, $0xb8;
	[tilespmem:$0x1EC00] =	vst v63  }
0xbe: {  	s30 =	rddreg [dreg:$0x15];
	s31 =	simm.s32 $0x2800  }
0xbf: {  	[spmem:s2] =	stream.indirect.scatter.add.f32 [tilespmem:s31], [sflag:$0x3], $0x8, s30, s29, $0xb8;
	[tilespmem:$0x1EC00] =	vst v63  }
0xc0: {  	s9 =	rddreg [dreg:$0x16];
	s30 =	simm.s32 $0x2C00  }
0xc1: {  	[spmem:s2] =	stream.indirect.scatter.add.f32 [tilespmem:s30], [sflag:$0x3], $0x8, s9, s29, $0xb8;
	[tilespmem:$0x1EC00] =	vst v63  }
0xc2: {  	s5 =	rddreg [dreg:$0x17];
	s31 =	simm.s32 $0x3000  }
0xc3: {  	[spmem:s2] =	stream.indirect.scatter.add.f32 [tilespmem:s31], [sflag:$0x3], $0x8, s5, s29, $0xb8;
	[tilespmem:$0x1EC00] =	vst v63  }
0xc4: {  	p0 =	por $0x0, $0x0;
	s9 =	rddreg [dreg:$0x18];
	s30 =	simm.s32 $0x3400  }
0xc5: {  	[spmem:s2] =	stream.indirect.scatter.add.f32 [tilespmem:s30], [sflag:$0x3], $0x8, s9, s29, $0xb8;
	[tilespmem:$0x1EC00] =	vst v63  }
0xc6: {  	s0 =	simm.s32 @!p0 $0x3;
	s5 =	rddreg [dreg:$0x19];
	s31 =	simm.s32 $0x3800  }
0xc7: {  	[spmem:s2] =	stream.indirect.scatter.add.f32 [tilespmem:s31], [sflag:$0x3], $0x8, s5, s29, $0xb8;
	[tilespmem:$0x1EC00] =	vst v63  }
0xc8: {  	_ =	swait.ge @!p0 [sflag:s0], $0x2800  }
0xc9: {  	s28 =	simm.s32 @!p0 $0x5;
	s9 =	rddreg [dreg:$0x4];
	[sflag:s0] =	ssyncset.done @!p0 $0x0  }
0xca: {  	[sflag:s0] =	ssyncadd.s32 @!p0 $0xFFFFD800;
	s0 =	simm.s32 @!p0 $0x0;
	s9 =	sadd.s32 @!p0 $0x0, s9  }
0xcb: {  	[tilespmem:s0], [sflag:$0x5] =	stream.linear.gather @!p0 [hbm4b:s9+s0], $0x500, $0x38;
	[tilespmem:$0x1EC00] =	vst v63  }
0xcc: {  	_ =	swait.ge @!p0 [sflag:s28], $0x500  }
0xcd: {  	s9 =	rddreg [dreg:$0x5];
	[sflag:s28] =	ssyncset.done @!p0 $0x0  }
0xce: {  	s30 =	simm.s32 @!p0 $0xA00;
	[sflag:s28] =	ssyncadd.s32 @!p0 $0xFFFFFB00;
	s9 =	sadd.s32 @!p0 $0x0, s9  }
0xcf: {  	[tilespmem:s30], [sflag:$0x5] =	stream.linear.gather @!p0 [hbm4b:s9+s0], $0x500, $0x38;
	[tilespmem:$0x1EC00] =	vst v63  }
0xd0: {  	_ =	swait.ge @!p0 [sflag:s28], $0x500  }
0xd1: {  	[sflag:s28] =	ssyncset.done @!p0 $0x0  }
0xd2: {  	s9 =	simm.s32 @!p0 $0x80;
	[sflag:s28] =	ssyncadd.s32 @!p0 $0xFFFFFB00;
	s28 =	simm.s32 @!p0 $0x1400  }
0xd3: {  	[tilespmem:s28], [sflag:$0x1] =	stream.indirect.gather @!p0 [spmem:s3], $0x8, s0, s9, $0xb8;
	[tilespmem:$0x1EC00] =	vst v63  }
0xd4: {  	s0 =	simm.s32 @!p0 $0x1800  }
0xd5: {  	[tilespmem:s0], [sflag:$0x1] =	stream.indirect.gather @!p0 [spmem:s3], $0x8, s9, s9, $0xb8;
	[tilespmem:$0x1EC00] =	vst v63  }
0xd6: {  	s28 =	simm.s32 @!p0 $0x1C00;
	s0 =	simm.s32 @!p0 $0x100  }
0xd7: {  	[tilespmem:s28], [sflag:$0x1] =	stream.indirect.gather @!p0 [spmem:s3], $0x8, s0, s9, $0xb8;
	[tilespmem:$0x1EC00] =	vst v63  }
0xd8: {  	s0 =	simm.s32 @!p0 $0x180;
	s28 =	simm.s32 @!p0 $0x2000  }
0xd9: {  	[tilespmem:s28], [sflag:$0x1] =	stream.indirect.gather @!p0 [spmem:s3], $0x8, s0, s9, $0xb8;
	[tilespmem:$0x1EC00] =	vst v63  }
0xda: {  	s0 =	simm.s32 @!p0 $0x200;
	s28 =	simm.s32 @!p0 $0x2400  }
0xdb: {  	[tilespmem:s28], [sflag:$0x1] =	stream.indirect.gather @!p0 [spmem:s3], $0x8, s0, s9, $0xb8;
	[tilespmem:$0x1EC00] =	vst v63  }
0xdc: {  	s0 =	simm.s32 @!p0 $0x280;
	s28 =	simm.s32 @!p0 $0x2800  }
0xdd: {  	[tilespmem:s28], [sflag:$0x1] =	stream.indirect.gather @!p0 [spmem:s3], $0x8, s0, s9, $0xb8;
	[tilespmem:$0x1EC00] =	vst v63  }
0xde: {  	s0 =	simm.s32 @!p0 $0x300;
	s28 =	simm.s32 @!p0 $0x2C00  }
0xdf: {  	[tilespmem:s28], [sflag:$0x1] =	stream.indirect.gather @!p0 [spmem:s3], $0x8, s0, s9, $0xb8;
	[tilespmem:$0x1EC00] =	vst v63  }
0xe0: {  	s0 =	simm.s32 @!p0 $0x380;
	s28 =	simm.s32 @!p0 $0x3000  }
0xe1: {  	[tilespmem:s28], [sflag:$0x1] =	stream.indirect.gather @!p0 [spmem:s3], $0x8, s0, s9, $0xb8;
	[tilespmem:$0x1EC00] =	vst v63  }
0xe2: {  	s0 =	simm.s32 @!p0 $0x400;
	s28 =	simm.s32 @!p0 $0x3400  }
0xe3: {  	[tilespmem:s28], [sflag:$0x1] =	stream.indirect.gather @!p0 [spmem:s3], $0x8, s0, s9, $0xb8;
	[tilespmem:$0x1EC00] =	vst v63  }
0xe4: {  	s0 =	simm.s32 @!p0 $0x480;
	s28 =	simm.s32 @!p0 $0x3800  }
0xe5: {  	[tilespmem:s28], [sflag:$0x1] =	stream.indirect.gather @!p0 [spmem:s3], $0x8, s0, s9, $0xb8;
	[tilespmem:$0x1EC00] =	vst v63  }
0xe6: {  	_ =	swait.ge [sflag:s8], $0x2800  }
0xe7: {  	[sflag:s8] =	ssyncset.done $0x0  }
0xe8: {  	s1 =	rddreg [dreg:$0x1a];
	[sflag:s8] =	ssyncadd.s32 $0xFFFFD800  }
0xe9: {  	[spmem:s2] =	stream.indirect.scatter.add.f32 [tilespmem:s16], [sflag:$0x4], $0x8, s15, s29, $0xb8;
	[tilespmem:$0x1EC00] =	vst v63  }
0xea: {  	s5 =	rddreg [dreg:$0x1b]  }
0xeb: {  	[spmem:s2] =	stream.indirect.scatter.add.f32 [tilespmem:s17], [sflag:$0x4], $0x8, s1, s29, $0xb8;
	[tilespmem:$0x1EC00] =	vst v63  }
0xec: {  	s30 =	rddreg [dreg:$0x1c]  }
0xed: {  	[spmem:s2] =	stream.indirect.scatter.add.f32 [tilespmem:s18], [sflag:$0x4], $0x8, s5, s29, $0xb8;
	[tilespmem:$0x1EC00] =	vst v63  }
0xee: {  	s31 =	rddreg [dreg:$0x1d]  }
0xef: {  	[spmem:s2] =	stream.indirect.scatter.add.f32 [tilespmem:s19], [sflag:$0x4], $0x8, s30, s29, $0xb8;
	[tilespmem:$0x1EC00] =	vst v63  }
0xf0: {  	s1 =	rddreg [dreg:$0x1e]  }
0xf1: {  	[spmem:s2] =	stream.indirect.scatter.add.f32 [tilespmem:s20], [sflag:$0x4], $0x8, s31, s29, $0xb8;
	[tilespmem:$0x1EC00] =	vst v63  }
0xf2: {  	s5 =	rddreg [dreg:$0x1f]  }
0xf3: {  	[spmem:s2] =	stream.indirect.scatter.add.f32 [tilespmem:s21], [sflag:$0x4], $0x8, s1, s29, $0xb8;
	[tilespmem:$0x1EC00] =	vst v63  }
0xf4: {  	p6 =	por $0x0, $0x0;
	s11 =	simm.s32 $0x1400;
	s30 =	sld [smem:$0x7F6]  }
0xf5: {  	[spmem:s2] =	stream.indirect.scatter.add.f32 [tilespmem:s22], [sflag:$0x4], $0x8, s5, s29, $0xb8;
	[tilespmem:$0x1EC00] =	vst v63  }
0xf6: {  	s25 =	simm.s32 $0x1800;
	s9 =	simm.s32 $0x140;
	s31 =	sld [smem:$0x7F8]  }
0xf7: {  	[spmem:s2] =	stream.indirect.scatter.add.f32 [tilespmem:s23], [sflag:$0x4], $0x8, s30, s29, $0xb8;
	[tilespmem:$0x1EC00] =	vst v63  }
0xf8: {  	s28 =	simm.s32 $0x280;
	p0 =	por p6, p6;
	s0 =	sld [smem:$0x7F9]  }
0xf9: {  	[spmem:s2] =	stream.indirect.scatter.add.f32 [tilespmem:s24], [sflag:$0x4], $0x8, s31, s29, $0xb8;
	[tilespmem:$0x1EC00] =	vst v63  }
.LBB2_2:
0xfa: {  	s31 =	simm.s32 @!p0 $0x4  }
0xfb: {  	[spmem:s2] =	stream.indirect.scatter.add.f32 [tilespmem:s6], [sflag:$0x4], $0x8, s0, s29, $0xb8;
	[tilespmem:$0x1EC00] =	vst v63  }
0xfc: {  	_ =	swait.ge @!p0 [sflag:s31], $0x2800  }
0xfd: {  	[sflag:s31] =	ssyncset.done @!p0 $0x0;
	s5 =	rddreg [dreg:$0x6]  }
0xfe: {  	[sflag:s31] =	ssyncadd.s32 @!p0 $0xFFFFD800;
	s0 =	sadd.s32 s9, s5  }
0xff: {  	[tilespmem:s14], [sflag:$0x5] =	stream.linear.gather [hbm4b:s0+s4], $0x500, $0x38;
	[tilespmem:$0x1EC00] =	vst v63  }
0x100: {  	_ =	swait.ge [sflag:s26], $0x500  }
0x101: {  	s1 =	rddreg [dreg:$0x7];
	[sflag:s26] =	ssyncset.done $0x0  }
0x102: {  	[sflag:s26] =	ssyncadd.s32 $0xFFFFFB00;
	s0 =	sadd.s32 s9, s1  }
0x103: {  	[tilespmem:s15], [sflag:$0x5] =	stream.linear.gather [hbm4b:s0+s4], $0x500, $0x38;
	[tilespmem:$0x1EC00] =	vst v63  }
0x104: {  	_ =	swait.ge [sflag:s26], $0x500  }
0x105: {  	[sflag:s26] =	ssyncset.done $0x0  }
0x106: {  	[sflag:s26] =	ssyncadd.s32 $0xFFFFFB00  }
0x107: {  	[tilespmem:s16], [sflag:$0x2] =	stream.indirect.gather [spmem:s3], $0x8, s14, s29, $0xb8;
	[tilespmem:$0x1EC00] =	vst v63  }
0x108: {  	s5 =	rddreg [dreg:$0x8]  }
0x109: {  	[tilespmem:s17], [sflag:$0x2] =	stream.indirect.gather [spmem:s3], $0x8, s5, s29, $0xb8;
	[tilespmem:$0x1EC00] =	vst v63  }
0x10a: {  	s1 =	rddreg [dreg:$0x9]  }
0x10b: {  	[tilespmem:s18], [sflag:$0x2] =	stream.indirect.gather [spmem:s3], $0x8, s1, s29, $0xb8;
	[tilespmem:$0x1EC00] =	vst v63  }
0x10c: {  	s5 =	rddreg [dreg:$0xa]  }
0x10d: {  	[tilespmem:s19], [sflag:$0x2] =	stream.indirect.gather [spmem:s3], $0x8, s5, s29, $0xb8;
	[tilespmem:$0x1EC00] =	vst v63  }
0x10e: {  	s1 =	rddreg [dreg:$0xb]  }
0x10f: {  	[tilespmem:s20], [sflag:$0x2] =	stream.indirect.gather [spmem:s3], $0x8, s1, s29, $0xb8;
	[tilespmem:$0x1EC00] =	vst v63  }
0x110: {  	s5 =	rddreg [dreg:$0xc]  }
0x111: {  	[tilespmem:s21], [sflag:$0x2] =	stream.indirect.gather [spmem:s3], $0x8, s5, s29, $0xb8;
	[tilespmem:$0x1EC00] =	vst v63  }
0x112: {  	s1 =	rddreg [dreg:$0xd]  }
0x113: {  	[tilespmem:s22], [sflag:$0x2] =	stream.indirect.gather [spmem:s3], $0x8, s1, s29, $0xb8;
	[tilespmem:$0x1EC00] =	vst v63  }
0x114: {  	s5 =	rddreg [dreg:$0xe]  }
0x115: {  	[tilespmem:s23], [sflag:$0x2] =	stream.indirect.gather [spmem:s3], $0x8, s5, s29, $0xb8;
	[tilespmem:$0x1EC00] =	vst v63  }
0x116: {  	s1 =	rddreg [dreg:$0xf]  }
0x117: {  	[tilespmem:s24], [sflag:$0x2] =	stream.indirect.gather [spmem:s3], $0x8, s1, s29, $0xb8;
	[tilespmem:$0x1EC00] =	vst v63  }
0x118: {  	s5 =	rddreg [dreg:$0x10]  }
0x119: {  	[tilespmem:s6], [sflag:$0x2] =	stream.indirect.gather [spmem:s3], $0x8, s5, s29, $0xb8;
	[tilespmem:$0x1EC00] =	vst v63  }
0x11a: {  	_ =	swait.ge [sflag:s7], $0x2800  }
0x11b: {  	[sflag:s7] =	ssyncset.done $0x0  }
0x11c: {  	[sflag:s7] =	ssyncadd.s32 $0xFFFFD800  }
0x11d: {  	[spmem:s2] =	stream.indirect.scatter.add.f32 [tilespmem:s11], [sflag:$0x3], $0x8, s10, s29, $0xb8;
	[tilespmem:$0x1EC00] =	vst v63  }
0x11e: {  	s1 =	rddreg [dreg:$0x11]  }
0x11f: {  	[spmem:s2] =	stream.indirect.scatter.add.f32 [tilespmem:s25], [sflag:$0x3], $0x8, s1, s29, $0xb8;
	[tilespmem:$0x1EC00] =	vst v63  }
0x120: {  	s5 =	rddreg [dreg:$0x12]  }
0x121: {  	[spmem:s2] =	stream.indirect.scatter.add.f32 [tilespmem:s12], [sflag:$0x3], $0x8, s5, s29, $0xb8;
	[tilespmem:$0x1EC00] =	vst v63  }
0x122: {  	s1 =	rddreg [dreg:$0x13]  }
0x123: {  	[spmem:s2] =	stream.indirect.scatter.add.f32 [tilespmem:s13], [sflag:$0x3], $0x8, s1, s29, $0xb8;
	[tilespmem:$0x1EC00] =	vst v63  }
0x124: {  	s5 =	rddreg [dreg:$0x14];
	s1 =	simm.s32 $0x2400  }
0x125: {  	[spmem:s2] =	stream.indirect.scatter.add.f32 [tilespmem:s1], [sflag:$0x3], $0x8, s5, s29, $0xb8;
	[tilespmem:$0x1EC00] =	vst v63  }
0x126: {  	s0 =	rddreg [dreg:$0x15];
	s5 =	simm.s32 $0x2800  }
0x127: {  	[spmem:s2] =	stream.indirect.scatter.add.f32 [tilespmem:s5], [sflag:$0x3], $0x8, s0, s29, $0xb8;
	[tilespmem:$0x1EC00] =	vst v63  }
0x128: {  	s31 =	rddreg [dreg:$0x16];
	s5 =	simm.s32 $0x2C00  }
0x129: {  	[spmem:s2] =	stream.indirect.scatter.add.f32 [tilespmem:s5], [sflag:$0x3], $0x8, s31, s29, $0xb8;
	[tilespmem:$0x1EC00] =	vst v63  }
0x12a: {  	p2 =	seq.s32 s28, $0x0;
	s0 =	rddreg [dreg:$0x17];
	s5 =	simm.s32 $0x3000  }
0x12b: {  	[spmem:s2] =	stream.indirect.scatter.add.f32 [tilespmem:s5], [sflag:$0x3], $0x8, s0, s29, $0xb8;
	[tilespmem:$0x1EC00] =	vst v63  }
0x12c: {  	p0 =	por p2, p2;
	s31 =	rddreg [dreg:$0x18];
	s5 =	simm.s32 $0x3400  }
0x12d: {  	[spmem:s2] =	stream.indirect.scatter.add.f32 [tilespmem:s5], [sflag:$0x3], $0x8, s31, s29, $0xb8;
	[tilespmem:$0x1EC00] =	vst v63  }
0x12e: {  	p2 =	seq.s32 s9, $0x17C0;
	s0 =	rddreg [dreg:$0x19];
	s5 =	simm.s32 $0x3800  }
0x12f: {  	[spmem:s2] =	stream.indirect.scatter.add.f32 [tilespmem:s5], [sflag:$0x3], $0x8, s0, s29, $0xb8;
	[tilespmem:$0x1EC00] =	vst v63  }
0x130: {  	s0 =	simm.s32 @!p2 $0x3  }
0x131: {  	_ =	swait.ge @!p2 [sflag:s0], $0x2800  }
0x132: {  	s1 =	simm.s32 @!p2 $0x5;
	[sflag:s0] =	ssyncset.done @!p2 $0x0;
	s31 =	rddreg [dreg:$0x4]  }
0x133: {  	[sflag:s0] =	ssyncadd.s32 @!p2 $0xFFFFD800;
	s0 =	simm.s32 @!p2 $0x0;
	s31 =	sadd.s32 @!p2 s9, s31  }
0x134: {  	[tilespmem:s0], [sflag:$0x5] =	stream.linear.gather @!p2 [hbm4b:s31+s0], $0x500, $0x38;
	[tilespmem:$0x1EC00] =	vst v63  }
0x135: {  	_ =	swait.ge @!p2 [sflag:s1], $0x500  }
0x136: {  	[sflag:s1] =	ssyncset.done @!p2 $0x0;
	s31 =	rddreg [dreg:$0x5]  }
0x137: {  	s5 =	simm.s32 @!p2 $0xA00;
	[sflag:s1] =	ssyncadd.s32 @!p2 $0xFFFFFB00;
	s31 =	sadd.s32 @!p2 s9, s31  }
0x138: {  	[tilespmem:s5], [sflag:$0x5] =	stream.linear.gather @!p2 [hbm4b:s31+s0], $0x500, $0x38;
	[tilespmem:$0x1EC00] =	vst v63  }
0x139: {  	s30 =	smov.u32 s28;
	_ =	swait.ge @!p2 [sflag:s1], $0x500  }
0x13a: {  	s9 =	smov.u32 s30;
	[sflag:s1] =	ssyncset.done @!p2 $0x0  }
0x13b: {  	s30 =	simm.s32 @!p2 $0x1400;
	s5 =	simm.s32 @!p2 $0x80;
	[sflag:s1] =	ssyncadd.s32 @!p2 $0xFFFFFB00  }
0x13c: {  	[tilespmem:s30], [sflag:$0x1] =	stream.indirect.gather @!p2 [spmem:s3], $0x8, s0, s5, $0xb8;
	[tilespmem:$0x1EC00] =	vst v63  }
0x13d: {  	s1 =	simm.s32 @!p2 $0x1800  }
0x13e: {  	[tilespmem:s1], [sflag:$0x1] =	stream.indirect.gather @!p2 [spmem:s3], $0x8, s5, s5, $0xb8;
	[tilespmem:$0x1EC00] =	vst v63  }
0x13f: {  	s0 =	simm.s32 @!p2 $0x100;
	s30 =	simm.s32 @!p2 $0x1C00  }
0x140: {  	[tilespmem:s30], [sflag:$0x1] =	stream.indirect.gather @!p2 [spmem:s3], $0x8, s0, s5, $0xb8;
	[tilespmem:$0x1EC00] =	vst v63  }
0x141: {  	s31 =	simm.s32 @!p2 $0x2000;
	s1 =	simm.s32 @!p2 $0x180  }
0x142: {  	[tilespmem:s31], [sflag:$0x1] =	stream.indirect.gather @!p2 [spmem:s3], $0x8, s1, s5, $0xb8;
	[tilespmem:$0x1EC00] =	vst v63  }
0x143: {  	s0 =	simm.s32 @!p2 $0x200;
	s30 =	simm.s32 @!p2 $0x2400  }
0x144: {  	[tilespmem:s30], [sflag:$0x1] =	stream.indirect.gather @!p2 [spmem:s3], $0x8, s0, s5, $0xb8;
	[tilespmem:$0x1EC00] =	vst v63  }
0x145: {  	s1 =	simm.s32 @!p2 $0x280;
	s31 =	simm.s32 @!p2 $0x2800  }
0x146: {  	[tilespmem:s31], [sflag:$0x1] =	stream.indirect.gather @!p2 [spmem:s3], $0x8, s1, s5, $0xb8;
	[tilespmem:$0x1EC00] =	vst v63  }
0x147: {  	s0 =	simm.s32 @!p2 $0x300;
	s30 =	simm.s32 @!p2 $0x2C00  }
0x148: {  	[tilespmem:s30], [sflag:$0x1] =	stream.indirect.gather @!p2 [spmem:s3], $0x8, s0, s5, $0xb8;
	[tilespmem:$0x1EC00] =	vst v63  }
0x149: {  	s1 =	simm.s32 @!p2 $0x380;
	s31 =	simm.s32 @!p2 $0x3000  }
0x14a: {  	[tilespmem:s31], [sflag:$0x1] =	stream.indirect.gather @!p2 [spmem:s3], $0x8, s1, s5, $0xb8;
	[tilespmem:$0x1EC00] =	vst v63  }
0x14b: {  	s0 =	simm.s32 @!p2 $0x400;
	s30 =	simm.s32 @!p2 $0x3400  }
0x14c: {  	[tilespmem:s30], [sflag:$0x1] =	stream.indirect.gather @!p2 [spmem:s3], $0x8, s0, s5, $0xb8;
	[tilespmem:$0x1EC00] =	vst v63  }
0x14d: {  	s1 =	simm.s32 @!p2 $0x480;
	s31 =	simm.s32 @!p2 $0x3800  }
0x14e: {  	[tilespmem:s31], [sflag:$0x1] =	stream.indirect.gather @!p2 [spmem:s3], $0x8, s1, s5, $0xb8;
	[tilespmem:$0x1EC00] =	vst v63  }
0x14f: {  	_ =	swait.ge [sflag:s8], $0x2800  }
0x150: {  	[sflag:s8] =	ssyncset.done $0x0  }
0x151: {  	s30 =	rddreg [dreg:$0x1a];
	[sflag:s8] =	ssyncadd.s32 $0xFFFFD800  }
0x152: {  	[spmem:s2] =	stream.indirect.scatter.add.f32 [tilespmem:s16], [sflag:$0x4], $0x8, s15, s29, $0xb8;
	[tilespmem:$0x1EC00] =	vst v63  }
0x153: {  	s31 =	rddreg [dreg:$0x1b]  }
0x154: {  	[spmem:s2] =	stream.indirect.scatter.add.f32 [tilespmem:s17], [sflag:$0x4], $0x8, s30, s29, $0xb8;
	[tilespmem:$0x1EC00] =	vst v63  }
0x155: {  	s5 =	rddreg [dreg:$0x1c]  }
0x156: {  	[spmem:s2] =	stream.indirect.scatter.add.f32 [tilespmem:s18], [sflag:$0x4], $0x8, s31, s29, $0xb8;
	[tilespmem:$0x1EC00] =	vst v63  }
0x157: {  	s30 =	rddreg [dreg:$0x1d]  }
0x158: {  	[spmem:s2] =	stream.indirect.scatter.add.f32 [tilespmem:s19], [sflag:$0x4], $0x8, s5, s29, $0xb8;
	[tilespmem:$0x1EC00] =	vst v63  }
0x159: {  	s31 =	rddreg [dreg:$0x1e]  }
0x15a: {  	[spmem:s2] =	stream.indirect.scatter.add.f32 [tilespmem:s20], [sflag:$0x4], $0x8, s30, s29, $0xb8;
	[tilespmem:$0x1EC00] =	vst v63  }
0x15b: {  	s28 =	sadd.s32 $0x140, s28;
	s5 =	rddreg [dreg:$0x1f]  }
0x15c: {  	[spmem:s2] =	stream.indirect.scatter.add.f32 [tilespmem:s21], [sflag:$0x4], $0x8, s31, s29, $0xb8;
	[tilespmem:$0x1EC00] =	vst v63  }
0x15d: {  	p1 =	sne.s32 s28, $0x1900;
	s30 =	sld [smem:$0x7F6]  }
0x15e: {  	[spmem:s2] =	stream.indirect.scatter.add.f32 [tilespmem:s22], [sflag:$0x4], $0x8, s5, s29, $0xb8;
	[tilespmem:$0x1EC00] =	vst v63  }
.Ltmp0:
0x15f: {  	_ = 	snop;
	(pc) =	sbr.rel @p1 .LBB2_2-.Ltmp0, $4  }
0x160: {  	s31 =	sld [smem:$0x7F8]  }
0x161: {  	[spmem:s2] =	stream.indirect.scatter.add.f32 [tilespmem:s23], [sflag:$0x4], $0x8, s30, s29, $0xb8;
	[tilespmem:$0x1EC00] =	vst v63  }
0x162: {  	s0 =	sld [smem:$0x7F9]  }
0x163: {  	[spmem:s2] =	stream.indirect.scatter.add.f32 [tilespmem:s24], [sflag:$0x4], $0x8, s31, s29, $0xb8;
	[tilespmem:$0x1EC00] =	vst v63  }
0x164: {  	s1 =	simm.s32 @!p0 $0x4  }
0x165: {  	[spmem:s2] =	stream.indirect.scatter.add.f32 [tilespmem:s6], [sflag:$0x4], $0x8, s0, s29, $0xb8;
	[tilespmem:$0x1EC00] =	vst v63  }
0x166: {  	_ =	swait.ge @!p0 [sflag:s1], $0x2800  }
0x167: {  	s5 =	rddreg [dreg:$0x6];
	[sflag:s1] =	ssyncset.done @!p0 $0x0  }
0x168: {  	[sflag:s1] =	ssyncadd.s32 @!p0 $0xFFFFD800;
	s0 =	sadd.s32 s9, s5  }
0x169: {  	[tilespmem:s14], [sflag:$0x5] =	stream.linear.gather [hbm4b:s0+s4], $0x500, $0x38;
	[tilespmem:$0x1EC00] =	vst v63  }
0x16a: {  	_ =	swait.ge [sflag:s26], $0x500  }
0x16b: {  	s11 =	rddreg [dreg:$0x7];
	[sflag:s26] =	ssyncset.done $0x0  }
0x16c: {  	[sflag:s26] =	ssyncadd.s32 $0xFFFFFB00;
	s0 =	sadd.s32 s9, s11  }
0x16d: {  	[tilespmem:s15], [sflag:$0x5] =	stream.linear.gather [hbm4b:s0+s4], $0x500, $0x38;
	[tilespmem:$0x1EC00] =	vst v63  }
0x16e: {  	_ =	swait.ge [sflag:s26], $0x500  }
0x16f: {  	[sflag:s26] =	ssyncset.done $0x0  }
0x170: {  	[sflag:s26] =	ssyncadd.s32 $0xFFFFFB00  }
0x171: {  	[tilespmem:s16], [sflag:$0x2] =	stream.indirect.gather [spmem:s3], $0x8, s14, s29, $0xb8;
	[tilespmem:$0x1EC00] =	vst v63  }
0x172: {  	s1 =	rddreg [dreg:$0x8]  }
0x173: {  	[tilespmem:s17], [sflag:$0x2] =	stream.indirect.gather [spmem:s3], $0x8, s1, s29, $0xb8;
	[tilespmem:$0x1EC00] =	vst v63  }
0x174: {  	s5 =	rddreg [dreg:$0x9]  }
0x175: {  	[tilespmem:s18], [sflag:$0x2] =	stream.indirect.gather [spmem:s3], $0x8, s5, s29, $0xb8;
	[tilespmem:$0x1EC00] =	vst v63  }
0x176: {  	s11 =	rddreg [dreg:$0xa]  }
0x177: {  	[tilespmem:s19], [sflag:$0x2] =	stream.indirect.gather [spmem:s3], $0x8, s11, s29, $0xb8;
	[tilespmem:$0x1EC00] =	vst v63  }
0x178: {  	s5 =	rddreg [dreg:$0xb]  }
0x179: {  	[tilespmem:s20], [sflag:$0x2] =	stream.indirect.gather [spmem:s3], $0x8, s5, s29, $0xb8;
	[tilespmem:$0x1EC00] =	vst v63  }
0x17a: {  	s11 =	rddreg [dreg:$0xc]  }
0x17b: {  	[tilespmem:s21], [sflag:$0x2] =	stream.indirect.gather [spmem:s3], $0x8, s11, s29, $0xb8;
	[tilespmem:$0x1EC00] =	vst v63  }
0x17c: {  	s5 =	rddreg [dreg:$0xd]  }
0x17d: {  	[tilespmem:s22], [sflag:$0x2] =	stream.indirect.gather [spmem:s3], $0x8, s5, s29, $0xb8;
	[tilespmem:$0x1EC00] =	vst v63  }
0x17e: {  	s11 =	rddreg [dreg:$0xe]  }
0x17f: {  	[tilespmem:s23], [sflag:$0x2] =	stream.indirect.gather [spmem:s3], $0x8, s11, s29, $0xb8;
	[tilespmem:$0x1EC00] =	vst v63  }
0x180: {  	s5 =	rddreg [dreg:$0xf]  }
0x181: {  	[tilespmem:s24], [sflag:$0x2] =	stream.indirect.gather [spmem:s3], $0x8, s5, s29, $0xb8;
	[tilespmem:$0x1EC00] =	vst v63  }
0x182: {  	s11 =	rddreg [dreg:$0x10]  }
0x183: {  	[tilespmem:s6], [sflag:$0x2] =	stream.indirect.gather [spmem:s3], $0x8, s11, s29, $0xb8;
	[tilespmem:$0x1EC00] =	vst v63  }
0x184: {  	_ =	swait.ge [sflag:s7], $0x2800  }
0x185: {  	[sflag:s7] =	ssyncset.done $0x0  }
0x186: {  	s11 =	simm.s32 $0x1400;
	[sflag:s7] =	ssyncadd.s32 $0xFFFFD800  }
0x187: {  	[spmem:s2] =	stream.indirect.scatter.add.f32 [tilespmem:s11], [sflag:$0x3], $0x8, s10, s29, $0xb8;
	[tilespmem:$0x1EC00] =	vst v63  }
0x188: {  	s5 =	rddreg [dreg:$0x11]  }
0x189: {  	[spmem:s2] =	stream.indirect.scatter.add.f32 [tilespmem:s25], [sflag:$0x3], $0x8, s5, s29, $0xb8;
	[tilespmem:$0x1EC00] =	vst v63  }
0x18a: {  	s1 =	rddreg [dreg:$0x12]  }
0x18b: {  	[spmem:s2] =	stream.indirect.scatter.add.f32 [tilespmem:s12], [sflag:$0x3], $0x8, s1, s29, $0xb8;
	[tilespmem:$0x1EC00] =	vst v63  }
0x18c: {  	s5 =	rddreg [dreg:$0x13]  }
0x18d: {  	[spmem:s2] =	stream.indirect.scatter.add.f32 [tilespmem:s13], [sflag:$0x3], $0x8, s5, s29, $0xb8;
	[tilespmem:$0x1EC00] =	vst v63  }
0x18e: {  	s25 =	rddreg [dreg:$0x14];
	s5 =	simm.s32 $0x2400  }
0x18f: {  	[spmem:s2] =	stream.indirect.scatter.add.f32 [tilespmem:s5], [sflag:$0x3], $0x8, s25, s29, $0xb8;
	[tilespmem:$0x1EC00] =	vst v63  }
0x190: {  	s0 =	rddreg [dreg:$0x15];
	s25 =	simm.s32 $0x2800  }
0x191: {  	[spmem:s2] =	stream.indirect.scatter.add.f32 [tilespmem:s25], [sflag:$0x3], $0x8, s0, s29, $0xb8;
	[tilespmem:$0x1EC00] =	vst v63  }
0x192: {  	s1 =	rddreg [dreg:$0x16];
	s25 =	simm.s32 $0x2C00  }
0x193: {  	[spmem:s2] =	stream.indirect.scatter.add.f32 [tilespmem:s25], [sflag:$0x3], $0x8, s1, s29, $0xb8;
	[tilespmem:$0x1EC00] =	vst v63  }
0x194: {  	s0 =	rddreg [dreg:$0x17];
	s25 =	simm.s32 $0x3000  }
0x195: {  	[spmem:s2] =	stream.indirect.scatter.add.f32 [tilespmem:s25], [sflag:$0x3], $0x8, s0, s29, $0xb8;
	[tilespmem:$0x1EC00] =	vst v63  }
0x196: {  	s1 =	rddreg [dreg:$0x18];
	s25 =	simm.s32 $0x3400  }
0x197: {  	[spmem:s2] =	stream.indirect.scatter.add.f32 [tilespmem:s25], [sflag:$0x3], $0x8, s1, s29, $0xb8;
	[tilespmem:$0x1EC00] =	vst v63  }
0x198: {  	p0 =	seq.s32 s9, $0x17C0;
	s0 =	rddreg [dreg:$0x19];
	s25 =	simm.s32 $0x3800  }
0x199: {  	[spmem:s2] =	stream.indirect.scatter.add.f32 [tilespmem:s25], [sflag:$0x3], $0x8, s0, s29, $0xb8;
	[tilespmem:$0x1EC00] =	vst v63  }
0x19a: {  	s0 =	simm.s32 @!p0 $0x3  }
0x19b: {  	_ =	swait.ge @!p0 [sflag:s0], $0x2800  }
0x19c: {  	s5 =	simm.s32 @!p0 $0x5;
	s1 =	rddreg [dreg:$0x4];
	[sflag:s0] =	ssyncset.done @!p0 $0x0  }
0x19d: {  	[sflag:s0] =	ssyncadd.s32 @!p0 $0xFFFFD800;
	s0 =	simm.s32 @!p0 $0x0;
	s1 =	sadd.s32 @!p0 s9, s1  }
0x19e: {  	[tilespmem:s0], [sflag:$0x5] =	stream.linear.gather @!p0 [hbm4b:s1+s0], $0x500, $0x38;
	[tilespmem:$0x1EC00] =	vst v63  }
0x19f: {  	_ =	swait.ge @!p0 [sflag:s5], $0x500  }
0x1a0: {  	s1 =	rddreg [dreg:$0x5];
	[sflag:s5] =	ssyncset.done @!p0 $0x0  }
0x1a1: {  	[sflag:s5] =	ssyncadd.s32 @!p0 $0xFFFFFB00;
	s1 =	sadd.s32 @!p0 s9, s1;
	s9 =	simm.s32 @!p0 $0xA00  }
0x1a2: {  	[tilespmem:s9], [sflag:$0x5] =	stream.linear.gather @!p0 [hbm4b:s1+s0], $0x500, $0x38;
	[tilespmem:$0x1EC00] =	vst v63  }
0x1a3: {  	_ =	swait.ge @!p0 [sflag:s5], $0x500  }
0x1a4: {  	[sflag:s5] =	ssyncset.done @!p0 $0x0  }
0x1a5: {  	s1 =	simm.s32 @!p0 $0x80;
	[sflag:s5] =	ssyncadd.s32 @!p0 $0xFFFFFB00;
	s5 =	simm.s32 @!p0 $0x1400  }
0x1a6: {  	[tilespmem:s5], [sflag:$0x1] =	stream.indirect.gather @!p0 [spmem:s3], $0x8, s0, s1, $0xb8;
	[tilespmem:$0x1EC00] =	vst v63  }
0x1a7: {  	s0 =	simm.s32 @!p0 $0x1800  }
0x1a8: {  	[tilespmem:s0], [sflag:$0x1] =	stream.indirect.gather @!p0 [spmem:s3], $0x8, s1, s1, $0xb8;
	[tilespmem:$0x1EC00] =	vst v63  }
0x1a9: {  	s5 =	simm.s32 @!p0 $0x1C00;
	s0 =	simm.s32 @!p0 $0x100  }
0x1aa: {  	[tilespmem:s5], [sflag:$0x1] =	stream.indirect.gather @!p0 [spmem:s3], $0x8, s0, s1, $0xb8;
	[tilespmem:$0x1EC00] =	vst v63  }
0x1ab: {  	s0 =	simm.s32 @!p0 $0x180;
	s5 =	simm.s32 @!p0 $0x2000  }
0x1ac: {  	[tilespmem:s5], [sflag:$0x1] =	stream.indirect.gather @!p0 [spmem:s3], $0x8, s0, s1, $0xb8;
	[tilespmem:$0x1EC00] =	vst v63  }
0x1ad: {  	s0 =	simm.s32 @!p0 $0x200;
	s5 =	simm.s32 @!p0 $0x2400  }
0x1ae: {  	[tilespmem:s5], [sflag:$0x1] =	stream.indirect.gather @!p0 [spmem:s3], $0x8, s0, s1, $0xb8;
	[tilespmem:$0x1EC00] =	vst v63  }
0x1af: {  	s0 =	simm.s32 @!p0 $0x280;
	s5 =	simm.s32 @!p0 $0x2800  }
0x1b0: {  	[tilespmem:s5], [sflag:$0x1] =	stream.indirect.gather @!p0 [spmem:s3], $0x8, s0, s1, $0xb8;
	[tilespmem:$0x1EC00] =	vst v63  }
0x1b1: {  	s0 =	simm.s32 @!p0 $0x300;
	s5 =	simm.s32 @!p0 $0x2C00  }
0x1b2: {  	[tilespmem:s5], [sflag:$0x1] =	stream.indirect.gather @!p0 [spmem:s3], $0x8, s0, s1, $0xb8;
	[tilespmem:$0x1EC00] =	vst v63  }
0x1b3: {  	s0 =	simm.s32 @!p0 $0x380;
	s5 =	simm.s32 @!p0 $0x3000  }
0x1b4: {  	[tilespmem:s5], [sflag:$0x1] =	stream.indirect.gather @!p0 [spmem:s3], $0x8, s0, s1, $0xb8;
	[tilespmem:$0x1EC00] =	vst v63  }
0x1b5: {  	s0 =	simm.s32 @!p0 $0x400;
	s5 =	simm.s32 @!p0 $0x3400  }
0x1b6: {  	[tilespmem:s5], [sflag:$0x1] =	stream.indirect.gather @!p0 [spmem:s3], $0x8, s0, s1, $0xb8;
	[tilespmem:$0x1EC00] =	vst v63  }
0x1b7: {  	s0 =	simm.s32 @!p0 $0x480;
	s5 =	simm.s32 @!p0 $0x3800  }
0x1b8: {  	[tilespmem:s5], [sflag:$0x1] =	stream.indirect.gather @!p0 [spmem:s3], $0x8, s0, s1, $0xb8;
	[tilespmem:$0x1EC00] =	vst v63  }
0x1b9: {  	_ =	swait.ge [sflag:s8], $0x2800  }
0x1ba: {  	[sflag:s8] =	ssyncset.done $0x0  }
0x1bb: {  	s5 =	rddreg [dreg:$0x1a];
	[sflag:s8] =	ssyncadd.s32 $0xFFFFD800  }
0x1bc: {  	[spmem:s2] =	stream.indirect.scatter.add.f32 [tilespmem:s16], [sflag:$0x4], $0x8, s15, s29, $0xb8;
	[tilespmem:$0x1EC00] =	vst v63  }
0x1bd: {  	s9 =	rddreg [dreg:$0x1b]  }
0x1be: {  	[spmem:s2] =	stream.indirect.scatter.add.f32 [tilespmem:s17], [sflag:$0x4], $0x8, s5, s29, $0xb8;
	[tilespmem:$0x1EC00] =	vst v63  }
0x1bf: {  	s25 =	rddreg [dreg:$0x1c]  }
0x1c0: {  	[spmem:s2] =	stream.indirect.scatter.add.f32 [tilespmem:s18], [sflag:$0x4], $0x8, s9, s29, $0xb8;
	[tilespmem:$0x1EC00] =	vst v63  }
0x1c1: {  	s5 =	rddreg [dreg:$0x1d]  }
0x1c2: {  	[spmem:s2] =	stream.indirect.scatter.add.f32 [tilespmem:s19], [sflag:$0x4], $0x8, s25, s29, $0xb8;
	[tilespmem:$0x1EC00] =	vst v63  }
0x1c3: {  	s9 =	rddreg [dreg:$0x1e]  }
0x1c4: {  	[spmem:s2] =	stream.indirect.scatter.add.f32 [tilespmem:s20], [sflag:$0x4], $0x8, s5, s29, $0xb8;
	[tilespmem:$0x1EC00] =	vst v63  }
0x1c5: {  	s25 =	rddreg [dreg:$0x1f]  }
0x1c6: {  	[spmem:s2] =	stream.indirect.scatter.add.f32 [tilespmem:s21], [sflag:$0x4], $0x8, s9, s29, $0xb8;
	[tilespmem:$0x1EC00] =	vst v63  }
0x1c7: {  	s5 =	sld [smem:$0x7F6]  }
0x1c8: {  	[spmem:s2] =	stream.indirect.scatter.add.f32 [tilespmem:s22], [sflag:$0x4], $0x8, s25, s29, $0xb8;
	[tilespmem:$0x1EC00] =	vst v63  }
0x1c9: {  	s9 =	sld [smem:$0x7F8]  }
0x1ca: {  	[spmem:s2] =	stream.indirect.scatter.add.f32 [tilespmem:s23], [sflag:$0x4], $0x8, s5, s29, $0xb8;
	[tilespmem:$0x1EC00] =	vst v63  }
0x1cb: {  	s25 =	sld [smem:$0x7F9]  }
0x1cc: {  	[spmem:s2] =	stream.indirect.scatter.add.f32 [tilespmem:s24], [sflag:$0x4], $0x8, s9, s29, $0xb8;
	[tilespmem:$0x1EC00] =	vst v63  }
0x1cd: {  	s5 =	simm.s32 $0x3  }
0x1ce: {  	[spmem:s2] =	stream.indirect.scatter.add.f32 [tilespmem:s6], [sflag:$0x4], $0x8, s25, s29, $0xb8;
	[tilespmem:$0x1EC00] =	vst v63  }
0x1cf: {  	_ =	swait.ge [sflag:s5], $0x2800  }
0x1d0: {  	[sflag:s5] =	ssyncset.done $0x0  }
0x1d1: {  	s9 =	simm.s32 $0x4;
	[sflag:s5] =	ssyncadd.s32 $0xFFFFD800  }
0x1d2: {  	_ =	swait.ge [sflag:s9], $0x2800  }
0x1d3: {  	[sflag:s9] =	ssyncset.done $0x0  }
0x1d4: {  	[sflag:s9] =	ssyncadd.s32 $0xFFFFD800  }
0x1d5: {  	[bflag:$0x0] =	sbarrier.arrive $0xFFFF  }
0x1d6: {  	s28 =	sld [smem:$0x7FA];
	_ =	sdelay $0x2  }
0x1d7: {  	[tilespmem:s11], [sflag:$0x5] =	stream.linear.gather [spmem:s28], $0x3100, $0x38;
	[tilespmem:$0x1EC00] =	vst v63  }
0x1d8: {  	_ =	swait.ge [sflag:s26], $0x3100  }
0x1d9: {  	s25 =	sld [smem:$0x7F2]  }
0x1da: {  	[sflag:s26] =	ssyncset.done $0x0  }
0x1db: {  	[sflag:s26] =	ssyncadd.s32 $0xFFFFCF00  }
0x1dc: {  	[hbm4b:s25+s4] =	stream.linear.scatter [tilespmem:s11], [sflag:$0x5], $0x3100, $0x38;
	[tilespmem:$0x1EC00] =	vst v63  }
0x1dd: {  	_ =	swait.ge [sflag:s26], $0x3100  }
0x1de: {  	s30 =	sld [smem:$0x7FB]  }
0x1df: {  	[sflag:s26] =	ssyncset.done $0x0  }
0x1e0: {  	[sflag:s26] =	ssyncadd.s32 $0xFFFFCF00  }
0x1e1: {  	[tilespmem:s11], [sflag:$0x5] =	stream.linear.gather [spmem:s30], $0x3100, $0x38;
	[tilespmem:$0x1EC00] =	vst v63  }
0x1e2: {  	_ =	swait.ge [sflag:s26], $0x3100  }
0x1e3: {  	s1 =	sld [smem:$0x7F3]  }
0x1e4: {  	[sflag:s26] =	ssyncset.done $0x0  }
0x1e5: {  	[sflag:s26] =	ssyncadd.s32 $0xFFFFCF00  }
0x1e6: {  	[hbm4b:s1+s4] =	stream.linear.scatter [tilespmem:s11], [sflag:$0x5], $0x3100, $0x38;
	[tilespmem:$0x1EC00] =	vst v63  }
0x1e7: {  	_ =	swait.ge [sflag:s26], $0x3100  }
0x1e8: {  	s31 =	sld [smem:$0x7FC]  }
0x1e9: {  	[sflag:s26] =	ssyncset.done $0x0  }
0x1ea: {  	[sflag:s26] =	ssyncadd.s32 $0xFFFFCF00  }
0x1eb: {  	[tilespmem:s11], [sflag:$0x5] =	stream.linear.gather [spmem:s31], $0x3100, $0x38;
	[tilespmem:$0x1EC00] =	vst v63  }
0x1ec: {  	_ =	swait.ge [sflag:s26], $0x3100  }
0x1ed: {  	s5 =	sld [smem:$0x7F4]  }
0x1ee: {  	[sflag:s26] =	ssyncset.done $0x0  }
0x1ef: {  	[sflag:s26] =	ssyncadd.s32 $0xFFFFCF00  }
0x1f0: {  	[hbm4b:s5+s4] =	stream.linear.scatter [tilespmem:s11], [sflag:$0x5], $0x3100, $0x38;
	[tilespmem:$0x1EC00] =	vst v63  }
0x1f1: {  	_ =	swait.ge [sflag:s26], $0x3100  }
0x1f2: {  	s1 =	sld [smem:$0x7FD]  }
0x1f3: {  	[sflag:s26] =	ssyncset.done $0x0  }
0x1f4: {  	[sflag:s26] =	ssyncadd.s32 $0xFFFFCF00  }
0x1f5: {  	[tilespmem:s11], [sflag:$0x5] =	stream.linear.gather [spmem:s1], $0x3100, $0x38;
	[tilespmem:$0x1EC00] =	vst v63  }
0x1f6: {  	_ =	swait.ge [sflag:s26], $0x3100  }
0x1f7: {  	s9 =	sld [smem:$0x7F5]  }
0x1f8: {  	[sflag:s26] =	ssyncset.done $0x0  }
0x1f9: {  	[sflag:s26] =	ssyncadd.s32 $0xFFFFCF00  }
0x1fa: {  	[hbm4b:s9+s4] =	stream.linear.scatter [tilespmem:s11], [sflag:$0x5], $0x3100, $0x38;
	[tilespmem:$0x1EC00] =	vst v63  }
0x1fb: {  	_ =	swait.ge [sflag:s26], $0x3100  }
0x1fc: {  	s11 =	sld [smem:$0x7E6]  }
0x1fd: {  	s25 =	sld [smem:$0x7F7];
	_ =	sdelay $0x1  }
0x1fe: {  	s5 =	sadd.s32 $0x1, s11  }
0x1ff: {  	p0 =	sne.s32 s5, s25  }
.Ltmp1:
0x200: {  	_ = 	snop;
	(pc) =	sbr.rel @p0 .LBB2_1-.Ltmp1, $3  }
0x201: {  	_ =	sdelay $0x1  }
0x202: {  	[sflag:s26] =	ssyncset.done $0x0  }
0x203: {  	[sflag:s26] =	ssyncadd.s32 $0xFFFFCF00  }
0x204: {  	_ =	sfence.sel $0x180000  }
0x205: {  	[bflag:$0x0] =	sbarrier.arrive $0xFFFF  }
0x206: {  	_ =	strace $0x9000004A  }
0x207: {  	s0 =	stileid.u32;
	[bflag:$0x2] =	sbarrier.arrive $0xFFFF  }
0x208: {  	p0 =	sne.s32 s0, $0x0;
	s0 =	rddreg [dreg:$0x3]  }
0x209: {  	s0 =	sadd.s32 @!p0 $0x100000, s0  }
0x20a: {  	[sflag:s0] =	ssyncadd.tile.s32 @!p0 $0x1;
	_ =	shalt  }
.Lfunc_end2:
_tile_overlayer_lowered:
.L_overlay_start_2:
0x20b: {  	(tag) =	ssettag $0x2  }
0x20c: {  	s0 =	rddreg [dreg:$0x0];
	s2 =	stileid.u32  }
0x20d: {  	s1 =	rddreg [dreg:$0x1];
	p0 =	sne.s32 s2, $0x0  }
0x20e: {  	s3 =	rddreg [dreg:$0x2];
	[bflag:$0x3] =	sbarrier.arrive $0xFFFF;
	s2 =	simm.s32 @!p0 $0x1C05  }
0x20f: {  	[timem:s3], [sflag:s2] =	dma.local @!p0 [hbm:s0], s1  }
0x210: {  	s0 =	simm.s32 @!p0 $0x5  }
0x211: {  	_ =	swait.ge @!p0 [sflag:s0], s1  }
0x212: {  	s1 =	ssub.s32 @!p0 $0x0, s1;
	[sflag:s0] =	ssyncset.done @!p0 $0x0  }
0x213: {  	[sflag:s0] =	ssyncadd.s32 @!p0 s1  }
0x214: {  	[bflag:$0x3] =	sbarrier.arrive $0xFFFF  }
0x215: {  	_ =	shalt  }

</sc_bundles>
